<compile_context>
chip_gen: v7x
topology: tpu7x:2x2x1
jax: 0.10.2.dev20260603
libtpu: 0.0.44.dev20260713+nightly
codegen_flags: <defaults>
</compile_context>

<pallas_src>
import dataclasses

import jax
import jax.numpy as jnp
from jax import lax
from jax.experimental import pallas as pl
from jax.experimental.pallas import tpu as pltpu
from jax.experimental.pallas import tpu_sc as plsc

G = 128
D = 28
N = 1048576
V = G * G * G
VT = V // 128
NT = N // 128

NC = 2
NS = 16
NW = NC * NS
L = 16

DP = 32
W = 128
PPW = N // NW
NWIN = PPW // W

RC = 512
RPW = V // NW

CORNER_OFFS = [(dx * G + dy) * G + dz
               for dx in (0, 1) for dy in (0, 1) for dz in (0, 1)]


def _repack_body(e_hbm, t32_hbm, f_v, out_v, sem_in, sem_out):
    wid = lax.axis_index("s") * NC + lax.axis_index("c")
    base = wid * RPW
    nchunk = RPW // RC
    lane = lax.iota(jnp.int32, 16)
    cds = [jnp.full((L,), d, jnp.int32) for d in range(D)]

    def in_copies(ci, b):
        vb0 = (base + ci * RC) // 128
        return [pltpu.make_async_copy(
            e_hbm.at[pl.ds((rt * VT + vb0) * 8, 32)], f_v.at[b, rt], sem_in)
            for rt in range(4)]

    def out_copy(ci, b):
        return pltpu.make_async_copy(
            out_v.at[b], t32_hbm.at[pl.ds(base + ci * RC, RC)], sem_out)

    for b in range(2):
        for cp in in_copies(b, b):
            cp.start()

    @pl.loop(0, nchunk, step=2)
    def _chunk(c):
        for b in range(2):
            ci = c + b
            for cp in in_copies(ci, b):
                cp.wait()

            @pl.when(ci >= 2)
            def _():
                out_copy(ci - 2, b).wait()

            @pl.loop(0, RC, step=L)
            def _grp(g):
                vbl = g // 128
                vl0 = g - vbl * 128
                row0 = vbl * 8
                rows = lane + g
                for d in range(D):
                    val = f_v[b, d // 8, row0 + (d % 8), pl.ds(vl0, L)]
                    plsc.store_scatter(out_v.at[b], [rows, cds[d]], val)

            out_copy(ci, b).start()

            @pl.when(ci + 2 < nchunk)
            def _():
                for cp in in_copies(ci + 2, b):
                    cp.start()

    for b in range(2):
        out_copy(nchunk - 2 + b, b).wait()


def _main_body(pos_hbm, table_hbm, out_hbm, pos_v, idx_v, wt_v, cor_v, out_v,
               sem_p, sem_g, sem_o):
    wid = lax.axis_index("s") * NC + lax.axis_index("c")
    wbase = wid * PPW
    lane = lax.iota(jnp.int32, 16)
    rows_b = lane + (D - L)

    def pos_copy(ki, b):
        return pltpu.make_async_copy(
            pos_hbm.at[pl.ds(((wbase + ki * W) // 128) * 8, 8)],
            pos_v.at[b], sem_p)

    def gather_copies(b):
        return [pltpu.make_async_copy(table_hbm.at[idx_v.at[b, c]],
                                      cor_v.at[b, c], sem_g)
                for c in range(8)]

    def out_copies(ki, b):
        vb = (wbase + ki * W) // 128
        return [pltpu.make_async_copy(
            out_v.at[b, pl.ds(rt * 8, 8)],
            out_hbm.at[pl.ds((rt * NT + vb) * 8, 8)], sem_o)
            for rt in range(4)]

    def compute_idx_wt(b):
        @pl.loop(0, W, step=L)
        def _grp(g):
            xs = pos_v[b, 0, pl.ds(g, L)] * jnp.float32(G - 1)
            ys = pos_v[b, 1, pl.ds(g, L)] * jnp.float32(G - 1)
            zs = pos_v[b, 2, pl.ds(g, L)] * jnp.float32(G - 1)
            x0 = jnp.minimum(jnp.maximum(xs.astype(jnp.int32), 0), G - 2)
            y0 = jnp.minimum(jnp.maximum(ys.astype(jnp.int32), 0), G - 2)
            z0 = jnp.minimum(jnp.maximum(zs.astype(jnp.int32), 0), G - 2)
            fx = xs - x0.astype(jnp.float32)
            fy = ys - y0.astype(jnp.float32)
            fz = zs - z0.astype(jnp.float32)
            gx = jnp.float32(1.0) - fx
            gy = jnp.float32(1.0) - fy
            gz = jnp.float32(1.0) - fz
            flat = (x0 * G + y0) * G + z0
            wxs = (gx, fx)
            wys = (gy, fy)
            wzs = (gz, fz)
            for c in range(8):
                dx, dy, dz = (c >> 2) & 1, (c >> 1) & 1, c & 1
                idx_v[b, c, pl.ds(g, L)] = flat + CORNER_OFFS[c]
                wt_v[b, c, pl.ds(g, L)] = wxs[dx] * wys[dy] * wzs[dz]

    def blend(b):
        @pl.loop(0, W)
        def _pt(w):
            wsp = jnp.full((L,), w, jnp.int32)
            acc0 = None
            acc1 = None
            for c in range(8):
                ws = plsc.load_gather(
                    wt_v.at[b], [jnp.full((L,), c, jnp.int32), wsp])
                r0 = cor_v[b, c, w, pl.ds(0, L)]
                r1 = cor_v[b, c, w, pl.ds(D - L, L)]
                if acc0 is None:
                    acc0 = ws * r0
                    acc1 = ws * r1
                else:
                    acc0 = acc0 + ws * r0
                    acc1 = acc1 + ws * r1
            plsc.store_scatter(out_v.at[b], [lane, wsp], acc0)
            plsc.store_scatter(out_v.at[b], [rows_b, wsp], acc1)

    pos_copy(0, 0).start()

    @pl.loop(0, NWIN, step=2)
    def _window(c):
        for b in range(2):
            ki = c + b
            nb = 1 - b
            pos_copy(ki, b).wait()

            @pl.when(ki + 1 < NWIN)
            def _():
                pos_copy(ki + 1, nb).start()

            compute_idx_wt(b)
            for cp in gather_copies(b):
                cp.start()

            @pl.when(ki >= 1)
            def _():
                @pl.when(ki >= 3)
                def _():
                    for cp in out_copies(ki - 3, nb):
                        cp.wait()
                for cp in gather_copies(nb):
                    cp.wait()
                blend(nb)
                for cp in out_copies(ki - 1, nb):
                    cp.start()

    for cp in out_copies(NWIN - 3, 1):
        cp.wait()
    for cp in gather_copies(1):
        cp.wait()
    blend(1)
    for cp in out_copies(NWIN - 1, 1):
        cp.start()
    for cp in out_copies(NWIN - 2, 0):
        cp.wait()
    for cp in out_copies(NWIN - 1, 1):
        cp.wait()


def _make_cp():
    cp = pltpu.CompilerParams()
    for field, val in (("needs_layout_passes", False),
                       ("use_tc_tiling_on_sc", False)):
        if field in pltpu.CompilerParams.__dataclass_fields__:
            cp = dataclasses.replace(cp, **{field: val})
    return cp


def kernel(positions, voxel_grid):
    mesh = plsc.VectorSubcoreMesh(core_axis_name="c", subcore_axis_name="s")
    cp = _make_cp()

    repack = pl.kernel(
        _repack_body,
        out_type=jax.ShapeDtypeStruct((V, DP), jnp.float32),
        mesh=mesh,
        compiler_params=cp,
        scratch_types=[
            pltpu.VMEM((2, 4, 32, 128), jnp.float32),
            pltpu.VMEM((2, RC, DP), jnp.float32),
            pltpu.SemaphoreType.DMA,
            pltpu.SemaphoreType.DMA,
        ],
    )

    main = pl.kernel(
        _main_body,
        out_type=jax.ShapeDtypeStruct((4 * NT * 8, 128), jnp.float32),
        mesh=mesh,
        compiler_params=cp,
        scratch_types=[
            pltpu.VMEM((2, 8, W), jnp.float32),
            pltpu.VMEM((2, 8, W), jnp.int32),
            pltpu.VMEM((2, 8, W), jnp.float32),
            pltpu.VMEM((2, 8, W, DP), jnp.float32),
            pltpu.VMEM((2, DP, W), jnp.float32),
            pltpu.SemaphoreType.DMA,
            pltpu.SemaphoreType.DMA,
            pltpu.SemaphoreType.DMA,
        ],
    )

    t_e = (jnp.pad(voxel_grid.T, ((0, 4), (0, 0)))
           .reshape(4, 8, VT, 128).transpose(0, 2, 1, 3).reshape(-1, 128))
    p_e = (jnp.pad(positions.T, ((0, 5), (0, 0)))
           .reshape(1, 8, NT, 128).transpose(0, 2, 1, 3).reshape(-1, 128))

    t32 = repack(t_e)
    o_e = main(p_e, t32)
    return (o_e.reshape(4, NT, 8, 128).transpose(0, 2, 1, 3)
            .reshape(DP, N)[:D].T)

# --- scband reference (transcript-rebuilt; emitter-appended) ---
"""Pipeline reference for scband-plenoxel-model-84705345012266 (READ-ONLY COPY).

The authoritative reference and input builder live on the scoring server;
editing this copy changes nothing except your own understanding.
"""

import jax, jax.numpy as jnp
import numpy as np

GRID = 128
VOXEL_DIM = 28
N_POINTS = 1048576


def setup_inputs(seed: int = 0) -> dict:
    key = jax.random.key(seed)
    k1, k2 = jax.random.split(key)
    # ray-sample positions, normalized to [0, 1); scaled to grid coords inside reference
    positions = jax.random.uniform(k1, (N_POINTS, 3), dtype=jnp.float32)
    # learned voxel grid: flattened [GRID^3, VOXEL_DIM]; channel 0 is density (init 0.005
    # per Voxel.random_voxel), channels 1:28 are 27 RGB spherical-harmonic coefficients
    voxel_grid = jax.random.uniform(k2, (GRID * GRID * GRID, VOXEL_DIM), dtype=jnp.float32)
    voxel_grid = voxel_grid.at[:, 0].set(0.005)
    return {"positions": positions, "voxel_grid": voxel_grid}


def reference(positions, voxel_grid):
    """Plenoxel voxel-feature lookup with trilinear interpolation.

    Vectorized equivalent of VoxelGrid.at / neighbours(): for each sample point,
    gather the 8 surrounding voxels from the grid (embedding lookup) and blend
    them trilinearly. Returns [N_POINTS, VOXEL_DIM] interpolated voxel features
    (density + SH color coefficients) to be consumed by the volume renderer.
    """
    G = GRID
    p = positions * (G - 1)
    p0 = jnp.clip(jnp.floor(p).astype(jnp.int32), 0, G - 2)
    f = p - p0.astype(jnp.float32)
    x0 = p0[:, 0]
    y0 = p0[:, 1]
    z0 = p0[:, 2]
    x1 = x0 + 1
    y1 = y0 + 1
    z1 = z0 + 1
    fx = f[:, 0:1]
    fy = f[:, 1:2]
    fz = f[:, 2:3]

    def at(ix, iy, iz):
        flat = (ix * G + iy) * G + iz
        return jnp.take(voxel_grid, flat, axis=0)

    c000 = at(x0, y0, z0)
    c001 = at(x0, y0, z1)
    c010 = at(x0, y1, z0)
    c011 = at(x0, y1, z1)
    c100 = at(x1, y0, z0)
    c101 = at(x1, y0, z1)
    c110 = at(x1, y1, z0)
    c111 = at(x1, y1, z1)

    out = (c000 * (1 - fx) * (1 - fy) * (1 - fz)
           + c001 * (1 - fx) * (1 - fy) * fz
           + c010 * (1 - fx) * fy * (1 - fz)
           + c011 * (1 - fx) * fy * fz
           + c100 * fx * (1 - fy) * (1 - fz)
           + c101 * fx * (1 - fy) * fz
           + c110 * fx * fy * (1 - fz)
           + c111 * fx * fy * fz)
    return out

if __name__ == "__main__":
    import jax
    _d = setup_inputs()
    print(jax.jit(kernel)(*tuple(_d.values())))

</pallas_src>

<mosaic_0001>
#map = affine_map<(d0, d1) -> (0, 0)>
module attributes {stable_mosaic.version = 14 : i64} {
  func.func @_repack_body(%arg0: i32, %arg1: i32, %arg2: memref<524288x128xf32, #tpu.memory_space<hbm>>, %arg3: memref<2097152x32xf32, #tpu.memory_space<hbm>>, %arg4: memref<2x4x32x128xf32, #tpu.memory_space<vmem>>, %arg5: memref<2x512x32xf32, #tpu.memory_space<vmem>>, %arg6: memref<!tpu.dma_semaphore, #tpu.memory_space<semaphore_mem>>, %arg7: memref<!tpu.dma_semaphore, #tpu.memory_space<semaphore_mem>>) attributes {dimension_semantics = [#tpu.dimension_semantics<core_parallel>, #tpu.dimension_semantics<subcore_parallel>], iteration_bounds = array<i64: 2, 16>, scalar_prefetch = 0 : i64, scratch_operands = 4 : i64, tpu.core_type = #tpu.core_type<sc_vector_subcore>, window_params = [{transform_indices = #map}, {transform_indices = #map}]} {
    %mul3A = arith.constant 2 : i32
    %mul3A_0 = arith.muli %arg1, %mul3A : i32
    %add3A = arith.addi %mul3A_0, %arg0 : i32
    %mul3A_1 = arith.constant 65536 : i32
    %mul3A_2 = arith.muli %add3A, %mul3A_1 : i32
    %iota3A = tpu.iota {dimensions = array<i32: 0>} : vector<16xi32>
    %broadcast_in_dim3A = arith.constant 0 : i32
    %broadcast_in_dim3A_3 = vector.broadcast %broadcast_in_dim3A : i32 to vector<16xi32>
    %broadcast_in_dim3A_4 = arith.constant 1 : i32
    %broadcast_in_dim3A_5 = vector.broadcast %broadcast_in_dim3A_4 : i32 to vector<16xi32>
    %broadcast_in_dim3A_6 = arith.constant 2 : i32
    %broadcast_in_dim3A_7 = vector.broadcast %broadcast_in_dim3A_6 : i32 to vector<16xi32>
    %broadcast_in_dim3A_8 = arith.constant 3 : i32
    %broadcast_in_dim3A_9 = vector.broadcast %broadcast_in_dim3A_8 : i32 to vector<16xi32>
    %broadcast_in_dim3A_10 = arith.constant 4 : i32
    %broadcast_in_dim3A_11 = vector.broadcast %broadcast_in_dim3A_10 : i32 to vector<16xi32>
    %broadcast_in_dim3A_12 = arith.constant 5 : i32
    %broadcast_in_dim3A_13 = vector.broadcast %broadcast_in_dim3A_12 : i32 to vector<16xi32>
    %broadcast_in_dim3A_14 = arith.constant 6 : i32
    %broadcast_in_dim3A_15 = vector.broadcast %broadcast_in_dim3A_14 : i32 to vector<16xi32>
    %broadcast_in_dim3A_16 = arith.constant 7 : i32
    %broadcast_in_dim3A_17 = vector.broadcast %broadcast_in_dim3A_16 : i32 to vector<16xi32>
    %broadcast_in_dim3A_18 = arith.constant 8 : i32
    %broadcast_in_dim3A_19 = vector.broadcast %broadcast_in_dim3A_18 : i32 to vector<16xi32>
    %broadcast_in_dim3A_20 = arith.constant 9 : i32
    %broadcast_in_dim3A_21 = vector.broadcast %broadcast_in_dim3A_20 : i32 to vector<16xi32>
    %broadcast_in_dim3A_22 = arith.constant 10 : i32
    %broadcast_in_dim3A_23 = vector.broadcast %broadcast_in_dim3A_22 : i32 to vector<16xi32>
    %broadcast_in_dim3A_24 = arith.constant 11 : i32
    %broadcast_in_dim3A_25 = vector.broadcast %broadcast_in_dim3A_24 : i32 to vector<16xi32>
    %broadcast_in_dim3A_26 = arith.constant 12 : i32
    %broadcast_in_dim3A_27 = vector.broadcast %broadcast_in_dim3A_26 : i32 to vector<16xi32>
    %broadcast_in_dim3A_28 = arith.constant 13 : i32
    %broadcast_in_dim3A_29 = vector.broadcast %broadcast_in_dim3A_28 : i32 to vector<16xi32>
    %broadcast_in_dim3A_30 = arith.constant 14 : i32
    %broadcast_in_dim3A_31 = vector.broadcast %broadcast_in_dim3A_30 : i32 to vector<16xi32>
    %broadcast_in_dim3A_32 = arith.constant 15 : i32
    %broadcast_in_dim3A_33 = vector.broadcast %broadcast_in_dim3A_32 : i32 to vector<16xi32>
    %broadcast_in_dim3A_34 = arith.constant 16 : i32
    %broadcast_in_dim3A_35 = vector.broadcast %broadcast_in_dim3A_34 : i32 to vector<16xi32>
    %broadcast_in_dim3A_36 = arith.constant 17 : i32
    %broadcast_in_dim3A_37 = vector.broadcast %broadcast_in_dim3A_36 : i32 to vector<16xi32>
    %broadcast_in_dim3A_38 = arith.constant 18 : i32
    %broadcast_in_dim3A_39 = vector.broadcast %broadcast_in_dim3A_38 : i32 to vector<16xi32>
    %broadcast_in_dim3A_40 = arith.constant 19 : i32
    %broadcast_in_dim3A_41 = vector.broadcast %broadcast_in_dim3A_40 : i32 to vector<16xi32>
    %broadcast_in_dim3A_42 = arith.constant 20 : i32
    %broadcast_in_dim3A_43 = vector.broadcast %broadcast_in_dim3A_42 : i32 to vector<16xi32>
    %broadcast_in_dim3A_44 = arith.constant 21 : i32
    %broadcast_in_dim3A_45 = vector.broadcast %broadcast_in_dim3A_44 : i32 to vector<16xi32>
    %broadcast_in_dim3A_46 = arith.constant 22 : i32
    %broadcast_in_dim3A_47 = vector.broadcast %broadcast_in_dim3A_46 : i32 to vector<16xi32>
    %broadcast_in_dim3A_48 = arith.constant 23 : i32
    %broadcast_in_dim3A_49 = vector.broadcast %broadcast_in_dim3A_48 : i32 to vector<16xi32>
    %broadcast_in_dim3A_50 = arith.constant 24 : i32
    %broadcast_in_dim3A_51 = vector.broadcast %broadcast_in_dim3A_50 : i32 to vector<16xi32>
    %broadcast_in_dim3A_52 = arith.constant 25 : i32
    %broadcast_in_dim3A_53 = vector.broadcast %broadcast_in_dim3A_52 : i32 to vector<16xi32>
    %broadcast_in_dim3A_54 = arith.constant 26 : i32
    %broadcast_in_dim3A_55 = vector.broadcast %broadcast_in_dim3A_54 : i32 to vector<16xi32>
    %broadcast_in_dim3A_56 = arith.constant 27 : i32
    %broadcast_in_dim3A_57 = vector.broadcast %broadcast_in_dim3A_56 : i32 to vector<16xi32>
    %add3A_58 = arith.constant 0 : i32
    %add3A_59 = arith.addi %mul3A_2, %add3A_58 : i32
    %jit3A = arith.constant 128 : i32
    %div3A = arith.divsi %add3A_59, %jit3A : i32
    %sign3A = arith.constant 0 : i32
    %sign3A_60 = arith.cmpi sgt, %add3A_59, %sign3A : i32
    %sign3A_61 = arith.extui %sign3A_60 : i1 to i32
    %sign3A_62 = arith.constant 0 : i32
    %sign3A_63 = arith.cmpi slt, %add3A_59, %sign3A_62 : i32
    %sign3A_64 = arith.extui %sign3A_63 : i1 to i32
    %sign3A_65 = arith.subi %sign3A_61, %sign3A_64 : i32
    %sign3A_66 = arith.constant 0 : i32
    %sign3A_67 = arith.cmpi sgt, %jit3A, %sign3A_66 : i32
    %sign3A_68 = arith.extui %sign3A_67 : i1 to i32
    %sign3A_69 = arith.constant 0 : i32
    %sign3A_70 = arith.cmpi slt, %jit3A, %sign3A_69 : i32
    %sign3A_71 = arith.extui %sign3A_70 : i1 to i32
    %sign3A_72 = arith.subi %sign3A_68, %sign3A_71 : i32
    %ne3A = arith.cmpi ne, %sign3A_65, %sign3A_72 : i32
    %rem3A = arith.remsi %add3A_59, %jit3A : i32
    %ne3A_73 = arith.constant 0 : i32
    %ne3A_74 = arith.cmpi ne, %rem3A, %ne3A_73 : i32
    %and3A = arith.andi %ne3A, %ne3A_74 : i1
    %sub3A = arith.constant 1 : i32
    %sub3A_75 = arith.subi %div3A, %sub3A : i32
    %select_n3A = arith.select %and3A, %sub3A_75, %div3A : i32
    %add3A_76 = arith.constant 0 : i32
    %add3A_77 = arith.addi %add3A_76, %select_n3A : i32
    %mul3A_78 = arith.constant 8 : i32
    %mul3A_79 = arith.muli %add3A_77, %mul3A_78 : i32
    %add3A_80 = arith.constant 16384 : i32
    %add3A_81 = arith.addi %add3A_80, %select_n3A : i32
    %mul3A_82 = arith.constant 8 : i32
    %mul3A_83 = arith.muli %add3A_81, %mul3A_82 : i32
    %add3A_84 = arith.constant 32768 : i32
    %add3A_85 = arith.addi %add3A_84, %select_n3A : i32
    %mul3A_86 = arith.constant 8 : i32
    %mul3A_87 = arith.muli %add3A_85, %mul3A_86 : i32
    %add3A_88 = arith.constant 49152 : i32
    %add3A_89 = arith.addi %add3A_88, %select_n3A : i32
    %mul3A_90 = arith.constant 8 : i32
    %mul3A_91 = arith.muli %add3A_89, %mul3A_90 : i32
    %dma_start3A = arith.constant 0 : i32
    %dma_start3A_92 = arith.constant 0 : i32
    %dma_start3A_93 = arith.constant 0 : i32
    %dma_start3A_94 = arith.constant 0 : i32
    %dma_start3A_95 = tpu.memref_slice %arg4[%dma_start3A, %dma_start3A_92, %dma_start3A_93, %dma_start3A_94] : memref<2x4x32x128xf32, #tpu.memory_space<vmem>> -> memref<1x1x32x128xf32, #tpu.memory_space<vmem>>
    %dma_start3A_96 = tpu.memref_squeeze %dma_start3A_95 : memref<1x1x32x128xf32, #tpu.memory_space<vmem>> -> memref<32x128xf32, #tpu.memory_space<vmem>>
    %dma_start3A_97 = arith.constant 0 : i32
    %dma_start3A_98 = tpu.memref_slice %arg2[%mul3A_79, %dma_start3A_97] : memref<524288x128xf32, #tpu.memory_space<hbm>> -> memref<32x128xf32, #tpu.memory_space<hbm>>
    %dma_start3A_99 = arith.constant 0 : i32
    %dma_start3A_100 = arith.constant 0 : i32
    %dma_start3A_101 = tpu.memref_slice %arg4[%dma_start3A, %dma_start3A_92, %dma_start3A_99, %dma_start3A_100] : memref<2x4x32x128xf32, #tpu.memory_space<vmem>> -> memref<1x1x32x128xf32, #tpu.memory_space<vmem>>
    %dma_start3A_102 = tpu.memref_squeeze %dma_start3A_101 : memref<1x1x32x128xf32, #tpu.memory_space<vmem>> -> memref<32x128xf32, #tpu.memory_space<vmem>>
    %dma_start3A_103 = arith.constant 0 : i32
    %dma_start3A_104 = tpu.memref_slice %arg2[%mul3A_79, %dma_start3A_103] : memref<524288x128xf32, #tpu.memory_space<hbm>> -> memref<32x128xf32, #tpu.memory_space<hbm>>
    tpu.enqueue_dma source(%dma_start3A_104 : memref<32x128xf32, #tpu.memory_space<hbm>>) target(%dma_start3A_102 : memref<32x128xf32, #tpu.memory_space<vmem>>) target_semaphore(%arg6 : memref<!tpu.dma_semaphore, #tpu.memory_space<semaphore_mem>>)
    %dma_start3A_105 = arith.constant 0 : i32
    %dma_start3A_106 = arith.constant 1 : i32
    %dma_start3A_107 = arith.constant 0 : i32
    %dma_start3A_108 = arith.constant 0 : i32
    %dma_start3A_109 = tpu.memref_slice %arg4[%dma_start3A_105, %dma_start3A_106, %dma_start3A_107, %dma_start3A_108] : memref<2x4x32x128xf32, #tpu.memory_space<vmem>> -> memref<1x1x32x128xf32, #tpu.memory_space<vmem>>
    %dma_start3A_110 = tpu.memref_squeeze %dma_start3A_109 : memref<1x1x32x128xf32, #tpu.memory_space<vmem>> -> memref<32x128xf32, #tpu.memory_space<vmem>>
    %dma_start3A_111 = arith.constant 0 : i32
    %dma_start3A_112 = tpu.memref_slice %arg2[%mul3A_83, %dma_start3A_111] : memref<524288x128xf32, #tpu.memory_space<hbm>> -> memref<32x128xf32, #tpu.memory_space<hbm>>
    %dma_start3A_113 = arith.constant 0 : i32
    %dma_start3A_114 = arith.constant 0 : i32
    %dma_start3A_115 = tpu.memref_slice %arg4[%dma_start3A_105, %dma_start3A_106, %dma_start3A_113, %dma_start3A_114] : memref<2x4x32x128xf32, #tpu.memory_space<vmem>> -> memref<1x1x32x128xf32, #tpu.memory_space<vmem>>
    %dma_start3A_116 = tpu.memref_squeeze %dma_start3A_115 : memref<1x1x32x128xf32, #tpu.memory_space<vmem>> -> memref<32x128xf32, #tpu.memory_space<vmem>>
    %dma_start3A_117 = arith.constant 0 : i32
    %dma_start3A_118 = tpu.memref_slice %arg2[%mul3A_83, %dma_start3A_117] : memref<524288x128xf32, #tpu.memory_space<hbm>> -> memref<32x128xf32, #tpu.memory_space<hbm>>
    tpu.enqueue_dma source(%dma_start3A_118 : memref<32x128xf32, #tpu.memory_space<hbm>>) target(%dma_start3A_116 : memref<32x128xf32, #tpu.memory_space<vmem>>) target_semaphore(%arg6 : memref<!tpu.dma_semaphore, #tpu.memory_space<semaphore_mem>>)
    %dma_start3A_119 = arith.constant 0 : i32
    %dma_start3A_120 = arith.constant 2 : i32
    %dma_start3A_121 = arith.constant 0 : i32
    %dma_start3A_122 = arith.constant 0 : i32
    %dma_start3A_123 = tpu.memref_slice %arg4[%dma_start3A_119, %dma_start3A_120, %dma_start3A_121, %dma_start3A_122] : memref<2x4x32x128xf32, #tpu.memory_space<vmem>> -> memref<1x1x32x128xf32, #tpu.memory_space<vmem>>
    %dma_start3A_124 = tpu.memref_squeeze %dma_start3A_123 : memref<1x1x32x128xf32, #tpu.memory_space<vmem>> -> memref<32x128xf32, #tpu.memory_space<vmem>>
    %dma_start3A_125 = arith.constant 0 : i32
    %dma_start3A_126 = tpu.memref_slice %arg2[%mul3A_87, %dma_start3A_125] : memref<524288x128xf32, #tpu.memory_space<hbm>> -> memref<32x128xf32, #tpu.memory_space<hbm>>
    %dma_start3A_127 = arith.constant 0 : i32
    %dma_start3A_128 = arith.constant 0 : i32
    %dma_start3A_129 = tpu.memref_slice %arg4[%dma_start3A_119, %dma_start3A_120, %dma_start3A_127, %dma_start3A_128] : memref<2x4x32x128xf32, #tpu.memory_space<vmem>> -> memref<1x1x32x128xf32, #tpu.memory_space<vmem>>
    %dma_start3A_130 = tpu.memref_squeeze %dma_start3A_129 : memref<1x1x32x128xf32, #tpu.memory_space<vmem>> -> memref<32x128xf32, #tpu.memory_space<vmem>>
    %dma_start3A_131 = arith.constant 0 : i32
    %dma_start3A_132 = tpu.memref_slice %arg2[%mul3A_87, %dma_start3A_131] : memref<524288x128xf32, #tpu.memory_space<hbm>> -> memref<32x128xf32, #tpu.memory_space<hbm>>
    tpu.enqueue_dma source(%dma_start3A_132 : memref<32x128xf32, #tpu.memory_space<hbm>>) target(%dma_start3A_130 : memref<32x128xf32, #tpu.memory_space<vmem>>) target_semaphore(%arg6 : memref<!tpu.dma_semaphore, #tpu.memory_space<semaphore_mem>>)
    %dma_start3A_133 = arith.constant 0 : i32
    %dma_start3A_134 = arith.constant 3 : i32
    %dma_start3A_135 = arith.constant 0 : i32
    %dma_start3A_136 = arith.constant 0 : i32
    %dma_start3A_137 = tpu.memref_slice %arg4[%dma_start3A_133, %dma_start3A_134, %dma_start3A_135, %dma_start3A_136] : memref<2x4x32x128xf32, #tpu.memory_space<vmem>> -> memref<1x1x32x128xf32, #tpu.memory_space<vmem>>
    %dma_start3A_138 = tpu.memref_squeeze %dma_start3A_137 : memref<1x1x32x128xf32, #tpu.memory_space<vmem>> -> memref<32x128xf32, #tpu.memory_space<vmem>>
    %dma_start3A_139 = arith.constant 0 : i32
    %dma_start3A_140 = tpu.memref_slice %arg2[%mul3A_91, %dma_start3A_139] : memref<524288x128xf32, #tpu.memory_space<hbm>> -> memref<32x128xf32, #tpu.memory_space<hbm>>
    %dma_start3A_141 = arith.constant 0 : i32
    %dma_start3A_142 = arith.constant 0 : i32
    %dma_start3A_143 = tpu.memref_slice %arg4[%dma_start3A_133, %dma_start3A_134, %dma_start3A_141, %dma_start3A_142] : memref<2x4x32x128xf32, #tpu.memory_space<vmem>> -> memref<1x1x32x128xf32, #tpu.memory_space<vmem>>
    %dma_start3A_144 = tpu.memref_squeeze %dma_start3A_143 : memref<1x1x32x128xf32, #tpu.memory_space<vmem>> -> memref<32x128xf32, #tpu.memory_space<vmem>>
    %dma_start3A_145 = arith.constant 0 : i32
    %dma_start3A_146 = tpu.memref_slice %arg2[%mul3A_91, %dma_start3A_145] : memref<524288x128xf32, #tpu.memory_space<hbm>> -> memref<32x128xf32, #tpu.memory_space<hbm>>
    tpu.enqueue_dma source(%dma_start3A_146 : memref<32x128xf32, #tpu.memory_space<hbm>>) target(%dma_start3A_144 : memref<32x128xf32, #tpu.memory_space<vmem>>) target_semaphore(%arg6 : memref<!tpu.dma_semaphore, #tpu.memory_space<semaphore_mem>>)
    %add3A_147 = arith.constant 512 : i32
    %add3A_148 = arith.addi %mul3A_2, %add3A_147 : i32
    %jit3A_149 = arith.constant 128 : i32
    %div3A_150 = arith.divsi %add3A_148, %jit3A_149 : i32
    %sign3A_151 = arith.constant 0 : i32
    %sign3A_152 = arith.cmpi sgt, %add3A_148, %sign3A_151 : i32
    %sign3A_153 = arith.extui %sign3A_152 : i1 to i32
    %sign3A_154 = arith.constant 0 : i32
    %sign3A_155 = arith.cmpi slt, %add3A_148, %sign3A_154 : i32
    %sign3A_156 = arith.extui %sign3A_155 : i1 to i32
    %sign3A_157 = arith.subi %sign3A_153, %sign3A_156 : i32
    %sign3A_158 = arith.constant 0 : i32
    %sign3A_159 = arith.cmpi sgt, %jit3A_149, %sign3A_158 : i32
    %sign3A_160 = arith.extui %sign3A_159 : i1 to i32
    %sign3A_161 = arith.constant 0 : i32
    %sign3A_162 = arith.cmpi slt, %jit3A_149, %sign3A_161 : i32
    %sign3A_163 = arith.extui %sign3A_162 : i1 to i32
    %sign3A_164 = arith.subi %sign3A_160, %sign3A_163 : i32
    %ne3A_165 = arith.cmpi ne, %sign3A_157, %sign3A_164 : i32
    %rem3A_166 = arith.remsi %add3A_148, %jit3A_149 : i32
    %ne3A_167 = arith.constant 0 : i32
    %ne3A_168 = arith.cmpi ne, %rem3A_166, %ne3A_167 : i32
    %and3A_169 = arith.andi %ne3A_165, %ne3A_168 : i1
    %sub3A_170 = arith.constant 1 : i32
    %sub3A_171 = arith.subi %div3A_150, %sub3A_170 : i32
    %select_n3A_172 = arith.select %and3A_169, %sub3A_171, %div3A_150 : i32
    %add3A_173 = arith.constant 0 : i32
    %add3A_174 = arith.addi %add3A_173, %select_n3A_172 : i32
    %mul3A_175 = arith.constant 8 : i32
    %mul3A_176 = arith.muli %add3A_174, %mul3A_175 : i32
    %add3A_177 = arith.constant 16384 : i32
    %add3A_178 = arith.addi %add3A_177, %select_n3A_172 : i32
    %mul3A_179 = arith.constant 8 : i32
    %mul3A_180 = arith.muli %add3A_178, %mul3A_179 : i32
    %add3A_181 = arith.constant 32768 : i32
    %add3A_182 = arith.addi %add3A_181, %select_n3A_172 : i32
    %mul3A_183 = arith.constant 8 : i32
    %mul3A_184 = arith.muli %add3A_182, %mul3A_183 : i32
    %add3A_185 = arith.constant 49152 : i32
    %add3A_186 = arith.addi %add3A_185, %select_n3A_172 : i32
    %mul3A_187 = arith.constant 8 : i32
    %mul3A_188 = arith.muli %add3A_186, %mul3A_187 : i32
    %dma_start3A_189 = arith.constant 1 : i32
    %dma_start3A_190 = arith.constant 0 : i32
    %dma_start3A_191 = arith.constant 0 : i32
    %dma_start3A_192 = arith.constant 0 : i32
    %dma_start3A_193 = tpu.memref_slice %arg4[%dma_start3A_189, %dma_start3A_190, %dma_start3A_191, %dma_start3A_192] : memref<2x4x32x128xf32, #tpu.memory_space<vmem>> -> memref<1x1x32x128xf32, #tpu.memory_space<vmem>>
    %dma_start3A_194 = tpu.memref_squeeze %dma_start3A_193 : memref<1x1x32x128xf32, #tpu.memory_space<vmem>> -> memref<32x128xf32, #tpu.memory_space<vmem>>
    %dma_start3A_195 = arith.constant 0 : i32
    %dma_start3A_196 = tpu.memref_slice %arg2[%mul3A_176, %dma_start3A_195] : memref<524288x128xf32, #tpu.memory_space<hbm>> -> memref<32x128xf32, #tpu.memory_space<hbm>>
    %dma_start3A_197 = arith.constant 0 : i32
    %dma_start3A_198 = arith.constant 0 : i32
    %dma_start3A_199 = tpu.memref_slice %arg4[%dma_start3A_189, %dma_start3A_190, %dma_start3A_197, %dma_start3A_198] : memref<2x4x32x128xf32, #tpu.memory_space<vmem>> -> memref<1x1x32x128xf32, #tpu.memory_space<vmem>>
    %dma_start3A_200 = tpu.memref_squeeze %dma_start3A_199 : memref<1x1x32x128xf32, #tpu.memory_space<vmem>> -> memref<32x128xf32, #tpu.memory_space<vmem>>
    %dma_start3A_201 = arith.constant 0 : i32
    %dma_start3A_202 = tpu.memref_slice %arg2[%mul3A_176, %dma_start3A_201] : memref<524288x128xf32, #tpu.memory_space<hbm>> -> memref<32x128xf32, #tpu.memory_space<hbm>>
    tpu.enqueue_dma source(%dma_start3A_202 : memref<32x128xf32, #tpu.memory_space<hbm>>) target(%dma_start3A_200 : memref<32x128xf32, #tpu.memory_space<vmem>>) target_semaphore(%arg6 : memref<!tpu.dma_semaphore, #tpu.memory_space<semaphore_mem>>)
    %dma_start3A_203 = arith.constant 1 : i32
    %dma_start3A_204 = arith.constant 1 : i32
    %dma_start3A_205 = arith.constant 0 : i32
    %dma_start3A_206 = arith.constant 0 : i32
    %dma_start3A_207 = tpu.memref_slice %arg4[%dma_start3A_203, %dma_start3A_204, %dma_start3A_205, %dma_start3A_206] : memref<2x4x32x128xf32, #tpu.memory_space<vmem>> -> memref<1x1x32x128xf32, #tpu.memory_space<vmem>>
    %dma_start3A_208 = tpu.memref_squeeze %dma_start3A_207 : memref<1x1x32x128xf32, #tpu.memory_space<vmem>> -> memref<32x128xf32, #tpu.memory_space<vmem>>
    %dma_start3A_209 = arith.constant 0 : i32
    %dma_start3A_210 = tpu.memref_slice %arg2[%mul3A_180, %dma_start3A_209] : memref<524288x128xf32, #tpu.memory_space<hbm>> -> memref<32x128xf32, #tpu.memory_space<hbm>>
    %dma_start3A_211 = arith.constant 0 : i32
    %dma_start3A_212 = arith.constant 0 : i32
    %dma_start3A_213 = tpu.memref_slice %arg4[%dma_start3A_203, %dma_start3A_204, %dma_start3A_211, %dma_start3A_212] : memref<2x4x32x128xf32, #tpu.memory_space<vmem>> -> memref<1x1x32x128xf32, #tpu.memory_space<vmem>>
    %dma_start3A_214 = tpu.memref_squeeze %dma_start3A_213 : memref<1x1x32x128xf32, #tpu.memory_space<vmem>> -> memref<32x128xf32, #tpu.memory_space<vmem>>
    %dma_start3A_215 = arith.constant 0 : i32
    %dma_start3A_216 = tpu.memref_slice %arg2[%mul3A_180, %dma_start3A_215] : memref<524288x128xf32, #tpu.memory_space<hbm>> -> memref<32x128xf32, #tpu.memory_space<hbm>>
    tpu.enqueue_dma source(%dma_start3A_216 : memref<32x128xf32, #tpu.memory_space<hbm>>) target(%dma_start3A_214 : memref<32x128xf32, #tpu.memory_space<vmem>>) target_semaphore(%arg6 : memref<!tpu.dma_semaphore, #tpu.memory_space<semaphore_mem>>)
    %dma_start3A_217 = arith.constant 1 : i32
    %dma_start3A_218 = arith.constant 2 : i32
    %dma_start3A_219 = arith.constant 0 : i32
    %dma_start3A_220 = arith.constant 0 : i32
    %dma_start3A_221 = tpu.memref_slice %arg4[%dma_start3A_217, %dma_start3A_218, %dma_start3A_219, %dma_start3A_220] : memref<2x4x32x128xf32, #tpu.memory_space<vmem>> -> memref<1x1x32x128xf32, #tpu.memory_space<vmem>>
    %dma_start3A_222 = tpu.memref_squeeze %dma_start3A_221 : memref<1x1x32x128xf32, #tpu.memory_space<vmem>> -> memref<32x128xf32, #tpu.memory_space<vmem>>
    %dma_start3A_223 = arith.constant 0 : i32
    %dma_start3A_224 = tpu.memref_slice %arg2[%mul3A_184, %dma_start3A_223] : memref<524288x128xf32, #tpu.memory_space<hbm>> -> memref<32x128xf32, #tpu.memory_space<hbm>>
    %dma_start3A_225 = arith.constant 0 : i32
    %dma_start3A_226 = arith.constant 0 : i32
    %dma_start3A_227 = tpu.memref_slice %arg4[%dma_start3A_217, %dma_start3A_218, %dma_start3A_225, %dma_start3A_226] : memref<2x4x32x128xf32, #tpu.memory_space<vmem>> -> memref<1x1x32x128xf32, #tpu.memory_space<vmem>>
    %dma_start3A_228 = tpu.memref_squeeze %dma_start3A_227 : memref<1x1x32x128xf32, #tpu.memory_space<vmem>> -> memref<32x128xf32, #tpu.memory_space<vmem>>
    %dma_start3A_229 = arith.constant 0 : i32
    %dma_start3A_230 = tpu.memref_slice %arg2[%mul3A_184, %dma_start3A_229] : memref<524288x128xf32, #tpu.memory_space<hbm>> -> memref<32x128xf32, #tpu.memory_space<hbm>>
    tpu.enqueue_dma source(%dma_start3A_230 : memref<32x128xf32, #tpu.memory_space<hbm>>) target(%dma_start3A_228 : memref<32x128xf32, #tpu.memory_space<vmem>>) target_semaphore(%arg6 : memref<!tpu.dma_semaphore, #tpu.memory_space<semaphore_mem>>)
    %dma_start3A_231 = arith.constant 1 : i32
    %dma_start3A_232 = arith.constant 3 : i32
    %dma_start3A_233 = arith.constant 0 : i32
    %dma_start3A_234 = arith.constant 0 : i32
    %dma_start3A_235 = tpu.memref_slice %arg4[%dma_start3A_231, %dma_start3A_232, %dma_start3A_233, %dma_start3A_234] : memref<2x4x32x128xf32, #tpu.memory_space<vmem>> -> memref<1x1x32x128xf32, #tpu.memory_space<vmem>>
    %dma_start3A_236 = tpu.memref_squeeze %dma_start3A_235 : memref<1x1x32x128xf32, #tpu.memory_space<vmem>> -> memref<32x128xf32, #tpu.memory_space<vmem>>
    %dma_start3A_237 = arith.constant 0 : i32
    %dma_start3A_238 = tpu.memref_slice %arg2[%mul3A_188, %dma_start3A_237] : memref<524288x128xf32, #tpu.memory_space<hbm>> -> memref<32x128xf32, #tpu.memory_space<hbm>>
    %dma_start3A_239 = arith.constant 0 : i32
    %dma_start3A_240 = arith.constant 0 : i32
    %dma_start3A_241 = tpu.memref_slice %arg4[%dma_start3A_231, %dma_start3A_232, %dma_start3A_239, %dma_start3A_240] : memref<2x4x32x128xf32, #tpu.memory_space<vmem>> -> memref<1x1x32x128xf32, #tpu.memory_space<vmem>>
    %dma_start3A_242 = tpu.memref_squeeze %dma_start3A_241 : memref<1x1x32x128xf32, #tpu.memory_space<vmem>> -> memref<32x128xf32, #tpu.memory_space<vmem>>
    %dma_start3A_243 = arith.constant 0 : i32
    %dma_start3A_244 = tpu.memref_slice %arg2[%mul3A_188, %dma_start3A_243] : memref<524288x128xf32, #tpu.memory_space<hbm>> -> memref<32x128xf32, #tpu.memory_space<hbm>>
    tpu.enqueue_dma source(%dma_start3A_244 : memref<32x128xf32, #tpu.memory_space<hbm>>) target(%dma_start3A_242 : memref<32x128xf32, #tpu.memory_space<vmem>>) target_semaphore(%arg6 : memref<!tpu.dma_semaphore, #tpu.memory_space<semaphore_mem>>)
    %scan3A = arith.constant 0 : i32
    %scan3A_245 = arith.constant 64 : i32
    %scan3A_246 = arith.addi %scan3A, %scan3A_245 : i32
    %scan3A_247 = arith.constant 1 : i32
    scf.for %scan3A_278 = %scan3A to %scan3A_246 step %scan3A_247  : i32 {
      %mul3A_279 = arith.constant 2 : i32
      %mul3A_280 = arith.muli %scan3A_278, %mul3A_279 : i32
      %add3A_281 = arith.constant 0 : i32
      %add3A_282 = arith.addi %add3A_281, %mul3A_280 : i32
      %add3A_283 = arith.constant 0 : i32
      %add3A_284 = arith.addi %add3A_282, %add3A_283 : i32
      %mul3A_285 = arith.constant 512 : i32
      %mul3A_286 = arith.muli %add3A_284, %mul3A_285 : i32
      %add3A_287 = arith.addi %mul3A_2, %mul3A_286 : i32
      %jit3A_288 = arith.constant 128 : i32
      %div3A_289 = arith.divsi %add3A_287, %jit3A_288 : i32
      %sign3A_290 = arith.constant 0 : i32
      %sign3A_291 = arith.cmpi sgt, %add3A_287, %sign3A_290 : i32
      %sign3A_292 = arith.extui %sign3A_291 : i1 to i32
      %sign3A_293 = arith.constant 0 : i32
      %sign3A_294 = arith.cmpi slt, %add3A_287, %sign3A_293 : i32
      %sign3A_295 = arith.extui %sign3A_294 : i1 to i32
      %sign3A_296 = arith.subi %sign3A_292, %sign3A_295 : i32
      %sign3A_297 = arith.constant 0 : i32
      %sign3A_298 = arith.cmpi sgt, %jit3A_288, %sign3A_297 : i32
      %sign3A_299 = arith.extui %sign3A_298 : i1 to i32
      %sign3A_300 = arith.constant 0 : i32
      %sign3A_301 = arith.cmpi slt, %jit3A_288, %sign3A_300 : i32
      %sign3A_302 = arith.extui %sign3A_301 : i1 to i32
      %sign3A_303 = arith.subi %sign3A_299, %sign3A_302 : i32
      %ne3A_304 = arith.cmpi ne, %sign3A_296, %sign3A_303 : i32
      %rem3A_305 = arith.remsi %add3A_287, %jit3A_288 : i32
      %ne3A_306 = arith.constant 0 : i32
      %ne3A_307 = arith.cmpi ne, %rem3A_305, %ne3A_306 : i32
      %and3A_308 = arith.andi %ne3A_304, %ne3A_307 : i1
      %sub3A_309 = arith.constant 1 : i32
      %sub3A_310 = arith.subi %div3A_289, %sub3A_309 : i32
      %select_n3A_311 = arith.select %and3A_308, %sub3A_310, %div3A_289 : i32
      %add3A_312 = arith.constant 0 : i32
      %add3A_313 = arith.addi %add3A_312, %select_n3A_311 : i32
      %mul3A_314 = arith.constant 8 : i32
      %mul3A_315 = arith.muli %add3A_313, %mul3A_314 : i32
      %add3A_316 = arith.constant 16384 : i32
      %add3A_317 = arith.addi %add3A_316, %select_n3A_311 : i32
      %mul3A_318 = arith.constant 8 : i32
      %mul3A_319 = arith.muli %add3A_317, %mul3A_318 : i32
      %add3A_320 = arith.constant 32768 : i32
      %add3A_321 = arith.addi %add3A_320, %select_n3A_311 : i32
      %mul3A_322 = arith.constant 8 : i32
      %mul3A_323 = arith.muli %add3A_321, %mul3A_322 : i32
      %add3A_324 = arith.constant 49152 : i32
      %add3A_325 = arith.addi %add3A_324, %select_n3A_311 : i32
      %mul3A_326 = arith.constant 8 : i32
      %mul3A_327 = arith.muli %add3A_325, %mul3A_326 : i32
      %dma_wait3A_328 = arith.constant 0 : i32
      %dma_wait3A_329 = arith.constant 0 : i32
      %dma_wait3A_330 = arith.constant 0 : i32
      %dma_wait3A_331 = arith.constant 0 : i32
      %dma_wait3A_332 = tpu.memref_slice %arg4[%dma_wait3A_328, %dma_wait3A_329, %dma_wait3A_330, %dma_wait3A_331] : memref<2x4x32x128xf32, #tpu.memory_space<vmem>> -> memref<1x1x32x128xf32, #tpu.memory_space<vmem>>
      %dma_wait3A_333 = tpu.memref_squeeze %dma_wait3A_332 : memref<1x1x32x128xf32, #tpu.memory_space<vmem>> -> memref<32x128xf32, #tpu.memory_space<vmem>>
      %dma_wait3A_334 = arith.constant 0 : i32
      %dma_wait3A_335 = tpu.memref_slice %arg2[%mul3A_315, %dma_wait3A_334] : memref<524288x128xf32, #tpu.memory_space<hbm>> -> memref<32x128xf32, #tpu.memory_space<hbm>>
      %dma_wait3A_336 = arith.constant 0 : i32
      %dma_wait3A_337 = arith.constant 0 : i32
      %dma_wait3A_338 = tpu.memref_slice %arg4[%dma_wait3A_328, %dma_wait3A_329, %dma_wait3A_336, %dma_wait3A_337] : memref<2x4x32x128xf32, #tpu.memory_space<vmem>> -> memref<1x1x32x128xf32, #tpu.memory_space<vmem>>
      %dma_wait3A_339 = tpu.memref_squeeze %dma_wait3A_338 : memref<1x1x32x128xf32, #tpu.memory_space<vmem>> -> memref<32x128xf32, #tpu.memory_space<vmem>>
      %dma_wait3A_340 = arith.constant 0 : i32
      %dma_wait3A_341 = tpu.memref_slice %arg2[%mul3A_315, %dma_wait3A_340] : memref<524288x128xf32, #tpu.memory_space<hbm>> -> memref<32x128xf32, #tpu.memory_space<hbm>>
      tpu.wait_dma2 semaphore(%arg6 : memref<!tpu.dma_semaphore, #tpu.memory_space<semaphore_mem>>) src(%dma_wait3A_341 : memref<32x128xf32, #tpu.memory_space<hbm>>) dst(%dma_wait3A_339 : memref<32x128xf32, #tpu.memory_space<vmem>>)
      %dma_wait3A_342 = arith.constant 0 : i32
      %dma_wait3A_343 = arith.constant 1 : i32
      %dma_wait3A_344 = arith.constant 0 : i32
      %dma_wait3A_345 = arith.constant 0 : i32
      %dma_wait3A_346 = tpu.memref_slice %arg4[%dma_wait3A_342, %dma_wait3A_343, %dma_wait3A_344, %dma_wait3A_345] : memref<2x4x32x128xf32, #tpu.memory_space<vmem>> -> memref<1x1x32x128xf32, #tpu.memory_space<vmem>>
      %dma_wait3A_347 = tpu.memref_squeeze %dma_wait3A_346 : memref<1x1x32x128xf32, #tpu.memory_space<vmem>> -> memref<32x128xf32, #tpu.memory_space<vmem>>
      %dma_wait3A_348 = arith.constant 0 : i32
      %dma_wait3A_349 = tpu.memref_slice %arg2[%mul3A_319, %dma_wait3A_348] : memref<524288x128xf32, #tpu.memory_space<hbm>> -> memref<32x128xf32, #tpu.memory_space<hbm>>
      %dma_wait3A_350 = arith.constant 0 : i32
      %dma_wait3A_351 = arith.constant 0 : i32
      %dma_wait3A_352 = tpu.memref_slice %arg4[%dma_wait3A_342, %dma_wait3A_343, %dma_wait3A_350, %dma_wait3A_351] : memref<2x4x32x128xf32, #tpu.memory_space<vmem>> -> memref<1x1x32x128xf32, #tpu.memory_space<vmem>>
      %dma_wait3A_353 = tpu.memref_squeeze %dma_wait3A_352 : memref<1x1x32x128xf32, #tpu.memory_space<vmem>> -> memref<32x128xf32, #tpu.memory_space<vmem>>
      %dma_wait3A_354 = arith.constant 0 : i32
      %dma_wait3A_355 = tpu.memref_slice %arg2[%mul3A_319, %dma_wait3A_354] : memref<524288x128xf32, #tpu.memory_space<hbm>> -> memref<32x128xf32, #tpu.memory_space<hbm>>
      tpu.wait_dma2 semaphore(%arg6 : memref<!tpu.dma_semaphore, #tpu.memory_space<semaphore_mem>>) src(%dma_wait3A_355 : memref<32x128xf32, #tpu.memory_space<hbm>>) dst(%dma_wait3A_353 : memref<32x128xf32, #tpu.memory_space<vmem>>)
      %dma_wait3A_356 = arith.constant 0 : i32
      %dma_wait3A_357 = arith.constant 2 : i32
      %dma_wait3A_358 = arith.constant 0 : i32
      %dma_wait3A_359 = arith.constant 0 : i32
      %dma_wait3A_360 = tpu.memref_slice %arg4[%dma_wait3A_356, %dma_wait3A_357, %dma_wait3A_358, %dma_wait3A_359] : memref<2x4x32x128xf32, #tpu.memory_space<vmem>> -> memref<1x1x32x128xf32, #tpu.memory_space<vmem>>
      %dma_wait3A_361 = tpu.memref_squeeze %dma_wait3A_360 : memref<1x1x32x128xf32, #tpu.memory_space<vmem>> -> memref<32x128xf32, #tpu.memory_space<vmem>>
      %dma_wait3A_362 = arith.constant 0 : i32
      %dma_wait3A_363 = tpu.memref_slice %arg2[%mul3A_323, %dma_wait3A_362] : memref<524288x128xf32, #tpu.memory_space<hbm>> -> memref<32x128xf32, #tpu.memory_space<hbm>>
      %dma_wait3A_364 = arith.constant 0 : i32
      %dma_wait3A_365 = arith.constant 0 : i32
      %dma_wait3A_366 = tpu.memref_slice %arg4[%dma_wait3A_356, %dma_wait3A_357, %dma_wait3A_364, %dma_wait3A_365] : memref<2x4x32x128xf32, #tpu.memory_space<vmem>> -> memref<1x1x32x128xf32, #tpu.memory_space<vmem>>
      %dma_wait3A_367 = tpu.memref_squeeze %dma_wait3A_366 : memref<1x1x32x128xf32, #tpu.memory_space<vmem>> -> memref<32x128xf32, #tpu.memory_space<vmem>>
      %dma_wait3A_368 = arith.constant 0 : i32
      %dma_wait3A_369 = tpu.memref_slice %arg2[%mul3A_323, %dma_wait3A_368] : memref<524288x128xf32, #tpu.memory_space<hbm>> -> memref<32x128xf32, #tpu.memory_space<hbm>>
      tpu.wait_dma2 semaphore(%arg6 : memref<!tpu.dma_semaphore, #tpu.memory_space<semaphore_mem>>) src(%dma_wait3A_369 : memref<32x128xf32, #tpu.memory_space<hbm>>) dst(%dma_wait3A_367 : memref<32x128xf32, #tpu.memory_space<vmem>>)
      %dma_wait3A_370 = arith.constant 0 : i32
      %dma_wait3A_371 = arith.constant 3 : i32
      %dma_wait3A_372 = arith.constant 0 : i32
      %dma_wait3A_373 = arith.constant 0 : i32
      %dma_wait3A_374 = tpu.memref_slice %arg4[%dma_wait3A_370, %dma_wait3A_371, %dma_wait3A_372, %dma_wait3A_373] : memref<2x4x32x128xf32, #tpu.memory_space<vmem>> -> memref<1x1x32x128xf32, #tpu.memory_space<vmem>>
      %dma_wait3A_375 = tpu.memref_squeeze %dma_wait3A_374 : memref<1x1x32x128xf32, #tpu.memory_space<vmem>> -> memref<32x128xf32, #tpu.memory_space<vmem>>
      %dma_wait3A_376 = arith.constant 0 : i32
      %dma_wait3A_377 = tpu.memref_slice %arg2[%mul3A_327, %dma_wait3A_376] : memref<524288x128xf32, #tpu.memory_space<hbm>> -> memref<32x128xf32, #tpu.memory_space<hbm>>
      %dma_wait3A_378 = arith.constant 0 : i32
      %dma_wait3A_379 = arith.constant 0 : i32
      %dma_wait3A_380 = tpu.memref_slice %arg4[%dma_wait3A_370, %dma_wait3A_371, %dma_wait3A_378, %dma_wait3A_379] : memref<2x4x32x128xf32, #tpu.memory_space<vmem>> -> memref<1x1x32x128xf32, #tpu.memory_space<vmem>>
      %dma_wait3A_381 = tpu.memref_squeeze %dma_wait3A_380 : memref<1x1x32x128xf32, #tpu.memory_space<vmem>> -> memref<32x128xf32, #tpu.memory_space<vmem>>
      %dma_wait3A_382 = arith.constant 0 : i32
      %dma_wait3A_383 = tpu.memref_slice %arg2[%mul3A_327, %dma_wait3A_382] : memref<524288x128xf32, #tpu.memory_space<hbm>> -> memref<32x128xf32, #tpu.memory_space<hbm>>
      tpu.wait_dma2 semaphore(%arg6 : memref<!tpu.dma_semaphore, #tpu.memory_space<semaphore_mem>>) src(%dma_wait3A_383 : memref<32x128xf32, #tpu.memory_space<hbm>>) dst(%dma_wait3A_381 : memref<32x128xf32, #tpu.memory_space<vmem>>)
      %ge3A = arith.constant 2 : i32
      %ge3A_384 = arith.cmpi sge, %add3A_284, %ge3A : i32
      %convert_element_type3A = arith.extui %ge3A_384 : i1 to i32
      %cond3A = arith.constant 0 : i32
      %cond3A_385 = arith.cmpi ne, %convert_element_type3A, %cond3A : i32
      scf.if %cond3A_385 {
        %sub3A_547 = arith.constant 2 : i32
        %sub3A_548 = arith.subi %add3A_284, %sub3A_547 : i32
        %mul3A_549 = arith.constant 512 : i32
        %mul3A_550 = arith.muli %sub3A_548, %mul3A_549 : i32
        %add3A_551 = arith.addi %mul3A_2, %mul3A_550 : i32
        %dma_wait3A_552 = arith.constant 0 : i32
        %dma_wait3A_553 = arith.constant 0 : i32
        %dma_wait3A_554 = arith.constant 0 : i32
        %dma_wait3A_555 = tpu.memref_slice %arg5[%dma_wait3A_552, %dma_wait3A_553, %dma_wait3A_554] : memref<2x512x32xf32, #tpu.memory_space<vmem>> -> memref<1x512x32xf32, #tpu.memory_space<vmem>>
        %dma_wait3A_556 = tpu.memref_squeeze %dma_wait3A_555 : memref<1x512x32xf32, #tpu.memory_space<vmem>> -> memref<512x32xf32, #tpu.memory_space<vmem>>
        %dma_wait3A_557 = arith.constant 0 : i32
        %dma_wait3A_558 = tpu.memref_slice %arg3[%add3A_551, %dma_wait3A_557] : memref<2097152x32xf32, #tpu.memory_space<hbm>> -> memref<512x32xf32, #tpu.memory_space<hbm>>
        %dma_wait3A_559 = arith.constant 0 : i32
        %dma_wait3A_560 = tpu.memref_slice %arg3[%add3A_551, %dma_wait3A_559] : memref<2097152x32xf32, #tpu.memory_space<hbm>> -> memref<512x32xf32, #tpu.memory_space<hbm>>
        %dma_wait3A_561 = arith.constant 0 : i32
        %dma_wait3A_562 = arith.constant 0 : i32
        %dma_wait3A_563 = tpu.memref_slice %arg5[%dma_wait3A_552, %dma_wait3A_561, %dma_wait3A_562] : memref<2x512x32xf32, #tpu.memory_space<vmem>> -> memref<1x512x32xf32, #tpu.memory_space<vmem>>
        %dma_wait3A_564 = tpu.memref_squeeze %dma_wait3A_563 : memref<1x512x32xf32, #tpu.memory_space<vmem>> -> memref<512x32xf32, #tpu.memory_space<vmem>>
        tpu.wait_dma2 semaphore(%arg7 : memref<!tpu.dma_semaphore, #tpu.memory_space<semaphore_mem>>) src(%dma_wait3A_564 : memref<512x32xf32, #tpu.memory_space<vmem>>) dst(%dma_wait3A_560 : memref<512x32xf32, #tpu.memory_space<hbm>>)
      } else {
      }
      %scan3A_386 = arith.constant 0 : i32
      %scan3A_387 = arith.constant 32 : i32
      %scan3A_388 = arith.addi %scan3A_386, %scan3A_387 : i32
      %scan3A_389 = arith.constant 1 : i32
      scf.for %scan3A_547 = %scan3A_386 to %scan3A_388 step %scan3A_389  : i32 {
        %mul3A_548 = arith.constant 16 : i32
        %mul3A_549 = arith.muli %scan3A_547, %mul3A_548 : i32
        %add3A_550 = arith.constant 0 : i32
        %add3A_551 = arith.addi %add3A_550, %mul3A_549 : i32
        %jit3A_552 = arith.constant 128 : i32
        %div3A_553 = arith.divsi %add3A_551, %jit3A_552 : i32
        %sign3A_554 = arith.constant 0 : i32
        %sign3A_555 = arith.cmpi sgt, %add3A_551, %sign3A_554 : i32
        %sign3A_556 = arith.extui %sign3A_555 : i1 to i32
        %sign3A_557 = arith.constant 0 : i32
        %sign3A_558 = arith.cmpi slt, %add3A_551, %sign3A_557 : i32
        %sign3A_559 = arith.extui %sign3A_558 : i1 to i32
        %sign3A_560 = arith.subi %sign3A_556, %sign3A_559 : i32
        %sign3A_561 = arith.constant 0 : i32
        %sign3A_562 = arith.cmpi sgt, %jit3A_552, %sign3A_561 : i32
        %sign3A_563 = arith.extui %sign3A_562 : i1 to i32
        %sign3A_564 = arith.constant 0 : i32
        %sign3A_565 = arith.cmpi slt, %jit3A_552, %sign3A_564 : i32
        %sign3A_566 = arith.extui %sign3A_565 : i1 to i32
        %sign3A_567 = arith.subi %sign3A_563, %sign3A_566 : i32
        %ne3A_568 = arith.cmpi ne, %sign3A_560, %sign3A_567 : i32
        %rem3A_569 = arith.remsi %add3A_551, %jit3A_552 : i32
        %ne3A_570 = arith.constant 0 : i32
        %ne3A_571 = arith.cmpi ne, %rem3A_569, %ne3A_570 : i32
        %and3A_572 = arith.andi %ne3A_568, %ne3A_571 : i1
        %sub3A_573 = arith.constant 1 : i32
        %sub3A_574 = arith.subi %div3A_553, %sub3A_573 : i32
        %select_n3A_575 = arith.select %and3A_572, %sub3A_574, %div3A_553 : i32
        %mul3A_576 = arith.constant 128 : i32
        %mul3A_577 = arith.muli %select_n3A_575, %mul3A_576 : i32
        %sub3A_578 = arith.subi %add3A_551, %mul3A_577 : i32
        %mul3A_579 = arith.constant 8 : i32
        %mul3A_580 = arith.muli %select_n3A_575, %mul3A_579 : i32
        %add3A_581 = vector.broadcast %add3A_551 : i32 to vector<16xi32>
        %add3A_582 = arith.addi %iota3A, %add3A_581 : vector<16xi32>
        %add3A_583 = arith.constant 0 : i32
        %add3A_584 = arith.addi %mul3A_580, %add3A_583 : i32
        %get3A = arith.constant 0 : i32
        %get3A_585 = arith.constant 0 : i32
        %get3A_586 = arith.index_cast %get3A : i32 to index
        %get3A_587 = arith.index_cast %get3A_585 : i32 to index
        %get3A_588 = arith.index_cast %add3A_584 : i32 to index
        %get3A_589 = arith.index_cast %sub3A_578 : i32 to index
        %get3A_590 = tpu.vector_load %arg4[%get3A_586, %get3A_587, %get3A_588, %get3A_589] {strides = array<i32>} : memref<2x4x32x128xf32, #tpu.memory_space<vmem>>, vector<16xf32>,
        %scatter3A = arith.constant 0 : i32
        %scatter3A_591 = arith.constant 0 : i32
        %scatter3A_592 = arith.constant 0 : i32
        %scatter3A_593 = tpu.memref_slice %arg5[%scatter3A, %scatter3A_591, %scatter3A_592] : memref<2x512x32xf32, #tpu.memory_space<vmem>> -> memref<1x512x32xf32, #tpu.memory_space<vmem>>
        %scatter3A_594 = tpu.memref_squeeze %scatter3A_593 : memref<1x512x32xf32, #tpu.memory_space<vmem>> -> memref<512x32xf32, #tpu.memory_space<vmem>>
        tpu.vector_store_idx %scatter3A_594[%add3A_582, %broadcast_in_dim3A_3], %get3A_590 : memref<512x32xf32, #tpu.memory_space<vmem>>[vector<16xi32>, vector<16xi32>], vector<16xf32>,
        %add3A_595 = arith.constant 1 : i32
        %add3A_596 = arith.addi %mul3A_580, %add3A_595 : i32
        %get3A_597 = arith.constant 0 : i32
        %get3A_598 = arith.constant 0 : i32
        %get3A_599 = arith.index_cast %get3A_597 : i32 to index
        %get3A_600 = arith.index_cast %get3A_598 : i32 to index
        %get3A_601 = arith.index_cast %add3A_596 : i32 to index
        %get3A_602 = arith.index_cast %sub3A_578 : i32 to index
        %get3A_603 = tpu.vector_load %arg4[%get3A_599, %get3A_600, %get3A_601, %get3A_602] {strides = array<i32>} : memref<2x4x32x128xf32, #tpu.memory_space<vmem>>, vector<16xf32>,
        %scatter3A_604 = arith.constant 0 : i32
        %scatter3A_605 = arith.constant 0 : i32
        %scatter3A_606 = arith.constant 0 : i32
        %scatter3A_607 = tpu.memref_slice %arg5[%scatter3A_604, %scatter3A_605, %scatter3A_606] : memref<2x512x32xf32, #tpu.memory_space<vmem>> -> memref<1x512x32xf32, #tpu.memory_space<vmem>>
        %scatter3A_608 = tpu.memref_squeeze %scatter3A_607 : memref<1x512x32xf32, #tpu.memory_space<vmem>> -> memref<512x32xf32, #tpu.memory_space<vmem>>
        tpu.vector_store_idx %scatter3A_608[%add3A_582, %broadcast_in_dim3A_5], %get3A_603 : memref<512x32xf32, #tpu.memory_space<vmem>>[vector<16xi32>, vector<16xi32>], vector<16xf32>,
        %add3A_609 = arith.constant 2 : i32
        %add3A_610 = arith.addi %mul3A_580, %add3A_609 : i32
        %get3A_611 = arith.constant 0 : i32
        %get3A_612 = arith.constant 0 : i32
        %get3A_613 = arith.index_cast %get3A_611 : i32 to index
        %get3A_614 = arith.index_cast %get3A_612 : i32 to index
        %get3A_615 = arith.index_cast %add3A_610 : i32 to index
        %get3A_616 = arith.index_cast %sub3A_578 : i32 to index
        %get3A_617 = tpu.vector_load %arg4[%get3A_613, %get3A_614, %get3A_615, %get3A_616] {strides = array<i32>} : memref<2x4x32x128xf32, #tpu.memory_space<vmem>>, vector<16xf32>,
        %scatter3A_618 = arith.constant 0 : i32
        %scatter3A_619 = arith.constant 0 : i32
        %scatter3A_620 = arith.constant 0 : i32
        %scatter3A_621 = tpu.memref_slice %arg5[%scatter3A_618, %scatter3A_619, %scatter3A_620] : memref<2x512x32xf32, #tpu.memory_space<vmem>> -> memref<1x512x32xf32, #tpu.memory_space<vmem>>
        %scatter3A_622 = tpu.memref_squeeze %scatter3A_621 : memref<1x512x32xf32, #tpu.memory_space<vmem>> -> memref<512x32xf32, #tpu.memory_space<vmem>>
        tpu.vector_store_idx %scatter3A_622[%add3A_582, %broadcast_in_dim3A_7], %get3A_617 : memref<512x32xf32, #tpu.memory_space<vmem>>[vector<16xi32>, vector<16xi32>], vector<16xf32>,
        %add3A_623 = arith.constant 3 : i32
        %add3A_624 = arith.addi %mul3A_580, %add3A_623 : i32
        %get3A_625 = arith.constant 0 : i32
        %get3A_626 = arith.constant 0 : i32
        %get3A_627 = arith.index_cast %get3A_625 : i32 to index
        %get3A_628 = arith.index_cast %get3A_626 : i32 to index
        %get3A_629 = arith.index_cast %add3A_624 : i32 to index
        %get3A_630 = arith.index_cast %sub3A_578 : i32 to index
        %get3A_631 = tpu.vector_load %arg4[%get3A_627, %get3A_628, %get3A_629, %get3A_630] {strides = array<i32>} : memref<2x4x32x128xf32, #tpu.memory_space<vmem>>, vector<16xf32>,
        %scatter3A_632 = arith.constant 0 : i32
        %scatter3A_633 = arith.constant 0 : i32
        %scatter3A_634 = arith.constant 0 : i32
        %scatter3A_635 = tpu.memref_slice %arg5[%scatter3A_632, %scatter3A_633, %scatter3A_634] : memref<2x512x32xf32, #tpu.memory_space<vmem>> -> memref<1x512x32xf32, #tpu.memory_space<vmem>>
        %scatter3A_636 = tpu.memref_squeeze %scatter3A_635 : memref<1x512x32xf32, #tpu.memory_space<vmem>> -> memref<512x32xf32, #tpu.memory_space<vmem>>
        tpu.vector_store_idx %scatter3A_636[%add3A_582, %broadcast_in_dim3A_9], %get3A_631 : memref<512x32xf32, #tpu.memory_space<vmem>>[vector<16xi32>, vector<16xi32>], vector<16xf32>,
        %add3A_637 = arith.constant 4 : i32
        %add3A_638 = arith.addi %mul3A_580, %add3A_637 : i32
        %get3A_639 = arith.constant 0 : i32
        %get3A_640 = arith.constant 0 : i32
        %get3A_641 = arith.index_cast %get3A_639 : i32 to index
        %get3A_642 = arith.index_cast %get3A_640 : i32 to index
        %get3A_643 = arith.index_cast %add3A_638 : i32 to index
        %get3A_644 = arith.index_cast %sub3A_578 : i32 to index
        %get3A_645 = tpu.vector_load %arg4[%get3A_641, %get3A_642, %get3A_643, %get3A_644] {strides = array<i32>} : memref<2x4x32x128xf32, #tpu.memory_space<vmem>>, vector<16xf32>,
        %scatter3A_646 = arith.constant 0 : i32
        %scatter3A_647 = arith.constant 0 : i32
        %scatter3A_648 = arith.constant 0 : i32
        %scatter3A_649 = tpu.memref_slice %arg5[%scatter3A_646, %scatter3A_647, %scatter3A_648] : memref<2x512x32xf32, #tpu.memory_space<vmem>> -> memref<1x512x32xf32, #tpu.memory_space<vmem>>
        %scatter3A_650 = tpu.memref_squeeze %scatter3A_649 : memref<1x512x32xf32, #tpu.memory_space<vmem>> -> memref<512x32xf32, #tpu.memory_space<vmem>>
        tpu.vector_store_idx %scatter3A_650[%add3A_582, %broadcast_in_dim3A_11], %get3A_645 : memref<512x32xf32, #tpu.memory_space<vmem>>[vector<16xi32>, vector<16xi32>], vector<16xf32>,
        %add3A_651 = arith.constant 5 : i32
        %add3A_652 = arith.addi %mul3A_580, %add3A_651 : i32
        %get3A_653 = arith.constant 0 : i32
        %get3A_654 = arith.constant 0 : i32
        %get3A_655 = arith.index_cast %get3A_653 : i32 to index
        %get3A_656 = arith.index_cast %get3A_654 : i32 to index
        %get3A_657 = arith.index_cast %add3A_652 : i32 to index
        %get3A_658 = arith.index_cast %sub3A_578 : i32 to index
        %get3A_659 = tpu.vector_load %arg4[%get3A_655, %get3A_656, %get3A_657, %get3A_658] {strides = array<i32>} : memref<2x4x32x128xf32, #tpu.memory_space<vmem>>, vector<16xf32>,
        %scatter3A_660 = arith.constant 0 : i32
        %scatter3A_661 = arith.constant 0 : i32
        %scatter3A_662 = arith.constant 0 : i32
        %scatter3A_663 = tpu.memref_slice %arg5[%scatter3A_660, %scatter3A_661, %scatter3A_662] : memref<2x512x32xf32, #tpu.memory_space<vmem>> -> memref<1x512x32xf32, #tpu.memory_space<vmem>>
        %scatter3A_664 = tpu.memref_squeeze %scatter3A_663 : memref<1x512x32xf32, #tpu.memory_space<vmem>> -> memref<512x32xf32, #tpu.memory_space<vmem>>
        tpu.vector_store_idx %scatter3A_664[%add3A_582, %broadcast_in_dim3A_13], %get3A_659 : memref<512x32xf32, #tpu.memory_space<vmem>>[vector<16xi32>, vector<16xi32>], vector<16xf32>,
        %add3A_665 = arith.constant 6 : i32
        %add3A_666 = arith.addi %mul3A_580, %add3A_665 : i32
        %get3A_667 = arith.constant 0 : i32
        %get3A_668 = arith.constant 0 : i32
        %get3A_669 = arith.index_cast %get3A_667 : i32 to index
        %get3A_670 = arith.index_cast %get3A_668 : i32 to index
        %get3A_671 = arith.index_cast %add3A_666 : i32 to index
        %get3A_672 = arith.index_cast %sub3A_578 : i32 to index
        %get3A_673 = tpu.vector_load %arg4[%get3A_669, %get3A_670, %get3A_671, %get3A_672] {strides = array<i32>} : memref<2x4x32x128xf32, #tpu.memory_space<vmem>>, vector<16xf32>,
        %scatter3A_674 = arith.constant 0 : i32
        %scatter3A_675 = arith.constant 0 : i32
        %scatter3A_676 = arith.constant 0 : i32
        %scatter3A_677 = tpu.memref_slice %arg5[%scatter3A_674, %scatter3A_675, %scatter3A_676] : memref<2x512x32xf32, #tpu.memory_space<vmem>> -> memref<1x512x32xf32, #tpu.memory_space<vmem>>
        %scatter3A_678 = tpu.memref_squeeze %scatter3A_677 : memref<1x512x32xf32, #tpu.memory_space<vmem>> -> memref<512x32xf32, #tpu.memory_space<vmem>>
        tpu.vector_store_idx %scatter3A_678[%add3A_582, %broadcast_in_dim3A_15], %get3A_673 : memref<512x32xf32, #tpu.memory_space<vmem>>[vector<16xi32>, vector<16xi32>], vector<16xf32>,
        %add3A_679 = arith.constant 7 : i32
        %add3A_680 = arith.addi %mul3A_580, %add3A_679 : i32
        %get3A_681 = arith.constant 0 : i32
        %get3A_682 = arith.constant 0 : i32
        %get3A_683 = arith.index_cast %get3A_681 : i32 to index
        %get3A_684 = arith.index_cast %get3A_682 : i32 to index
        %get3A_685 = arith.index_cast %add3A_680 : i32 to index
        %get3A_686 = arith.index_cast %sub3A_578 : i32 to index
        %get3A_687 = tpu.vector_load %arg4[%get3A_683, %get3A_684, %get3A_685, %get3A_686] {strides = array<i32>} : memref<2x4x32x128xf32, #tpu.memory_space<vmem>>, vector<16xf32>,
        %scatter3A_688 = arith.constant 0 : i32
        %scatter3A_689 = arith.constant 0 : i32
        %scatter3A_690 = arith.constant 0 : i32
        %scatter3A_691 = tpu.memref_slice %arg5[%scatter3A_688, %scatter3A_689, %scatter3A_690] : memref<2x512x32xf32, #tpu.memory_space<vmem>> -> memref<1x512x32xf32, #tpu.memory_space<vmem>>
        %scatter3A_692 = tpu.memref_squeeze %scatter3A_691 : memref<1x512x32xf32, #tpu.memory_space<vmem>> -> memref<512x32xf32, #tpu.memory_space<vmem>>
        tpu.vector_store_idx %scatter3A_692[%add3A_582, %broadcast_in_dim3A_17], %get3A_687 : memref<512x32xf32, #tpu.memory_space<vmem>>[vector<16xi32>, vector<16xi32>], vector<16xf32>,
        %add3A_693 = arith.constant 0 : i32
        %add3A_694 = arith.addi %mul3A_580, %add3A_693 : i32
        %get3A_695 = arith.constant 0 : i32
        %get3A_696 = arith.constant 1 : i32
        %get3A_697 = arith.index_cast %get3A_695 : i32 to index
        %get3A_698 = arith.index_cast %get3A_696 : i32 to index
        %get3A_699 = arith.index_cast %add3A_694 : i32 to index
        %get3A_700 = arith.index_cast %sub3A_578 : i32 to index
        %get3A_701 = tpu.vector_load %arg4[%get3A_697, %get3A_698, %get3A_699, %get3A_700] {strides = array<i32>} : memref<2x4x32x128xf32, #tpu.memory_space<vmem>>, vector<16xf32>,
        %scatter3A_702 = arith.constant 0 : i32
        %scatter3A_703 = arith.constant 0 : i32
        %scatter3A_704 = arith.constant 0 : i32
        %scatter3A_705 = tpu.memref_slice %arg5[%scatter3A_702, %scatter3A_703, %scatter3A_704] : memref<2x512x32xf32, #tpu.memory_space<vmem>> -> memref<1x512x32xf32, #tpu.memory_space<vmem>>
        %scatter3A_706 = tpu.memref_squeeze %scatter3A_705 : memref<1x512x32xf32, #tpu.memory_space<vmem>> -> memref<512x32xf32, #tpu.memory_space<vmem>>
        tpu.vector_store_idx %scatter3A_706[%add3A_582, %broadcast_in_dim3A_19], %get3A_701 : memref<512x32xf32, #tpu.memory_space<vmem>>[vector<16xi32>, vector<16xi32>], vector<16xf32>,
        %add3A_707 = arith.constant 1 : i32
        %add3A_708 = arith.addi %mul3A_580, %add3A_707 : i32
        %get3A_709 = arith.constant 0 : i32
        %get3A_710 = arith.constant 1 : i32
        %get3A_711 = arith.index_cast %get3A_709 : i32 to index
        %get3A_712 = arith.index_cast %get3A_710 : i32 to index
        %get3A_713 = arith.index_cast %add3A_708 : i32 to index
        %get3A_714 = arith.index_cast %sub3A_578 : i32 to index
        %get3A_715 = tpu.vector_load %arg4[%get3A_711, %get3A_712, %get3A_713, %get3A_714] {strides = array<i32>} : memref<2x4x32x128xf32, #tpu.memory_space<vmem>>, vector<16xf32>,
        %scatter3A_716 = arith.constant 0 : i32
        %scatter3A_717 = arith.constant 0 : i32
        %scatter3A_718 = arith.constant 0 : i32
        %scatter3A_719 = tpu.memref_slice %arg5[%scatter3A_716, %scatter3A_717, %scatter3A_718] : memref<2x512x32xf32, #tpu.memory_space<vmem>> -> memref<1x512x32xf32, #tpu.memory_space<vmem>>
        %scatter3A_720 = tpu.memref_squeeze %scatter3A_719 : memref<1x512x32xf32, #tpu.memory_space<vmem>> -> memref<512x32xf32, #tpu.memory_space<vmem>>
        tpu.vector_store_idx %scatter3A_720[%add3A_582, %broadcast_in_dim3A_21], %get3A_715 : memref<512x32xf32, #tpu.memory_space<vmem>>[vector<16xi32>, vector<16xi32>], vector<16xf32>,
        %add3A_721 = arith.constant 2 : i32
        %add3A_722 = arith.addi %mul3A_580, %add3A_721 : i32
        %get3A_723 = arith.constant 0 : i32
        %get3A_724 = arith.constant 1 : i32
        %get3A_725 = arith.index_cast %get3A_723 : i32 to index
        %get3A_726 = arith.index_cast %get3A_724 : i32 to index
        %get3A_727 = arith.index_cast %add3A_722 : i32 to index
        %get3A_728 = arith.index_cast %sub3A_578 : i32 to index
        %get3A_729 = tpu.vector_load %arg4[%get3A_725, %get3A_726, %get3A_727, %get3A_728] {strides = array<i32>} : memref<2x4x32x128xf32, #tpu.memory_space<vmem>>, vector<16xf32>,
        %scatter3A_730 = arith.constant 0 : i32
        %scatter3A_731 = arith.constant 0 : i32
        %scatter3A_732 = arith.constant 0 : i32
        %scatter3A_733 = tpu.memref_slice %arg5[%scatter3A_730, %scatter3A_731, %scatter3A_732] : memref<2x512x32xf32, #tpu.memory_space<vmem>> -> memref<1x512x32xf32, #tpu.memory_space<vmem>>
        %scatter3A_734 = tpu.memref_squeeze %scatter3A_733 : memref<1x512x32xf32, #tpu.memory_space<vmem>> -> memref<512x32xf32, #tpu.memory_space<vmem>>
        tpu.vector_store_idx %scatter3A_734[%add3A_582, %broadcast_in_dim3A_23], %get3A_729 : memref<512x32xf32, #tpu.memory_space<vmem>>[vector<16xi32>, vector<16xi32>], vector<16xf32>,
        %add3A_735 = arith.constant 3 : i32
        %add3A_736 = arith.addi %mul3A_580, %add3A_735 : i32
        %get3A_737 = arith.constant 0 : i32
        %get3A_738 = arith.constant 1 : i32
        %get3A_739 = arith.index_cast %get3A_737 : i32 to index
        %get3A_740 = arith.index_cast %get3A_738 : i32 to index
        %get3A_741 = arith.index_cast %add3A_736 : i32 to index
        %get3A_742 = arith.index_cast %sub3A_578 : i32 to index
        %get3A_743 = tpu.vector_load %arg4[%get3A_739, %get3A_740, %get3A_741, %get3A_742] {strides = array<i32>} : memref<2x4x32x128xf32, #tpu.memory_space<vmem>>, vector<16xf32>,
        %scatter3A_744 = arith.constant 0 : i32
        %scatter3A_745 = arith.constant 0 : i32
        %scatter3A_746 = arith.constant 0 : i32
        %scatter3A_747 = tpu.memref_slice %arg5[%scatter3A_744, %scatter3A_745, %scatter3A_746] : memref<2x512x32xf32, #tpu.memory_space<vmem>> -> memref<1x512x32xf32, #tpu.memory_space<vmem>>
        %scatter3A_748 = tpu.memref_squeeze %scatter3A_747 : memref<1x512x32xf32, #tpu.memory_space<vmem>> -> memref<512x32xf32, #tpu.memory_space<vmem>>
        tpu.vector_store_idx %scatter3A_748[%add3A_582, %broadcast_in_dim3A_25], %get3A_743 : memref<512x32xf32, #tpu.memory_space<vmem>>[vector<16xi32>, vector<16xi32>], vector<16xf32>,
        %add3A_749 = arith.constant 4 : i32
        %add3A_750 = arith.addi %mul3A_580, %add3A_749 : i32
        %get3A_751 = arith.constant 0 : i32
        %get3A_752 = arith.constant 1 : i32
        %get3A_753 = arith.index_cast %get3A_751 : i32 to index
        %get3A_754 = arith.index_cast %get3A_752 : i32 to index
        %get3A_755 = arith.index_cast %add3A_750 : i32 to index
        %get3A_756 = arith.index_cast %sub3A_578 : i32 to index
        %get3A_757 = tpu.vector_load %arg4[%get3A_753, %get3A_754, %get3A_755, %get3A_756] {strides = array<i32>} : memref<2x4x32x128xf32, #tpu.memory_space<vmem>>, vector<16xf32>,
        %scatter3A_758 = arith.constant 0 : i32
        %scatter3A_759 = arith.constant 0 : i32
        %scatter3A_760 = arith.constant 0 : i32
        %scatter3A_761 = tpu.memref_slice %arg5[%scatter3A_758, %scatter3A_759, %scatter3A_760] : memref<2x512x32xf32, #tpu.memory_space<vmem>> -> memref<1x512x32xf32, #tpu.memory_space<vmem>>
        %scatter3A_762 = tpu.memref_squeeze %scatter3A_761 : memref<1x512x32xf32, #tpu.memory_space<vmem>> -> memref<512x32xf32, #tpu.memory_space<vmem>>
        tpu.vector_store_idx %scatter3A_762[%add3A_582, %broadcast_in_dim3A_27], %get3A_757 : memref<512x32xf32, #tpu.memory_space<vmem>>[vector<16xi32>, vector<16xi32>], vector<16xf32>,
        %add3A_763 = arith.constant 5 : i32
        %add3A_764 = arith.addi %mul3A_580, %add3A_763 : i32
        %get3A_765 = arith.constant 0 : i32
        %get3A_766 = arith.constant 1 : i32
        %get3A_767 = arith.index_cast %get3A_765 : i32 to index
        %get3A_768 = arith.index_cast %get3A_766 : i32 to index
        %get3A_769 = arith.index_cast %add3A_764 : i32 to index
        %get3A_770 = arith.index_cast %sub3A_578 : i32 to index
        %get3A_771 = tpu.vector_load %arg4[%get3A_767, %get3A_768, %get3A_769, %get3A_770] {strides = array<i32>} : memref<2x4x32x128xf32, #tpu.memory_space<vmem>>, vector<16xf32>,
        %scatter3A_772 = arith.constant 0 : i32
        %scatter3A_773 = arith.constant 0 : i32
        %scatter3A_774 = arith.constant 0 : i32
        %scatter3A_775 = tpu.memref_slice %arg5[%scatter3A_772, %scatter3A_773, %scatter3A_774] : memref<2x512x32xf32, #tpu.memory_space<vmem>> -> memref<1x512x32xf32, #tpu.memory_space<vmem>>
        %scatter3A_776 = tpu.memref_squeeze %scatter3A_775 : memref<1x512x32xf32, #tpu.memory_space<vmem>> -> memref<512x32xf32, #tpu.memory_space<vmem>>
        tpu.vector_store_idx %scatter3A_776[%add3A_582, %broadcast_in_dim3A_29], %get3A_771 : memref<512x32xf32, #tpu.memory_space<vmem>>[vector<16xi32>, vector<16xi32>], vector<16xf32>,
        %add3A_777 = arith.constant 6 : i32
        %add3A_778 = arith.addi %mul3A_580, %add3A_777 : i32
        %get3A_779 = arith.constant 0 : i32
        %get3A_780 = arith.constant 1 : i32
        %get3A_781 = arith.index_cast %get3A_779 : i32 to index
        %get3A_782 = arith.index_cast %get3A_780 : i32 to index
        %get3A_783 = arith.index_cast %add3A_778 : i32 to index
        %get3A_784 = arith.index_cast %sub3A_578 : i32 to index
        %get3A_785 = tpu.vector_load %arg4[%get3A_781, %get3A_782, %get3A_783, %get3A_784] {strides = array<i32>} : memref<2x4x32x128xf32, #tpu.memory_space<vmem>>, vector<16xf32>,
        %scatter3A_786 = arith.constant 0 : i32
        %scatter3A_787 = arith.constant 0 : i32
        %scatter3A_788 = arith.constant 0 : i32
        %scatter3A_789 = tpu.memref_slice %arg5[%scatter3A_786, %scatter3A_787, %scatter3A_788] : memref<2x512x32xf32, #tpu.memory_space<vmem>> -> memref<1x512x32xf32, #tpu.memory_space<vmem>>
        %scatter3A_790 = tpu.memref_squeeze %scatter3A_789 : memref<1x512x32xf32, #tpu.memory_space<vmem>> -> memref<512x32xf32, #tpu.memory_space<vmem>>
        tpu.vector_store_idx %scatter3A_790[%add3A_582, %broadcast_in_dim3A_31], %get3A_785 : memref<512x32xf32, #tpu.memory_space<vmem>>[vector<16xi32>, vector<16xi32>], vector<16xf32>,
        %add3A_791 = arith.constant 7 : i32
        %add3A_792 = arith.addi %mul3A_580, %add3A_791 : i32
        %get3A_793 = arith.constant 0 : i32
        %get3A_794 = arith.constant 1 : i32
        %get3A_795 = arith.index_cast %get3A_793 : i32 to index
        %get3A_796 = arith.index_cast %get3A_794 : i32 to index
        %get3A_797 = arith.index_cast %add3A_792 : i32 to index
        %get3A_798 = arith.index_cast %sub3A_578 : i32 to index
        %get3A_799 = tpu.vector_load %arg4[%get3A_795, %get3A_796, %get3A_797, %get3A_798] {strides = array<i32>} : memref<2x4x32x128xf32, #tpu.memory_space<vmem>>, vector<16xf32>,
        %scatter3A_800 = arith.constant 0 : i32
        %scatter3A_801 = arith.constant 0 : i32
        %scatter3A_802 = arith.constant 0 : i32
        %scatter3A_803 = tpu.memref_slice %arg5[%scatter3A_800, %scatter3A_801, %scatter3A_802] : memref<2x512x32xf32, #tpu.memory_space<vmem>> -> memref<1x512x32xf32, #tpu.memory_space<vmem>>
        %scatter3A_804 = tpu.memref_squeeze %scatter3A_803 : memref<1x512x32xf32, #tpu.memory_space<vmem>> -> memref<512x32xf32, #tpu.memory_space<vmem>>
        tpu.vector_store_idx %scatter3A_804[%add3A_582, %broadcast_in_dim3A_33], %get3A_799 : memref<512x32xf32, #tpu.memory_space<vmem>>[vector<16xi32>, vector<16xi32>], vector<16xf32>,
        %add3A_805 = arith.constant 0 : i32
        %add3A_806 = arith.addi %mul3A_580, %add3A_805 : i32
        %get3A_807 = arith.constant 0 : i32
        %get3A_808 = arith.constant 2 : i32
        %get3A_809 = arith.index_cast %get3A_807 : i32 to index
        %get3A_810 = arith.index_cast %get3A_808 : i32 to index
        %get3A_811 = arith.index_cast %add3A_806 : i32 to index
        %get3A_812 = arith.index_cast %sub3A_578 : i32 to index
        %get3A_813 = tpu.vector_load %arg4[%get3A_809, %get3A_810, %get3A_811, %get3A_812] {strides = array<i32>} : memref<2x4x32x128xf32, #tpu.memory_space<vmem>>, vector<16xf32>,
        %scatter3A_814 = arith.constant 0 : i32
        %scatter3A_815 = arith.constant 0 : i32
        %scatter3A_816 = arith.constant 0 : i32
        %scatter3A_817 = tpu.memref_slice %arg5[%scatter3A_814, %scatter3A_815, %scatter3A_816] : memref<2x512x32xf32, #tpu.memory_space<vmem>> -> memref<1x512x32xf32, #tpu.memory_space<vmem>>
        %scatter3A_818 = tpu.memref_squeeze %scatter3A_817 : memref<1x512x32xf32, #tpu.memory_space<vmem>> -> memref<512x32xf32, #tpu.memory_space<vmem>>
        tpu.vector_store_idx %scatter3A_818[%add3A_582, %broadcast_in_dim3A_35], %get3A_813 : memref<512x32xf32, #tpu.memory_space<vmem>>[vector<16xi32>, vector<16xi32>], vector<16xf32>,
        %add3A_819 = arith.constant 1 : i32
        %add3A_820 = arith.addi %mul3A_580, %add3A_819 : i32
        %get3A_821 = arith.constant 0 : i32
        %get3A_822 = arith.constant 2 : i32
        %get3A_823 = arith.index_cast %get3A_821 : i32 to index
        %get3A_824 = arith.index_cast %get3A_822 : i32 to index
        %get3A_825 = arith.index_cast %add3A_820 : i32 to index
        %get3A_826 = arith.index_cast %sub3A_578 : i32 to index
        %get3A_827 = tpu.vector_load %arg4[%get3A_823, %get3A_824, %get3A_825, %get3A_826] {strides = array<i32>} : memref<2x4x32x128xf32, #tpu.memory_space<vmem>>, vector<16xf32>,
        %scatter3A_828 = arith.constant 0 : i32
        %scatter3A_829 = arith.constant 0 : i32
        %scatter3A_830 = arith.constant 0 : i32
        %scatter3A_831 = tpu.memref_slice %arg5[%scatter3A_828, %scatter3A_829, %scatter3A_830] : memref<2x512x32xf32, #tpu.memory_space<vmem>> -> memref<1x512x32xf32, #tpu.memory_space<vmem>>
        %scatter3A_832 = tpu.memref_squeeze %scatter3A_831 : memref<1x512x32xf32, #tpu.memory_space<vmem>> -> memref<512x32xf32, #tpu.memory_space<vmem>>
        tpu.vector_store_idx %scatter3A_832[%add3A_582, %broadcast_in_dim3A_37], %get3A_827 : memref<512x32xf32, #tpu.memory_space<vmem>>[vector<16xi32>, vector<16xi32>], vector<16xf32>,
        %add3A_833 = arith.constant 2 : i32
        %add3A_834 = arith.addi %mul3A_580, %add3A_833 : i32
        %get3A_835 = arith.constant 0 : i32
        %get3A_836 = arith.constant 2 : i32
        %get3A_837 = arith.index_cast %get3A_835 : i32 to index
        %get3A_838 = arith.index_cast %get3A_836 : i32 to index
        %get3A_839 = arith.index_cast %add3A_834 : i32 to index
        %get3A_840 = arith.index_cast %sub3A_578 : i32 to index
        %get3A_841 = tpu.vector_load %arg4[%get3A_837, %get3A_838, %get3A_839, %get3A_840] {strides = array<i32>} : memref<2x4x32x128xf32, #tpu.memory_space<vmem>>, vector<16xf32>,
        %scatter3A_842 = arith.constant 0 : i32
        %scatter3A_843 = arith.constant 0 : i32
        %scatter3A_844 = arith.constant 0 : i32
        %scatter3A_845 = tpu.memref_slice %arg5[%scatter3A_842, %scatter3A_843, %scatter3A_844] : memref<2x512x32xf32, #tpu.memory_space<vmem>> -> memref<1x512x32xf32, #tpu.memory_space<vmem>>
        %scatter3A_846 = tpu.memref_squeeze %scatter3A_845 : memref<1x512x32xf32, #tpu.memory_space<vmem>> -> memref<512x32xf32, #tpu.memory_space<vmem>>
        tpu.vector_store_idx %scatter3A_846[%add3A_582, %broadcast_in_dim3A_39], %get3A_841 : memref<512x32xf32, #tpu.memory_space<vmem>>[vector<16xi32>, vector<16xi32>], vector<16xf32>,
        %add3A_847 = arith.constant 3 : i32
        %add3A_848 = arith.addi %mul3A_580, %add3A_847 : i32
        %get3A_849 = arith.constant 0 : i32
        %get3A_850 = arith.constant 2 : i32
        %get3A_851 = arith.index_cast %get3A_849 : i32 to index
        %get3A_852 = arith.index_cast %get3A_850 : i32 to index
        %get3A_853 = arith.index_cast %add3A_848 : i32 to index
        %get3A_854 = arith.index_cast %sub3A_578 : i32 to index
        %get3A_855 = tpu.vector_load %arg4[%get3A_851, %get3A_852, %get3A_853, %get3A_854] {strides = array<i32>} : memref<2x4x32x128xf32, #tpu.memory_space<vmem>>, vector<16xf32>,
        %scatter3A_856 = arith.constant 0 : i32
        %scatter3A_857 = arith.constant 0 : i32
        %scatter3A_858 = arith.constant 0 : i32
        %scatter3A_859 = tpu.memref_slice %arg5[%scatter3A_856, %scatter3A_857, %scatter3A_858] : memref<2x512x32xf32, #tpu.memory_space<vmem>> -> memref<1x512x32xf32, #tpu.memory_space<vmem>>
        %scatter3A_860 = tpu.memref_squeeze %scatter3A_859 : memref<1x512x32xf32, #tpu.memory_space<vmem>> -> memref<512x32xf32, #tpu.memory_space<vmem>>
        tpu.vector_store_idx %scatter3A_860[%add3A_582, %broadcast_in_dim3A_41], %get3A_855 : memref<512x32xf32, #tpu.memory_space<vmem>>[vector<16xi32>, vector<16xi32>], vector<16xf32>,
        %add3A_861 = arith.constant 4 : i32
        %add3A_862 = arith.addi %mul3A_580, %add3A_861 : i32
        %get3A_863 = arith.constant 0 : i32
        %get3A_864 = arith.constant 2 : i32
        %get3A_865 = arith.index_cast %get3A_863 : i32 to index
        %get3A_866 = arith.index_cast %get3A_864 : i32 to index
        %get3A_867 = arith.index_cast %add3A_862 : i32 to index
        %get3A_868 = arith.index_cast %sub3A_578 : i32 to index
        %get3A_869 = tpu.vector_load %arg4[%get3A_865, %get3A_866, %get3A_867, %get3A_868] {strides = array<i32>} : memref<2x4x32x128xf32, #tpu.memory_space<vmem>>, vector<16xf32>,
        %scatter3A_870 = arith.constant 0 : i32
        %scatter3A_871 = arith.constant 0 : i32
        %scatter3A_872 = arith.constant 0 : i32
        %scatter3A_873 = tpu.memref_slice %arg5[%scatter3A_870, %scatter3A_871, %scatter3A_872] : memref<2x512x32xf32, #tpu.memory_space<vmem>> -> memref<1x512x32xf32, #tpu.memory_space<vmem>>
        %scatter3A_874 = tpu.memref_squeeze %scatter3A_873 : memref<1x512x32xf32, #tpu.memory_space<vmem>> -> memref<512x32xf32, #tpu.memory_space<vmem>>
        tpu.vector_store_idx %scatter3A_874[%add3A_582, %broadcast_in_dim3A_43], %get3A_869 : memref<512x32xf32, #tpu.memory_space<vmem>>[vector<16xi32>, vector<16xi32>], vector<16xf32>,
        %add3A_875 = arith.constant 5 : i32
        %add3A_876 = arith.addi %mul3A_580, %add3A_875 : i32
        %get3A_877 = arith.constant 0 : i32
        %get3A_878 = arith.constant 2 : i32
        %get3A_879 = arith.index_cast %get3A_877 : i32 to index
        %get3A_880 = arith.index_cast %get3A_878 : i32 to index
        %get3A_881 = arith.index_cast %add3A_876 : i32 to index
        %get3A_882 = arith.index_cast %sub3A_578 : i32 to index
        %get3A_883 = tpu.vector_load %arg4[%get3A_879, %get3A_880, %get3A_881, %get3A_882] {strides = array<i32>} : memref<2x4x32x128xf32, #tpu.memory_space<vmem>>, vector<16xf32>,
        %scatter3A_884 = arith.constant 0 : i32
        %scatter3A_885 = arith.constant 0 : i32
        %scatter3A_886 = arith.constant 0 : i32
        %scatter3A_887 = tpu.memref_slice %arg5[%scatter3A_884, %scatter3A_885, %scatter3A_886] : memref<2x512x32xf32, #tpu.memory_space<vmem>> -> memref<1x512x32xf32, #tpu.memory_space<vmem>>
        %scatter3A_888 = tpu.memref_squeeze %scatter3A_887 : memref<1x512x32xf32, #tpu.memory_space<vmem>> -> memref<512x32xf32, #tpu.memory_space<vmem>>
        tpu.vector_store_idx %scatter3A_888[%add3A_582, %broadcast_in_dim3A_45], %get3A_883 : memref<512x32xf32, #tpu.memory_space<vmem>>[vector<16xi32>, vector<16xi32>], vector<16xf32>,
        %add3A_889 = arith.constant 6 : i32
        %add3A_890 = arith.addi %mul3A_580, %add3A_889 : i32
        %get3A_891 = arith.constant 0 : i32
        %get3A_892 = arith.constant 2 : i32
        %get3A_893 = arith.index_cast %get3A_891 : i32 to index
        %get3A_894 = arith.index_cast %get3A_892 : i32 to index
        %get3A_895 = arith.index_cast %add3A_890 : i32 to index
        %get3A_896 = arith.index_cast %sub3A_578 : i32 to index
        %get3A_897 = tpu.vector_load %arg4[%get3A_893, %get3A_894, %get3A_895, %get3A_896] {strides = array<i32>} : memref<2x4x32x128xf32, #tpu.memory_space<vmem>>, vector<16xf32>,
        %scatter3A_898 = arith.constant 0 : i32
        %scatter3A_899 = arith.constant 0 : i32
        %scatter3A_900 = arith.constant 0 : i32
        %scatter3A_901 = tpu.memref_slice %arg5[%scatter3A_898, %scatter3A_899, %scatter3A_900] : memref<2x512x32xf32, #tpu.memory_space<vmem>> -> memref<1x512x32xf32, #tpu.memory_space<vmem>>
        %scatter3A_902 = tpu.memref_squeeze %scatter3A_901 : memref<1x512x32xf32, #tpu.memory_space<vmem>> -> memref<512x32xf32, #tpu.memory_space<vmem>>
        tpu.vector_store_idx %scatter3A_902[%add3A_582, %broadcast_in_dim3A_47], %get3A_897 : memref<512x32xf32, #tpu.memory_space<vmem>>[vector<16xi32>, vector<16xi32>], vector<16xf32>,
        %add3A_903 = arith.constant 7 : i32
        %add3A_904 = arith.addi %mul3A_580, %add3A_903 : i32
        %get3A_905 = arith.constant 0 : i32
        %get3A_906 = arith.constant 2 : i32
        %get3A_907 = arith.index_cast %get3A_905 : i32 to index
        %get3A_908 = arith.index_cast %get3A_906 : i32 to index
        %get3A_909 = arith.index_cast %add3A_904 : i32 to index
        %get3A_910 = arith.index_cast %sub3A_578 : i32 to index
        %get3A_911 = tpu.vector_load %arg4[%get3A_907, %get3A_908, %get3A_909, %get3A_910] {strides = array<i32>} : memref<2x4x32x128xf32, #tpu.memory_space<vmem>>, vector<16xf32>,
        %scatter3A_912 = arith.constant 0 : i32
        %scatter3A_913 = arith.constant 0 : i32
        %scatter3A_914 = arith.constant 0 : i32
        %scatter3A_915 = tpu.memref_slice %arg5[%scatter3A_912, %scatter3A_913, %scatter3A_914] : memref<2x512x32xf32, #tpu.memory_space<vmem>> -> memref<1x512x32xf32, #tpu.memory_space<vmem>>
        %scatter3A_916 = tpu.memref_squeeze %scatter3A_915 : memref<1x512x32xf32, #tpu.memory_space<vmem>> -> memref<512x32xf32, #tpu.memory_space<vmem>>
        tpu.vector_store_idx %scatter3A_916[%add3A_582, %broadcast_in_dim3A_49], %get3A_911 : memref<512x32xf32, #tpu.memory_space<vmem>>[vector<16xi32>, vector<16xi32>], vector<16xf32>,
        %add3A_917 = arith.constant 0 : i32
        %add3A_918 = arith.addi %mul3A_580, %add3A_917 : i32
        %get3A_919 = arith.constant 0 : i32
        %get3A_920 = arith.constant 3 : i32
        %get3A_921 = arith.index_cast %get3A_919 : i32 to index
        %get3A_922 = arith.index_cast %get3A_920 : i32 to index
        %get3A_923 = arith.index_cast %add3A_918 : i32 to index
        %get3A_924 = arith.index_cast %sub3A_578 : i32 to index
        %get3A_925 = tpu.vector_load %arg4[%get3A_921, %get3A_922, %get3A_923, %get3A_924] {strides = array<i32>} : memref<2x4x32x128xf32, #tpu.memory_space<vmem>>, vector<16xf32>,
        %scatter3A_926 = arith.constant 0 : i32
        %scatter3A_927 = arith.constant 0 : i32
        %scatter3A_928 = arith.constant 0 : i32
        %scatter3A_929 = tpu.memref_slice %arg5[%scatter3A_926, %scatter3A_927, %scatter3A_928] : memref<2x512x32xf32, #tpu.memory_space<vmem>> -> memref<1x512x32xf32, #tpu.memory_space<vmem>>
        %scatter3A_930 = tpu.memref_squeeze %scatter3A_929 : memref<1x512x32xf32, #tpu.memory_space<vmem>> -> memref<512x32xf32, #tpu.memory_space<vmem>>
        tpu.vector_store_idx %scatter3A_930[%add3A_582, %broadcast_in_dim3A_51], %get3A_925 : memref<512x32xf32, #tpu.memory_space<vmem>>[vector<16xi32>, vector<16xi32>], vector<16xf32>,
        %add3A_931 = arith.constant 1 : i32
        %add3A_932 = arith.addi %mul3A_580, %add3A_931 : i32
        %get3A_933 = arith.constant 0 : i32
        %get3A_934 = arith.constant 3 : i32
        %get3A_935 = arith.index_cast %get3A_933 : i32 to index
        %get3A_936 = arith.index_cast %get3A_934 : i32 to index
        %get3A_937 = arith.index_cast %add3A_932 : i32 to index
        %get3A_938 = arith.index_cast %sub3A_578 : i32 to index
        %get3A_939 = tpu.vector_load %arg4[%get3A_935, %get3A_936, %get3A_937, %get3A_938] {strides = array<i32>} : memref<2x4x32x128xf32, #tpu.memory_space<vmem>>, vector<16xf32>,
        %scatter3A_940 = arith.constant 0 : i32
        %scatter3A_941 = arith.constant 0 : i32
        %scatter3A_942 = arith.constant 0 : i32
        %scatter3A_943 = tpu.memref_slice %arg5[%scatter3A_940, %scatter3A_941, %scatter3A_942] : memref<2x512x32xf32, #tpu.memory_space<vmem>> -> memref<1x512x32xf32, #tpu.memory_space<vmem>>
        %scatter3A_944 = tpu.memref_squeeze %scatter3A_943 : memref<1x512x32xf32, #tpu.memory_space<vmem>> -> memref<512x32xf32, #tpu.memory_space<vmem>>
        tpu.vector_store_idx %scatter3A_944[%add3A_582, %broadcast_in_dim3A_53], %get3A_939 : memref<512x32xf32, #tpu.memory_space<vmem>>[vector<16xi32>, vector<16xi32>], vector<16xf32>,
        %add3A_945 = arith.constant 2 : i32
        %add3A_946 = arith.addi %mul3A_580, %add3A_945 : i32
        %get3A_947 = arith.constant 0 : i32
        %get3A_948 = arith.constant 3 : i32
        %get3A_949 = arith.index_cast %get3A_947 : i32 to index
        %get3A_950 = arith.index_cast %get3A_948 : i32 to index
        %get3A_951 = arith.index_cast %add3A_946 : i32 to index
        %get3A_952 = arith.index_cast %sub3A_578 : i32 to index
        %get3A_953 = tpu.vector_load %arg4[%get3A_949, %get3A_950, %get3A_951, %get3A_952] {strides = array<i32>} : memref<2x4x32x128xf32, #tpu.memory_space<vmem>>, vector<16xf32>,
        %scatter3A_954 = arith.constant 0 : i32
        %scatter3A_955 = arith.constant 0 : i32
        %scatter3A_956 = arith.constant 0 : i32
        %scatter3A_957 = tpu.memref_slice %arg5[%scatter3A_954, %scatter3A_955, %scatter3A_956] : memref<2x512x32xf32, #tpu.memory_space<vmem>> -> memref<1x512x32xf32, #tpu.memory_space<vmem>>
        %scatter3A_958 = tpu.memref_squeeze %scatter3A_957 : memref<1x512x32xf32, #tpu.memory_space<vmem>> -> memref<512x32xf32, #tpu.memory_space<vmem>>
        tpu.vector_store_idx %scatter3A_958[%add3A_582, %broadcast_in_dim3A_55], %get3A_953 : memref<512x32xf32, #tpu.memory_space<vmem>>[vector<16xi32>, vector<16xi32>], vector<16xf32>,
        %add3A_959 = arith.constant 3 : i32
        %add3A_960 = arith.addi %mul3A_580, %add3A_959 : i32
        %get3A_961 = arith.constant 0 : i32
        %get3A_962 = arith.constant 3 : i32
        %get3A_963 = arith.index_cast %get3A_961 : i32 to index
        %get3A_964 = arith.index_cast %get3A_962 : i32 to index
        %get3A_965 = arith.index_cast %add3A_960 : i32 to index
        %get3A_966 = arith.index_cast %sub3A_578 : i32 to index
        %get3A_967 = tpu.vector_load %arg4[%get3A_963, %get3A_964, %get3A_965, %get3A_966] {strides = array<i32>} : memref<2x4x32x128xf32, #tpu.memory_space<vmem>>, vector<16xf32>,
        %scatter3A_968 = arith.constant 0 : i32
        %scatter3A_969 = arith.constant 0 : i32
        %scatter3A_970 = arith.constant 0 : i32
        %scatter3A_971 = tpu.memref_slice %arg5[%scatter3A_968, %scatter3A_969, %scatter3A_970] : memref<2x512x32xf32, #tpu.memory_space<vmem>> -> memref<1x512x32xf32, #tpu.memory_space<vmem>>
        %scatter3A_972 = tpu.memref_squeeze %scatter3A_971 : memref<1x512x32xf32, #tpu.memory_space<vmem>> -> memref<512x32xf32, #tpu.memory_space<vmem>>
        tpu.vector_store_idx %scatter3A_972[%add3A_582, %broadcast_in_dim3A_57], %get3A_967 : memref<512x32xf32, #tpu.memory_space<vmem>>[vector<16xi32>, vector<16xi32>], vector<16xf32>,
      }
      %scan3A_390 = arith.constant 32 : i32
      %mul3A_391 = arith.constant 512 : i32
      %mul3A_392 = arith.muli %add3A_284, %mul3A_391 : i32
      %add3A_393 = arith.addi %mul3A_2, %mul3A_392 : i32
      %dma_start3A_394 = arith.constant 0 : i32
      %dma_start3A_395 = arith.constant 0 : i32
      %dma_start3A_396 = arith.constant 0 : i32
      %dma_start3A_397 = tpu.memref_slice %arg5[%dma_start3A_394, %dma_start3A_395, %dma_start3A_396] : memref<2x512x32xf32, #tpu.memory_space<vmem>> -> memref<1x512x32xf32, #tpu.memory_space<vmem>>
      %dma_start3A_398 = tpu.memref_squeeze %dma_start3A_397 : memref<1x512x32xf32, #tpu.memory_space<vmem>> -> memref<512x32xf32, #tpu.memory_space<vmem>>
      %dma_start3A_399 = arith.constant 0 : i32
      %dma_start3A_400 = tpu.memref_slice %arg3[%add3A_393, %dma_start3A_399] : memref<2097152x32xf32, #tpu.memory_space<hbm>> -> memref<512x32xf32, #tpu.memory_space<hbm>>
      %dma_start3A_401 = arith.constant 0 : i32
      %dma_start3A_402 = tpu.memref_slice %arg3[%add3A_393, %dma_start3A_401] : memref<2097152x32xf32, #tpu.memory_space<hbm>> -> memref<512x32xf32, #tpu.memory_space<hbm>>
      %dma_start3A_403 = arith.constant 0 : i32
      %dma_start3A_404 = arith.constant 0 : i32
      %dma_start3A_405 = tpu.memref_slice %arg5[%dma_start3A_394, %dma_start3A_403, %dma_start3A_404] : memref<2x512x32xf32, #tpu.memory_space<vmem>> -> memref<1x512x32xf32, #tpu.memory_space<vmem>>
      %dma_start3A_406 = tpu.memref_squeeze %dma_start3A_405 : memref<1x512x32xf32, #tpu.memory_space<vmem>> -> memref<512x32xf32, #tpu.memory_space<vmem>>
      tpu.enqueue_dma source(%dma_start3A_406 : memref<512x32xf32, #tpu.memory_space<vmem>>) target(%dma_start3A_402 : memref<512x32xf32, #tpu.memory_space<hbm>>) target_semaphore(%arg7 : memref<!tpu.dma_semaphore, #tpu.memory_space<semaphore_mem>>)
      %add3A_407 = arith.constant 2 : i32
      %add3A_408 = arith.addi %add3A_284, %add3A_407 : i32
      %lt3A = arith.constant 128 : i32
      %lt3A_409 = arith.cmpi slt, %add3A_408, %lt3A : i32
      %convert_element_type3A_410 = arith.extui %lt3A_409 : i1 to i32
      %cond3A_411 = arith.constant 0 : i32
      %cond3A_412 = arith.cmpi ne, %convert_element_type3A_410, %cond3A_411 : i32
      scf.if %cond3A_412 {
        %add3A_547 = arith.constant 2 : i32
        %add3A_548 = arith.addi %add3A_284, %add3A_547 : i32
        %mul3A_549 = arith.constant 512 : i32
        %mul3A_550 = arith.muli %add3A_548, %mul3A_549 : i32
        %add3A_551 = arith.addi %mul3A_2, %mul3A_550 : i32
        %jit3A_552 = arith.constant 128 : i32
        %div3A_553 = arith.divsi %add3A_551, %jit3A_552 : i32
        %sign3A_554 = arith.constant 0 : i32
        %sign3A_555 = arith.cmpi sgt, %add3A_551, %sign3A_554 : i32
        %sign3A_556 = arith.extui %sign3A_555 : i1 to i32
        %sign3A_557 = arith.constant 0 : i32
        %sign3A_558 = arith.cmpi slt, %add3A_551, %sign3A_557 : i32
        %sign3A_559 = arith.extui %sign3A_558 : i1 to i32
        %sign3A_560 = arith.subi %sign3A_556, %sign3A_559 : i32
        %sign3A_561 = arith.constant 0 : i32
        %sign3A_562 = arith.cmpi sgt, %jit3A_552, %sign3A_561 : i32
        %sign3A_563 = arith.extui %sign3A_562 : i1 to i32
        %sign3A_564 = arith.constant 0 : i32
        %sign3A_565 = arith.cmpi slt, %jit3A_552, %sign3A_564 : i32
        %sign3A_566 = arith.extui %sign3A_565 : i1 to i32
        %sign3A_567 = arith.subi %sign3A_563, %sign3A_566 : i32
        %ne3A_568 = arith.cmpi ne, %sign3A_560, %sign3A_567 : i32
        %rem3A_569 = arith.remsi %add3A_551, %jit3A_552 : i32
        %ne3A_570 = arith.constant 0 : i32
        %ne3A_571 = arith.cmpi ne, %rem3A_569, %ne3A_570 : i32
        %and3A_572 = arith.andi %ne3A_568, %ne3A_571 : i1
        %sub3A_573 = arith.constant 1 : i32
        %sub3A_574 = arith.subi %div3A_553, %sub3A_573 : i32
        %select_n3A_575 = arith.select %and3A_572, %sub3A_574, %div3A_553 : i32
        %add3A_576 = arith.constant 0 : i32
        %add3A_577 = arith.addi %add3A_576, %select_n3A_575 : i32
        %mul3A_578 = arith.constant 8 : i32
        %mul3A_579 = arith.muli %add3A_577, %mul3A_578 : i32
        %add3A_580 = arith.constant 16384 : i32
        %add3A_581 = arith.addi %add3A_580, %select_n3A_575 : i32
        %mul3A_582 = arith.constant 8 : i32
        %mul3A_583 = arith.muli %add3A_581, %mul3A_582 : i32
        %add3A_584 = arith.constant 32768 : i32
        %add3A_585 = arith.addi %add3A_584, %select_n3A_575 : i32
        %mul3A_586 = arith.constant 8 : i32
        %mul3A_587 = arith.muli %add3A_585, %mul3A_586 : i32
        %add3A_588 = arith.constant 49152 : i32
        %add3A_589 = arith.addi %add3A_588, %select_n3A_575 : i32
        %mul3A_590 = arith.constant 8 : i32
        %mul3A_591 = arith.muli %add3A_589, %mul3A_590 : i32
        %dma_start3A_592 = arith.constant 0 : i32
        %dma_start3A_593 = arith.constant 0 : i32
        %dma_start3A_594 = arith.constant 0 : i32
        %dma_start3A_595 = arith.constant 0 : i32
        %dma_start3A_596 = tpu.memref_slice %arg4[%dma_start3A_592, %dma_start3A_593, %dma_start3A_594, %dma_start3A_595] : memref<2x4x32x128xf32, #tpu.memory_space<vmem>> -> memref<1x1x32x128xf32, #tpu.memory_space<vmem>>
        %dma_start3A_597 = tpu.memref_squeeze %dma_start3A_596 : memref<1x1x32x128xf32, #tpu.memory_space<vmem>> -> memref<32x128xf32, #tpu.memory_space<vmem>>
        %dma_start3A_598 = arith.constant 0 : i32
        %dma_start3A_599 = tpu.memref_slice %arg2[%mul3A_579, %dma_start3A_598] : memref<524288x128xf32, #tpu.memory_space<hbm>> -> memref<32x128xf32, #tpu.memory_space<hbm>>
        %dma_start3A_600 = arith.constant 0 : i32
        %dma_start3A_601 = arith.constant 0 : i32
        %dma_start3A_602 = tpu.memref_slice %arg4[%dma_start3A_592, %dma_start3A_593, %dma_start3A_600, %dma_start3A_601] : memref<2x4x32x128xf32, #tpu.memory_space<vmem>> -> memref<1x1x32x128xf32, #tpu.memory_space<vmem>>
        %dma_start3A_603 = tpu.memref_squeeze %dma_start3A_602 : memref<1x1x32x128xf32, #tpu.memory_space<vmem>> -> memref<32x128xf32, #tpu.memory_space<vmem>>
        %dma_start3A_604 = arith.constant 0 : i32
        %dma_start3A_605 = tpu.memref_slice %arg2[%mul3A_579, %dma_start3A_604] : memref<524288x128xf32, #tpu.memory_space<hbm>> -> memref<32x128xf32, #tpu.memory_space<hbm>>
        tpu.enqueue_dma source(%dma_start3A_605 : memref<32x128xf32, #tpu.memory_space<hbm>>) target(%dma_start3A_603 : memref<32x128xf32, #tpu.memory_space<vmem>>) target_semaphore(%arg6 : memref<!tpu.dma_semaphore, #tpu.memory_space<semaphore_mem>>)
        %dma_start3A_606 = arith.constant 0 : i32
        %dma_start3A_607 = arith.constant 1 : i32
        %dma_start3A_608 = arith.constant 0 : i32
        %dma_start3A_609 = arith.constant 0 : i32
        %dma_start3A_610 = tpu.memref_slice %arg4[%dma_start3A_606, %dma_start3A_607, %dma_start3A_608, %dma_start3A_609] : memref<2x4x32x128xf32, #tpu.memory_space<vmem>> -> memref<1x1x32x128xf32, #tpu.memory_space<vmem>>
        %dma_start3A_611 = tpu.memref_squeeze %dma_start3A_610 : memref<1x1x32x128xf32, #tpu.memory_space<vmem>> -> memref<32x128xf32, #tpu.memory_space<vmem>>
        %dma_start3A_612 = arith.constant 0 : i32
        %dma_start3A_613 = tpu.memref_slice %arg2[%mul3A_583, %dma_start3A_612] : memref<524288x128xf32, #tpu.memory_space<hbm>> -> memref<32x128xf32, #tpu.memory_space<hbm>>
        %dma_start3A_614 = arith.constant 0 : i32
        %dma_start3A_615 = arith.constant 0 : i32
        %dma_start3A_616 = tpu.memref_slice %arg4[%dma_start3A_606, %dma_start3A_607, %dma_start3A_614, %dma_start3A_615] : memref<2x4x32x128xf32, #tpu.memory_space<vmem>> -> memref<1x1x32x128xf32, #tpu.memory_space<vmem>>
        %dma_start3A_617 = tpu.memref_squeeze %dma_start3A_616 : memref<1x1x32x128xf32, #tpu.memory_space<vmem>> -> memref<32x128xf32, #tpu.memory_space<vmem>>
        %dma_start3A_618 = arith.constant 0 : i32
        %dma_start3A_619 = tpu.memref_slice %arg2[%mul3A_583, %dma_start3A_618] : memref<524288x128xf32, #tpu.memory_space<hbm>> -> memref<32x128xf32, #tpu.memory_space<hbm>>
        tpu.enqueue_dma source(%dma_start3A_619 : memref<32x128xf32, #tpu.memory_space<hbm>>) target(%dma_start3A_617 : memref<32x128xf32, #tpu.memory_space<vmem>>) target_semaphore(%arg6 : memref<!tpu.dma_semaphore, #tpu.memory_space<semaphore_mem>>)
        %dma_start3A_620 = arith.constant 0 : i32
        %dma_start3A_621 = arith.constant 2 : i32
        %dma_start3A_622 = arith.constant 0 : i32
        %dma_start3A_623 = arith.constant 0 : i32
        %dma_start3A_624 = tpu.memref_slice %arg4[%dma_start3A_620, %dma_start3A_621, %dma_start3A_622, %dma_start3A_623] : memref<2x4x32x128xf32, #tpu.memory_space<vmem>> -> memref<1x1x32x128xf32, #tpu.memory_space<vmem>>
        %dma_start3A_625 = tpu.memref_squeeze %dma_start3A_624 : memref<1x1x32x128xf32, #tpu.memory_space<vmem>> -> memref<32x128xf32, #tpu.memory_space<vmem>>
        %dma_start3A_626 = arith.constant 0 : i32
        %dma_start3A_627 = tpu.memref_slice %arg2[%mul3A_587, %dma_start3A_626] : memref<524288x128xf32, #tpu.memory_space<hbm>> -> memref<32x128xf32, #tpu.memory_space<hbm>>
        %dma_start3A_628 = arith.constant 0 : i32
        %dma_start3A_629 = arith.constant 0 : i32
        %dma_start3A_630 = tpu.memref_slice %arg4[%dma_start3A_620, %dma_start3A_621, %dma_start3A_628, %dma_start3A_629] : memref<2x4x32x128xf32, #tpu.memory_space<vmem>> -> memref<1x1x32x128xf32, #tpu.memory_space<vmem>>
        %dma_start3A_631 = tpu.memref_squeeze %dma_start3A_630 : memref<1x1x32x128xf32, #tpu.memory_space<vmem>> -> memref<32x128xf32, #tpu.memory_space<vmem>>
        %dma_start3A_632 = arith.constant 0 : i32
        %dma_start3A_633 = tpu.memref_slice %arg2[%mul3A_587, %dma_start3A_632] : memref<524288x128xf32, #tpu.memory_space<hbm>> -> memref<32x128xf32, #tpu.memory_space<hbm>>
        tpu.enqueue_dma source(%dma_start3A_633 : memref<32x128xf32, #tpu.memory_space<hbm>>) target(%dma_start3A_631 : memref<32x128xf32, #tpu.memory_space<vmem>>) target_semaphore(%arg6 : memref<!tpu.dma_semaphore, #tpu.memory_space<semaphore_mem>>)
        %dma_start3A_634 = arith.constant 0 : i32
        %dma_start3A_635 = arith.constant 3 : i32
        %dma_start3A_636 = arith.constant 0 : i32
        %dma_start3A_637 = arith.constant 0 : i32
        %dma_start3A_638 = tpu.memref_slice %arg4[%dma_start3A_634, %dma_start3A_635, %dma_start3A_636, %dma_start3A_637] : memref<2x4x32x128xf32, #tpu.memory_space<vmem>> -> memref<1x1x32x128xf32, #tpu.memory_space<vmem>>
        %dma_start3A_639 = tpu.memref_squeeze %dma_start3A_638 : memref<1x1x32x128xf32, #tpu.memory_space<vmem>> -> memref<32x128xf32, #tpu.memory_space<vmem>>
        %dma_start3A_640 = arith.constant 0 : i32
        %dma_start3A_641 = tpu.memref_slice %arg2[%mul3A_591, %dma_start3A_640] : memref<524288x128xf32, #tpu.memory_space<hbm>> -> memref<32x128xf32, #tpu.memory_space<hbm>>
        %dma_start3A_642 = arith.constant 0 : i32
        %dma_start3A_643 = arith.constant 0 : i32
        %dma_start3A_644 = tpu.memref_slice %arg4[%dma_start3A_634, %dma_start3A_635, %dma_start3A_642, %dma_start3A_643] : memref<2x4x32x128xf32, #tpu.memory_space<vmem>> -> memref<1x1x32x128xf32, #tpu.memory_space<vmem>>
        %dma_start3A_645 = tpu.memref_squeeze %dma_start3A_644 : memref<1x1x32x128xf32, #tpu.memory_space<vmem>> -> memref<32x128xf32, #tpu.memory_space<vmem>>
        %dma_start3A_646 = arith.constant 0 : i32
        %dma_start3A_647 = tpu.memref_slice %arg2[%mul3A_591, %dma_start3A_646] : memref<524288x128xf32, #tpu.memory_space<hbm>> -> memref<32x128xf32, #tpu.memory_space<hbm>>
        tpu.enqueue_dma source(%dma_start3A_647 : memref<32x128xf32, #tpu.memory_space<hbm>>) target(%dma_start3A_645 : memref<32x128xf32, #tpu.memory_space<vmem>>) target_semaphore(%arg6 : memref<!tpu.dma_semaphore, #tpu.memory_space<semaphore_mem>>)
      } else {
      }
      %add3A_413 = arith.constant 1 : i32
      %add3A_414 = arith.addi %add3A_282, %add3A_413 : i32
      %mul3A_415 = arith.constant 512 : i32
      %mul3A_416 = arith.muli %add3A_414, %mul3A_415 : i32
      %add3A_417 = arith.addi %mul3A_2, %mul3A_416 : i32
      %jit3A_418 = arith.constant 128 : i32
      %div3A_419 = arith.divsi %add3A_417, %jit3A_418 : i32
      %sign3A_420 = arith.constant 0 : i32
      %sign3A_421 = arith.cmpi sgt, %add3A_417, %sign3A_420 : i32
      %sign3A_422 = arith.extui %sign3A_421 : i1 to i32
      %sign3A_423 = arith.constant 0 : i32
      %sign3A_424 = arith.cmpi slt, %add3A_417, %sign3A_423 : i32
      %sign3A_425 = arith.extui %sign3A_424 : i1 to i32
      %sign3A_426 = arith.subi %sign3A_422, %sign3A_425 : i32
      %sign3A_427 = arith.constant 0 : i32
      %sign3A_428 = arith.cmpi sgt, %jit3A_418, %sign3A_427 : i32
      %sign3A_429 = arith.extui %sign3A_428 : i1 to i32
      %sign3A_430 = arith.constant 0 : i32
      %sign3A_431 = arith.cmpi slt, %jit3A_418, %sign3A_430 : i32
      %sign3A_432 = arith.extui %sign3A_431 : i1 to i32
      %sign3A_433 = arith.subi %sign3A_429, %sign3A_432 : i32
      %ne3A_434 = arith.cmpi ne, %sign3A_426, %sign3A_433 : i32
      %rem3A_435 = arith.remsi %add3A_417, %jit3A_418 : i32
      %ne3A_436 = arith.constant 0 : i32
      %ne3A_437 = arith.cmpi ne, %rem3A_435, %ne3A_436 : i32
      %and3A_438 = arith.andi %ne3A_434, %ne3A_437 : i1
      %sub3A_439 = arith.constant 1 : i32
      %sub3A_440 = arith.subi %div3A_419, %sub3A_439 : i32
      %select_n3A_441 = arith.select %and3A_438, %sub3A_440, %div3A_419 : i32
      %add3A_442 = arith.constant 0 : i32
      %add3A_443 = arith.addi %add3A_442, %select_n3A_441 : i32
      %mul3A_444 = arith.constant 8 : i32
      %mul3A_445 = arith.muli %add3A_443, %mul3A_444 : i32
      %add3A_446 = arith.constant 16384 : i32
      %add3A_447 = arith.addi %add3A_446, %select_n3A_441 : i32
      %mul3A_448 = arith.constant 8 : i32
      %mul3A_449 = arith.muli %add3A_447, %mul3A_448 : i32
      %add3A_450 = arith.constant 32768 : i32
      %add3A_451 = arith.addi %add3A_450, %select_n3A_441 : i32
      %mul3A_452 = arith.constant 8 : i32
      %mul3A_453 = arith.muli %add3A_451, %mul3A_452 : i32
      %add3A_454 = arith.constant 49152 : i32
      %add3A_455 = arith.addi %add3A_454, %select_n3A_441 : i32
      %mul3A_456 = arith.constant 8 : i32
      %mul3A_457 = arith.muli %add3A_455, %mul3A_456 : i32
      %dma_wait3A_458 = arith.constant 1 : i32
      %dma_wait3A_459 = arith.constant 0 : i32
      %dma_wait3A_460 = arith.constant 0 : i32
      %dma_wait3A_461 = arith.constant 0 : i32
      %dma_wait3A_462 = tpu.memref_slice %arg4[%dma_wait3A_458, %dma_wait3A_459, %dma_wait3A_460, %dma_wait3A_461] : memref<2x4x32x128xf32, #tpu.memory_space<vmem>> -> memref<1x1x32x128xf32, #tpu.memory_space<vmem>>
      %dma_wait3A_463 = tpu.memref_squeeze %dma_wait3A_462 : memref<1x1x32x128xf32, #tpu.memory_space<vmem>> -> memref<32x128xf32, #tpu.memory_space<vmem>>
      %dma_wait3A_464 = arith.constant 0 : i32
      %dma_wait3A_465 = tpu.memref_slice %arg2[%mul3A_445, %dma_wait3A_464] : memref<524288x128xf32, #tpu.memory_space<hbm>> -> memref<32x128xf32, #tpu.memory_space<hbm>>
      %dma_wait3A_466 = arith.constant 0 : i32
      %dma_wait3A_467 = arith.constant 0 : i32
      %dma_wait3A_468 = tpu.memref_slice %arg4[%dma_wait3A_458, %dma_wait3A_459, %dma_wait3A_466, %dma_wait3A_467] : memref<2x4x32x128xf32, #tpu.memory_space<vmem>> -> memref<1x1x32x128xf32, #tpu.memory_space<vmem>>
      %dma_wait3A_469 = tpu.memref_squeeze %dma_wait3A_468 : memref<1x1x32x128xf32, #tpu.memory_space<vmem>> -> memref<32x128xf32, #tpu.memory_space<vmem>>
      %dma_wait3A_470 = arith.constant 0 : i32
      %dma_wait3A_471 = tpu.memref_slice %arg2[%mul3A_445, %dma_wait3A_470] : memref<524288x128xf32, #tpu.memory_space<hbm>> -> memref<32x128xf32, #tpu.memory_space<hbm>>
      tpu.wait_dma2 semaphore(%arg6 : memref<!tpu.dma_semaphore, #tpu.memory_space<semaphore_mem>>) src(%dma_wait3A_471 : memref<32x128xf32, #tpu.memory_space<hbm>>) dst(%dma_wait3A_469 : memref<32x128xf32, #tpu.memory_space<vmem>>)
      %dma_wait3A_472 = arith.constant 1 : i32
      %dma_wait3A_473 = arith.constant 1 : i32
      %dma_wait3A_474 = arith.constant 0 : i32
      %dma_wait3A_475 = arith.constant 0 : i32
      %dma_wait3A_476 = tpu.memref_slice %arg4[%dma_wait3A_472, %dma_wait3A_473, %dma_wait3A_474, %dma_wait3A_475] : memref<2x4x32x128xf32, #tpu.memory_space<vmem>> -> memref<1x1x32x128xf32, #tpu.memory_space<vmem>>
      %dma_wait3A_477 = tpu.memref_squeeze %dma_wait3A_476 : memref<1x1x32x128xf32, #tpu.memory_space<vmem>> -> memref<32x128xf32, #tpu.memory_space<vmem>>
      %dma_wait3A_478 = arith.constant 0 : i32
      %dma_wait3A_479 = tpu.memref_slice %arg2[%mul3A_449, %dma_wait3A_478] : memref<524288x128xf32, #tpu.memory_space<hbm>> -> memref<32x128xf32, #tpu.memory_space<hbm>>
      %dma_wait3A_480 = arith.constant 0 : i32
      %dma_wait3A_481 = arith.constant 0 : i32
      %dma_wait3A_482 = tpu.memref_slice %arg4[%dma_wait3A_472, %dma_wait3A_473, %dma_wait3A_480, %dma_wait3A_481] : memref<2x4x32x128xf32, #tpu.memory_space<vmem>> -> memref<1x1x32x128xf32, #tpu.memory_space<vmem>>
      %dma_wait3A_483 = tpu.memref_squeeze %dma_wait3A_482 : memref<1x1x32x128xf32, #tpu.memory_space<vmem>> -> memref<32x128xf32, #tpu.memory_space<vmem>>
      %dma_wait3A_484 = arith.constant 0 : i32
      %dma_wait3A_485 = tpu.memref_slice %arg2[%mul3A_449, %dma_wait3A_484] : memref<524288x128xf32, #tpu.memory_space<hbm>> -> memref<32x128xf32, #tpu.memory_space<hbm>>
      tpu.wait_dma2 semaphore(%arg6 : memref<!tpu.dma_semaphore, #tpu.memory_space<semaphore_mem>>) src(%dma_wait3A_485 : memref<32x128xf32, #tpu.memory_space<hbm>>) dst(%dma_wait3A_483 : memref<32x128xf32, #tpu.memory_space<vmem>>)
      %dma_wait3A_486 = arith.constant 1 : i32
      %dma_wait3A_487 = arith.constant 2 : i32
      %dma_wait3A_488 = arith.constant 0 : i32
      %dma_wait3A_489 = arith.constant 0 : i32
      %dma_wait3A_490 = tpu.memref_slice %arg4[%dma_wait3A_486, %dma_wait3A_487, %dma_wait3A_488, %dma_wait3A_489] : memref<2x4x32x128xf32, #tpu.memory_space<vmem>> -> memref<1x1x32x128xf32, #tpu.memory_space<vmem>>
      %dma_wait3A_491 = tpu.memref_squeeze %dma_wait3A_490 : memref<1x1x32x128xf32, #tpu.memory_space<vmem>> -> memref<32x128xf32, #tpu.memory_space<vmem>>
      %dma_wait3A_492 = arith.constant 0 : i32
      %dma_wait3A_493 = tpu.memref_slice %arg2[%mul3A_453, %dma_wait3A_492] : memref<524288x128xf32, #tpu.memory_space<hbm>> -> memref<32x128xf32, #tpu.memory_space<hbm>>
      %dma_wait3A_494 = arith.constant 0 : i32
      %dma_wait3A_495 = arith.constant 0 : i32
      %dma_wait3A_496 = tpu.memref_slice %arg4[%dma_wait3A_486, %dma_wait3A_487, %dma_wait3A_494, %dma_wait3A_495] : memref<2x4x32x128xf32, #tpu.memory_space<vmem>> -> memref<1x1x32x128xf32, #tpu.memory_space<vmem>>
      %dma_wait3A_497 = tpu.memref_squeeze %dma_wait3A_496 : memref<1x1x32x128xf32, #tpu.memory_space<vmem>> -> memref<32x128xf32, #tpu.memory_space<vmem>>
      %dma_wait3A_498 = arith.constant 0 : i32
      %dma_wait3A_499 = tpu.memref_slice %arg2[%mul3A_453, %dma_wait3A_498] : memref<524288x128xf32, #tpu.memory_space<hbm>> -> memref<32x128xf32, #tpu.memory_space<hbm>>
      tpu.wait_dma2 semaphore(%arg6 : memref<!tpu.dma_semaphore, #tpu.memory_space<semaphore_mem>>) src(%dma_wait3A_499 : memref<32x128xf32, #tpu.memory_space<hbm>>) dst(%dma_wait3A_497 : memref<32x128xf32, #tpu.memory_space<vmem>>)
      %dma_wait3A_500 = arith.constant 1 : i32
      %dma_wait3A_501 = arith.constant 3 : i32
      %dma_wait3A_502 = arith.constant 0 : i32
      %dma_wait3A_503 = arith.constant 0 : i32
      %dma_wait3A_504 = tpu.memref_slice %arg4[%dma_wait3A_500, %dma_wait3A_501, %dma_wait3A_502, %dma_wait3A_503] : memref<2x4x32x128xf32, #tpu.memory_space<vmem>> -> memref<1x1x32x128xf32, #tpu.memory_space<vmem>>
      %dma_wait3A_505 = tpu.memref_squeeze %dma_wait3A_504 : memref<1x1x32x128xf32, #tpu.memory_space<vmem>> -> memref<32x128xf32, #tpu.memory_space<vmem>>
      %dma_wait3A_506 = arith.constant 0 : i32
      %dma_wait3A_507 = tpu.memref_slice %arg2[%mul3A_457, %dma_wait3A_506] : memref<524288x128xf32, #tpu.memory_space<hbm>> -> memref<32x128xf32, #tpu.memory_space<hbm>>
      %dma_wait3A_508 = arith.constant 0 : i32
      %dma_wait3A_509 = arith.constant 0 : i32
      %dma_wait3A_510 = tpu.memref_slice %arg4[%dma_wait3A_500, %dma_wait3A_501, %dma_wait3A_508, %dma_wait3A_509] : memref<2x4x32x128xf32, #tpu.memory_space<vmem>> -> memref<1x1x32x128xf32, #tpu.memory_space<vmem>>
      %dma_wait3A_511 = tpu.memref_squeeze %dma_wait3A_510 : memref<1x1x32x128xf32, #tpu.memory_space<vmem>> -> memref<32x128xf32, #tpu.memory_space<vmem>>
      %dma_wait3A_512 = arith.constant 0 : i32
      %dma_wait3A_513 = tpu.memref_slice %arg2[%mul3A_457, %dma_wait3A_512] : memref<524288x128xf32, #tpu.memory_space<hbm>> -> memref<32x128xf32, #tpu.memory_space<hbm>>
      tpu.wait_dma2 semaphore(%arg6 : memref<!tpu.dma_semaphore, #tpu.memory_space<semaphore_mem>>) src(%dma_wait3A_513 : memref<32x128xf32, #tpu.memory_space<hbm>>) dst(%dma_wait3A_511 : memref<32x128xf32, #tpu.memory_space<vmem>>)
      %ge3A_514 = arith.constant 2 : i32
      %ge3A_515 = arith.cmpi sge, %add3A_414, %ge3A_514 : i32
      %convert_element_type3A_516 = arith.extui %ge3A_515 : i1 to i32
      %cond3A_517 = arith.constant 0 : i32
      %cond3A_518 = arith.cmpi ne, %convert_element_type3A_516, %cond3A_517 : i32
      scf.if %cond3A_518 {
        %sub3A_547 = arith.constant 2 : i32
        %sub3A_548 = arith.subi %add3A_414, %sub3A_547 : i32
        %mul3A_549 = arith.constant 512 : i32
        %mul3A_550 = arith.muli %sub3A_548, %mul3A_549 : i32
        %add3A_551 = arith.addi %mul3A_2, %mul3A_550 : i32
        %dma_wait3A_552 = arith.constant 1 : i32
        %dma_wait3A_553 = arith.constant 0 : i32
        %dma_wait3A_554 = arith.constant 0 : i32
        %dma_wait3A_555 = tpu.memref_slice %arg5[%dma_wait3A_552, %dma_wait3A_553, %dma_wait3A_554] : memref<2x512x32xf32, #tpu.memory_space<vmem>> -> memref<1x512x32xf32, #tpu.memory_space<vmem>>
        %dma_wait3A_556 = tpu.memref_squeeze %dma_wait3A_555 : memref<1x512x32xf32, #tpu.memory_space<vmem>> -> memref<512x32xf32, #tpu.memory_space<vmem>>
        %dma_wait3A_557 = arith.constant 0 : i32
        %dma_wait3A_558 = tpu.memref_slice %arg3[%add3A_551, %dma_wait3A_557] : memref<2097152x32xf32, #tpu.memory_space<hbm>> -> memref<512x32xf32, #tpu.memory_space<hbm>>
        %dma_wait3A_559 = arith.constant 0 : i32
        %dma_wait3A_560 = tpu.memref_slice %arg3[%add3A_551, %dma_wait3A_559] : memref<2097152x32xf32, #tpu.memory_space<hbm>> -> memref<512x32xf32, #tpu.memory_space<hbm>>
        %dma_wait3A_561 = arith.constant 0 : i32
        %dma_wait3A_562 = arith.constant 0 : i32
        %dma_wait3A_563 = tpu.memref_slice %arg5[%dma_wait3A_552, %dma_wait3A_561, %dma_wait3A_562] : memref<2x512x32xf32, #tpu.memory_space<vmem>> -> memref<1x512x32xf32, #tpu.memory_space<vmem>>
        %dma_wait3A_564 = tpu.memref_squeeze %dma_wait3A_563 : memref<1x512x32xf32, #tpu.memory_space<vmem>> -> memref<512x32xf32, #tpu.memory_space<vmem>>
        tpu.wait_dma2 semaphore(%arg7 : memref<!tpu.dma_semaphore, #tpu.memory_space<semaphore_mem>>) src(%dma_wait3A_564 : memref<512x32xf32, #tpu.memory_space<vmem>>) dst(%dma_wait3A_560 : memref<512x32xf32, #tpu.memory_space<hbm>>)
      } else {
      }
      %scan3A_519 = arith.constant 0 : i32
      %scan3A_520 = arith.constant 32 : i32
      %scan3A_521 = arith.addi %scan3A_519, %scan3A_520 : i32
      %scan3A_522 = arith.constant 1 : i32
      scf.for %scan3A_547 = %scan3A_519 to %scan3A_521 step %scan3A_522  : i32 {
        %mul3A_548 = arith.constant 16 : i32
        %mul3A_549 = arith.muli %scan3A_547, %mul3A_548 : i32
        %add3A_550 = arith.constant 0 : i32
        %add3A_551 = arith.addi %add3A_550, %mul3A_549 : i32
        %jit3A_552 = arith.constant 128 : i32
        %div3A_553 = arith.divsi %add3A_551, %jit3A_552 : i32
        %sign3A_554 = arith.constant 0 : i32
        %sign3A_555 = arith.cmpi sgt, %add3A_551, %sign3A_554 : i32
        %sign3A_556 = arith.extui %sign3A_555 : i1 to i32
        %sign3A_557 = arith.constant 0 : i32
        %sign3A_558 = arith.cmpi slt, %add3A_551, %sign3A_557 : i32
        %sign3A_559 = arith.extui %sign3A_558 : i1 to i32
        %sign3A_560 = arith.subi %sign3A_556, %sign3A_559 : i32
        %sign3A_561 = arith.constant 0 : i32
        %sign3A_562 = arith.cmpi sgt, %jit3A_552, %sign3A_561 : i32
        %sign3A_563 = arith.extui %sign3A_562 : i1 to i32
        %sign3A_564 = arith.constant 0 : i32
        %sign3A_565 = arith.cmpi slt, %jit3A_552, %sign3A_564 : i32
        %sign3A_566 = arith.extui %sign3A_565 : i1 to i32
        %sign3A_567 = arith.subi %sign3A_563, %sign3A_566 : i32
        %ne3A_568 = arith.cmpi ne, %sign3A_560, %sign3A_567 : i32
        %rem3A_569 = arith.remsi %add3A_551, %jit3A_552 : i32
        %ne3A_570 = arith.constant 0 : i32
        %ne3A_571 = arith.cmpi ne, %rem3A_569, %ne3A_570 : i32
        %and3A_572 = arith.andi %ne3A_568, %ne3A_571 : i1
        %sub3A_573 = arith.constant 1 : i32
        %sub3A_574 = arith.subi %div3A_553, %sub3A_573 : i32
        %select_n3A_575 = arith.select %and3A_572, %sub3A_574, %div3A_553 : i32
        %mul3A_576 = arith.constant 128 : i32
        %mul3A_577 = arith.muli %select_n3A_575, %mul3A_576 : i32
        %sub3A_578 = arith.subi %add3A_551, %mul3A_577 : i32
        %mul3A_579 = arith.constant 8 : i32
        %mul3A_580 = arith.muli %select_n3A_575, %mul3A_579 : i32
        %add3A_581 = vector.broadcast %add3A_551 : i32 to vector<16xi32>
        %add3A_582 = arith.addi %iota3A, %add3A_581 : vector<16xi32>
        %add3A_583 = arith.constant 0 : i32
        %add3A_584 = arith.addi %mul3A_580, %add3A_583 : i32
        %get3A = arith.constant 1 : i32
        %get3A_585 = arith.constant 0 : i32
        %get3A_586 = arith.index_cast %get3A : i32 to index
        %get3A_587 = arith.index_cast %get3A_585 : i32 to index
        %get3A_588 = arith.index_cast %add3A_584 : i32 to index
        %get3A_589 = arith.index_cast %sub3A_578 : i32 to index
        %get3A_590 = tpu.vector_load %arg4[%get3A_586, %get3A_587, %get3A_588, %get3A_589] {strides = array<i32>} : memref<2x4x32x128xf32, #tpu.memory_space<vmem>>, vector<16xf32>,
        %scatter3A = arith.constant 1 : i32
        %scatter3A_591 = arith.constant 0 : i32
        %scatter3A_592 = arith.constant 0 : i32
        %scatter3A_593 = tpu.memref_slice %arg5[%scatter3A, %scatter3A_591, %scatter3A_592] : memref<2x512x32xf32, #tpu.memory_space<vmem>> -> memref<1x512x32xf32, #tpu.memory_space<vmem>>
        %scatter3A_594 = tpu.memref_squeeze %scatter3A_593 : memref<1x512x32xf32, #tpu.memory_space<vmem>> -> memref<512x32xf32, #tpu.memory_space<vmem>>
        tpu.vector_store_idx %scatter3A_594[%add3A_582, %broadcast_in_dim3A_3], %get3A_590 : memref<512x32xf32, #tpu.memory_space<vmem>>[vector<16xi32>, vector<16xi32>], vector<16xf32>,
        %add3A_595 = arith.constant 1 : i32
        %add3A_596 = arith.addi %mul3A_580, %add3A_595 : i32
        %get3A_597 = arith.constant 1 : i32
        %get3A_598 = arith.constant 0 : i32
        %get3A_599 = arith.index_cast %get3A_597 : i32 to index
        %get3A_600 = arith.index_cast %get3A_598 : i32 to index
        %get3A_601 = arith.index_cast %add3A_596 : i32 to index
        %get3A_602 = arith.index_cast %sub3A_578 : i32 to index
        %get3A_603 = tpu.vector_load %arg4[%get3A_599, %get3A_600, %get3A_601, %get3A_602] {strides = array<i32>} : memref<2x4x32x128xf32, #tpu.memory_space<vmem>>, vector<16xf32>,
        %scatter3A_604 = arith.constant 1 : i32
        %scatter3A_605 = arith.constant 0 : i32
        %scatter3A_606 = arith.constant 0 : i32
        %scatter3A_607 = tpu.memref_slice %arg5[%scatter3A_604, %scatter3A_605, %scatter3A_606] : memref<2x512x32xf32, #tpu.memory_space<vmem>> -> memref<1x512x32xf32, #tpu.memory_space<vmem>>
        %scatter3A_608 = tpu.memref_squeeze %scatter3A_607 : memref<1x512x32xf32, #tpu.memory_space<vmem>> -> memref<512x32xf32, #tpu.memory_space<vmem>>
        tpu.vector_store_idx %scatter3A_608[%add3A_582, %broadcast_in_dim3A_5], %get3A_603 : memref<512x32xf32, #tpu.memory_space<vmem>>[vector<16xi32>, vector<16xi32>], vector<16xf32>,
        %add3A_609 = arith.constant 2 : i32
        %add3A_610 = arith.addi %mul3A_580, %add3A_609 : i32
        %get3A_611 = arith.constant 1 : i32
        %get3A_612 = arith.constant 0 : i32
        %get3A_613 = arith.index_cast %get3A_611 : i32 to index
        %get3A_614 = arith.index_cast %get3A_612 : i32 to index
        %get3A_615 = arith.index_cast %add3A_610 : i32 to index
        %get3A_616 = arith.index_cast %sub3A_578 : i32 to index
        %get3A_617 = tpu.vector_load %arg4[%get3A_613, %get3A_614, %get3A_615, %get3A_616] {strides = array<i32>} : memref<2x4x32x128xf32, #tpu.memory_space<vmem>>, vector<16xf32>,
        %scatter3A_618 = arith.constant 1 : i32
        %scatter3A_619 = arith.constant 0 : i32
        %scatter3A_620 = arith.constant 0 : i32
        %scatter3A_621 = tpu.memref_slice %arg5[%scatter3A_618, %scatter3A_619, %scatter3A_620] : memref<2x512x32xf32, #tpu.memory_space<vmem>> -> memref<1x512x32xf32, #tpu.memory_space<vmem>>
        %scatter3A_622 = tpu.memref_squeeze %scatter3A_621 : memref<1x512x32xf32, #tpu.memory_space<vmem>> -> memref<512x32xf32, #tpu.memory_space<vmem>>
        tpu.vector_store_idx %scatter3A_622[%add3A_582, %broadcast_in_dim3A_7], %get3A_617 : memref<512x32xf32, #tpu.memory_space<vmem>>[vector<16xi32>, vector<16xi32>], vector<16xf32>,
        %add3A_623 = arith.constant 3 : i32
        %add3A_624 = arith.addi %mul3A_580, %add3A_623 : i32
        %get3A_625 = arith.constant 1 : i32
        %get3A_626 = arith.constant 0 : i32
        %get3A_627 = arith.index_cast %get3A_625 : i32 to index
        %get3A_628 = arith.index_cast %get3A_626 : i32 to index
        %get3A_629 = arith.index_cast %add3A_624 : i32 to index
        %get3A_630 = arith.index_cast %sub3A_578 : i32 to index
        %get3A_631 = tpu.vector_load %arg4[%get3A_627, %get3A_628, %get3A_629, %get3A_630] {strides = array<i32>} : memref<2x4x32x128xf32, #tpu.memory_space<vmem>>, vector<16xf32>,
        %scatter3A_632 = arith.constant 1 : i32
        %scatter3A_633 = arith.constant 0 : i32
        %scatter3A_634 = arith.constant 0 : i32
        %scatter3A_635 = tpu.memref_slice %arg5[%scatter3A_632, %scatter3A_633, %scatter3A_634] : memref<2x512x32xf32, #tpu.memory_space<vmem>> -> memref<1x512x32xf32, #tpu.memory_space<vmem>>
        %scatter3A_636 = tpu.memref_squeeze %scatter3A_635 : memref<1x512x32xf32, #tpu.memory_space<vmem>> -> memref<512x32xf32, #tpu.memory_space<vmem>>
        tpu.vector_store_idx %scatter3A_636[%add3A_582, %broadcast_in_dim3A_9], %get3A_631 : memref<512x32xf32, #tpu.memory_space<vmem>>[vector<16xi32>, vector<16xi32>], vector<16xf32>,
        %add3A_637 = arith.constant 4 : i32
        %add3A_638 = arith.addi %mul3A_580, %add3A_637 : i32
        %get3A_639 = arith.constant 1 : i32
        %get3A_640 = arith.constant 0 : i32
        %get3A_641 = arith.index_cast %get3A_639 : i32 to index
        %get3A_642 = arith.index_cast %get3A_640 : i32 to index
        %get3A_643 = arith.index_cast %add3A_638 : i32 to index
        %get3A_644 = arith.index_cast %sub3A_578 : i32 to index
        %get3A_645 = tpu.vector_load %arg4[%get3A_641, %get3A_642, %get3A_643, %get3A_644] {strides = array<i32>} : memref<2x4x32x128xf32, #tpu.memory_space<vmem>>, vector<16xf32>,
        %scatter3A_646 = arith.constant 1 : i32
        %scatter3A_647 = arith.constant 0 : i32
        %scatter3A_648 = arith.constant 0 : i32
        %scatter3A_649 = tpu.memref_slice %arg5[%scatter3A_646, %scatter3A_647, %scatter3A_648] : memref<2x512x32xf32, #tpu.memory_space<vmem>> -> memref<1x512x32xf32, #tpu.memory_space<vmem>>
        %scatter3A_650 = tpu.memref_squeeze %scatter3A_649 : memref<1x512x32xf32, #tpu.memory_space<vmem>> -> memref<512x32xf32, #tpu.memory_space<vmem>>
        tpu.vector_store_idx %scatter3A_650[%add3A_582, %broadcast_in_dim3A_11], %get3A_645 : memref<512x32xf32, #tpu.memory_space<vmem>>[vector<16xi32>, vector<16xi32>], vector<16xf32>,
        %add3A_651 = arith.constant 5 : i32
        %add3A_652 = arith.addi %mul3A_580, %add3A_651 : i32
        %get3A_653 = arith.constant 1 : i32
        %get3A_654 = arith.constant 0 : i32
        %get3A_655 = arith.index_cast %get3A_653 : i32 to index
        %get3A_656 = arith.index_cast %get3A_654 : i32 to index
        %get3A_657 = arith.index_cast %add3A_652 : i32 to index
        %get3A_658 = arith.index_cast %sub3A_578 : i32 to index
        %get3A_659 = tpu.vector_load %arg4[%get3A_655, %get3A_656, %get3A_657, %get3A_658] {strides = array<i32>} : memref<2x4x32x128xf32, #tpu.memory_space<vmem>>, vector<16xf32>,
        %scatter3A_660 = arith.constant 1 : i32
        %scatter3A_661 = arith.constant 0 : i32
        %scatter3A_662 = arith.constant 0 : i32
        %scatter3A_663 = tpu.memref_slice %arg5[%scatter3A_660, %scatter3A_661, %scatter3A_662] : memref<2x512x32xf32, #tpu.memory_space<vmem>> -> memref<1x512x32xf32, #tpu.memory_space<vmem>>
        %scatter3A_664 = tpu.memref_squeeze %scatter3A_663 : memref<1x512x32xf32, #tpu.memory_space<vmem>> -> memref<512x32xf32, #tpu.memory_space<vmem>>
        tpu.vector_store_idx %scatter3A_664[%add3A_582, %broadcast_in_dim3A_13], %get3A_659 : memref<512x32xf32, #tpu.memory_space<vmem>>[vector<16xi32>, vector<16xi32>], vector<16xf32>,
        %add3A_665 = arith.constant 6 : i32
        %add3A_666 = arith.addi %mul3A_580, %add3A_665 : i32
        %get3A_667 = arith.constant 1 : i32
        %get3A_668 = arith.constant 0 : i32
        %get3A_669 = arith.index_cast %get3A_667 : i32 to index
        %get3A_670 = arith.index_cast %get3A_668 : i32 to index
        %get3A_671 = arith.index_cast %add3A_666 : i32 to index
        %get3A_672 = arith.index_cast %sub3A_578 : i32 to index
        %get3A_673 = tpu.vector_load %arg4[%get3A_669, %get3A_670, %get3A_671, %get3A_672] {strides = array<i32>} : memref<2x4x32x128xf32, #tpu.memory_space<vmem>>, vector<16xf32>,
        %scatter3A_674 = arith.constant 1 : i32
        %scatter3A_675 = arith.constant 0 : i32
        %scatter3A_676 = arith.constant 0 : i32
        %scatter3A_677 = tpu.memref_slice %arg5[%scatter3A_674, %scatter3A_675, %scatter3A_676] : memref<2x512x32xf32, #tpu.memory_space<vmem>> -> memref<1x512x32xf32, #tpu.memory_space<vmem>>
        %scatter3A_678 = tpu.memref_squeeze %scatter3A_677 : memref<1x512x32xf32, #tpu.memory_space<vmem>> -> memref<512x32xf32, #tpu.memory_space<vmem>>
        tpu.vector_store_idx %scatter3A_678[%add3A_582, %broadcast_in_dim3A_15], %get3A_673 : memref<512x32xf32, #tpu.memory_space<vmem>>[vector<16xi32>, vector<16xi32>], vector<16xf32>,
        %add3A_679 = arith.constant 7 : i32
        %add3A_680 = arith.addi %mul3A_580, %add3A_679 : i32
        %get3A_681 = arith.constant 1 : i32
        %get3A_682 = arith.constant 0 : i32
        %get3A_683 = arith.index_cast %get3A_681 : i32 to index
        %get3A_684 = arith.index_cast %get3A_682 : i32 to index
        %get3A_685 = arith.index_cast %add3A_680 : i32 to index
        %get3A_686 = arith.index_cast %sub3A_578 : i32 to index
        %get3A_687 = tpu.vector_load %arg4[%get3A_683, %get3A_684, %get3A_685, %get3A_686] {strides = array<i32>} : memref<2x4x32x128xf32, #tpu.memory_space<vmem>>, vector<16xf32>,
        %scatter3A_688 = arith.constant 1 : i32
        %scatter3A_689 = arith.constant 0 : i32
        %scatter3A_690 = arith.constant 0 : i32
        %scatter3A_691 = tpu.memref_slice %arg5[%scatter3A_688, %scatter3A_689, %scatter3A_690] : memref<2x512x32xf32, #tpu.memory_space<vmem>> -> memref<1x512x32xf32, #tpu.memory_space<vmem>>
        %scatter3A_692 = tpu.memref_squeeze %scatter3A_691 : memref<1x512x32xf32, #tpu.memory_space<vmem>> -> memref<512x32xf32, #tpu.memory_space<vmem>>
        tpu.vector_store_idx %scatter3A_692[%add3A_582, %broadcast_in_dim3A_17], %get3A_687 : memref<512x32xf32, #tpu.memory_space<vmem>>[vector<16xi32>, vector<16xi32>], vector<16xf32>,
        %add3A_693 = arith.constant 0 : i32
        %add3A_694 = arith.addi %mul3A_580, %add3A_693 : i32
        %get3A_695 = arith.constant 1 : i32
        %get3A_696 = arith.constant 1 : i32
        %get3A_697 = arith.index_cast %get3A_695 : i32 to index
        %get3A_698 = arith.index_cast %get3A_696 : i32 to index
        %get3A_699 = arith.index_cast %add3A_694 : i32 to index
        %get3A_700 = arith.index_cast %sub3A_578 : i32 to index
        %get3A_701 = tpu.vector_load %arg4[%get3A_697, %get3A_698, %get3A_699, %get3A_700] {strides = array<i32>} : memref<2x4x32x128xf32, #tpu.memory_space<vmem>>, vector<16xf32>,
        %scatter3A_702 = arith.constant 1 : i32
        %scatter3A_703 = arith.constant 0 : i32
        %scatter3A_704 = arith.constant 0 : i32
        %scatter3A_705 = tpu.memref_slice %arg5[%scatter3A_702, %scatter3A_703, %scatter3A_704] : memref<2x512x32xf32, #tpu.memory_space<vmem>> -> memref<1x512x32xf32, #tpu.memory_space<vmem>>
        %scatter3A_706 = tpu.memref_squeeze %scatter3A_705 : memref<1x512x32xf32, #tpu.memory_space<vmem>> -> memref<512x32xf32, #tpu.memory_space<vmem>>
        tpu.vector_store_idx %scatter3A_706[%add3A_582, %broadcast_in_dim3A_19], %get3A_701 : memref<512x32xf32, #tpu.memory_space<vmem>>[vector<16xi32>, vector<16xi32>], vector<16xf32>,
        %add3A_707 = arith.constant 1 : i32
        %add3A_708 = arith.addi %mul3A_580, %add3A_707 : i32
        %get3A_709 = arith.constant 1 : i32
        %get3A_710 = arith.constant 1 : i32
        %get3A_711 = arith.index_cast %get3A_709 : i32 to index
        %get3A_712 = arith.index_cast %get3A_710 : i32 to index
        %get3A_713 = arith.index_cast %add3A_708 : i32 to index
        %get3A_714 = arith.index_cast %sub3A_578 : i32 to index
        %get3A_715 = tpu.vector_load %arg4[%get3A_711, %get3A_712, %get3A_713, %get3A_714] {strides = array<i32>} : memref<2x4x32x128xf32, #tpu.memory_space<vmem>>, vector<16xf32>,
        %scatter3A_716 = arith.constant 1 : i32
        %scatter3A_717 = arith.constant 0 : i32
        %scatter3A_718 = arith.constant 0 : i32
        %scatter3A_719 = tpu.memref_slice %arg5[%scatter3A_716, %scatter3A_717, %scatter3A_718] : memref<2x512x32xf32, #tpu.memory_space<vmem>> -> memref<1x512x32xf32, #tpu.memory_space<vmem>>
        %scatter3A_720 = tpu.memref_squeeze %scatter3A_719 : memref<1x512x32xf32, #tpu.memory_space<vmem>> -> memref<512x32xf32, #tpu.memory_space<vmem>>
        tpu.vector_store_idx %scatter3A_720[%add3A_582, %broadcast_in_dim3A_21], %get3A_715 : memref<512x32xf32, #tpu.memory_space<vmem>>[vector<16xi32>, vector<16xi32>], vector<16xf32>,
        %add3A_721 = arith.constant 2 : i32
        %add3A_722 = arith.addi %mul3A_580, %add3A_721 : i32
        %get3A_723 = arith.constant 1 : i32
        %get3A_724 = arith.constant 1 : i32
        %get3A_725 = arith.index_cast %get3A_723 : i32 to index
        %get3A_726 = arith.index_cast %get3A_724 : i32 to index
        %get3A_727 = arith.index_cast %add3A_722 : i32 to index
        %get3A_728 = arith.index_cast %sub3A_578 : i32 to index
        %get3A_729 = tpu.vector_load %arg4[%get3A_725, %get3A_726, %get3A_727, %get3A_728] {strides = array<i32>} : memref<2x4x32x128xf32, #tpu.memory_space<vmem>>, vector<16xf32>,
        %scatter3A_730 = arith.constant 1 : i32
        %scatter3A_731 = arith.constant 0 : i32
        %scatter3A_732 = arith.constant 0 : i32
        %scatter3A_733 = tpu.memref_slice %arg5[%scatter3A_730, %scatter3A_731, %scatter3A_732] : memref<2x512x32xf32, #tpu.memory_space<vmem>> -> memref<1x512x32xf32, #tpu.memory_space<vmem>>
        %scatter3A_734 = tpu.memref_squeeze %scatter3A_733 : memref<1x512x32xf32, #tpu.memory_space<vmem>> -> memref<512x32xf32, #tpu.memory_space<vmem>>
        tpu.vector_store_idx %scatter3A_734[%add3A_582, %broadcast_in_dim3A_23], %get3A_729 : memref<512x32xf32, #tpu.memory_space<vmem>>[vector<16xi32>, vector<16xi32>], vector<16xf32>,
        %add3A_735 = arith.constant 3 : i32
        %add3A_736 = arith.addi %mul3A_580, %add3A_735 : i32
        %get3A_737 = arith.constant 1 : i32
        %get3A_738 = arith.constant 1 : i32
        %get3A_739 = arith.index_cast %get3A_737 : i32 to index
        %get3A_740 = arith.index_cast %get3A_738 : i32 to index
        %get3A_741 = arith.index_cast %add3A_736 : i32 to index
        %get3A_742 = arith.index_cast %sub3A_578 : i32 to index
        %get3A_743 = tpu.vector_load %arg4[%get3A_739, %get3A_740, %get3A_741, %get3A_742] {strides = array<i32>} : memref<2x4x32x128xf32, #tpu.memory_space<vmem>>, vector<16xf32>,
        %scatter3A_744 = arith.constant 1 : i32
        %scatter3A_745 = arith.constant 0 : i32
        %scatter3A_746 = arith.constant 0 : i32
        %scatter3A_747 = tpu.memref_slice %arg5[%scatter3A_744, %scatter3A_745, %scatter3A_746] : memref<2x512x32xf32, #tpu.memory_space<vmem>> -> memref<1x512x32xf32, #tpu.memory_space<vmem>>
        %scatter3A_748 = tpu.memref_squeeze %scatter3A_747 : memref<1x512x32xf32, #tpu.memory_space<vmem>> -> memref<512x32xf32, #tpu.memory_space<vmem>>
        tpu.vector_store_idx %scatter3A_748[%add3A_582, %broadcast_in_dim3A_25], %get3A_743 : memref<512x32xf32, #tpu.memory_space<vmem>>[vector<16xi32>, vector<16xi32>], vector<16xf32>,
        %add3A_749 = arith.constant 4 : i32
        %add3A_750 = arith.addi %mul3A_580, %add3A_749 : i32
        %get3A_751 = arith.constant 1 : i32
        %get3A_752 = arith.constant 1 : i32
        %get3A_753 = arith.index_cast %get3A_751 : i32 to index
        %get3A_754 = arith.index_cast %get3A_752 : i32 to index
        %get3A_755 = arith.index_cast %add3A_750 : i32 to index
        %get3A_756 = arith.index_cast %sub3A_578 : i32 to index
        %get3A_757 = tpu.vector_load %arg4[%get3A_753, %get3A_754, %get3A_755, %get3A_756] {strides = array<i32>} : memref<2x4x32x128xf32, #tpu.memory_space<vmem>>, vector<16xf32>,
        %scatter3A_758 = arith.constant 1 : i32
        %scatter3A_759 = arith.constant 0 : i32
        %scatter3A_760 = arith.constant 0 : i32
        %scatter3A_761 = tpu.memref_slice %arg5[%scatter3A_758, %scatter3A_759, %scatter3A_760] : memref<2x512x32xf32, #tpu.memory_space<vmem>> -> memref<1x512x32xf32, #tpu.memory_space<vmem>>
        %scatter3A_762 = tpu.memref_squeeze %scatter3A_761 : memref<1x512x32xf32, #tpu.memory_space<vmem>> -> memref<512x32xf32, #tpu.memory_space<vmem>>
        tpu.vector_store_idx %scatter3A_762[%add3A_582, %broadcast_in_dim3A_27], %get3A_757 : memref<512x32xf32, #tpu.memory_space<vmem>>[vector<16xi32>, vector<16xi32>], vector<16xf32>,
        %add3A_763 = arith.constant 5 : i32
        %add3A_764 = arith.addi %mul3A_580, %add3A_763 : i32
        %get3A_765 = arith.constant 1 : i32
        %get3A_766 = arith.constant 1 : i32
        %get3A_767 = arith.index_cast %get3A_765 : i32 to index
        %get3A_768 = arith.index_cast %get3A_766 : i32 to index
        %get3A_769 = arith.index_cast %add3A_764 : i32 to index
        %get3A_770 = arith.index_cast %sub3A_578 : i32 to index
        %get3A_771 = tpu.vector_load %arg4[%get3A_767, %get3A_768, %get3A_769, %get3A_770] {strides = array<i32>} : memref<2x4x32x128xf32, #tpu.memory_space<vmem>>, vector<16xf32>,
        %scatter3A_772 = arith.constant 1 : i32
        %scatter3A_773 = arith.constant 0 : i32
        %scatter3A_774 = arith.constant 0 : i32
        %scatter3A_775 = tpu.memref_slice %arg5[%scatter3A_772, %scatter3A_773, %scatter3A_774] : memref<2x512x32xf32, #tpu.memory_space<vmem>> -> memref<1x512x32xf32, #tpu.memory_space<vmem>>
        %scatter3A_776 = tpu.memref_squeeze %scatter3A_775 : memref<1x512x32xf32, #tpu.memory_space<vmem>> -> memref<512x32xf32, #tpu.memory_space<vmem>>
        tpu.vector_store_idx %scatter3A_776[%add3A_582, %broadcast_in_dim3A_29], %get3A_771 : memref<512x32xf32, #tpu.memory_space<vmem>>[vector<16xi32>, vector<16xi32>], vector<16xf32>,
        %add3A_777 = arith.constant 6 : i32
        %add3A_778 = arith.addi %mul3A_580, %add3A_777 : i32
        %get3A_779 = arith.constant 1 : i32
        %get3A_780 = arith.constant 1 : i32
        %get3A_781 = arith.index_cast %get3A_779 : i32 to index
        %get3A_782 = arith.index_cast %get3A_780 : i32 to index
        %get3A_783 = arith.index_cast %add3A_778 : i32 to index
        %get3A_784 = arith.index_cast %sub3A_578 : i32 to index
        %get3A_785 = tpu.vector_load %arg4[%get3A_781, %get3A_782, %get3A_783, %get3A_784] {strides = array<i32>} : memref<2x4x32x128xf32, #tpu.memory_space<vmem>>, vector<16xf32>,
        %scatter3A_786 = arith.constant 1 : i32
        %scatter3A_787 = arith.constant 0 : i32
        %scatter3A_788 = arith.constant 0 : i32
        %scatter3A_789 = tpu.memref_slice %arg5[%scatter3A_786, %scatter3A_787, %scatter3A_788] : memref<2x512x32xf32, #tpu.memory_space<vmem>> -> memref<1x512x32xf32, #tpu.memory_space<vmem>>
        %scatter3A_790 = tpu.memref_squeeze %scatter3A_789 : memref<1x512x32xf32, #tpu.memory_space<vmem>> -> memref<512x32xf32, #tpu.memory_space<vmem>>
        tpu.vector_store_idx %scatter3A_790[%add3A_582, %broadcast_in_dim3A_31], %get3A_785 : memref<512x32xf32, #tpu.memory_space<vmem>>[vector<16xi32>, vector<16xi32>], vector<16xf32>,
        %add3A_791 = arith.constant 7 : i32
        %add3A_792 = arith.addi %mul3A_580, %add3A_791 : i32
        %get3A_793 = arith.constant 1 : i32
        %get3A_794 = arith.constant 1 : i32
        %get3A_795 = arith.index_cast %get3A_793 : i32 to index
        %get3A_796 = arith.index_cast %get3A_794 : i32 to index
        %get3A_797 = arith.index_cast %add3A_792 : i32 to index
        %get3A_798 = arith.index_cast %sub3A_578 : i32 to index
        %get3A_799 = tpu.vector_load %arg4[%get3A_795, %get3A_796, %get3A_797, %get3A_798] {strides = array<i32>} : memref<2x4x32x128xf32, #tpu.memory_space<vmem>>, vector<16xf32>,
        %scatter3A_800 = arith.constant 1 : i32
        %scatter3A_801 = arith.constant 0 : i32
        %scatter3A_802 = arith.constant 0 : i32
        %scatter3A_803 = tpu.memref_slice %arg5[%scatter3A_800, %scatter3A_801, %scatter3A_802] : memref<2x512x32xf32, #tpu.memory_space<vmem>> -> memref<1x512x32xf32, #tpu.memory_space<vmem>>
        %scatter3A_804 = tpu.memref_squeeze %scatter3A_803 : memref<1x512x32xf32, #tpu.memory_space<vmem>> -> memref<512x32xf32, #tpu.memory_space<vmem>>
        tpu.vector_store_idx %scatter3A_804[%add3A_582, %broadcast_in_dim3A_33], %get3A_799 : memref<512x32xf32, #tpu.memory_space<vmem>>[vector<16xi32>, vector<16xi32>], vector<16xf32>,
        %add3A_805 = arith.constant 0 : i32
        %add3A_806 = arith.addi %mul3A_580, %add3A_805 : i32
        %get3A_807 = arith.constant 1 : i32
        %get3A_808 = arith.constant 2 : i32
        %get3A_809 = arith.index_cast %get3A_807 : i32 to index
        %get3A_810 = arith.index_cast %get3A_808 : i32 to index
        %get3A_811 = arith.index_cast %add3A_806 : i32 to index
        %get3A_812 = arith.index_cast %sub3A_578 : i32 to index
        %get3A_813 = tpu.vector_load %arg4[%get3A_809, %get3A_810, %get3A_811, %get3A_812] {strides = array<i32>} : memref<2x4x32x128xf32, #tpu.memory_space<vmem>>, vector<16xf32>,
        %scatter3A_814 = arith.constant 1 : i32
        %scatter3A_815 = arith.constant 0 : i32
        %scatter3A_816 = arith.constant 0 : i32
        %scatter3A_817 = tpu.memref_slice %arg5[%scatter3A_814, %scatter3A_815, %scatter3A_816] : memref<2x512x32xf32, #tpu.memory_space<vmem>> -> memref<1x512x32xf32, #tpu.memory_space<vmem>>
        %scatter3A_818 = tpu.memref_squeeze %scatter3A_817 : memref<1x512x32xf32, #tpu.memory_space<vmem>> -> memref<512x32xf32, #tpu.memory_space<vmem>>
        tpu.vector_store_idx %scatter3A_818[%add3A_582, %broadcast_in_dim3A_35], %get3A_813 : memref<512x32xf32, #tpu.memory_space<vmem>>[vector<16xi32>, vector<16xi32>], vector<16xf32>,
        %add3A_819 = arith.constant 1 : i32
        %add3A_820 = arith.addi %mul3A_580, %add3A_819 : i32
        %get3A_821 = arith.constant 1 : i32
        %get3A_822 = arith.constant 2 : i32
        %get3A_823 = arith.index_cast %get3A_821 : i32 to index
        %get3A_824 = arith.index_cast %get3A_822 : i32 to index
        %get3A_825 = arith.index_cast %add3A_820 : i32 to index
        %get3A_826 = arith.index_cast %sub3A_578 : i32 to index
        %get3A_827 = tpu.vector_load %arg4[%get3A_823, %get3A_824, %get3A_825, %get3A_826] {strides = array<i32>} : memref<2x4x32x128xf32, #tpu.memory_space<vmem>>, vector<16xf32>,
        %scatter3A_828 = arith.constant 1 : i32
        %scatter3A_829 = arith.constant 0 : i32
        %scatter3A_830 = arith.constant 0 : i32
        %scatter3A_831 = tpu.memref_slice %arg5[%scatter3A_828, %scatter3A_829, %scatter3A_830] : memref<2x512x32xf32, #tpu.memory_space<vmem>> -> memref<1x512x32xf32, #tpu.memory_space<vmem>>
        %scatter3A_832 = tpu.memref_squeeze %scatter3A_831 : memref<1x512x32xf32, #tpu.memory_space<vmem>> -> memref<512x32xf32, #tpu.memory_space<vmem>>
        tpu.vector_store_idx %scatter3A_832[%add3A_582, %broadcast_in_dim3A_37], %get3A_827 : memref<512x32xf32, #tpu.memory_space<vmem>>[vector<16xi32>, vector<16xi32>], vector<16xf32>,
        %add3A_833 = arith.constant 2 : i32
        %add3A_834 = arith.addi %mul3A_580, %add3A_833 : i32
        %get3A_835 = arith.constant 1 : i32
        %get3A_836 = arith.constant 2 : i32
        %get3A_837 = arith.index_cast %get3A_835 : i32 to index
        %get3A_838 = arith.index_cast %get3A_836 : i32 to index
        %get3A_839 = arith.index_cast %add3A_834 : i32 to index
        %get3A_840 = arith.index_cast %sub3A_578 : i32 to index
        %get3A_841 = tpu.vector_load %arg4[%get3A_837, %get3A_838, %get3A_839, %get3A_840] {strides = array<i32>} : memref<2x4x32x128xf32, #tpu.memory_space<vmem>>, vector<16xf32>,
        %scatter3A_842 = arith.constant 1 : i32
        %scatter3A_843 = arith.constant 0 : i32
        %scatter3A_844 = arith.constant 0 : i32
        %scatter3A_845 = tpu.memref_slice %arg5[%scatter3A_842, %scatter3A_843, %scatter3A_844] : memref<2x512x32xf32, #tpu.memory_space<vmem>> -> memref<1x512x32xf32, #tpu.memory_space<vmem>>
        %scatter3A_846 = tpu.memref_squeeze %scatter3A_845 : memref<1x512x32xf32, #tpu.memory_space<vmem>> -> memref<512x32xf32, #tpu.memory_space<vmem>>
        tpu.vector_store_idx %scatter3A_846[%add3A_582, %broadcast_in_dim3A_39], %get3A_841 : memref<512x32xf32, #tpu.memory_space<vmem>>[vector<16xi32>, vector<16xi32>], vector<16xf32>,
        %add3A_847 = arith.constant 3 : i32
        %add3A_848 = arith.addi %mul3A_580, %add3A_847 : i32
        %get3A_849 = arith.constant 1 : i32
        %get3A_850 = arith.constant 2 : i32
        %get3A_851 = arith.index_cast %get3A_849 : i32 to index
        %get3A_852 = arith.index_cast %get3A_850 : i32 to index
        %get3A_853 = arith.index_cast %add3A_848 : i32 to index
        %get3A_854 = arith.index_cast %sub3A_578 : i32 to index
        %get3A_855 = tpu.vector_load %arg4[%get3A_851, %get3A_852, %get3A_853, %get3A_854] {strides = array<i32>} : memref<2x4x32x128xf32, #tpu.memory_space<vmem>>, vector<16xf32>,
        %scatter3A_856 = arith.constant 1 : i32
        %scatter3A_857 = arith.constant 0 : i32
        %scatter3A_858 = arith.constant 0 : i32
        %scatter3A_859 = tpu.memref_slice %arg5[%scatter3A_856, %scatter3A_857, %scatter3A_858] : memref<2x512x32xf32, #tpu.memory_space<vmem>> -> memref<1x512x32xf32, #tpu.memory_space<vmem>>
        %scatter3A_860 = tpu.memref_squeeze %scatter3A_859 : memref<1x512x32xf32, #tpu.memory_space<vmem>> -> memref<512x32xf32, #tpu.memory_space<vmem>>
        tpu.vector_store_idx %scatter3A_860[%add3A_582, %broadcast_in_dim3A_41], %get3A_855 : memref<512x32xf32, #tpu.memory_space<vmem>>[vector<16xi32>, vector<16xi32>], vector<16xf32>,
        %add3A_861 = arith.constant 4 : i32
        %add3A_862 = arith.addi %mul3A_580, %add3A_861 : i32
        %get3A_863 = arith.constant 1 : i32
        %get3A_864 = arith.constant 2 : i32
        %get3A_865 = arith.index_cast %get3A_863 : i32 to index
        %get3A_866 = arith.index_cast %get3A_864 : i32 to index
        %get3A_867 = arith.index_cast %add3A_862 : i32 to index
        %get3A_868 = arith.index_cast %sub3A_578 : i32 to index
        %get3A_869 = tpu.vector_load %arg4[%get3A_865, %get3A_866, %get3A_867, %get3A_868] {strides = array<i32>} : memref<2x4x32x128xf32, #tpu.memory_space<vmem>>, vector<16xf32>,
        %scatter3A_870 = arith.constant 1 : i32
        %scatter3A_871 = arith.constant 0 : i32
        %scatter3A_872 = arith.constant 0 : i32
        %scatter3A_873 = tpu.memref_slice %arg5[%scatter3A_870, %scatter3A_871, %scatter3A_872] : memref<2x512x32xf32, #tpu.memory_space<vmem>> -> memref<1x512x32xf32, #tpu.memory_space<vmem>>
        %scatter3A_874 = tpu.memref_squeeze %scatter3A_873 : memref<1x512x32xf32, #tpu.memory_space<vmem>> -> memref<512x32xf32, #tpu.memory_space<vmem>>
        tpu.vector_store_idx %scatter3A_874[%add3A_582, %broadcast_in_dim3A_43], %get3A_869 : memref<512x32xf32, #tpu.memory_space<vmem>>[vector<16xi32>, vector<16xi32>], vector<16xf32>,
        %add3A_875 = arith.constant 5 : i32
        %add3A_876 = arith.addi %mul3A_580, %add3A_875 : i32
        %get3A_877 = arith.constant 1 : i32
        %get3A_878 = arith.constant 2 : i32
        %get3A_879 = arith.index_cast %get3A_877 : i32 to index
        %get3A_880 = arith.index_cast %get3A_878 : i32 to index
        %get3A_881 = arith.index_cast %add3A_876 : i32 to index
        %get3A_882 = arith.index_cast %sub3A_578 : i32 to index
        %get3A_883 = tpu.vector_load %arg4[%get3A_879, %get3A_880, %get3A_881, %get3A_882] {strides = array<i32>} : memref<2x4x32x128xf32, #tpu.memory_space<vmem>>, vector<16xf32>,
        %scatter3A_884 = arith.constant 1 : i32
        %scatter3A_885 = arith.constant 0 : i32
        %scatter3A_886 = arith.constant 0 : i32
        %scatter3A_887 = tpu.memref_slice %arg5[%scatter3A_884, %scatter3A_885, %scatter3A_886] : memref<2x512x32xf32, #tpu.memory_space<vmem>> -> memref<1x512x32xf32, #tpu.memory_space<vmem>>
        %scatter3A_888 = tpu.memref_squeeze %scatter3A_887 : memref<1x512x32xf32, #tpu.memory_space<vmem>> -> memref<512x32xf32, #tpu.memory_space<vmem>>
        tpu.vector_store_idx %scatter3A_888[%add3A_582, %broadcast_in_dim3A_45], %get3A_883 : memref<512x32xf32, #tpu.memory_space<vmem>>[vector<16xi32>, vector<16xi32>], vector<16xf32>,
        %add3A_889 = arith.constant 6 : i32
        %add3A_890 = arith.addi %mul3A_580, %add3A_889 : i32
        %get3A_891 = arith.constant 1 : i32
        %get3A_892 = arith.constant 2 : i32
        %get3A_893 = arith.index_cast %get3A_891 : i32 to index
        %get3A_894 = arith.index_cast %get3A_892 : i32 to index
        %get3A_895 = arith.index_cast %add3A_890 : i32 to index
        %get3A_896 = arith.index_cast %sub3A_578 : i32 to index
        %get3A_897 = tpu.vector_load %arg4[%get3A_893, %get3A_894, %get3A_895, %get3A_896] {strides = array<i32>} : memref<2x4x32x128xf32, #tpu.memory_space<vmem>>, vector<16xf32>,
        %scatter3A_898 = arith.constant 1 : i32
        %scatter3A_899 = arith.constant 0 : i32
        %scatter3A_900 = arith.constant 0 : i32
        %scatter3A_901 = tpu.memref_slice %arg5[%scatter3A_898, %scatter3A_899, %scatter3A_900] : memref<2x512x32xf32, #tpu.memory_space<vmem>> -> memref<1x512x32xf32, #tpu.memory_space<vmem>>
        %scatter3A_902 = tpu.memref_squeeze %scatter3A_901 : memref<1x512x32xf32, #tpu.memory_space<vmem>> -> memref<512x32xf32, #tpu.memory_space<vmem>>
        tpu.vector_store_idx %scatter3A_902[%add3A_582, %broadcast_in_dim3A_47], %get3A_897 : memref<512x32xf32, #tpu.memory_space<vmem>>[vector<16xi32>, vector<16xi32>], vector<16xf32>,
        %add3A_903 = arith.constant 7 : i32
        %add3A_904 = arith.addi %mul3A_580, %add3A_903 : i32
        %get3A_905 = arith.constant 1 : i32
        %get3A_906 = arith.constant 2 : i32
        %get3A_907 = arith.index_cast %get3A_905 : i32 to index
        %get3A_908 = arith.index_cast %get3A_906 : i32 to index
        %get3A_909 = arith.index_cast %add3A_904 : i32 to index
        %get3A_910 = arith.index_cast %sub3A_578 : i32 to index
        %get3A_911 = tpu.vector_load %arg4[%get3A_907, %get3A_908, %get3A_909, %get3A_910] {strides = array<i32>} : memref<2x4x32x128xf32, #tpu.memory_space<vmem>>, vector<16xf32>,
        %scatter3A_912 = arith.constant 1 : i32
        %scatter3A_913 = arith.constant 0 : i32
        %scatter3A_914 = arith.constant 0 : i32
        %scatter3A_915 = tpu.memref_slice %arg5[%scatter3A_912, %scatter3A_913, %scatter3A_914] : memref<2x512x32xf32, #tpu.memory_space<vmem>> -> memref<1x512x32xf32, #tpu.memory_space<vmem>>
        %scatter3A_916 = tpu.memref_squeeze %scatter3A_915 : memref<1x512x32xf32, #tpu.memory_space<vmem>> -> memref<512x32xf32, #tpu.memory_space<vmem>>
        tpu.vector_store_idx %scatter3A_916[%add3A_582, %broadcast_in_dim3A_49], %get3A_911 : memref<512x32xf32, #tpu.memory_space<vmem>>[vector<16xi32>, vector<16xi32>], vector<16xf32>,
        %add3A_917 = arith.constant 0 : i32
        %add3A_918 = arith.addi %mul3A_580, %add3A_917 : i32
        %get3A_919 = arith.constant 1 : i32
        %get3A_920 = arith.constant 3 : i32
        %get3A_921 = arith.index_cast %get3A_919 : i32 to index
        %get3A_922 = arith.index_cast %get3A_920 : i32 to index
        %get3A_923 = arith.index_cast %add3A_918 : i32 to index
        %get3A_924 = arith.index_cast %sub3A_578 : i32 to index
        %get3A_925 = tpu.vector_load %arg4[%get3A_921, %get3A_922, %get3A_923, %get3A_924] {strides = array<i32>} : memref<2x4x32x128xf32, #tpu.memory_space<vmem>>, vector<16xf32>,
        %scatter3A_926 = arith.constant 1 : i32
        %scatter3A_927 = arith.constant 0 : i32
        %scatter3A_928 = arith.constant 0 : i32
        %scatter3A_929 = tpu.memref_slice %arg5[%scatter3A_926, %scatter3A_927, %scatter3A_928] : memref<2x512x32xf32, #tpu.memory_space<vmem>> -> memref<1x512x32xf32, #tpu.memory_space<vmem>>
        %scatter3A_930 = tpu.memref_squeeze %scatter3A_929 : memref<1x512x32xf32, #tpu.memory_space<vmem>> -> memref<512x32xf32, #tpu.memory_space<vmem>>
        tpu.vector_store_idx %scatter3A_930[%add3A_582, %broadcast_in_dim3A_51], %get3A_925 : memref<512x32xf32, #tpu.memory_space<vmem>>[vector<16xi32>, vector<16xi32>], vector<16xf32>,
        %add3A_931 = arith.constant 1 : i32
        %add3A_932 = arith.addi %mul3A_580, %add3A_931 : i32
        %get3A_933 = arith.constant 1 : i32
        %get3A_934 = arith.constant 3 : i32
        %get3A_935 = arith.index_cast %get3A_933 : i32 to index
        %get3A_936 = arith.index_cast %get3A_934 : i32 to index
        %get3A_937 = arith.index_cast %add3A_932 : i32 to index
        %get3A_938 = arith.index_cast %sub3A_578 : i32 to index
        %get3A_939 = tpu.vector_load %arg4[%get3A_935, %get3A_936, %get3A_937, %get3A_938] {strides = array<i32>} : memref<2x4x32x128xf32, #tpu.memory_space<vmem>>, vector<16xf32>,
        %scatter3A_940 = arith.constant 1 : i32
        %scatter3A_941 = arith.constant 0 : i32
        %scatter3A_942 = arith.constant 0 : i32
        %scatter3A_943 = tpu.memref_slice %arg5[%scatter3A_940, %scatter3A_941, %scatter3A_942] : memref<2x512x32xf32, #tpu.memory_space<vmem>> -> memref<1x512x32xf32, #tpu.memory_space<vmem>>
        %scatter3A_944 = tpu.memref_squeeze %scatter3A_943 : memref<1x512x32xf32, #tpu.memory_space<vmem>> -> memref<512x32xf32, #tpu.memory_space<vmem>>
        tpu.vector_store_idx %scatter3A_944[%add3A_582, %broadcast_in_dim3A_53], %get3A_939 : memref<512x32xf32, #tpu.memory_space<vmem>>[vector<16xi32>, vector<16xi32>], vector<16xf32>,
        %add3A_945 = arith.constant 2 : i32
        %add3A_946 = arith.addi %mul3A_580, %add3A_945 : i32
        %get3A_947 = arith.constant 1 : i32
        %get3A_948 = arith.constant 3 : i32
        %get3A_949 = arith.index_cast %get3A_947 : i32 to index
        %get3A_950 = arith.index_cast %get3A_948 : i32 to index
        %get3A_951 = arith.index_cast %add3A_946 : i32 to index
        %get3A_952 = arith.index_cast %sub3A_578 : i32 to index
        %get3A_953 = tpu.vector_load %arg4[%get3A_949, %get3A_950, %get3A_951, %get3A_952] {strides = array<i32>} : memref<2x4x32x128xf32, #tpu.memory_space<vmem>>, vector<16xf32>,
        %scatter3A_954 = arith.constant 1 : i32
        %scatter3A_955 = arith.constant 0 : i32
        %scatter3A_956 = arith.constant 0 : i32
        %scatter3A_957 = tpu.memref_slice %arg5[%scatter3A_954, %scatter3A_955, %scatter3A_956] : memref<2x512x32xf32, #tpu.memory_space<vmem>> -> memref<1x512x32xf32, #tpu.memory_space<vmem>>
        %scatter3A_958 = tpu.memref_squeeze %scatter3A_957 : memref<1x512x32xf32, #tpu.memory_space<vmem>> -> memref<512x32xf32, #tpu.memory_space<vmem>>
        tpu.vector_store_idx %scatter3A_958[%add3A_582, %broadcast_in_dim3A_55], %get3A_953 : memref<512x32xf32, #tpu.memory_space<vmem>>[vector<16xi32>, vector<16xi32>], vector<16xf32>,
        %add3A_959 = arith.constant 3 : i32
        %add3A_960 = arith.addi %mul3A_580, %add3A_959 : i32
        %get3A_961 = arith.constant 1 : i32
        %get3A_962 = arith.constant 3 : i32
        %get3A_963 = arith.index_cast %get3A_961 : i32 to index
        %get3A_964 = arith.index_cast %get3A_962 : i32 to index
        %get3A_965 = arith.index_cast %add3A_960 : i32 to index
        %get3A_966 = arith.index_cast %sub3A_578 : i32 to index
        %get3A_967 = tpu.vector_load %arg4[%get3A_963, %get3A_964, %get3A_965, %get3A_966] {strides = array<i32>} : memref<2x4x32x128xf32, #tpu.memory_space<vmem>>, vector<16xf32>,
        %scatter3A_968 = arith.constant 1 : i32
        %scatter3A_969 = arith.constant 0 : i32
        %scatter3A_970 = arith.constant 0 : i32
        %scatter3A_971 = tpu.memref_slice %arg5[%scatter3A_968, %scatter3A_969, %scatter3A_970] : memref<2x512x32xf32, #tpu.memory_space<vmem>> -> memref<1x512x32xf32, #tpu.memory_space<vmem>>
        %scatter3A_972 = tpu.memref_squeeze %scatter3A_971 : memref<1x512x32xf32, #tpu.memory_space<vmem>> -> memref<512x32xf32, #tpu.memory_space<vmem>>
        tpu.vector_store_idx %scatter3A_972[%add3A_582, %broadcast_in_dim3A_57], %get3A_967 : memref<512x32xf32, #tpu.memory_space<vmem>>[vector<16xi32>, vector<16xi32>], vector<16xf32>,
      }
      %scan3A_523 = arith.constant 32 : i32
      %mul3A_524 = arith.constant 512 : i32
      %mul3A_525 = arith.muli %add3A_414, %mul3A_524 : i32
      %add3A_526 = arith.addi %mul3A_2, %mul3A_525 : i32
      %dma_start3A_527 = arith.constant 1 : i32
      %dma_start3A_528 = arith.constant 0 : i32
      %dma_start3A_529 = arith.constant 0 : i32
      %dma_start3A_530 = tpu.memref_slice %arg5[%dma_start3A_527, %dma_start3A_528, %dma_start3A_529] : memref<2x512x32xf32, #tpu.memory_space<vmem>> -> memref<1x512x32xf32, #tpu.memory_space<vmem>>
      %dma_start3A_531 = tpu.memref_squeeze %dma_start3A_530 : memref<1x512x32xf32, #tpu.memory_space<vmem>> -> memref<512x32xf32, #tpu.memory_space<vmem>>
      %dma_start3A_532 = arith.constant 0 : i32
      %dma_start3A_533 = tpu.memref_slice %arg3[%add3A_526, %dma_start3A_532] : memref<2097152x32xf32, #tpu.memory_space<hbm>> -> memref<512x32xf32, #tpu.memory_space<hbm>>
      %dma_start3A_534 = arith.constant 0 : i32
      %dma_start3A_535 = tpu.memref_slice %arg3[%add3A_526, %dma_start3A_534] : memref<2097152x32xf32, #tpu.memory_space<hbm>> -> memref<512x32xf32, #tpu.memory_space<hbm>>
      %dma_start3A_536 = arith.constant 0 : i32
      %dma_start3A_537 = arith.constant 0 : i32
      %dma_start3A_538 = tpu.memref_slice %arg5[%dma_start3A_527, %dma_start3A_536, %dma_start3A_537] : memref<2x512x32xf32, #tpu.memory_space<vmem>> -> memref<1x512x32xf32, #tpu.memory_space<vmem>>
      %dma_start3A_539 = tpu.memref_squeeze %dma_start3A_538 : memref<1x512x32xf32, #tpu.memory_space<vmem>> -> memref<512x32xf32, #tpu.memory_space<vmem>>
      tpu.enqueue_dma source(%dma_start3A_539 : memref<512x32xf32, #tpu.memory_space<vmem>>) target(%dma_start3A_535 : memref<512x32xf32, #tpu.memory_space<hbm>>) target_semaphore(%arg7 : memref<!tpu.dma_semaphore, #tpu.memory_space<semaphore_mem>>)
      %add3A_540 = arith.constant 2 : i32
      %add3A_541 = arith.addi %add3A_414, %add3A_540 : i32
      %lt3A_542 = arith.constant 128 : i32
      %lt3A_543 = arith.cmpi slt, %add3A_541, %lt3A_542 : i32
      %convert_element_type3A_544 = arith.extui %lt3A_543 : i1 to i32
      %cond3A_545 = arith.constant 0 : i32
      %cond3A_546 = arith.cmpi ne, %convert_element_type3A_544, %cond3A_545 : i32
      scf.if %cond3A_546 {
        %add3A_547 = arith.constant 2 : i32
        %add3A_548 = arith.addi %add3A_414, %add3A_547 : i32
        %mul3A_549 = arith.constant 512 : i32
        %mul3A_550 = arith.muli %add3A_548, %mul3A_549 : i32
        %add3A_551 = arith.addi %mul3A_2, %mul3A_550 : i32
        %jit3A_552 = arith.constant 128 : i32
        %div3A_553 = arith.divsi %add3A_551, %jit3A_552 : i32
        %sign3A_554 = arith.constant 0 : i32
        %sign3A_555 = arith.cmpi sgt, %add3A_551, %sign3A_554 : i32
        %sign3A_556 = arith.extui %sign3A_555 : i1 to i32
        %sign3A_557 = arith.constant 0 : i32
        %sign3A_558 = arith.cmpi slt, %add3A_551, %sign3A_557 : i32
        %sign3A_559 = arith.extui %sign3A_558 : i1 to i32
        %sign3A_560 = arith.subi %sign3A_556, %sign3A_559 : i32
        %sign3A_561 = arith.constant 0 : i32
        %sign3A_562 = arith.cmpi sgt, %jit3A_552, %sign3A_561 : i32
        %sign3A_563 = arith.extui %sign3A_562 : i1 to i32
        %sign3A_564 = arith.constant 0 : i32
        %sign3A_565 = arith.cmpi slt, %jit3A_552, %sign3A_564 : i32
        %sign3A_566 = arith.extui %sign3A_565 : i1 to i32
        %sign3A_567 = arith.subi %sign3A_563, %sign3A_566 : i32
        %ne3A_568 = arith.cmpi ne, %sign3A_560, %sign3A_567 : i32
        %rem3A_569 = arith.remsi %add3A_551, %jit3A_552 : i32
        %ne3A_570 = arith.constant 0 : i32
        %ne3A_571 = arith.cmpi ne, %rem3A_569, %ne3A_570 : i32
        %and3A_572 = arith.andi %ne3A_568, %ne3A_571 : i1
        %sub3A_573 = arith.constant 1 : i32
        %sub3A_574 = arith.subi %div3A_553, %sub3A_573 : i32
        %select_n3A_575 = arith.select %and3A_572, %sub3A_574, %div3A_553 : i32
        %add3A_576 = arith.constant 0 : i32
        %add3A_577 = arith.addi %add3A_576, %select_n3A_575 : i32
        %mul3A_578 = arith.constant 8 : i32
        %mul3A_579 = arith.muli %add3A_577, %mul3A_578 : i32
        %add3A_580 = arith.constant 16384 : i32
        %add3A_581 = arith.addi %add3A_580, %select_n3A_575 : i32
        %mul3A_582 = arith.constant 8 : i32
        %mul3A_583 = arith.muli %add3A_581, %mul3A_582 : i32
        %add3A_584 = arith.constant 32768 : i32
        %add3A_585 = arith.addi %add3A_584, %select_n3A_575 : i32
        %mul3A_586 = arith.constant 8 : i32
        %mul3A_587 = arith.muli %add3A_585, %mul3A_586 : i32
        %add3A_588 = arith.constant 49152 : i32
        %add3A_589 = arith.addi %add3A_588, %select_n3A_575 : i32
        %mul3A_590 = arith.constant 8 : i32
        %mul3A_591 = arith.muli %add3A_589, %mul3A_590 : i32
        %dma_start3A_592 = arith.constant 1 : i32
        %dma_start3A_593 = arith.constant 0 : i32
        %dma_start3A_594 = arith.constant 0 : i32
        %dma_start3A_595 = arith.constant 0 : i32
        %dma_start3A_596 = tpu.memref_slice %arg4[%dma_start3A_592, %dma_start3A_593, %dma_start3A_594, %dma_start3A_595] : memref<2x4x32x128xf32, #tpu.memory_space<vmem>> -> memref<1x1x32x128xf32, #tpu.memory_space<vmem>>
        %dma_start3A_597 = tpu.memref_squeeze %dma_start3A_596 : memref<1x1x32x128xf32, #tpu.memory_space<vmem>> -> memref<32x128xf32, #tpu.memory_space<vmem>>
        %dma_start3A_598 = arith.constant 0 : i32
        %dma_start3A_599 = tpu.memref_slice %arg2[%mul3A_579, %dma_start3A_598] : memref<524288x128xf32, #tpu.memory_space<hbm>> -> memref<32x128xf32, #tpu.memory_space<hbm>>
        %dma_start3A_600 = arith.constant 0 : i32
        %dma_start3A_601 = arith.constant 0 : i32
        %dma_start3A_602 = tpu.memref_slice %arg4[%dma_start3A_592, %dma_start3A_593, %dma_start3A_600, %dma_start3A_601] : memref<2x4x32x128xf32, #tpu.memory_space<vmem>> -> memref<1x1x32x128xf32, #tpu.memory_space<vmem>>
        %dma_start3A_603 = tpu.memref_squeeze %dma_start3A_602 : memref<1x1x32x128xf32, #tpu.memory_space<vmem>> -> memref<32x128xf32, #tpu.memory_space<vmem>>
        %dma_start3A_604 = arith.constant 0 : i32
        %dma_start3A_605 = tpu.memref_slice %arg2[%mul3A_579, %dma_start3A_604] : memref<524288x128xf32, #tpu.memory_space<hbm>> -> memref<32x128xf32, #tpu.memory_space<hbm>>
        tpu.enqueue_dma source(%dma_start3A_605 : memref<32x128xf32, #tpu.memory_space<hbm>>) target(%dma_start3A_603 : memref<32x128xf32, #tpu.memory_space<vmem>>) target_semaphore(%arg6 : memref<!tpu.dma_semaphore, #tpu.memory_space<semaphore_mem>>)
        %dma_start3A_606 = arith.constant 1 : i32
        %dma_start3A_607 = arith.constant 1 : i32
        %dma_start3A_608 = arith.constant 0 : i32
        %dma_start3A_609 = arith.constant 0 : i32
        %dma_start3A_610 = tpu.memref_slice %arg4[%dma_start3A_606, %dma_start3A_607, %dma_start3A_608, %dma_start3A_609] : memref<2x4x32x128xf32, #tpu.memory_space<vmem>> -> memref<1x1x32x128xf32, #tpu.memory_space<vmem>>
        %dma_start3A_611 = tpu.memref_squeeze %dma_start3A_610 : memref<1x1x32x128xf32, #tpu.memory_space<vmem>> -> memref<32x128xf32, #tpu.memory_space<vmem>>
        %dma_start3A_612 = arith.constant 0 : i32
        %dma_start3A_613 = tpu.memref_slice %arg2[%mul3A_583, %dma_start3A_612] : memref<524288x128xf32, #tpu.memory_space<hbm>> -> memref<32x128xf32, #tpu.memory_space<hbm>>
        %dma_start3A_614 = arith.constant 0 : i32
        %dma_start3A_615 = arith.constant 0 : i32
        %dma_start3A_616 = tpu.memref_slice %arg4[%dma_start3A_606, %dma_start3A_607, %dma_start3A_614, %dma_start3A_615] : memref<2x4x32x128xf32, #tpu.memory_space<vmem>> -> memref<1x1x32x128xf32, #tpu.memory_space<vmem>>
        %dma_start3A_617 = tpu.memref_squeeze %dma_start3A_616 : memref<1x1x32x128xf32, #tpu.memory_space<vmem>> -> memref<32x128xf32, #tpu.memory_space<vmem>>
        %dma_start3A_618 = arith.constant 0 : i32
        %dma_start3A_619 = tpu.memref_slice %arg2[%mul3A_583, %dma_start3A_618] : memref<524288x128xf32, #tpu.memory_space<hbm>> -> memref<32x128xf32, #tpu.memory_space<hbm>>
        tpu.enqueue_dma source(%dma_start3A_619 : memref<32x128xf32, #tpu.memory_space<hbm>>) target(%dma_start3A_617 : memref<32x128xf32, #tpu.memory_space<vmem>>) target_semaphore(%arg6 : memref<!tpu.dma_semaphore, #tpu.memory_space<semaphore_mem>>)
        %dma_start3A_620 = arith.constant 1 : i32
        %dma_start3A_621 = arith.constant 2 : i32
        %dma_start3A_622 = arith.constant 0 : i32
        %dma_start3A_623 = arith.constant 0 : i32
        %dma_start3A_624 = tpu.memref_slice %arg4[%dma_start3A_620, %dma_start3A_621, %dma_start3A_622, %dma_start3A_623] : memref<2x4x32x128xf32, #tpu.memory_space<vmem>> -> memref<1x1x32x128xf32, #tpu.memory_space<vmem>>
        %dma_start3A_625 = tpu.memref_squeeze %dma_start3A_624 : memref<1x1x32x128xf32, #tpu.memory_space<vmem>> -> memref<32x128xf32, #tpu.memory_space<vmem>>
        %dma_start3A_626 = arith.constant 0 : i32
        %dma_start3A_627 = tpu.memref_slice %arg2[%mul3A_587, %dma_start3A_626] : memref<524288x128xf32, #tpu.memory_space<hbm>> -> memref<32x128xf32, #tpu.memory_space<hbm>>
        %dma_start3A_628 = arith.constant 0 : i32
        %dma_start3A_629 = arith.constant 0 : i32
        %dma_start3A_630 = tpu.memref_slice %arg4[%dma_start3A_620, %dma_start3A_621, %dma_start3A_628, %dma_start3A_629] : memref<2x4x32x128xf32, #tpu.memory_space<vmem>> -> memref<1x1x32x128xf32, #tpu.memory_space<vmem>>
        %dma_start3A_631 = tpu.memref_squeeze %dma_start3A_630 : memref<1x1x32x128xf32, #tpu.memory_space<vmem>> -> memref<32x128xf32, #tpu.memory_space<vmem>>
        %dma_start3A_632 = arith.constant 0 : i32
        %dma_start3A_633 = tpu.memref_slice %arg2[%mul3A_587, %dma_start3A_632] : memref<524288x128xf32, #tpu.memory_space<hbm>> -> memref<32x128xf32, #tpu.memory_space<hbm>>
        tpu.enqueue_dma source(%dma_start3A_633 : memref<32x128xf32, #tpu.memory_space<hbm>>) target(%dma_start3A_631 : memref<32x128xf32, #tpu.memory_space<vmem>>) target_semaphore(%arg6 : memref<!tpu.dma_semaphore, #tpu.memory_space<semaphore_mem>>)
        %dma_start3A_634 = arith.constant 1 : i32
        %dma_start3A_635 = arith.constant 3 : i32
        %dma_start3A_636 = arith.constant 0 : i32
        %dma_start3A_637 = arith.constant 0 : i32
        %dma_start3A_638 = tpu.memref_slice %arg4[%dma_start3A_634, %dma_start3A_635, %dma_start3A_636, %dma_start3A_637] : memref<2x4x32x128xf32, #tpu.memory_space<vmem>> -> memref<1x1x32x128xf32, #tpu.memory_space<vmem>>
        %dma_start3A_639 = tpu.memref_squeeze %dma_start3A_638 : memref<1x1x32x128xf32, #tpu.memory_space<vmem>> -> memref<32x128xf32, #tpu.memory_space<vmem>>
        %dma_start3A_640 = arith.constant 0 : i32
        %dma_start3A_641 = tpu.memref_slice %arg2[%mul3A_591, %dma_start3A_640] : memref<524288x128xf32, #tpu.memory_space<hbm>> -> memref<32x128xf32, #tpu.memory_space<hbm>>
        %dma_start3A_642 = arith.constant 0 : i32
        %dma_start3A_643 = arith.constant 0 : i32
        %dma_start3A_644 = tpu.memref_slice %arg4[%dma_start3A_634, %dma_start3A_635, %dma_start3A_642, %dma_start3A_643] : memref<2x4x32x128xf32, #tpu.memory_space<vmem>> -> memref<1x1x32x128xf32, #tpu.memory_space<vmem>>
        %dma_start3A_645 = tpu.memref_squeeze %dma_start3A_644 : memref<1x1x32x128xf32, #tpu.memory_space<vmem>> -> memref<32x128xf32, #tpu.memory_space<vmem>>
        %dma_start3A_646 = arith.constant 0 : i32
        %dma_start3A_647 = tpu.memref_slice %arg2[%mul3A_591, %dma_start3A_646] : memref<524288x128xf32, #tpu.memory_space<hbm>> -> memref<32x128xf32, #tpu.memory_space<hbm>>
        tpu.enqueue_dma source(%dma_start3A_647 : memref<32x128xf32, #tpu.memory_space<hbm>>) target(%dma_start3A_645 : memref<32x128xf32, #tpu.memory_space<vmem>>) target_semaphore(%arg6 : memref<!tpu.dma_semaphore, #tpu.memory_space<semaphore_mem>>)
      } else {
      }
    }
    %scan3A_248 = arith.constant 64 : i32
    %add3A_249 = arith.constant 64512 : i32
    %add3A_250 = arith.addi %mul3A_2, %add3A_249 : i32
    %dma_wait3A = arith.constant 0 : i32
    %dma_wait3A_251 = arith.constant 0 : i32
    %dma_wait3A_252 = arith.constant 0 : i32
    %dma_wait3A_253 = tpu.memref_slice %arg5[%dma_wait3A, %dma_wait3A_251, %dma_wait3A_252] : memref<2x512x32xf32, #tpu.memory_space<vmem>> -> memref<1x512x32xf32, #tpu.memory_space<vmem>>
    %dma_wait3A_254 = tpu.memref_squeeze %dma_wait3A_253 : memref<1x512x32xf32, #tpu.memory_space<vmem>> -> memref<512x32xf32, #tpu.memory_space<vmem>>
    %dma_wait3A_255 = arith.constant 0 : i32
    %dma_wait3A_256 = tpu.memref_slice %arg3[%add3A_250, %dma_wait3A_255] : memref<2097152x32xf32, #tpu.memory_space<hbm>> -> memref<512x32xf32, #tpu.memory_space<hbm>>
    %dma_wait3A_257 = arith.constant 0 : i32
    %dma_wait3A_258 = tpu.memref_slice %arg3[%add3A_250, %dma_wait3A_257] : memref<2097152x32xf32, #tpu.memory_space<hbm>> -> memref<512x32xf32, #tpu.memory_space<hbm>>
    %dma_wait3A_259 = arith.constant 0 : i32
    %dma_wait3A_260 = arith.constant 0 : i32
    %dma_wait3A_261 = tpu.memref_slice %arg5[%dma_wait3A, %dma_wait3A_259, %dma_wait3A_260] : memref<2x512x32xf32, #tpu.memory_space<vmem>> -> memref<1x512x32xf32, #tpu.memory_space<vmem>>
    %dma_wait3A_262 = tpu.memref_squeeze %dma_wait3A_261 : memref<1x512x32xf32, #tpu.memory_space<vmem>> -> memref<512x32xf32, #tpu.memory_space<vmem>>
    tpu.wait_dma2 semaphore(%arg7 : memref<!tpu.dma_semaphore, #tpu.memory_space<semaphore_mem>>) src(%dma_wait3A_262 : memref<512x32xf32, #tpu.memory_space<vmem>>) dst(%dma_wait3A_258 : memref<512x32xf32, #tpu.memory_space<hbm>>)
    %add3A_263 = arith.constant 65024 : i32
    %add3A_264 = arith.addi %mul3A_2, %add3A_263 : i32
    %dma_wait3A_265 = arith.constant 1 : i32
    %dma_wait3A_266 = arith.constant 0 : i32
    %dma_wait3A_267 = arith.constant 0 : i32
    %dma_wait3A_268 = tpu.memref_slice %arg5[%dma_wait3A_265, %dma_wait3A_266, %dma_wait3A_267] : memref<2x512x32xf32, #tpu.memory_space<vmem>> -> memref<1x512x32xf32, #tpu.memory_space<vmem>>
    %dma_wait3A_269 = tpu.memref_squeeze %dma_wait3A_268 : memref<1x512x32xf32, #tpu.memory_space<vmem>> -> memref<512x32xf32, #tpu.memory_space<vmem>>
    %dma_wait3A_270 = arith.constant 0 : i32
    %dma_wait3A_271 = tpu.memref_slice %arg3[%add3A_264, %dma_wait3A_270] : memref<2097152x32xf32, #tpu.memory_space<hbm>> -> memref<512x32xf32, #tpu.memory_space<hbm>>
    %dma_wait3A_272 = arith.constant 0 : i32
    %dma_wait3A_273 = tpu.memref_slice %arg3[%add3A_264, %dma_wait3A_272] : memref<2097152x32xf32, #tpu.memory_space<hbm>> -> memref<512x32xf32, #tpu.memory_space<hbm>>
    %dma_wait3A_274 = arith.constant 0 : i32
    %dma_wait3A_275 = arith.constant 0 : i32
    %dma_wait3A_276 = tpu.memref_slice %arg5[%dma_wait3A_265, %dma_wait3A_274, %dma_wait3A_275] : memref<2x512x32xf32, #tpu.memory_space<vmem>> -> memref<1x512x32xf32, #tpu.memory_space<vmem>>
    %dma_wait3A_277 = tpu.memref_squeeze %dma_wait3A_276 : memref<1x512x32xf32, #tpu.memory_space<vmem>> -> memref<512x32xf32, #tpu.memory_space<vmem>>
    tpu.wait_dma2 semaphore(%arg7 : memref<!tpu.dma_semaphore, #tpu.memory_space<semaphore_mem>>) src(%dma_wait3A_277 : memref<512x32xf32, #tpu.memory_space<vmem>>) dst(%dma_wait3A_273 : memref<512x32xf32, #tpu.memory_space<hbm>>)
    return
  }
}

#map = affine_map<(d0, d1) -> (0, 0)>
module attributes {stable_mosaic.version = 14 : i64} {
  func.func @_main_body(%arg0: i32, %arg1: i32, %arg2: memref<65536x128xf32, #tpu.memory_space<hbm>>, %arg3: memref<2097152x32xf32, #tpu.memory_space<hbm>>, %arg4: memref<262144x128xf32, #tpu.memory_space<hbm>>, %arg5: memref<2x8x128xf32, #tpu.memory_space<vmem>>, %arg6: memref<2x8x128xi32, #tpu.memory_space<vmem>>, %arg7: memref<2x8x128xf32, #tpu.memory_space<vmem>>, %arg8: memref<2x8x128x32xf32, #tpu.memory_space<vmem>>, %arg9: memref<2x32x128xf32, #tpu.memory_space<vmem>>, %arg10: memref<!tpu.dma_semaphore, #tpu.memory_space<semaphore_mem>>, %arg11: memref<!tpu.dma_semaphore, #tpu.memory_space<semaphore_mem>>, %arg12: memref<!tpu.dma_semaphore, #tpu.memory_space<semaphore_mem>>) attributes {dimension_semantics = [#tpu.dimension_semantics<core_parallel>, #tpu.dimension_semantics<subcore_parallel>], iteration_bounds = array<i64: 2, 16>, scalar_prefetch = 0 : i64, scratch_operands = 8 : i64, tpu.core_type = #tpu.core_type<sc_vector_subcore>, window_params = [{transform_indices = #map}, {transform_indices = #map}, {transform_indices = #map}]} {
    %mul3A = arith.constant 2 : i32
    %mul3A_0 = arith.muli %arg1, %mul3A : i32
    %add3A = arith.addi %mul3A_0, %arg0 : i32
    %mul3A_1 = arith.constant 32768 : i32
    %mul3A_2 = arith.muli %add3A, %mul3A_1 : i32
    %iota3A = tpu.iota {dimensions = array<i32: 0>} : vector<16xi32>
    %add3A_3 = arith.constant 12 : i32
    %add3A_4 = vector.broadcast %add3A_3 : i32 to vector<16xi32>
    %add3A_5 = arith.addi %iota3A, %add3A_4 : vector<16xi32>
    %add3A_6 = arith.constant 0 : i32
    %add3A_7 = arith.addi %mul3A_2, %add3A_6 : i32
    %jit3A = arith.constant 128 : i32
    %div3A = arith.divsi %add3A_7, %jit3A : i32
    %sign3A = arith.constant 0 : i32
    %sign3A_8 = arith.cmpi sgt, %add3A_7, %sign3A : i32
    %sign3A_9 = arith.extui %sign3A_8 : i1 to i32
    %sign3A_10 = arith.constant 0 : i32
    %sign3A_11 = arith.cmpi slt, %add3A_7, %sign3A_10 : i32
    %sign3A_12 = arith.extui %sign3A_11 : i1 to i32
    %sign3A_13 = arith.subi %sign3A_9, %sign3A_12 : i32
    %sign3A_14 = arith.constant 0 : i32
    %sign3A_15 = arith.cmpi sgt, %jit3A, %sign3A_14 : i32
    %sign3A_16 = arith.extui %sign3A_15 : i1 to i32
    %sign3A_17 = arith.constant 0 : i32
    %sign3A_18 = arith.cmpi slt, %jit3A, %sign3A_17 : i32
    %sign3A_19 = arith.extui %sign3A_18 : i1 to i32
    %sign3A_20 = arith.subi %sign3A_16, %sign3A_19 : i32
    %ne3A = arith.cmpi ne, %sign3A_13, %sign3A_20 : i32
    %rem3A = arith.remsi %add3A_7, %jit3A : i32
    %ne3A_21 = arith.constant 0 : i32
    %ne3A_22 = arith.cmpi ne, %rem3A, %ne3A_21 : i32
    %and3A = arith.andi %ne3A, %ne3A_22 : i1
    %sub3A = arith.constant 1 : i32
    %sub3A_23 = arith.subi %div3A, %sub3A : i32
    %select_n3A = arith.select %and3A, %sub3A_23, %div3A : i32
    %mul3A_24 = arith.constant 8 : i32
    %mul3A_25 = arith.muli %select_n3A, %mul3A_24 : i32
    %dma_start3A = arith.constant 0 : i32
    %dma_start3A_26 = arith.constant 0 : i32
    %dma_start3A_27 = arith.constant 0 : i32
    %dma_start3A_28 = tpu.memref_slice %arg5[%dma_start3A, %dma_start3A_26, %dma_start3A_27] : memref<2x8x128xf32, #tpu.memory_space<vmem>> -> memref<1x8x128xf32, #tpu.memory_space<vmem>>
    %dma_start3A_29 = tpu.memref_squeeze %dma_start3A_28 : memref<1x8x128xf32, #tpu.memory_space<vmem>> -> memref<8x128xf32, #tpu.memory_space<vmem>>
    %dma_start3A_30 = arith.constant 0 : i32
    %dma_start3A_31 = tpu.memref_slice %arg2[%mul3A_25, %dma_start3A_30] : memref<65536x128xf32, #tpu.memory_space<hbm>> -> memref<8x128xf32, #tpu.memory_space<hbm>>
    %dma_start3A_32 = arith.constant 0 : i32
    %dma_start3A_33 = arith.constant 0 : i32
    %dma_start3A_34 = tpu.memref_slice %arg5[%dma_start3A, %dma_start3A_32, %dma_start3A_33] : memref<2x8x128xf32, #tpu.memory_space<vmem>> -> memref<1x8x128xf32, #tpu.memory_space<vmem>>
    %dma_start3A_35 = tpu.memref_squeeze %dma_start3A_34 : memref<1x8x128xf32, #tpu.memory_space<vmem>> -> memref<8x128xf32, #tpu.memory_space<vmem>>
    %dma_start3A_36 = arith.constant 0 : i32
    %dma_start3A_37 = tpu.memref_slice %arg2[%mul3A_25, %dma_start3A_36] : memref<65536x128xf32, #tpu.memory_space<hbm>> -> memref<8x128xf32, #tpu.memory_space<hbm>>
    tpu.enqueue_dma source(%dma_start3A_37 : memref<8x128xf32, #tpu.memory_space<hbm>>) target(%dma_start3A_35 : memref<8x128xf32, #tpu.memory_space<vmem>>) target_semaphore(%arg10 : memref<!tpu.dma_semaphore, #tpu.memory_space<semaphore_mem>>)
    %scan3A = arith.constant 0 : i32
    %scan3A_38 = arith.constant 128 : i32
    %scan3A_39 = arith.addi %scan3A, %scan3A_38 : i32
    %scan3A_40 = arith.constant 1 : i32
    scf.for %scan3A_534 = %scan3A to %scan3A_39 step %scan3A_40  : i32 {
      %mul3A_535 = arith.constant 2 : i32
      %mul3A_536 = arith.muli %scan3A_534, %mul3A_535 : i32
      %add3A_537 = arith.constant 0 : i32
      %add3A_538 = arith.addi %add3A_537, %mul3A_536 : i32
      %add3A_539 = arith.constant 0 : i32
      %add3A_540 = arith.addi %add3A_538, %add3A_539 : i32
      %mul3A_541 = arith.constant 128 : i32
      %mul3A_542 = arith.muli %add3A_540, %mul3A_541 : i32
      %add3A_543 = arith.addi %mul3A_2, %mul3A_542 : i32
      %jit3A_544 = arith.constant 128 : i32
      %div3A_545 = arith.divsi %add3A_543, %jit3A_544 : i32
      %sign3A_546 = arith.constant 0 : i32
      %sign3A_547 = arith.cmpi sgt, %add3A_543, %sign3A_546 : i32
      %sign3A_548 = arith.extui %sign3A_547 : i1 to i32
      %sign3A_549 = arith.constant 0 : i32
      %sign3A_550 = arith.cmpi slt, %add3A_543, %sign3A_549 : i32
      %sign3A_551 = arith.extui %sign3A_550 : i1 to i32
      %sign3A_552 = arith.subi %sign3A_548, %sign3A_551 : i32
      %sign3A_553 = arith.constant 0 : i32
      %sign3A_554 = arith.cmpi sgt, %jit3A_544, %sign3A_553 : i32
      %sign3A_555 = arith.extui %sign3A_554 : i1 to i32
      %sign3A_556 = arith.constant 0 : i32
      %sign3A_557 = arith.cmpi slt, %jit3A_544, %sign3A_556 : i32
      %sign3A_558 = arith.extui %sign3A_557 : i1 to i32
      %sign3A_559 = arith.subi %sign3A_555, %sign3A_558 : i32
      %ne3A_560 = arith.cmpi ne, %sign3A_552, %sign3A_559 : i32
      %rem3A_561 = arith.remsi %add3A_543, %jit3A_544 : i32
      %ne3A_562 = arith.constant 0 : i32
      %ne3A_563 = arith.cmpi ne, %rem3A_561, %ne3A_562 : i32
      %and3A_564 = arith.andi %ne3A_560, %ne3A_563 : i1
      %sub3A_565 = arith.constant 1 : i32
      %sub3A_566 = arith.subi %div3A_545, %sub3A_565 : i32
      %select_n3A_567 = arith.select %and3A_564, %sub3A_566, %div3A_545 : i32
      %mul3A_568 = arith.constant 8 : i32
      %mul3A_569 = arith.muli %select_n3A_567, %mul3A_568 : i32
      %dma_wait3A_570 = arith.constant 0 : i32
      %dma_wait3A_571 = arith.constant 0 : i32
      %dma_wait3A_572 = arith.constant 0 : i32
      %dma_wait3A_573 = tpu.memref_slice %arg5[%dma_wait3A_570, %dma_wait3A_571, %dma_wait3A_572] : memref<2x8x128xf32, #tpu.memory_space<vmem>> -> memref<1x8x128xf32, #tpu.memory_space<vmem>>
      %dma_wait3A_574 = tpu.memref_squeeze %dma_wait3A_573 : memref<1x8x128xf32, #tpu.memory_space<vmem>> -> memref<8x128xf32, #tpu.memory_space<vmem>>
      %dma_wait3A_575 = arith.constant 0 : i32
      %dma_wait3A_576 = tpu.memref_slice %arg2[%mul3A_569, %dma_wait3A_575] : memref<65536x128xf32, #tpu.memory_space<hbm>> -> memref<8x128xf32, #tpu.memory_space<hbm>>
      %dma_wait3A_577 = arith.constant 0 : i32
      %dma_wait3A_578 = arith.constant 0 : i32
      %dma_wait3A_579 = tpu.memref_slice %arg5[%dma_wait3A_570, %dma_wait3A_577, %dma_wait3A_578] : memref<2x8x128xf32, #tpu.memory_space<vmem>> -> memref<1x8x128xf32, #tpu.memory_space<vmem>>
      %dma_wait3A_580 = tpu.memref_squeeze %dma_wait3A_579 : memref<1x8x128xf32, #tpu.memory_space<vmem>> -> memref<8x128xf32, #tpu.memory_space<vmem>>
      %dma_wait3A_581 = arith.constant 0 : i32
      %dma_wait3A_582 = tpu.memref_slice %arg2[%mul3A_569, %dma_wait3A_581] : memref<65536x128xf32, #tpu.memory_space<hbm>> -> memref<8x128xf32, #tpu.memory_space<hbm>>
      tpu.wait_dma2 semaphore(%arg10 : memref<!tpu.dma_semaphore, #tpu.memory_space<semaphore_mem>>) src(%dma_wait3A_582 : memref<8x128xf32, #tpu.memory_space<hbm>>) dst(%dma_wait3A_580 : memref<8x128xf32, #tpu.memory_space<vmem>>)
      %add3A_583 = arith.constant 1 : i32
      %add3A_584 = arith.addi %add3A_540, %add3A_583 : i32
      %lt3A = arith.constant 256 : i32
      %lt3A_585 = arith.cmpi slt, %add3A_584, %lt3A : i32
      %convert_element_type3A = arith.extui %lt3A_585 : i1 to i32
      %cond3A = arith.constant 0 : i32
      %cond3A_586 = arith.cmpi ne, %convert_element_type3A, %cond3A : i32
      scf.if %cond3A_586 {
        %add3A_881 = arith.constant 1 : i32
        %add3A_882 = arith.addi %add3A_540, %add3A_881 : i32
        %mul3A_883 = arith.constant 128 : i32
        %mul3A_884 = arith.muli %add3A_882, %mul3A_883 : i32
        %add3A_885 = arith.addi %mul3A_2, %mul3A_884 : i32
        %jit3A_886 = arith.constant 128 : i32
        %div3A_887 = arith.divsi %add3A_885, %jit3A_886 : i32
        %sign3A_888 = arith.constant 0 : i32
        %sign3A_889 = arith.cmpi sgt, %add3A_885, %sign3A_888 : i32
        %sign3A_890 = arith.extui %sign3A_889 : i1 to i32
        %sign3A_891 = arith.constant 0 : i32
        %sign3A_892 = arith.cmpi slt, %add3A_885, %sign3A_891 : i32
        %sign3A_893 = arith.extui %sign3A_892 : i1 to i32
        %sign3A_894 = arith.subi %sign3A_890, %sign3A_893 : i32
        %sign3A_895 = arith.constant 0 : i32
        %sign3A_896 = arith.cmpi sgt, %jit3A_886, %sign3A_895 : i32
        %sign3A_897 = arith.extui %sign3A_896 : i1 to i32
        %sign3A_898 = arith.constant 0 : i32
        %sign3A_899 = arith.cmpi slt, %jit3A_886, %sign3A_898 : i32
        %sign3A_900 = arith.extui %sign3A_899 : i1 to i32
        %sign3A_901 = arith.subi %sign3A_897, %sign3A_900 : i32
        %ne3A_902 = arith.cmpi ne, %sign3A_894, %sign3A_901 : i32
        %rem3A_903 = arith.remsi %add3A_885, %jit3A_886 : i32
        %ne3A_904 = arith.constant 0 : i32
        %ne3A_905 = arith.cmpi ne, %rem3A_903, %ne3A_904 : i32
        %and3A_906 = arith.andi %ne3A_902, %ne3A_905 : i1
        %sub3A_907 = arith.constant 1 : i32
        %sub3A_908 = arith.subi %div3A_887, %sub3A_907 : i32
        %select_n3A_909 = arith.select %and3A_906, %sub3A_908, %div3A_887 : i32
        %mul3A_910 = arith.constant 8 : i32
        %mul3A_911 = arith.muli %select_n3A_909, %mul3A_910 : i32
        %dma_start3A_912 = arith.constant 1 : i32
        %dma_start3A_913 = arith.constant 0 : i32
        %dma_start3A_914 = arith.constant 0 : i32
        %dma_start3A_915 = tpu.memref_slice %arg5[%dma_start3A_912, %dma_start3A_913, %dma_start3A_914] : memref<2x8x128xf32, #tpu.memory_space<vmem>> -> memref<1x8x128xf32, #tpu.memory_space<vmem>>
        %dma_start3A_916 = tpu.memref_squeeze %dma_start3A_915 : memref<1x8x128xf32, #tpu.memory_space<vmem>> -> memref<8x128xf32, #tpu.memory_space<vmem>>
        %dma_start3A_917 = arith.constant 0 : i32
        %dma_start3A_918 = tpu.memref_slice %arg2[%mul3A_911, %dma_start3A_917] : memref<65536x128xf32, #tpu.memory_space<hbm>> -> memref<8x128xf32, #tpu.memory_space<hbm>>
        %dma_start3A_919 = arith.constant 0 : i32
        %dma_start3A_920 = arith.constant 0 : i32
        %dma_start3A_921 = tpu.memref_slice %arg5[%dma_start3A_912, %dma_start3A_919, %dma_start3A_920] : memref<2x8x128xf32, #tpu.memory_space<vmem>> -> memref<1x8x128xf32, #tpu.memory_space<vmem>>
        %dma_start3A_922 = tpu.memref_squeeze %dma_start3A_921 : memref<1x8x128xf32, #tpu.memory_space<vmem>> -> memref<8x128xf32, #tpu.memory_space<vmem>>
        %dma_start3A_923 = arith.constant 0 : i32
        %dma_start3A_924 = tpu.memref_slice %arg2[%mul3A_911, %dma_start3A_923] : memref<65536x128xf32, #tpu.memory_space<hbm>> -> memref<8x128xf32, #tpu.memory_space<hbm>>
        tpu.enqueue_dma source(%dma_start3A_924 : memref<8x128xf32, #tpu.memory_space<hbm>>) target(%dma_start3A_922 : memref<8x128xf32, #tpu.memory_space<vmem>>) target_semaphore(%arg10 : memref<!tpu.dma_semaphore, #tpu.memory_space<semaphore_mem>>)
      } else {
      }
      %scan3A_587 = arith.constant 0 : i32
      %scan3A_588 = arith.constant 8 : i32
      %scan3A_589 = arith.addi %scan3A_587, %scan3A_588 : i32
      %scan3A_590 = arith.constant 1 : i32
      scf.for %scan3A_881 = %scan3A_587 to %scan3A_589 step %scan3A_590  : i32 {
        %mul3A_882 = arith.constant 16 : i32
        %mul3A_883 = arith.muli %scan3A_881, %mul3A_882 : i32
        %add3A_884 = arith.constant 0 : i32
        %add3A_885 = arith.addi %add3A_884, %mul3A_883 : i32
        %get3A = arith.constant 0 : i32
        %get3A_886 = arith.constant 0 : i32
        %get3A_887 = arith.index_cast %get3A : i32 to index
        %get3A_888 = arith.index_cast %get3A_886 : i32 to index
        %get3A_889 = arith.index_cast %add3A_885 : i32 to index
        %get3A_890 = tpu.vector_load %arg5[%get3A_887, %get3A_888, %get3A_889] {strides = array<i32>} : memref<2x8x128xf32, #tpu.memory_space<vmem>>, vector<16xf32>,
        %mul3A_891 = arith.constant 1.270000e+02 : f32
        %mul3A_892 = vector.broadcast %mul3A_891 : f32 to vector<16xf32>
        %mul3A_893 = arith.mulf %get3A_890, %mul3A_892 : vector<16xf32>
        %get3A_894 = arith.constant 0 : i32
        %get3A_895 = arith.constant 1 : i32
        %get3A_896 = arith.index_cast %get3A_894 : i32 to index
        %get3A_897 = arith.index_cast %get3A_895 : i32 to index
        %get3A_898 = arith.index_cast %add3A_885 : i32 to index
        %get3A_899 = tpu.vector_load %arg5[%get3A_896, %get3A_897, %get3A_898] {strides = array<i32>} : memref<2x8x128xf32, #tpu.memory_space<vmem>>, vector<16xf32>,
        %mul3A_900 = arith.constant 1.270000e+02 : f32
        %mul3A_901 = vector.broadcast %mul3A_900 : f32 to vector<16xf32>
        %mul3A_902 = arith.mulf %get3A_899, %mul3A_901 : vector<16xf32>
        %get3A_903 = arith.constant 0 : i32
        %get3A_904 = arith.constant 2 : i32
        %get3A_905 = arith.index_cast %get3A_903 : i32 to index
        %get3A_906 = arith.index_cast %get3A_904 : i32 to index
        %get3A_907 = arith.index_cast %add3A_885 : i32 to index
        %get3A_908 = tpu.vector_load %arg5[%get3A_905, %get3A_906, %get3A_907] {strides = array<i32>} : memref<2x8x128xf32, #tpu.memory_space<vmem>>, vector<16xf32>,
        %mul3A_909 = arith.constant 1.270000e+02 : f32
        %mul3A_910 = vector.broadcast %mul3A_909 : f32 to vector<16xf32>
        %mul3A_911 = arith.mulf %get3A_908, %mul3A_910 : vector<16xf32>
        %convert_element_type3A_912 = arith.fptosi %mul3A_893 : vector<16xf32> to vector<16xi32>
        %max3A = arith.constant 0 : i32
        %max3A_913 = vector.broadcast %max3A : i32 to vector<16xi32>
        %max3A_914 = arith.maxsi %convert_element_type3A_912, %max3A_913 : vector<16xi32>
        %min3A = arith.constant 126 : i32
        %min3A_915 = vector.broadcast %min3A : i32 to vector<16xi32>
        %min3A_916 = arith.minsi %max3A_914, %min3A_915 : vector<16xi32>
        %convert_element_type3A_917 = arith.fptosi %mul3A_902 : vector<16xf32> to vector<16xi32>
        %max3A_918 = arith.constant 0 : i32
        %max3A_919 = vector.broadcast %max3A_918 : i32 to vector<16xi32>
        %max3A_920 = arith.maxsi %convert_element_type3A_917, %max3A_919 : vector<16xi32>
        %min3A_921 = arith.constant 126 : i32
        %min3A_922 = vector.broadcast %min3A_921 : i32 to vector<16xi32>
        %min3A_923 = arith.minsi %max3A_920, %min3A_922 : vector<16xi32>
        %convert_element_type3A_924 = arith.fptosi %mul3A_911 : vector<16xf32> to vector<16xi32>
        %max3A_925 = arith.constant 0 : i32
        %max3A_926 = vector.broadcast %max3A_925 : i32 to vector<16xi32>
        %max3A_927 = arith.maxsi %convert_element_type3A_924, %max3A_926 : vector<16xi32>
        %min3A_928 = arith.constant 126 : i32
        %min3A_929 = vector.broadcast %min3A_928 : i32 to vector<16xi32>
        %min3A_930 = arith.minsi %max3A_927, %min3A_929 : vector<16xi32>
        %convert_element_type3A_931 = arith.sitofp %min3A_916 : vector<16xi32> to vector<16xf32>
        %sub3A_932 = arith.subf %mul3A_893, %convert_element_type3A_931 : vector<16xf32>
        %convert_element_type3A_933 = arith.sitofp %min3A_923 : vector<16xi32> to vector<16xf32>
        %sub3A_934 = arith.subf %mul3A_902, %convert_element_type3A_933 : vector<16xf32>
        %convert_element_type3A_935 = arith.sitofp %min3A_930 : vector<16xi32> to vector<16xf32>
        %sub3A_936 = arith.subf %mul3A_911, %convert_element_type3A_935 : vector<16xf32>
        %sub3A_937 = arith.constant 1.000000e+00 : f32
        %sub3A_938 = vector.broadcast %sub3A_937 : f32 to vector<16xf32>
        %sub3A_939 = arith.subf %sub3A_938, %sub3A_932 : vector<16xf32>
        %sub3A_940 = arith.constant 1.000000e+00 : f32
        %sub3A_941 = vector.broadcast %sub3A_940 : f32 to vector<16xf32>
        %sub3A_942 = arith.subf %sub3A_941, %sub3A_934 : vector<16xf32>
        %sub3A_943 = arith.constant 1.000000e+00 : f32
        %sub3A_944 = vector.broadcast %sub3A_943 : f32 to vector<16xf32>
        %sub3A_945 = arith.subf %sub3A_944, %sub3A_936 : vector<16xf32>
        %mul3A_946 = arith.constant 128 : i32
        %mul3A_947 = vector.broadcast %mul3A_946 : i32 to vector<16xi32>
        %mul3A_948 = arith.muli %min3A_916, %mul3A_947 : vector<16xi32>
        %add3A_949 = arith.addi %mul3A_948, %min3A_923 : vector<16xi32>
        %mul3A_950 = arith.constant 128 : i32
        %mul3A_951 = vector.broadcast %mul3A_950 : i32 to vector<16xi32>
        %mul3A_952 = arith.muli %add3A_949, %mul3A_951 : vector<16xi32>
        %add3A_953 = arith.addi %mul3A_952, %min3A_930 : vector<16xi32>
        %add3A_954 = arith.constant 0 : i32
        %add3A_955 = vector.broadcast %add3A_954 : i32 to vector<16xi32>
        %add3A_956 = arith.addi %add3A_953, %add3A_955 : vector<16xi32>
        %swap3A = arith.constant 0 : i32
        %swap3A_957 = arith.constant 0 : i32
        %swap3A_958 = arith.index_cast %swap3A : i32 to index
        %swap3A_959 = arith.index_cast %swap3A_957 : i32 to index
        %swap3A_960 = arith.index_cast %add3A_885 : i32 to index
        %swap3A_961 = tpu.vector_load %arg6[%swap3A_958, %swap3A_959, %swap3A_960] {strides = array<i32>} : memref<2x8x128xi32, #tpu.memory_space<vmem>>, vector<16xi32>,
        tpu.vector_store %arg6[%swap3A_958, %swap3A_959, %swap3A_960], %add3A_956 {strides = array<i32>} : memref<2x8x128xi32, #tpu.memory_space<vmem>>, vector<16xi32>,
        %mul3A_962 = arith.mulf %sub3A_939, %sub3A_942 : vector<16xf32>
        %mul3A_963 = arith.mulf %mul3A_962, %sub3A_945 : vector<16xf32>
        %swap3A_964 = arith.constant 0 : i32
        %swap3A_965 = arith.constant 0 : i32
        %swap3A_966 = arith.index_cast %swap3A_964 : i32 to index
        %swap3A_967 = arith.index_cast %swap3A_965 : i32 to index
        %swap3A_968 = arith.index_cast %add3A_885 : i32 to index
        %swap3A_969 = tpu.vector_load %arg7[%swap3A_966, %swap3A_967, %swap3A_968] {strides = array<i32>} : memref<2x8x128xf32, #tpu.memory_space<vmem>>, vector<16xf32>,
        tpu.vector_store %arg7[%swap3A_966, %swap3A_967, %swap3A_968], %mul3A_963 {strides = array<i32>} : memref<2x8x128xf32, #tpu.memory_space<vmem>>, vector<16xf32>,
        %add3A_970 = arith.constant 1 : i32
        %add3A_971 = vector.broadcast %add3A_970 : i32 to vector<16xi32>
        %add3A_972 = arith.addi %add3A_953, %add3A_971 : vector<16xi32>
        %swap3A_973 = arith.constant 0 : i32
        %swap3A_974 = arith.constant 1 : i32
        %swap3A_975 = arith.index_cast %swap3A_973 : i32 to index
        %swap3A_976 = arith.index_cast %swap3A_974 : i32 to index
        %swap3A_977 = arith.index_cast %add3A_885 : i32 to index
        %swap3A_978 = tpu.vector_load %arg6[%swap3A_975, %swap3A_976, %swap3A_977] {strides = array<i32>} : memref<2x8x128xi32, #tpu.memory_space<vmem>>, vector<16xi32>,
        tpu.vector_store %arg6[%swap3A_975, %swap3A_976, %swap3A_977], %add3A_972 {strides = array<i32>} : memref<2x8x128xi32, #tpu.memory_space<vmem>>, vector<16xi32>,
        %mul3A_979 = arith.mulf %sub3A_939, %sub3A_942 : vector<16xf32>
        %mul3A_980 = arith.mulf %mul3A_979, %sub3A_936 : vector<16xf32>
        %swap3A_981 = arith.constant 0 : i32
        %swap3A_982 = arith.constant 1 : i32
        %swap3A_983 = arith.index_cast %swap3A_981 : i32 to index
        %swap3A_984 = arith.index_cast %swap3A_982 : i32 to index
        %swap3A_985 = arith.index_cast %add3A_885 : i32 to index
        %swap3A_986 = tpu.vector_load %arg7[%swap3A_983, %swap3A_984, %swap3A_985] {strides = array<i32>} : memref<2x8x128xf32, #tpu.memory_space<vmem>>, vector<16xf32>,
        tpu.vector_store %arg7[%swap3A_983, %swap3A_984, %swap3A_985], %mul3A_980 {strides = array<i32>} : memref<2x8x128xf32, #tpu.memory_space<vmem>>, vector<16xf32>,
        %add3A_987 = arith.constant 128 : i32
        %add3A_988 = vector.broadcast %add3A_987 : i32 to vector<16xi32>
        %add3A_989 = arith.addi %add3A_953, %add3A_988 : vector<16xi32>
        %swap3A_990 = arith.constant 0 : i32
        %swap3A_991 = arith.constant 2 : i32
        %swap3A_992 = arith.index_cast %swap3A_990 : i32 to index
        %swap3A_993 = arith.index_cast %swap3A_991 : i32 to index
        %swap3A_994 = arith.index_cast %add3A_885 : i32 to index
        %swap3A_995 = tpu.vector_load %arg6[%swap3A_992, %swap3A_993, %swap3A_994] {strides = array<i32>} : memref<2x8x128xi32, #tpu.memory_space<vmem>>, vector<16xi32>,
        tpu.vector_store %arg6[%swap3A_992, %swap3A_993, %swap3A_994], %add3A_989 {strides = array<i32>} : memref<2x8x128xi32, #tpu.memory_space<vmem>>, vector<16xi32>,
        %mul3A_996 = arith.mulf %sub3A_939, %sub3A_934 : vector<16xf32>
        %mul3A_997 = arith.mulf %mul3A_996, %sub3A_945 : vector<16xf32>
        %swap3A_998 = arith.constant 0 : i32
        %swap3A_999 = arith.constant 2 : i32
        %swap3A_1000 = arith.index_cast %swap3A_998 : i32 to index
        %swap3A_1001 = arith.index_cast %swap3A_999 : i32 to index
        %swap3A_1002 = arith.index_cast %add3A_885 : i32 to index
        %swap3A_1003 = tpu.vector_load %arg7[%swap3A_1000, %swap3A_1001, %swap3A_1002] {strides = array<i32>} : memref<2x8x128xf32, #tpu.memory_space<vmem>>, vector<16xf32>,
        tpu.vector_store %arg7[%swap3A_1000, %swap3A_1001, %swap3A_1002], %mul3A_997 {strides = array<i32>} : memref<2x8x128xf32, #tpu.memory_space<vmem>>, vector<16xf32>,
        %add3A_1004 = arith.constant 129 : i32
        %add3A_1005 = vector.broadcast %add3A_1004 : i32 to vector<16xi32>
        %add3A_1006 = arith.addi %add3A_953, %add3A_1005 : vector<16xi32>
        %swap3A_1007 = arith.constant 0 : i32
        %swap3A_1008 = arith.constant 3 : i32
        %swap3A_1009 = arith.index_cast %swap3A_1007 : i32 to index
        %swap3A_1010 = arith.index_cast %swap3A_1008 : i32 to index
        %swap3A_1011 = arith.index_cast %add3A_885 : i32 to index
        %swap3A_1012 = tpu.vector_load %arg6[%swap3A_1009, %swap3A_1010, %swap3A_1011] {strides = array<i32>} : memref<2x8x128xi32, #tpu.memory_space<vmem>>, vector<16xi32>,
        tpu.vector_store %arg6[%swap3A_1009, %swap3A_1010, %swap3A_1011], %add3A_1006 {strides = array<i32>} : memref<2x8x128xi32, #tpu.memory_space<vmem>>, vector<16xi32>,
        %mul3A_1013 = arith.mulf %sub3A_939, %sub3A_934 : vector<16xf32>
        %mul3A_1014 = arith.mulf %mul3A_1013, %sub3A_936 : vector<16xf32>
        %swap3A_1015 = arith.constant 0 : i32
        %swap3A_1016 = arith.constant 3 : i32
        %swap3A_1017 = arith.index_cast %swap3A_1015 : i32 to index
        %swap3A_1018 = arith.index_cast %swap3A_1016 : i32 to index
        %swap3A_1019 = arith.index_cast %add3A_885 : i32 to index
        %swap3A_1020 = tpu.vector_load %arg7[%swap3A_1017, %swap3A_1018, %swap3A_1019] {strides = array<i32>} : memref<2x8x128xf32, #tpu.memory_space<vmem>>, vector<16xf32>,
        tpu.vector_store %arg7[%swap3A_1017, %swap3A_1018, %swap3A_1019], %mul3A_1014 {strides = array<i32>} : memref<2x8x128xf32, #tpu.memory_space<vmem>>, vector<16xf32>,
        %add3A_1021 = arith.constant 16384 : i32
        %add3A_1022 = vector.broadcast %add3A_1021 : i32 to vector<16xi32>
        %add3A_1023 = arith.addi %add3A_953, %add3A_1022 : vector<16xi32>
        %swap3A_1024 = arith.constant 0 : i32
        %swap3A_1025 = arith.constant 4 : i32
        %swap3A_1026 = arith.index_cast %swap3A_1024 : i32 to index
        %swap3A_1027 = arith.index_cast %swap3A_1025 : i32 to index
        %swap3A_1028 = arith.index_cast %add3A_885 : i32 to index
        %swap3A_1029 = tpu.vector_load %arg6[%swap3A_1026, %swap3A_1027, %swap3A_1028] {strides = array<i32>} : memref<2x8x128xi32, #tpu.memory_space<vmem>>, vector<16xi32>,
        tpu.vector_store %arg6[%swap3A_1026, %swap3A_1027, %swap3A_1028], %add3A_1023 {strides = array<i32>} : memref<2x8x128xi32, #tpu.memory_space<vmem>>, vector<16xi32>,
        %mul3A_1030 = arith.mulf %sub3A_932, %sub3A_942 : vector<16xf32>
        %mul3A_1031 = arith.mulf %mul3A_1030, %sub3A_945 : vector<16xf32>
        %swap3A_1032 = arith.constant 0 : i32
        %swap3A_1033 = arith.constant 4 : i32
        %swap3A_1034 = arith.index_cast %swap3A_1032 : i32 to index
        %swap3A_1035 = arith.index_cast %swap3A_1033 : i32 to index
        %swap3A_1036 = arith.index_cast %add3A_885 : i32 to index
        %swap3A_1037 = tpu.vector_load %arg7[%swap3A_1034, %swap3A_1035, %swap3A_1036] {strides = array<i32>} : memref<2x8x128xf32, #tpu.memory_space<vmem>>, vector<16xf32>,
        tpu.vector_store %arg7[%swap3A_1034, %swap3A_1035, %swap3A_1036], %mul3A_1031 {strides = array<i32>} : memref<2x8x128xf32, #tpu.memory_space<vmem>>, vector<16xf32>,
        %add3A_1038 = arith.constant 16385 : i32
        %add3A_1039 = vector.broadcast %add3A_1038 : i32 to vector<16xi32>
        %add3A_1040 = arith.addi %add3A_953, %add3A_1039 : vector<16xi32>
        %swap3A_1041 = arith.constant 0 : i32
        %swap3A_1042 = arith.constant 5 : i32
        %swap3A_1043 = arith.index_cast %swap3A_1041 : i32 to index
        %swap3A_1044 = arith.index_cast %swap3A_1042 : i32 to index
        %swap3A_1045 = arith.index_cast %add3A_885 : i32 to index
        %swap3A_1046 = tpu.vector_load %arg6[%swap3A_1043, %swap3A_1044, %swap3A_1045] {strides = array<i32>} : memref<2x8x128xi32, #tpu.memory_space<vmem>>, vector<16xi32>,
        tpu.vector_store %arg6[%swap3A_1043, %swap3A_1044, %swap3A_1045], %add3A_1040 {strides = array<i32>} : memref<2x8x128xi32, #tpu.memory_space<vmem>>, vector<16xi32>,
        %mul3A_1047 = arith.mulf %sub3A_932, %sub3A_942 : vector<16xf32>
        %mul3A_1048 = arith.mulf %mul3A_1047, %sub3A_936 : vector<16xf32>
        %swap3A_1049 = arith.constant 0 : i32
        %swap3A_1050 = arith.constant 5 : i32
        %swap3A_1051 = arith.index_cast %swap3A_1049 : i32 to index
        %swap3A_1052 = arith.index_cast %swap3A_1050 : i32 to index
        %swap3A_1053 = arith.index_cast %add3A_885 : i32 to index
        %swap3A_1054 = tpu.vector_load %arg7[%swap3A_1051, %swap3A_1052, %swap3A_1053] {strides = array<i32>} : memref<2x8x128xf32, #tpu.memory_space<vmem>>, vector<16xf32>,
        tpu.vector_store %arg7[%swap3A_1051, %swap3A_1052, %swap3A_1053], %mul3A_1048 {strides = array<i32>} : memref<2x8x128xf32, #tpu.memory_space<vmem>>, vector<16xf32>,
        %add3A_1055 = arith.constant 16512 : i32
        %add3A_1056 = vector.broadcast %add3A_1055 : i32 to vector<16xi32>
        %add3A_1057 = arith.addi %add3A_953, %add3A_1056 : vector<16xi32>
        %swap3A_1058 = arith.constant 0 : i32
        %swap3A_1059 = arith.constant 6 : i32
        %swap3A_1060 = arith.index_cast %swap3A_1058 : i32 to index
        %swap3A_1061 = arith.index_cast %swap3A_1059 : i32 to index
        %swap3A_1062 = arith.index_cast %add3A_885 : i32 to index
        %swap3A_1063 = tpu.vector_load %arg6[%swap3A_1060, %swap3A_1061, %swap3A_1062] {strides = array<i32>} : memref<2x8x128xi32, #tpu.memory_space<vmem>>, vector<16xi32>,
        tpu.vector_store %arg6[%swap3A_1060, %swap3A_1061, %swap3A_1062], %add3A_1057 {strides = array<i32>} : memref<2x8x128xi32, #tpu.memory_space<vmem>>, vector<16xi32>,
        %mul3A_1064 = arith.mulf %sub3A_932, %sub3A_934 : vector<16xf32>
        %mul3A_1065 = arith.mulf %mul3A_1064, %sub3A_945 : vector<16xf32>
        %swap3A_1066 = arith.constant 0 : i32
        %swap3A_1067 = arith.constant 6 : i32
        %swap3A_1068 = arith.index_cast %swap3A_1066 : i32 to index
        %swap3A_1069 = arith.index_cast %swap3A_1067 : i32 to index
        %swap3A_1070 = arith.index_cast %add3A_885 : i32 to index
        %swap3A_1071 = tpu.vector_load %arg7[%swap3A_1068, %swap3A_1069, %swap3A_1070] {strides = array<i32>} : memref<2x8x128xf32, #tpu.memory_space<vmem>>, vector<16xf32>,
        tpu.vector_store %arg7[%swap3A_1068, %swap3A_1069, %swap3A_1070], %mul3A_1065 {strides = array<i32>} : memref<2x8x128xf32, #tpu.memory_space<vmem>>, vector<16xf32>,
        %add3A_1072 = arith.constant 16513 : i32
        %add3A_1073 = vector.broadcast %add3A_1072 : i32 to vector<16xi32>
        %add3A_1074 = arith.addi %add3A_953, %add3A_1073 : vector<16xi32>
        %swap3A_1075 = arith.constant 0 : i32
        %swap3A_1076 = arith.constant 7 : i32
        %swap3A_1077 = arith.index_cast %swap3A_1075 : i32 to index
        %swap3A_1078 = arith.index_cast %swap3A_1076 : i32 to index
        %swap3A_1079 = arith.index_cast %add3A_885 : i32 to index
        %swap3A_1080 = tpu.vector_load %arg6[%swap3A_1077, %swap3A_1078, %swap3A_1079] {strides = array<i32>} : memref<2x8x128xi32, #tpu.memory_space<vmem>>, vector<16xi32>,
        tpu.vector_store %arg6[%swap3A_1077, %swap3A_1078, %swap3A_1079], %add3A_1074 {strides = array<i32>} : memref<2x8x128xi32, #tpu.memory_space<vmem>>, vector<16xi32>,
        %mul3A_1081 = arith.mulf %sub3A_932, %sub3A_934 : vector<16xf32>
        %mul3A_1082 = arith.mulf %mul3A_1081, %sub3A_936 : vector<16xf32>
        %swap3A_1083 = arith.constant 0 : i32
        %swap3A_1084 = arith.constant 7 : i32
        %swap3A_1085 = arith.index_cast %swap3A_1083 : i32 to index
        %swap3A_1086 = arith.index_cast %swap3A_1084 : i32 to index
        %swap3A_1087 = arith.index_cast %add3A_885 : i32 to index
        %swap3A_1088 = tpu.vector_load %arg7[%swap3A_1085, %swap3A_1086, %swap3A_1087] {strides = array<i32>} : memref<2x8x128xf32, #tpu.memory_space<vmem>>, vector<16xf32>,
        tpu.vector_store %arg7[%swap3A_1085, %swap3A_1086, %swap3A_1087], %mul3A_1082 {strides = array<i32>} : memref<2x8x128xf32, #tpu.memory_space<vmem>>, vector<16xf32>,
      }
      %scan3A_591 = arith.constant 8 : i32
      %dma_start3A_592 = arith.constant 0 : i32
      %dma_start3A_593 = arith.constant 0 : i32
      %dma_start3A_594 = arith.constant 0 : i32
      %dma_start3A_595 = arith.constant 0 : i32
      %dma_start3A_596 = arith.constant 0 : i32
      %dma_start3A_597 = arith.constant 0 : i32
      %dma_start3A_598 = tpu.memref_slice %arg8[%dma_start3A_594, %dma_start3A_595, %dma_start3A_596, %dma_start3A_597] : memref<2x8x128x32xf32, #tpu.memory_space<vmem>> -> memref<1x1x128x32xf32, #tpu.memory_space<vmem>>
      %dma_start3A_599 = tpu.memref_squeeze %dma_start3A_598 : memref<1x1x128x32xf32, #tpu.memory_space<vmem>> -> memref<128x32xf32, #tpu.memory_space<vmem>>
      %dma_start3A_600 = arith.constant 0 : i32
      %dma_start3A_601 = tpu.memref_slice %arg6[%dma_start3A_592, %dma_start3A_593, %dma_start3A_600] : memref<2x8x128xi32, #tpu.memory_space<vmem>> -> memref<1x1x128xi32, #tpu.memory_space<vmem>>
      %dma_start3A_602 = tpu.memref_squeeze %dma_start3A_601 : memref<1x1x128xi32, #tpu.memory_space<vmem>> -> memref<128xi32, #tpu.memory_space<vmem>>
      %dma_start3A_603 = arith.constant 0 : i32
      %dma_start3A_604 = arith.constant 0 : i32
      %dma_start3A_605 = tpu.memref_slice %arg3[%dma_start3A_603, %dma_start3A_604] : memref<2097152x32xf32, #tpu.memory_space<hbm>> -> memref<2097152x32xf32, #tpu.memory_space<hbm>>
      tpu.enqueue_indirect_dma source(%dma_start3A_605 : memref<2097152x32xf32, #tpu.memory_space<hbm>>) target(%dma_start3A_599 : memref<128x32xf32, #tpu.memory_space<vmem>>) offsets(%dma_start3A_602 : memref<128xi32, #tpu.memory_space<vmem>>) semaphore(%arg11 : memref<!tpu.dma_semaphore, #tpu.memory_space<semaphore_mem>>)
      %dma_start3A_606 = arith.constant 0 : i32
      %dma_start3A_607 = arith.constant 1 : i32
      %dma_start3A_608 = arith.constant 0 : i32
      %dma_start3A_609 = arith.constant 1 : i32
      %dma_start3A_610 = arith.constant 0 : i32
      %dma_start3A_611 = arith.constant 0 : i32
      %dma_start3A_612 = tpu.memref_slice %arg8[%dma_start3A_608, %dma_start3A_609, %dma_start3A_610, %dma_start3A_611] : memref<2x8x128x32xf32, #tpu.memory_space<vmem>> -> memref<1x1x128x32xf32, #tpu.memory_space<vmem>>
      %dma_start3A_613 = tpu.memref_squeeze %dma_start3A_612 : memref<1x1x128x32xf32, #tpu.memory_space<vmem>> -> memref<128x32xf32, #tpu.memory_space<vmem>>
      %dma_start3A_614 = arith.constant 0 : i32
      %dma_start3A_615 = tpu.memref_slice %arg6[%dma_start3A_606, %dma_start3A_607, %dma_start3A_614] : memref<2x8x128xi32, #tpu.memory_space<vmem>> -> memref<1x1x128xi32, #tpu.memory_space<vmem>>
      %dma_start3A_616 = tpu.memref_squeeze %dma_start3A_615 : memref<1x1x128xi32, #tpu.memory_space<vmem>> -> memref<128xi32, #tpu.memory_space<vmem>>
      %dma_start3A_617 = arith.constant 0 : i32
      %dma_start3A_618 = arith.constant 0 : i32
      %dma_start3A_619 = tpu.memref_slice %arg3[%dma_start3A_617, %dma_start3A_618] : memref<2097152x32xf32, #tpu.memory_space<hbm>> -> memref<2097152x32xf32, #tpu.memory_space<hbm>>
      tpu.enqueue_indirect_dma source(%dma_start3A_619 : memref<2097152x32xf32, #tpu.memory_space<hbm>>) target(%dma_start3A_613 : memref<128x32xf32, #tpu.memory_space<vmem>>) offsets(%dma_start3A_616 : memref<128xi32, #tpu.memory_space<vmem>>) semaphore(%arg11 : memref<!tpu.dma_semaphore, #tpu.memory_space<semaphore_mem>>)
      %dma_start3A_620 = arith.constant 0 : i32
      %dma_start3A_621 = arith.constant 2 : i32
      %dma_start3A_622 = arith.constant 0 : i32
      %dma_start3A_623 = arith.constant 2 : i32
      %dma_start3A_624 = arith.constant 0 : i32
      %dma_start3A_625 = arith.constant 0 : i32
      %dma_start3A_626 = tpu.memref_slice %arg8[%dma_start3A_622, %dma_start3A_623, %dma_start3A_624, %dma_start3A_625] : memref<2x8x128x32xf32, #tpu.memory_space<vmem>> -> memref<1x1x128x32xf32, #tpu.memory_space<vmem>>
      %dma_start3A_627 = tpu.memref_squeeze %dma_start3A_626 : memref<1x1x128x32xf32, #tpu.memory_space<vmem>> -> memref<128x32xf32, #tpu.memory_space<vmem>>
      %dma_start3A_628 = arith.constant 0 : i32
      %dma_start3A_629 = tpu.memref_slice %arg6[%dma_start3A_620, %dma_start3A_621, %dma_start3A_628] : memref<2x8x128xi32, #tpu.memory_space<vmem>> -> memref<1x1x128xi32, #tpu.memory_space<vmem>>
      %dma_start3A_630 = tpu.memref_squeeze %dma_start3A_629 : memref<1x1x128xi32, #tpu.memory_space<vmem>> -> memref<128xi32, #tpu.memory_space<vmem>>
      %dma_start3A_631 = arith.constant 0 : i32
      %dma_start3A_632 = arith.constant 0 : i32
      %dma_start3A_633 = tpu.memref_slice %arg3[%dma_start3A_631, %dma_start3A_632] : memref<2097152x32xf32, #tpu.memory_space<hbm>> -> memref<2097152x32xf32, #tpu.memory_space<hbm>>
      tpu.enqueue_indirect_dma source(%dma_start3A_633 : memref<2097152x32xf32, #tpu.memory_space<hbm>>) target(%dma_start3A_627 : memref<128x32xf32, #tpu.memory_space<vmem>>) offsets(%dma_start3A_630 : memref<128xi32, #tpu.memory_space<vmem>>) semaphore(%arg11 : memref<!tpu.dma_semaphore, #tpu.memory_space<semaphore_mem>>)
      %dma_start3A_634 = arith.constant 0 : i32
      %dma_start3A_635 = arith.constant 3 : i32
      %dma_start3A_636 = arith.constant 0 : i32
      %dma_start3A_637 = arith.constant 3 : i32
      %dma_start3A_638 = arith.constant 0 : i32
      %dma_start3A_639 = arith.constant 0 : i32
      %dma_start3A_640 = tpu.memref_slice %arg8[%dma_start3A_636, %dma_start3A_637, %dma_start3A_638, %dma_start3A_639] : memref<2x8x128x32xf32, #tpu.memory_space<vmem>> -> memref<1x1x128x32xf32, #tpu.memory_space<vmem>>
      %dma_start3A_641 = tpu.memref_squeeze %dma_start3A_640 : memref<1x1x128x32xf32, #tpu.memory_space<vmem>> -> memref<128x32xf32, #tpu.memory_space<vmem>>
      %dma_start3A_642 = arith.constant 0 : i32
      %dma_start3A_643 = tpu.memref_slice %arg6[%dma_start3A_634, %dma_start3A_635, %dma_start3A_642] : memref<2x8x128xi32, #tpu.memory_space<vmem>> -> memref<1x1x128xi32, #tpu.memory_space<vmem>>
      %dma_start3A_644 = tpu.memref_squeeze %dma_start3A_643 : memref<1x1x128xi32, #tpu.memory_space<vmem>> -> memref<128xi32, #tpu.memory_space<vmem>>
      %dma_start3A_645 = arith.constant 0 : i32
      %dma_start3A_646 = arith.constant 0 : i32
      %dma_start3A_647 = tpu.memref_slice %arg3[%dma_start3A_645, %dma_start3A_646] : memref<2097152x32xf32, #tpu.memory_space<hbm>> -> memref<2097152x32xf32, #tpu.memory_space<hbm>>
      tpu.enqueue_indirect_dma source(%dma_start3A_647 : memref<2097152x32xf32, #tpu.memory_space<hbm>>) target(%dma_start3A_641 : memref<128x32xf32, #tpu.memory_space<vmem>>) offsets(%dma_start3A_644 : memref<128xi32, #tpu.memory_space<vmem>>) semaphore(%arg11 : memref<!tpu.dma_semaphore, #tpu.memory_space<semaphore_mem>>)
      %dma_start3A_648 = arith.constant 0 : i32
      %dma_start3A_649 = arith.constant 4 : i32
      %dma_start3A_650 = arith.constant 0 : i32
      %dma_start3A_651 = arith.constant 4 : i32
      %dma_start3A_652 = arith.constant 0 : i32
      %dma_start3A_653 = arith.constant 0 : i32
      %dma_start3A_654 = tpu.memref_slice %arg8[%dma_start3A_650, %dma_start3A_651, %dma_start3A_652, %dma_start3A_653] : memref<2x8x128x32xf32, #tpu.memory_space<vmem>> -> memref<1x1x128x32xf32, #tpu.memory_space<vmem>>
      %dma_start3A_655 = tpu.memref_squeeze %dma_start3A_654 : memref<1x1x128x32xf32, #tpu.memory_space<vmem>> -> memref<128x32xf32, #tpu.memory_space<vmem>>
      %dma_start3A_656 = arith.constant 0 : i32
      %dma_start3A_657 = tpu.memref_slice %arg6[%dma_start3A_648, %dma_start3A_649, %dma_start3A_656] : memref<2x8x128xi32, #tpu.memory_space<vmem>> -> memref<1x1x128xi32, #tpu.memory_space<vmem>>
      %dma_start3A_658 = tpu.memref_squeeze %dma_start3A_657 : memref<1x1x128xi32, #tpu.memory_space<vmem>> -> memref<128xi32, #tpu.memory_space<vmem>>
      %dma_start3A_659 = arith.constant 0 : i32
      %dma_start3A_660 = arith.constant 0 : i32
      %dma_start3A_661 = tpu.memref_slice %arg3[%dma_start3A_659, %dma_start3A_660] : memref<2097152x32xf32, #tpu.memory_space<hbm>> -> memref<2097152x32xf32, #tpu.memory_space<hbm>>
      tpu.enqueue_indirect_dma source(%dma_start3A_661 : memref<2097152x32xf32, #tpu.memory_space<hbm>>) target(%dma_start3A_655 : memref<128x32xf32, #tpu.memory_space<vmem>>) offsets(%dma_start3A_658 : memref<128xi32, #tpu.memory_space<vmem>>) semaphore(%arg11 : memref<!tpu.dma_semaphore, #tpu.memory_space<semaphore_mem>>)
      %dma_start3A_662 = arith.constant 0 : i32
      %dma_start3A_663 = arith.constant 5 : i32
      %dma_start3A_664 = arith.constant 0 : i32
      %dma_start3A_665 = arith.constant 5 : i32
      %dma_start3A_666 = arith.constant 0 : i32
      %dma_start3A_667 = arith.constant 0 : i32
      %dma_start3A_668 = tpu.memref_slice %arg8[%dma_start3A_664, %dma_start3A_665, %dma_start3A_666, %dma_start3A_667] : memref<2x8x128x32xf32, #tpu.memory_space<vmem>> -> memref<1x1x128x32xf32, #tpu.memory_space<vmem>>
      %dma_start3A_669 = tpu.memref_squeeze %dma_start3A_668 : memref<1x1x128x32xf32, #tpu.memory_space<vmem>> -> memref<128x32xf32, #tpu.memory_space<vmem>>
      %dma_start3A_670 = arith.constant 0 : i32
      %dma_start3A_671 = tpu.memref_slice %arg6[%dma_start3A_662, %dma_start3A_663, %dma_start3A_670] : memref<2x8x128xi32, #tpu.memory_space<vmem>> -> memref<1x1x128xi32, #tpu.memory_space<vmem>>
      %dma_start3A_672 = tpu.memref_squeeze %dma_start3A_671 : memref<1x1x128xi32, #tpu.memory_space<vmem>> -> memref<128xi32, #tpu.memory_space<vmem>>
      %dma_start3A_673 = arith.constant 0 : i32
      %dma_start3A_674 = arith.constant 0 : i32
      %dma_start3A_675 = tpu.memref_slice %arg3[%dma_start3A_673, %dma_start3A_674] : memref<2097152x32xf32, #tpu.memory_space<hbm>> -> memref<2097152x32xf32, #tpu.memory_space<hbm>>
      tpu.enqueue_indirect_dma source(%dma_start3A_675 : memref<2097152x32xf32, #tpu.memory_space<hbm>>) target(%dma_start3A_669 : memref<128x32xf32, #tpu.memory_space<vmem>>) offsets(%dma_start3A_672 : memref<128xi32, #tpu.memory_space<vmem>>) semaphore(%arg11 : memref<!tpu.dma_semaphore, #tpu.memory_space<semaphore_mem>>)
      %dma_start3A_676 = arith.constant 0 : i32
      %dma_start3A_677 = arith.constant 6 : i32
      %dma_start3A_678 = arith.constant 0 : i32
      %dma_start3A_679 = arith.constant 6 : i32
      %dma_start3A_680 = arith.constant 0 : i32
      %dma_start3A_681 = arith.constant 0 : i32
      %dma_start3A_682 = tpu.memref_slice %arg8[%dma_start3A_678, %dma_start3A_679, %dma_start3A_680, %dma_start3A_681] : memref<2x8x128x32xf32, #tpu.memory_space<vmem>> -> memref<1x1x128x32xf32, #tpu.memory_space<vmem>>
      %dma_start3A_683 = tpu.memref_squeeze %dma_start3A_682 : memref<1x1x128x32xf32, #tpu.memory_space<vmem>> -> memref<128x32xf32, #tpu.memory_space<vmem>>
      %dma_start3A_684 = arith.constant 0 : i32
      %dma_start3A_685 = tpu.memref_slice %arg6[%dma_start3A_676, %dma_start3A_677, %dma_start3A_684] : memref<2x8x128xi32, #tpu.memory_space<vmem>> -> memref<1x1x128xi32, #tpu.memory_space<vmem>>
      %dma_start3A_686 = tpu.memref_squeeze %dma_start3A_685 : memref<1x1x128xi32, #tpu.memory_space<vmem>> -> memref<128xi32, #tpu.memory_space<vmem>>
      %dma_start3A_687 = arith.constant 0 : i32
      %dma_start3A_688 = arith.constant 0 : i32
      %dma_start3A_689 = tpu.memref_slice %arg3[%dma_start3A_687, %dma_start3A_688] : memref<2097152x32xf32, #tpu.memory_space<hbm>> -> memref<2097152x32xf32, #tpu.memory_space<hbm>>
      tpu.enqueue_indirect_dma source(%dma_start3A_689 : memref<2097152x32xf32, #tpu.memory_space<hbm>>) target(%dma_start3A_683 : memref<128x32xf32, #tpu.memory_space<vmem>>) offsets(%dma_start3A_686 : memref<128xi32, #tpu.memory_space<vmem>>) semaphore(%arg11 : memref<!tpu.dma_semaphore, #tpu.memory_space<semaphore_mem>>)
      %dma_start3A_690 = arith.constant 0 : i32
      %dma_start3A_691 = arith.constant 7 : i32
      %dma_start3A_692 = arith.constant 0 : i32
      %dma_start3A_693 = arith.constant 7 : i32
      %dma_start3A_694 = arith.constant 0 : i32
      %dma_start3A_695 = arith.constant 0 : i32
      %dma_start3A_696 = tpu.memref_slice %arg8[%dma_start3A_692, %dma_start3A_693, %dma_start3A_694, %dma_start3A_695] : memref<2x8x128x32xf32, #tpu.memory_space<vmem>> -> memref<1x1x128x32xf32, #tpu.memory_space<vmem>>
      %dma_start3A_697 = tpu.memref_squeeze %dma_start3A_696 : memref<1x1x128x32xf32, #tpu.memory_space<vmem>> -> memref<128x32xf32, #tpu.memory_space<vmem>>
      %dma_start3A_698 = arith.constant 0 : i32
      %dma_start3A_699 = tpu.memref_slice %arg6[%dma_start3A_690, %dma_start3A_691, %dma_start3A_698] : memref<2x8x128xi32, #tpu.memory_space<vmem>> -> memref<1x1x128xi32, #tpu.memory_space<vmem>>
      %dma_start3A_700 = tpu.memref_squeeze %dma_start3A_699 : memref<1x1x128xi32, #tpu.memory_space<vmem>> -> memref<128xi32, #tpu.memory_space<vmem>>
      %dma_start3A_701 = arith.constant 0 : i32
      %dma_start3A_702 = arith.constant 0 : i32
      %dma_start3A_703 = tpu.memref_slice %arg3[%dma_start3A_701, %dma_start3A_702] : memref<2097152x32xf32, #tpu.memory_space<hbm>> -> memref<2097152x32xf32, #tpu.memory_space<hbm>>
      tpu.enqueue_indirect_dma source(%dma_start3A_703 : memref<2097152x32xf32, #tpu.memory_space<hbm>>) target(%dma_start3A_697 : memref<128x32xf32, #tpu.memory_space<vmem>>) offsets(%dma_start3A_700 : memref<128xi32, #tpu.memory_space<vmem>>) semaphore(%arg11 : memref<!tpu.dma_semaphore, #tpu.memory_space<semaphore_mem>>)
      %ge3A = arith.constant 1 : i32
      %ge3A_704 = arith.cmpi sge, %add3A_540, %ge3A : i32
      %convert_element_type3A_705 = arith.extui %ge3A_704 : i1 to i32
      %cond3A_706 = arith.constant 0 : i32
      %cond3A_707 = arith.cmpi ne, %convert_element_type3A_705, %cond3A_706 : i32
      scf.if %cond3A_707 {
        %ge3A_881 = arith.constant 3 : i32
        %ge3A_882 = arith.cmpi sge, %add3A_540, %ge3A_881 : i32
        %convert_element_type3A_883 = arith.extui %ge3A_882 : i1 to i32
        %cond3A_884 = arith.constant 0 : i32
        %cond3A_885 = arith.cmpi ne, %convert_element_type3A_883, %cond3A_884 : i32
        scf.if %cond3A_885 {
          %sub3A_1100 = arith.constant 3 : i32
          %sub3A_1101 = arith.subi %add3A_540, %sub3A_1100 : i32
          %mul3A_1102 = arith.constant 128 : i32
          %mul3A_1103 = arith.muli %sub3A_1101, %mul3A_1102 : i32
          %add3A_1104 = arith.addi %mul3A_2, %mul3A_1103 : i32
          %jit3A_1105 = arith.constant 128 : i32
          %div3A_1106 = arith.divsi %add3A_1104, %jit3A_1105 : i32
          %sign3A_1107 = arith.constant 0 : i32
          %sign3A_1108 = arith.cmpi sgt, %add3A_1104, %sign3A_1107 : i32
          %sign3A_1109 = arith.extui %sign3A_1108 : i1 to i32
          %sign3A_1110 = arith.constant 0 : i32
          %sign3A_1111 = arith.cmpi slt, %add3A_1104, %sign3A_1110 : i32
          %sign3A_1112 = arith.extui %sign3A_1111 : i1 to i32
          %sign3A_1113 = arith.subi %sign3A_1109, %sign3A_1112 : i32
          %sign3A_1114 = arith.constant 0 : i32
          %sign3A_1115 = arith.cmpi sgt, %jit3A_1105, %sign3A_1114 : i32
          %sign3A_1116 = arith.extui %sign3A_1115 : i1 to i32
          %sign3A_1117 = arith.constant 0 : i32
          %sign3A_1118 = arith.cmpi slt, %jit3A_1105, %sign3A_1117 : i32
          %sign3A_1119 = arith.extui %sign3A_1118 : i1 to i32
          %sign3A_1120 = arith.subi %sign3A_1116, %sign3A_1119 : i32
          %ne3A_1121 = arith.cmpi ne, %sign3A_1113, %sign3A_1120 : i32
          %rem3A_1122 = arith.remsi %add3A_1104, %jit3A_1105 : i32
          %ne3A_1123 = arith.constant 0 : i32
          %ne3A_1124 = arith.cmpi ne, %rem3A_1122, %ne3A_1123 : i32
          %and3A_1125 = arith.andi %ne3A_1121, %ne3A_1124 : i1
          %sub3A_1126 = arith.constant 1 : i32
          %sub3A_1127 = arith.subi %div3A_1106, %sub3A_1126 : i32
          %select_n3A_1128 = arith.select %and3A_1125, %sub3A_1127, %div3A_1106 : i32
          %add3A_1129 = arith.constant 0 : i32
          %add3A_1130 = arith.addi %add3A_1129, %select_n3A_1128 : i32
          %mul3A_1131 = arith.constant 8 : i32
          %mul3A_1132 = arith.muli %add3A_1130, %mul3A_1131 : i32
          %add3A_1133 = arith.constant 8192 : i32
          %add3A_1134 = arith.addi %add3A_1133, %select_n3A_1128 : i32
          %mul3A_1135 = arith.constant 8 : i32
          %mul3A_1136 = arith.muli %add3A_1134, %mul3A_1135 : i32
          %add3A_1137 = arith.constant 16384 : i32
          %add3A_1138 = arith.addi %add3A_1137, %select_n3A_1128 : i32
          %mul3A_1139 = arith.constant 8 : i32
          %mul3A_1140 = arith.muli %add3A_1138, %mul3A_1139 : i32
          %add3A_1141 = arith.constant 24576 : i32
          %add3A_1142 = arith.addi %add3A_1141, %select_n3A_1128 : i32
          %mul3A_1143 = arith.constant 8 : i32
          %mul3A_1144 = arith.muli %add3A_1142, %mul3A_1143 : i32
          %dma_wait3A_1145 = arith.constant 1 : i32
          %dma_wait3A_1146 = arith.constant 0 : i32
          %dma_wait3A_1147 = arith.constant 0 : i32
          %dma_wait3A_1148 = tpu.memref_slice %arg9[%dma_wait3A_1145, %dma_wait3A_1146, %dma_wait3A_1147] : memref<2x32x128xf32, #tpu.memory_space<vmem>> -> memref<1x8x128xf32, #tpu.memory_space<vmem>>
          %dma_wait3A_1149 = tpu.memref_squeeze %dma_wait3A_1148 : memref<1x8x128xf32, #tpu.memory_space<vmem>> -> memref<8x128xf32, #tpu.memory_space<vmem>>
          %dma_wait3A_1150 = arith.constant 0 : i32
          %dma_wait3A_1151 = tpu.memref_slice %arg4[%mul3A_1132, %dma_wait3A_1150] : memref<262144x128xf32, #tpu.memory_space<hbm>> -> memref<8x128xf32, #tpu.memory_space<hbm>>
          %dma_wait3A_1152 = arith.constant 0 : i32
          %dma_wait3A_1153 = tpu.memref_slice %arg4[%mul3A_1132, %dma_wait3A_1152] : memref<262144x128xf32, #tpu.memory_space<hbm>> -> memref<8x128xf32, #tpu.memory_space<hbm>>
          %dma_wait3A_1154 = arith.constant 0 : i32
          %dma_wait3A_1155 = arith.constant 0 : i32
          %dma_wait3A_1156 = tpu.memref_slice %arg9[%dma_wait3A_1145, %dma_wait3A_1154, %dma_wait3A_1155] : memref<2x32x128xf32, #tpu.memory_space<vmem>> -> memref<1x8x128xf32, #tpu.memory_space<vmem>>
          %dma_wait3A_1157 = tpu.memref_squeeze %dma_wait3A_1156 : memref<1x8x128xf32, #tpu.memory_space<vmem>> -> memref<8x128xf32, #tpu.memory_space<vmem>>
          tpu.wait_dma2 semaphore(%arg12 : memref<!tpu.dma_semaphore, #tpu.memory_space<semaphore_mem>>) src(%dma_wait3A_1157 : memref<8x128xf32, #tpu.memory_space<vmem>>) dst(%dma_wait3A_1153 : memref<8x128xf32, #tpu.memory_space<hbm>>)
          %dma_wait3A_1158 = arith.constant 1 : i32
          %dma_wait3A_1159 = arith.constant 8 : i32
          %dma_wait3A_1160 = arith.constant 0 : i32
          %dma_wait3A_1161 = tpu.memref_slice %arg9[%dma_wait3A_1158, %dma_wait3A_1159, %dma_wait3A_1160] : memref<2x32x128xf32, #tpu.memory_space<vmem>> -> memref<1x8x128xf32, #tpu.memory_space<vmem>>
          %dma_wait3A_1162 = tpu.memref_squeeze %dma_wait3A_1161 : memref<1x8x128xf32, #tpu.memory_space<vmem>> -> memref<8x128xf32, #tpu.memory_space<vmem>>
          %dma_wait3A_1163 = arith.constant 0 : i32
          %dma_wait3A_1164 = tpu.memref_slice %arg4[%mul3A_1136, %dma_wait3A_1163] : memref<262144x128xf32, #tpu.memory_space<hbm>> -> memref<8x128xf32, #tpu.memory_space<hbm>>
          %dma_wait3A_1165 = arith.constant 0 : i32
          %dma_wait3A_1166 = tpu.memref_slice %arg4[%mul3A_1136, %dma_wait3A_1165] : memref<262144x128xf32, #tpu.memory_space<hbm>> -> memref<8x128xf32, #tpu.memory_space<hbm>>
          %dma_wait3A_1167 = arith.constant 8 : i32
          %dma_wait3A_1168 = arith.constant 0 : i32
          %dma_wait3A_1169 = tpu.memref_slice %arg9[%dma_wait3A_1158, %dma_wait3A_1167, %dma_wait3A_1168] : memref<2x32x128xf32, #tpu.memory_space<vmem>> -> memref<1x8x128xf32, #tpu.memory_space<vmem>>
          %dma_wait3A_1170 = tpu.memref_squeeze %dma_wait3A_1169 : memref<1x8x128xf32, #tpu.memory_space<vmem>> -> memref<8x128xf32, #tpu.memory_space<vmem>>
          tpu.wait_dma2 semaphore(%arg12 : memref<!tpu.dma_semaphore, #tpu.memory_space<semaphore_mem>>) src(%dma_wait3A_1170 : memref<8x128xf32, #tpu.memory_space<vmem>>) dst(%dma_wait3A_1166 : memref<8x128xf32, #tpu.memory_space<hbm>>)
          %dma_wait3A_1171 = arith.constant 1 : i32
          %dma_wait3A_1172 = arith.constant 16 : i32
          %dma_wait3A_1173 = arith.constant 0 : i32
          %dma_wait3A_1174 = tpu.memref_slice %arg9[%dma_wait3A_1171, %dma_wait3A_1172, %dma_wait3A_1173] : memref<2x32x128xf32, #tpu.memory_space<vmem>> -> memref<1x8x128xf32, #tpu.memory_space<vmem>>
          %dma_wait3A_1175 = tpu.memref_squeeze %dma_wait3A_1174 : memref<1x8x128xf32, #tpu.memory_space<vmem>> -> memref<8x128xf32, #tpu.memory_space<vmem>>
          %dma_wait3A_1176 = arith.constant 0 : i32
          %dma_wait3A_1177 = tpu.memref_slice %arg4[%mul3A_1140, %dma_wait3A_1176] : memref<262144x128xf32, #tpu.memory_space<hbm>> -> memref<8x128xf32, #tpu.memory_space<hbm>>
          %dma_wait3A_1178 = arith.constant 0 : i32
          %dma_wait3A_1179 = tpu.memref_slice %arg4[%mul3A_1140, %dma_wait3A_1178] : memref<262144x128xf32, #tpu.memory_space<hbm>> -> memref<8x128xf32, #tpu.memory_space<hbm>>
          %dma_wait3A_1180 = arith.constant 16 : i32
          %dma_wait3A_1181 = arith.constant 0 : i32
          %dma_wait3A_1182 = tpu.memref_slice %arg9[%dma_wait3A_1171, %dma_wait3A_1180, %dma_wait3A_1181] : memref<2x32x128xf32, #tpu.memory_space<vmem>> -> memref<1x8x128xf32, #tpu.memory_space<vmem>>
          %dma_wait3A_1183 = tpu.memref_squeeze %dma_wait3A_1182 : memref<1x8x128xf32, #tpu.memory_space<vmem>> -> memref<8x128xf32, #tpu.memory_space<vmem>>
          tpu.wait_dma2 semaphore(%arg12 : memref<!tpu.dma_semaphore, #tpu.memory_space<semaphore_mem>>) src(%dma_wait3A_1183 : memref<8x128xf32, #tpu.memory_space<vmem>>) dst(%dma_wait3A_1179 : memref<8x128xf32, #tpu.memory_space<hbm>>)
          %dma_wait3A_1184 = arith.constant 1 : i32
          %dma_wait3A_1185 = arith.constant 24 : i32
          %dma_wait3A_1186 = arith.constant 0 : i32
          %dma_wait3A_1187 = tpu.memref_slice %arg9[%dma_wait3A_1184, %dma_wait3A_1185, %dma_wait3A_1186] : memref<2x32x128xf32, #tpu.memory_space<vmem>> -> memref<1x8x128xf32, #tpu.memory_space<vmem>>
          %dma_wait3A_1188 = tpu.memref_squeeze %dma_wait3A_1187 : memref<1x8x128xf32, #tpu.memory_space<vmem>> -> memref<8x128xf32, #tpu.memory_space<vmem>>
          %dma_wait3A_1189 = arith.constant 0 : i32
          %dma_wait3A_1190 = tpu.memref_slice %arg4[%mul3A_1144, %dma_wait3A_1189] : memref<262144x128xf32, #tpu.memory_space<hbm>> -> memref<8x128xf32, #tpu.memory_space<hbm>>
          %dma_wait3A_1191 = arith.constant 0 : i32
          %dma_wait3A_1192 = tpu.memref_slice %arg4[%mul3A_1144, %dma_wait3A_1191] : memref<262144x128xf32, #tpu.memory_space<hbm>> -> memref<8x128xf32, #tpu.memory_space<hbm>>
          %dma_wait3A_1193 = arith.constant 24 : i32
          %dma_wait3A_1194 = arith.constant 0 : i32
          %dma_wait3A_1195 = tpu.memref_slice %arg9[%dma_wait3A_1184, %dma_wait3A_1193, %dma_wait3A_1194] : memref<2x32x128xf32, #tpu.memory_space<vmem>> -> memref<1x8x128xf32, #tpu.memory_space<vmem>>
          %dma_wait3A_1196 = tpu.memref_squeeze %dma_wait3A_1195 : memref<1x8x128xf32, #tpu.memory_space<vmem>> -> memref<8x128xf32, #tpu.memory_space<vmem>>
          tpu.wait_dma2 semaphore(%arg12 : memref<!tpu.dma_semaphore, #tpu.memory_space<semaphore_mem>>) src(%dma_wait3A_1196 : memref<8x128xf32, #tpu.memory_space<vmem>>) dst(%dma_wait3A_1192 : memref<8x128xf32, #tpu.memory_space<hbm>>)
        } else {
        }
        %dma_wait3A_886 = arith.constant 1 : i32
        %dma_wait3A_887 = arith.constant 0 : i32
        %dma_wait3A_888 = arith.constant 1 : i32
        %dma_wait3A_889 = arith.constant 0 : i32
        %dma_wait3A_890 = arith.constant 0 : i32
        %dma_wait3A_891 = arith.constant 0 : i32
        %dma_wait3A_892 = tpu.memref_slice %arg8[%dma_wait3A_888, %dma_wait3A_889, %dma_wait3A_890, %dma_wait3A_891] : memref<2x8x128x32xf32, #tpu.memory_space<vmem>> -> memref<1x1x128x32xf32, #tpu.memory_space<vmem>>
        %dma_wait3A_893 = tpu.memref_squeeze %dma_wait3A_892 : memref<1x1x128x32xf32, #tpu.memory_space<vmem>> -> memref<128x32xf32, #tpu.memory_space<vmem>>
        %dma_wait3A_894 = arith.constant 0 : i32
        %dma_wait3A_895 = tpu.memref_slice %arg6[%dma_wait3A_886, %dma_wait3A_887, %dma_wait3A_894] : memref<2x8x128xi32, #tpu.memory_space<vmem>> -> memref<1x1x128xi32, #tpu.memory_space<vmem>>
        %dma_wait3A_896 = tpu.memref_squeeze %dma_wait3A_895 : memref<1x1x128xi32, #tpu.memory_space<vmem>> -> memref<128xi32, #tpu.memory_space<vmem>>
        %dma_wait3A_897 = arith.constant 0 : i32
        %dma_wait3A_898 = arith.constant 0 : i32
        %dma_wait3A_899 = tpu.memref_slice %arg3[%dma_wait3A_897, %dma_wait3A_898] : memref<2097152x32xf32, #tpu.memory_space<hbm>> -> memref<2097152x32xf32, #tpu.memory_space<hbm>>
        tpu.wait_indirect_dma semaphore(%arg11 : memref<!tpu.dma_semaphore, #tpu.memory_space<semaphore_mem>>) src(%dma_wait3A_899 : memref<2097152x32xf32, #tpu.memory_space<hbm>>) dst(%dma_wait3A_893 : memref<128x32xf32, #tpu.memory_space<vmem>>)
        %dma_wait3A_900 = arith.constant 1 : i32
        %dma_wait3A_901 = arith.constant 1 : i32
        %dma_wait3A_902 = arith.constant 1 : i32
        %dma_wait3A_903 = arith.constant 1 : i32
        %dma_wait3A_904 = arith.constant 0 : i32
        %dma_wait3A_905 = arith.constant 0 : i32
        %dma_wait3A_906 = tpu.memref_slice %arg8[%dma_wait3A_902, %dma_wait3A_903, %dma_wait3A_904, %dma_wait3A_905] : memref<2x8x128x32xf32, #tpu.memory_space<vmem>> -> memref<1x1x128x32xf32, #tpu.memory_space<vmem>>
        %dma_wait3A_907 = tpu.memref_squeeze %dma_wait3A_906 : memref<1x1x128x32xf32, #tpu.memory_space<vmem>> -> memref<128x32xf32, #tpu.memory_space<vmem>>
        %dma_wait3A_908 = arith.constant 0 : i32
        %dma_wait3A_909 = tpu.memref_slice %arg6[%dma_wait3A_900, %dma_wait3A_901, %dma_wait3A_908] : memref<2x8x128xi32, #tpu.memory_space<vmem>> -> memref<1x1x128xi32, #tpu.memory_space<vmem>>
        %dma_wait3A_910 = tpu.memref_squeeze %dma_wait3A_909 : memref<1x1x128xi32, #tpu.memory_space<vmem>> -> memref<128xi32, #tpu.memory_space<vmem>>
        %dma_wait3A_911 = arith.constant 0 : i32
        %dma_wait3A_912 = arith.constant 0 : i32
        %dma_wait3A_913 = tpu.memref_slice %arg3[%dma_wait3A_911, %dma_wait3A_912] : memref<2097152x32xf32, #tpu.memory_space<hbm>> -> memref<2097152x32xf32, #tpu.memory_space<hbm>>
        tpu.wait_indirect_dma semaphore(%arg11 : memref<!tpu.dma_semaphore, #tpu.memory_space<semaphore_mem>>) src(%dma_wait3A_913 : memref<2097152x32xf32, #tpu.memory_space<hbm>>) dst(%dma_wait3A_907 : memref<128x32xf32, #tpu.memory_space<vmem>>)
        %dma_wait3A_914 = arith.constant 1 : i32
        %dma_wait3A_915 = arith.constant 2 : i32
        %dma_wait3A_916 = arith.constant 1 : i32
        %dma_wait3A_917 = arith.constant 2 : i32
        %dma_wait3A_918 = arith.constant 0 : i32
        %dma_wait3A_919 = arith.constant 0 : i32
        %dma_wait3A_920 = tpu.memref_slice %arg8[%dma_wait3A_916, %dma_wait3A_917, %dma_wait3A_918, %dma_wait3A_919] : memref<2x8x128x32xf32, #tpu.memory_space<vmem>> -> memref<1x1x128x32xf32, #tpu.memory_space<vmem>>
        %dma_wait3A_921 = tpu.memref_squeeze %dma_wait3A_920 : memref<1x1x128x32xf32, #tpu.memory_space<vmem>> -> memref<128x32xf32, #tpu.memory_space<vmem>>
        %dma_wait3A_922 = arith.constant 0 : i32
        %dma_wait3A_923 = tpu.memref_slice %arg6[%dma_wait3A_914, %dma_wait3A_915, %dma_wait3A_922] : memref<2x8x128xi32, #tpu.memory_space<vmem>> -> memref<1x1x128xi32, #tpu.memory_space<vmem>>
        %dma_wait3A_924 = tpu.memref_squeeze %dma_wait3A_923 : memref<1x1x128xi32, #tpu.memory_space<vmem>> -> memref<128xi32, #tpu.memory_space<vmem>>
        %dma_wait3A_925 = arith.constant 0 : i32
        %dma_wait3A_926 = arith.constant 0 : i32
        %dma_wait3A_927 = tpu.memref_slice %arg3[%dma_wait3A_925, %dma_wait3A_926] : memref<2097152x32xf32, #tpu.memory_space<hbm>> -> memref<2097152x32xf32, #tpu.memory_space<hbm>>
        tpu.wait_indirect_dma semaphore(%arg11 : memref<!tpu.dma_semaphore, #tpu.memory_space<semaphore_mem>>) src(%dma_wait3A_927 : memref<2097152x32xf32, #tpu.memory_space<hbm>>) dst(%dma_wait3A_921 : memref<128x32xf32, #tpu.memory_space<vmem>>)
        %dma_wait3A_928 = arith.constant 1 : i32
        %dma_wait3A_929 = arith.constant 3 : i32
        %dma_wait3A_930 = arith.constant 1 : i32
        %dma_wait3A_931 = arith.constant 3 : i32
        %dma_wait3A_932 = arith.constant 0 : i32
        %dma_wait3A_933 = arith.constant 0 : i32
        %dma_wait3A_934 = tpu.memref_slice %arg8[%dma_wait3A_930, %dma_wait3A_931, %dma_wait3A_932, %dma_wait3A_933] : memref<2x8x128x32xf32, #tpu.memory_space<vmem>> -> memref<1x1x128x32xf32, #tpu.memory_space<vmem>>
        %dma_wait3A_935 = tpu.memref_squeeze %dma_wait3A_934 : memref<1x1x128x32xf32, #tpu.memory_space<vmem>> -> memref<128x32xf32, #tpu.memory_space<vmem>>
        %dma_wait3A_936 = arith.constant 0 : i32
        %dma_wait3A_937 = tpu.memref_slice %arg6[%dma_wait3A_928, %dma_wait3A_929, %dma_wait3A_936] : memref<2x8x128xi32, #tpu.memory_space<vmem>> -> memref<1x1x128xi32, #tpu.memory_space<vmem>>
        %dma_wait3A_938 = tpu.memref_squeeze %dma_wait3A_937 : memref<1x1x128xi32, #tpu.memory_space<vmem>> -> memref<128xi32, #tpu.memory_space<vmem>>
        %dma_wait3A_939 = arith.constant 0 : i32
        %dma_wait3A_940 = arith.constant 0 : i32
        %dma_wait3A_941 = tpu.memref_slice %arg3[%dma_wait3A_939, %dma_wait3A_940] : memref<2097152x32xf32, #tpu.memory_space<hbm>> -> memref<2097152x32xf32, #tpu.memory_space<hbm>>
        tpu.wait_indirect_dma semaphore(%arg11 : memref<!tpu.dma_semaphore, #tpu.memory_space<semaphore_mem>>) src(%dma_wait3A_941 : memref<2097152x32xf32, #tpu.memory_space<hbm>>) dst(%dma_wait3A_935 : memref<128x32xf32, #tpu.memory_space<vmem>>)
        %dma_wait3A_942 = arith.constant 1 : i32
        %dma_wait3A_943 = arith.constant 4 : i32
        %dma_wait3A_944 = arith.constant 1 : i32
        %dma_wait3A_945 = arith.constant 4 : i32
        %dma_wait3A_946 = arith.constant 0 : i32
        %dma_wait3A_947 = arith.constant 0 : i32
        %dma_wait3A_948 = tpu.memref_slice %arg8[%dma_wait3A_944, %dma_wait3A_945, %dma_wait3A_946, %dma_wait3A_947] : memref<2x8x128x32xf32, #tpu.memory_space<vmem>> -> memref<1x1x128x32xf32, #tpu.memory_space<vmem>>
        %dma_wait3A_949 = tpu.memref_squeeze %dma_wait3A_948 : memref<1x1x128x32xf32, #tpu.memory_space<vmem>> -> memref<128x32xf32, #tpu.memory_space<vmem>>
        %dma_wait3A_950 = arith.constant 0 : i32
        %dma_wait3A_951 = tpu.memref_slice %arg6[%dma_wait3A_942, %dma_wait3A_943, %dma_wait3A_950] : memref<2x8x128xi32, #tpu.memory_space<vmem>> -> memref<1x1x128xi32, #tpu.memory_space<vmem>>
        %dma_wait3A_952 = tpu.memref_squeeze %dma_wait3A_951 : memref<1x1x128xi32, #tpu.memory_space<vmem>> -> memref<128xi32, #tpu.memory_space<vmem>>
        %dma_wait3A_953 = arith.constant 0 : i32
        %dma_wait3A_954 = arith.constant 0 : i32
        %dma_wait3A_955 = tpu.memref_slice %arg3[%dma_wait3A_953, %dma_wait3A_954] : memref<2097152x32xf32, #tpu.memory_space<hbm>> -> memref<2097152x32xf32, #tpu.memory_space<hbm>>
        tpu.wait_indirect_dma semaphore(%arg11 : memref<!tpu.dma_semaphore, #tpu.memory_space<semaphore_mem>>) src(%dma_wait3A_955 : memref<2097152x32xf32, #tpu.memory_space<hbm>>) dst(%dma_wait3A_949 : memref<128x32xf32, #tpu.memory_space<vmem>>)
        %dma_wait3A_956 = arith.constant 1 : i32
        %dma_wait3A_957 = arith.constant 5 : i32
        %dma_wait3A_958 = arith.constant 1 : i32
        %dma_wait3A_959 = arith.constant 5 : i32
        %dma_wait3A_960 = arith.constant 0 : i32
        %dma_wait3A_961 = arith.constant 0 : i32
        %dma_wait3A_962 = tpu.memref_slice %arg8[%dma_wait3A_958, %dma_wait3A_959, %dma_wait3A_960, %dma_wait3A_961] : memref<2x8x128x32xf32, #tpu.memory_space<vmem>> -> memref<1x1x128x32xf32, #tpu.memory_space<vmem>>
        %dma_wait3A_963 = tpu.memref_squeeze %dma_wait3A_962 : memref<1x1x128x32xf32, #tpu.memory_space<vmem>> -> memref<128x32xf32, #tpu.memory_space<vmem>>
        %dma_wait3A_964 = arith.constant 0 : i32
        %dma_wait3A_965 = tpu.memref_slice %arg6[%dma_wait3A_956, %dma_wait3A_957, %dma_wait3A_964] : memref<2x8x128xi32, #tpu.memory_space<vmem>> -> memref<1x1x128xi32, #tpu.memory_space<vmem>>
        %dma_wait3A_966 = tpu.memref_squeeze %dma_wait3A_965 : memref<1x1x128xi32, #tpu.memory_space<vmem>> -> memref<128xi32, #tpu.memory_space<vmem>>
        %dma_wait3A_967 = arith.constant 0 : i32
        %dma_wait3A_968 = arith.constant 0 : i32
        %dma_wait3A_969 = tpu.memref_slice %arg3[%dma_wait3A_967, %dma_wait3A_968] : memref<2097152x32xf32, #tpu.memory_space<hbm>> -> memref<2097152x32xf32, #tpu.memory_space<hbm>>
        tpu.wait_indirect_dma semaphore(%arg11 : memref<!tpu.dma_semaphore, #tpu.memory_space<semaphore_mem>>) src(%dma_wait3A_969 : memref<2097152x32xf32, #tpu.memory_space<hbm>>) dst(%dma_wait3A_963 : memref<128x32xf32, #tpu.memory_space<vmem>>)
        %dma_wait3A_970 = arith.constant 1 : i32
        %dma_wait3A_971 = arith.constant 6 : i32
        %dma_wait3A_972 = arith.constant 1 : i32
        %dma_wait3A_973 = arith.constant 6 : i32
        %dma_wait3A_974 = arith.constant 0 : i32
        %dma_wait3A_975 = arith.constant 0 : i32
        %dma_wait3A_976 = tpu.memref_slice %arg8[%dma_wait3A_972, %dma_wait3A_973, %dma_wait3A_974, %dma_wait3A_975] : memref<2x8x128x32xf32, #tpu.memory_space<vmem>> -> memref<1x1x128x32xf32, #tpu.memory_space<vmem>>
        %dma_wait3A_977 = tpu.memref_squeeze %dma_wait3A_976 : memref<1x1x128x32xf32, #tpu.memory_space<vmem>> -> memref<128x32xf32, #tpu.memory_space<vmem>>
        %dma_wait3A_978 = arith.constant 0 : i32
        %dma_wait3A_979 = tpu.memref_slice %arg6[%dma_wait3A_970, %dma_wait3A_971, %dma_wait3A_978] : memref<2x8x128xi32, #tpu.memory_space<vmem>> -> memref<1x1x128xi32, #tpu.memory_space<vmem>>
        %dma_wait3A_980 = tpu.memref_squeeze %dma_wait3A_979 : memref<1x1x128xi32, #tpu.memory_space<vmem>> -> memref<128xi32, #tpu.memory_space<vmem>>
        %dma_wait3A_981 = arith.constant 0 : i32
        %dma_wait3A_982 = arith.constant 0 : i32
        %dma_wait3A_983 = tpu.memref_slice %arg3[%dma_wait3A_981, %dma_wait3A_982] : memref<2097152x32xf32, #tpu.memory_space<hbm>> -> memref<2097152x32xf32, #tpu.memory_space<hbm>>
        tpu.wait_indirect_dma semaphore(%arg11 : memref<!tpu.dma_semaphore, #tpu.memory_space<semaphore_mem>>) src(%dma_wait3A_983 : memref<2097152x32xf32, #tpu.memory_space<hbm>>) dst(%dma_wait3A_977 : memref<128x32xf32, #tpu.memory_space<vmem>>)
        %dma_wait3A_984 = arith.constant 1 : i32
        %dma_wait3A_985 = arith.constant 7 : i32
        %dma_wait3A_986 = arith.constant 1 : i32
        %dma_wait3A_987 = arith.constant 7 : i32
        %dma_wait3A_988 = arith.constant 0 : i32
        %dma_wait3A_989 = arith.constant 0 : i32
        %dma_wait3A_990 = tpu.memref_slice %arg8[%dma_wait3A_986, %dma_wait3A_987, %dma_wait3A_988, %dma_wait3A_989] : memref<2x8x128x32xf32, #tpu.memory_space<vmem>> -> memref<1x1x128x32xf32, #tpu.memory_space<vmem>>
        %dma_wait3A_991 = tpu.memref_squeeze %dma_wait3A_990 : memref<1x1x128x32xf32, #tpu.memory_space<vmem>> -> memref<128x32xf32, #tpu.memory_space<vmem>>
        %dma_wait3A_992 = arith.constant 0 : i32
        %dma_wait3A_993 = tpu.memref_slice %arg6[%dma_wait3A_984, %dma_wait3A_985, %dma_wait3A_992] : memref<2x8x128xi32, #tpu.memory_space<vmem>> -> memref<1x1x128xi32, #tpu.memory_space<vmem>>
        %dma_wait3A_994 = tpu.memref_squeeze %dma_wait3A_993 : memref<1x1x128xi32, #tpu.memory_space<vmem>> -> memref<128xi32, #tpu.memory_space<vmem>>
        %dma_wait3A_995 = arith.constant 0 : i32
        %dma_wait3A_996 = arith.constant 0 : i32
        %dma_wait3A_997 = tpu.memref_slice %arg3[%dma_wait3A_995, %dma_wait3A_996] : memref<2097152x32xf32, #tpu.memory_space<hbm>> -> memref<2097152x32xf32, #tpu.memory_space<hbm>>
        tpu.wait_indirect_dma semaphore(%arg11 : memref<!tpu.dma_semaphore, #tpu.memory_space<semaphore_mem>>) src(%dma_wait3A_997 : memref<2097152x32xf32, #tpu.memory_space<hbm>>) dst(%dma_wait3A_991 : memref<128x32xf32, #tpu.memory_space<vmem>>)
        %scan3A_998 = arith.constant 0 : i32
        %scan3A_999 = arith.constant 128 : i32
        %scan3A_1000 = arith.addi %scan3A_998, %scan3A_999 : i32
        %scan3A_1001 = arith.constant 1 : i32
        scf.for %scan3A_1100 = %scan3A_998 to %scan3A_1000 step %scan3A_1001  : i32 {
          %mul3A_1101 = arith.constant 1 : i32
          %mul3A_1102 = arith.muli %scan3A_1100, %mul3A_1101 : i32
          %add3A_1103 = arith.constant 0 : i32
          %add3A_1104 = arith.addi %add3A_1103, %mul3A_1102 : i32
          %broadcast_in_dim3A = vector.broadcast %add3A_1104 : i32 to vector<16xi32>
          %broadcast_in_dim3A_1105 = arith.constant 0 : i32
          %broadcast_in_dim3A_1106 = vector.broadcast %broadcast_in_dim3A_1105 : i32 to vector<16xi32>
          %gather3A = arith.constant 1 : i32
          %gather3A_1107 = arith.constant 0 : i32
          %gather3A_1108 = arith.constant 0 : i32
          %gather3A_1109 = tpu.memref_slice %arg7[%gather3A, %gather3A_1107, %gather3A_1108] : memref<2x8x128xf32, #tpu.memory_space<vmem>> -> memref<1x8x128xf32, #tpu.memory_space<vmem>>
          %gather3A_1110 = tpu.memref_squeeze %gather3A_1109 : memref<1x8x128xf32, #tpu.memory_space<vmem>> -> memref<8x128xf32, #tpu.memory_space<vmem>>
          %gather3A_1111 = tpu.vector_load_idx %gather3A_1110[%broadcast_in_dim3A_1106, %broadcast_in_dim3A] : memref<8x128xf32, #tpu.memory_space<vmem>>[vector<16xi32>, vector<16xi32>], vector<16xf32>,
          %get3A = arith.constant 1 : i32
          %get3A_1112 = arith.constant 0 : i32
          %get3A_1113 = arith.index_cast %get3A : i32 to index
          %get3A_1114 = arith.index_cast %get3A_1112 : i32 to index
          %get3A_1115 = arith.index_cast %add3A_1104 : i32 to index
          %get3A_1116 = arith.constant 0 : index
          %get3A_1117 = tpu.vector_load %arg8[%get3A_1113, %get3A_1114, %get3A_1115, %get3A_1116] {strides = array<i32>} : memref<2x8x128x32xf32, #tpu.memory_space<vmem>>, vector<16xf32>,
          %get3A_1118 = arith.constant 1 : i32
          %get3A_1119 = arith.constant 0 : i32
          %get3A_1120 = arith.index_cast %get3A_1118 : i32 to index
          %get3A_1121 = arith.index_cast %get3A_1119 : i32 to index
          %get3A_1122 = arith.index_cast %add3A_1104 : i32 to index
          %get3A_1123 = arith.constant 12 : index
          %get3A_1124 = tpu.vector_load %arg8[%get3A_1120, %get3A_1121, %get3A_1122, %get3A_1123] {strides = array<i32>} : memref<2x8x128x32xf32, #tpu.memory_space<vmem>>, vector<16xf32>,
          %mul3A_1125 = arith.mulf %gather3A_1111, %get3A_1117 : vector<16xf32>
          %mul3A_1126 = arith.mulf %gather3A_1111, %get3A_1124 : vector<16xf32>
          %broadcast_in_dim3A_1127 = arith.constant 1 : i32
          %broadcast_in_dim3A_1128 = vector.broadcast %broadcast_in_dim3A_1127 : i32 to vector<16xi32>
          %gather3A_1129 = arith.constant 1 : i32
          %gather3A_1130 = arith.constant 0 : i32
          %gather3A_1131 = arith.constant 0 : i32
          %gather3A_1132 = tpu.memref_slice %arg7[%gather3A_1129, %gather3A_1130, %gather3A_1131] : memref<2x8x128xf32, #tpu.memory_space<vmem>> -> memref<1x8x128xf32, #tpu.memory_space<vmem>>
          %gather3A_1133 = tpu.memref_squeeze %gather3A_1132 : memref<1x8x128xf32, #tpu.memory_space<vmem>> -> memref<8x128xf32, #tpu.memory_space<vmem>>
          %gather3A_1134 = tpu.vector_load_idx %gather3A_1133[%broadcast_in_dim3A_1128, %broadcast_in_dim3A] : memref<8x128xf32, #tpu.memory_space<vmem>>[vector<16xi32>, vector<16xi32>], vector<16xf32>,
          %get3A_1135 = arith.constant 1 : i32
          %get3A_1136 = arith.constant 1 : i32
          %get3A_1137 = arith.index_cast %get3A_1135 : i32 to index
          %get3A_1138 = arith.index_cast %get3A_1136 : i32 to index
          %get3A_1139 = arith.index_cast %add3A_1104 : i32 to index
          %get3A_1140 = arith.constant 0 : index
          %get3A_1141 = tpu.vector_load %arg8[%get3A_1137, %get3A_1138, %get3A_1139, %get3A_1140] {strides = array<i32>} : memref<2x8x128x32xf32, #tpu.memory_space<vmem>>, vector<16xf32>,
          %get3A_1142 = arith.constant 1 : i32
          %get3A_1143 = arith.constant 1 : i32
          %get3A_1144 = arith.index_cast %get3A_1142 : i32 to index
          %get3A_1145 = arith.index_cast %get3A_1143 : i32 to index
          %get3A_1146 = arith.index_cast %add3A_1104 : i32 to index
          %get3A_1147 = arith.constant 12 : index
          %get3A_1148 = tpu.vector_load %arg8[%get3A_1144, %get3A_1145, %get3A_1146, %get3A_1147] {strides = array<i32>} : memref<2x8x128x32xf32, #tpu.memory_space<vmem>>, vector<16xf32>,
          %mul3A_1149 = arith.mulf %gather3A_1134, %get3A_1141 : vector<16xf32>
          %add3A_1150 = arith.addf %mul3A_1125, %mul3A_1149 : vector<16xf32>
          %mul3A_1151 = arith.mulf %gather3A_1134, %get3A_1148 : vector<16xf32>
          %add3A_1152 = arith.addf %mul3A_1126, %mul3A_1151 : vector<16xf32>
          %broadcast_in_dim3A_1153 = arith.constant 2 : i32
          %broadcast_in_dim3A_1154 = vector.broadcast %broadcast_in_dim3A_1153 : i32 to vector<16xi32>
          %gather3A_1155 = arith.constant 1 : i32
          %gather3A_1156 = arith.constant 0 : i32
          %gather3A_1157 = arith.constant 0 : i32
          %gather3A_1158 = tpu.memref_slice %arg7[%gather3A_1155, %gather3A_1156, %gather3A_1157] : memref<2x8x128xf32, #tpu.memory_space<vmem>> -> memref<1x8x128xf32, #tpu.memory_space<vmem>>
          %gather3A_1159 = tpu.memref_squeeze %gather3A_1158 : memref<1x8x128xf32, #tpu.memory_space<vmem>> -> memref<8x128xf32, #tpu.memory_space<vmem>>
          %gather3A_1160 = tpu.vector_load_idx %gather3A_1159[%broadcast_in_dim3A_1154, %broadcast_in_dim3A] : memref<8x128xf32, #tpu.memory_space<vmem>>[vector<16xi32>, vector<16xi32>], vector<16xf32>,
          %get3A_1161 = arith.constant 1 : i32
          %get3A_1162 = arith.constant 2 : i32
          %get3A_1163 = arith.index_cast %get3A_1161 : i32 to index
          %get3A_1164 = arith.index_cast %get3A_1162 : i32 to index
          %get3A_1165 = arith.index_cast %add3A_1104 : i32 to index
          %get3A_1166 = arith.constant 0 : index
          %get3A_1167 = tpu.vector_load %arg8[%get3A_1163, %get3A_1164, %get3A_1165, %get3A_1166] {strides = array<i32>} : memref<2x8x128x32xf32, #tpu.memory_space<vmem>>, vector<16xf32>,
          %get3A_1168 = arith.constant 1 : i32
          %get3A_1169 = arith.constant 2 : i32
          %get3A_1170 = arith.index_cast %get3A_1168 : i32 to index
          %get3A_1171 = arith.index_cast %get3A_1169 : i32 to index
          %get3A_1172 = arith.index_cast %add3A_1104 : i32 to index
          %get3A_1173 = arith.constant 12 : index
          %get3A_1174 = tpu.vector_load %arg8[%get3A_1170, %get3A_1171, %get3A_1172, %get3A_1173] {strides = array<i32>} : memref<2x8x128x32xf32, #tpu.memory_space<vmem>>, vector<16xf32>,
          %mul3A_1175 = arith.mulf %gather3A_1160, %get3A_1167 : vector<16xf32>
          %add3A_1176 = arith.addf %add3A_1150, %mul3A_1175 : vector<16xf32>
          %mul3A_1177 = arith.mulf %gather3A_1160, %get3A_1174 : vector<16xf32>
          %add3A_1178 = arith.addf %add3A_1152, %mul3A_1177 : vector<16xf32>
          %broadcast_in_dim3A_1179 = arith.constant 3 : i32
          %broadcast_in_dim3A_1180 = vector.broadcast %broadcast_in_dim3A_1179 : i32 to vector<16xi32>
          %gather3A_1181 = arith.constant 1 : i32
          %gather3A_1182 = arith.constant 0 : i32
          %gather3A_1183 = arith.constant 0 : i32
          %gather3A_1184 = tpu.memref_slice %arg7[%gather3A_1181, %gather3A_1182, %gather3A_1183] : memref<2x8x128xf32, #tpu.memory_space<vmem>> -> memref<1x8x128xf32, #tpu.memory_space<vmem>>
          %gather3A_1185 = tpu.memref_squeeze %gather3A_1184 : memref<1x8x128xf32, #tpu.memory_space<vmem>> -> memref<8x128xf32, #tpu.memory_space<vmem>>
          %gather3A_1186 = tpu.vector_load_idx %gather3A_1185[%broadcast_in_dim3A_1180, %broadcast_in_dim3A] : memref<8x128xf32, #tpu.memory_space<vmem>>[vector<16xi32>, vector<16xi32>], vector<16xf32>,
          %get3A_1187 = arith.constant 1 : i32
          %get3A_1188 = arith.constant 3 : i32
          %get3A_1189 = arith.index_cast %get3A_1187 : i32 to index
          %get3A_1190 = arith.index_cast %get3A_1188 : i32 to index
          %get3A_1191 = arith.index_cast %add3A_1104 : i32 to index
          %get3A_1192 = arith.constant 0 : index
          %get3A_1193 = tpu.vector_load %arg8[%get3A_1189, %get3A_1190, %get3A_1191, %get3A_1192] {strides = array<i32>} : memref<2x8x128x32xf32, #tpu.memory_space<vmem>>, vector<16xf32>,
          %get3A_1194 = arith.constant 1 : i32
          %get3A_1195 = arith.constant 3 : i32
          %get3A_1196 = arith.index_cast %get3A_1194 : i32 to index
          %get3A_1197 = arith.index_cast %get3A_1195 : i32 to index
          %get3A_1198 = arith.index_cast %add3A_1104 : i32 to index
          %get3A_1199 = arith.constant 12 : index
          %get3A_1200 = tpu.vector_load %arg8[%get3A_1196, %get3A_1197, %get3A_1198, %get3A_1199] {strides = array<i32>} : memref<2x8x128x32xf32, #tpu.memory_space<vmem>>, vector<16xf32>,
          %mul3A_1201 = arith.mulf %gather3A_1186, %get3A_1193 : vector<16xf32>
          %add3A_1202 = arith.addf %add3A_1176, %mul3A_1201 : vector<16xf32>
          %mul3A_1203 = arith.mulf %gather3A_1186, %get3A_1200 : vector<16xf32>
          %add3A_1204 = arith.addf %add3A_1178, %mul3A_1203 : vector<16xf32>
          %broadcast_in_dim3A_1205 = arith.constant 4 : i32
          %broadcast_in_dim3A_1206 = vector.broadcast %broadcast_in_dim3A_1205 : i32 to vector<16xi32>
          %gather3A_1207 = arith.constant 1 : i32
          %gather3A_1208 = arith.constant 0 : i32
          %gather3A_1209 = arith.constant 0 : i32
          %gather3A_1210 = tpu.memref_slice %arg7[%gather3A_1207, %gather3A_1208, %gather3A_1209] : memref<2x8x128xf32, #tpu.memory_space<vmem>> -> memref<1x8x128xf32, #tpu.memory_space<vmem>>
          %gather3A_1211 = tpu.memref_squeeze %gather3A_1210 : memref<1x8x128xf32, #tpu.memory_space<vmem>> -> memref<8x128xf32, #tpu.memory_space<vmem>>
          %gather3A_1212 = tpu.vector_load_idx %gather3A_1211[%broadcast_in_dim3A_1206, %broadcast_in_dim3A] : memref<8x128xf32, #tpu.memory_space<vmem>>[vector<16xi32>, vector<16xi32>], vector<16xf32>,
          %get3A_1213 = arith.constant 1 : i32
          %get3A_1214 = arith.constant 4 : i32
          %get3A_1215 = arith.index_cast %get3A_1213 : i32 to index
          %get3A_1216 = arith.index_cast %get3A_1214 : i32 to index
          %get3A_1217 = arith.index_cast %add3A_1104 : i32 to index
          %get3A_1218 = arith.constant 0 : index
          %get3A_1219 = tpu.vector_load %arg8[%get3A_1215, %get3A_1216, %get3A_1217, %get3A_1218] {strides = array<i32>} : memref<2x8x128x32xf32, #tpu.memory_space<vmem>>, vector<16xf32>,
          %get3A_1220 = arith.constant 1 : i32
          %get3A_1221 = arith.constant 4 : i32
          %get3A_1222 = arith.index_cast %get3A_1220 : i32 to index
          %get3A_1223 = arith.index_cast %get3A_1221 : i32 to index
          %get3A_1224 = arith.index_cast %add3A_1104 : i32 to index
          %get3A_1225 = arith.constant 12 : index
          %get3A_1226 = tpu.vector_load %arg8[%get3A_1222, %get3A_1223, %get3A_1224, %get3A_1225] {strides = array<i32>} : memref<2x8x128x32xf32, #tpu.memory_space<vmem>>, vector<16xf32>,
          %mul3A_1227 = arith.mulf %gather3A_1212, %get3A_1219 : vector<16xf32>
          %add3A_1228 = arith.addf %add3A_1202, %mul3A_1227 : vector<16xf32>
          %mul3A_1229 = arith.mulf %gather3A_1212, %get3A_1226 : vector<16xf32>
          %add3A_1230 = arith.addf %add3A_1204, %mul3A_1229 : vector<16xf32>
          %broadcast_in_dim3A_1231 = arith.constant 5 : i32
          %broadcast_in_dim3A_1232 = vector.broadcast %broadcast_in_dim3A_1231 : i32 to vector<16xi32>
          %gather3A_1233 = arith.constant 1 : i32
          %gather3A_1234 = arith.constant 0 : i32
          %gather3A_1235 = arith.constant 0 : i32
          %gather3A_1236 = tpu.memref_slice %arg7[%gather3A_1233, %gather3A_1234, %gather3A_1235] : memref<2x8x128xf32, #tpu.memory_space<vmem>> -> memref<1x8x128xf32, #tpu.memory_space<vmem>>
          %gather3A_1237 = tpu.memref_squeeze %gather3A_1236 : memref<1x8x128xf32, #tpu.memory_space<vmem>> -> memref<8x128xf32, #tpu.memory_space<vmem>>
          %gather3A_1238 = tpu.vector_load_idx %gather3A_1237[%broadcast_in_dim3A_1232, %broadcast_in_dim3A] : memref<8x128xf32, #tpu.memory_space<vmem>>[vector<16xi32>, vector<16xi32>], vector<16xf32>,
          %get3A_1239 = arith.constant 1 : i32
          %get3A_1240 = arith.constant 5 : i32
          %get3A_1241 = arith.index_cast %get3A_1239 : i32 to index
          %get3A_1242 = arith.index_cast %get3A_1240 : i32 to index
          %get3A_1243 = arith.index_cast %add3A_1104 : i32 to index
          %get3A_1244 = arith.constant 0 : index
          %get3A_1245 = tpu.vector_load %arg8[%get3A_1241, %get3A_1242, %get3A_1243, %get3A_1244] {strides = array<i32>} : memref<2x8x128x32xf32, #tpu.memory_space<vmem>>, vector<16xf32>,
          %get3A_1246 = arith.constant 1 : i32
          %get3A_1247 = arith.constant 5 : i32
          %get3A_1248 = arith.index_cast %get3A_1246 : i32 to index
          %get3A_1249 = arith.index_cast %get3A_1247 : i32 to index
          %get3A_1250 = arith.index_cast %add3A_1104 : i32 to index
          %get3A_1251 = arith.constant 12 : index
          %get3A_1252 = tpu.vector_load %arg8[%get3A_1248, %get3A_1249, %get3A_1250, %get3A_1251] {strides = array<i32>} : memref<2x8x128x32xf32, #tpu.memory_space<vmem>>, vector<16xf32>,
          %mul3A_1253 = arith.mulf %gather3A_1238, %get3A_1245 : vector<16xf32>
          %add3A_1254 = arith.addf %add3A_1228, %mul3A_1253 : vector<16xf32>
          %mul3A_1255 = arith.mulf %gather3A_1238, %get3A_1252 : vector<16xf32>
          %add3A_1256 = arith.addf %add3A_1230, %mul3A_1255 : vector<16xf32>
          %broadcast_in_dim3A_1257 = arith.constant 6 : i32
          %broadcast_in_dim3A_1258 = vector.broadcast %broadcast_in_dim3A_1257 : i32 to vector<16xi32>
          %gather3A_1259 = arith.constant 1 : i32
          %gather3A_1260 = arith.constant 0 : i32
          %gather3A_1261 = arith.constant 0 : i32
          %gather3A_1262 = tpu.memref_slice %arg7[%gather3A_1259, %gather3A_1260, %gather3A_1261] : memref<2x8x128xf32, #tpu.memory_space<vmem>> -> memref<1x8x128xf32, #tpu.memory_space<vmem>>
          %gather3A_1263 = tpu.memref_squeeze %gather3A_1262 : memref<1x8x128xf32, #tpu.memory_space<vmem>> -> memref<8x128xf32, #tpu.memory_space<vmem>>
          %gather3A_1264 = tpu.vector_load_idx %gather3A_1263[%broadcast_in_dim3A_1258, %broadcast_in_dim3A] : memref<8x128xf32, #tpu.memory_space<vmem>>[vector<16xi32>, vector<16xi32>], vector<16xf32>,
          %get3A_1265 = arith.constant 1 : i32
          %get3A_1266 = arith.constant 6 : i32
          %get3A_1267 = arith.index_cast %get3A_1265 : i32 to index
          %get3A_1268 = arith.index_cast %get3A_1266 : i32 to index
          %get3A_1269 = arith.index_cast %add3A_1104 : i32 to index
          %get3A_1270 = arith.constant 0 : index
          %get3A_1271 = tpu.vector_load %arg8[%get3A_1267, %get3A_1268, %get3A_1269, %get3A_1270] {strides = array<i32>} : memref<2x8x128x32xf32, #tpu.memory_space<vmem>>, vector<16xf32>,
          %get3A_1272 = arith.constant 1 : i32
          %get3A_1273 = arith.constant 6 : i32
          %get3A_1274 = arith.index_cast %get3A_1272 : i32 to index
          %get3A_1275 = arith.index_cast %get3A_1273 : i32 to index
          %get3A_1276 = arith.index_cast %add3A_1104 : i32 to index
          %get3A_1277 = arith.constant 12 : index
          %get3A_1278 = tpu.vector_load %arg8[%get3A_1274, %get3A_1275, %get3A_1276, %get3A_1277] {strides = array<i32>} : memref<2x8x128x32xf32, #tpu.memory_space<vmem>>, vector<16xf32>,
          %mul3A_1279 = arith.mulf %gather3A_1264, %get3A_1271 : vector<16xf32>
          %add3A_1280 = arith.addf %add3A_1254, %mul3A_1279 : vector<16xf32>
          %mul3A_1281 = arith.mulf %gather3A_1264, %get3A_1278 : vector<16xf32>
          %add3A_1282 = arith.addf %add3A_1256, %mul3A_1281 : vector<16xf32>
          %broadcast_in_dim3A_1283 = arith.constant 7 : i32
          %broadcast_in_dim3A_1284 = vector.broadcast %broadcast_in_dim3A_1283 : i32 to vector<16xi32>
          %gather3A_1285 = arith.constant 1 : i32
          %gather3A_1286 = arith.constant 0 : i32
          %gather3A_1287 = arith.constant 0 : i32
          %gather3A_1288 = tpu.memref_slice %arg7[%gather3A_1285, %gather3A_1286, %gather3A_1287] : memref<2x8x128xf32, #tpu.memory_space<vmem>> -> memref<1x8x128xf32, #tpu.memory_space<vmem>>
          %gather3A_1289 = tpu.memref_squeeze %gather3A_1288 : memref<1x8x128xf32, #tpu.memory_space<vmem>> -> memref<8x128xf32, #tpu.memory_space<vmem>>
          %gather3A_1290 = tpu.vector_load_idx %gather3A_1289[%broadcast_in_dim3A_1284, %broadcast_in_dim3A] : memref<8x128xf32, #tpu.memory_space<vmem>>[vector<16xi32>, vector<16xi32>], vector<16xf32>,
          %get3A_1291 = arith.constant 1 : i32
          %get3A_1292 = arith.constant 7 : i32
          %get3A_1293 = arith.index_cast %get3A_1291 : i32 to index
          %get3A_1294 = arith.index_cast %get3A_1292 : i32 to index
          %get3A_1295 = arith.index_cast %add3A_1104 : i32 to index
          %get3A_1296 = arith.constant 0 : index
          %get3A_1297 = tpu.vector_load %arg8[%get3A_1293, %get3A_1294, %get3A_1295, %get3A_1296] {strides = array<i32>} : memref<2x8x128x32xf32, #tpu.memory_space<vmem>>, vector<16xf32>,
          %get3A_1298 = arith.constant 1 : i32
          %get3A_1299 = arith.constant 7 : i32
          %get3A_1300 = arith.index_cast %get3A_1298 : i32 to index
          %get3A_1301 = arith.index_cast %get3A_1299 : i32 to index
          %get3A_1302 = arith.index_cast %add3A_1104 : i32 to index
          %get3A_1303 = arith.constant 12 : index
          %get3A_1304 = tpu.vector_load %arg8[%get3A_1300, %get3A_1301, %get3A_1302, %get3A_1303] {strides = array<i32>} : memref<2x8x128x32xf32, #tpu.memory_space<vmem>>, vector<16xf32>,
          %mul3A_1305 = arith.mulf %gather3A_1290, %get3A_1297 : vector<16xf32>
          %add3A_1306 = arith.addf %add3A_1280, %mul3A_1305 : vector<16xf32>
          %mul3A_1307 = arith.mulf %gather3A_1290, %get3A_1304 : vector<16xf32>
          %add3A_1308 = arith.addf %add3A_1282, %mul3A_1307 : vector<16xf32>
          %scatter3A = arith.constant 1 : i32
          %scatter3A_1309 = arith.constant 0 : i32
          %scatter3A_1310 = arith.constant 0 : i32
          %scatter3A_1311 = tpu.memref_slice %arg9[%scatter3A, %scatter3A_1309, %scatter3A_1310] : memref<2x32x128xf32, #tpu.memory_space<vmem>> -> memref<1x32x128xf32, #tpu.memory_space<vmem>>
          %scatter3A_1312 = tpu.memref_squeeze %scatter3A_1311 : memref<1x32x128xf32, #tpu.memory_space<vmem>> -> memref<32x128xf32, #tpu.memory_space<vmem>>
          tpu.vector_store_idx %scatter3A_1312[%iota3A, %broadcast_in_dim3A], %add3A_1306 : memref<32x128xf32, #tpu.memory_space<vmem>>[vector<16xi32>, vector<16xi32>], vector<16xf32>,
          %scatter3A_1313 = arith.constant 1 : i32
          %scatter3A_1314 = arith.constant 0 : i32
          %scatter3A_1315 = arith.constant 0 : i32
          %scatter3A_1316 = tpu.memref_slice %arg9[%scatter3A_1313, %scatter3A_1314, %scatter3A_1315] : memref<2x32x128xf32, #tpu.memory_space<vmem>> -> memref<1x32x128xf32, #tpu.memory_space<vmem>>
          %scatter3A_1317 = tpu.memref_squeeze %scatter3A_1316 : memref<1x32x128xf32, #tpu.memory_space<vmem>> -> memref<32x128xf32, #tpu.memory_space<vmem>>
          tpu.vector_store_idx %scatter3A_1317[%add3A_5, %broadcast_in_dim3A], %add3A_1308 : memref<32x128xf32, #tpu.memory_space<vmem>>[vector<16xi32>, vector<16xi32>], vector<16xf32>,
        }
        %scan3A_1002 = arith.constant 128 : i32
        %sub3A_1003 = arith.constant 1 : i32
        %sub3A_1004 = arith.subi %add3A_540, %sub3A_1003 : i32
        %mul3A_1005 = arith.constant 128 : i32
        %mul3A_1006 = arith.muli %sub3A_1004, %mul3A_1005 : i32
        %add3A_1007 = arith.addi %mul3A_2, %mul3A_1006 : i32
        %jit3A_1008 = arith.constant 128 : i32
        %div3A_1009 = arith.divsi %add3A_1007, %jit3A_1008 : i32
        %sign3A_1010 = arith.constant 0 : i32
        %sign3A_1011 = arith.cmpi sgt, %add3A_1007, %sign3A_1010 : i32
        %sign3A_1012 = arith.extui %sign3A_1011 : i1 to i32
        %sign3A_1013 = arith.constant 0 : i32
        %sign3A_1014 = arith.cmpi slt, %add3A_1007, %sign3A_1013 : i32
        %sign3A_1015 = arith.extui %sign3A_1014 : i1 to i32
        %sign3A_1016 = arith.subi %sign3A_1012, %sign3A_1015 : i32
        %sign3A_1017 = arith.constant 0 : i32
        %sign3A_1018 = arith.cmpi sgt, %jit3A_1008, %sign3A_1017 : i32
        %sign3A_1019 = arith.extui %sign3A_1018 : i1 to i32
        %sign3A_1020 = arith.constant 0 : i32
        %sign3A_1021 = arith.cmpi slt, %jit3A_1008, %sign3A_1020 : i32
        %sign3A_1022 = arith.extui %sign3A_1021 : i1 to i32
        %sign3A_1023 = arith.subi %sign3A_1019, %sign3A_1022 : i32
        %ne3A_1024 = arith.cmpi ne, %sign3A_1016, %sign3A_1023 : i32
        %rem3A_1025 = arith.remsi %add3A_1007, %jit3A_1008 : i32
        %ne3A_1026 = arith.constant 0 : i32
        %ne3A_1027 = arith.cmpi ne, %rem3A_1025, %ne3A_1026 : i32
        %and3A_1028 = arith.andi %ne3A_1024, %ne3A_1027 : i1
        %sub3A_1029 = arith.constant 1 : i32
        %sub3A_1030 = arith.subi %div3A_1009, %sub3A_1029 : i32
        %select_n3A_1031 = arith.select %and3A_1028, %sub3A_1030, %div3A_1009 : i32
        %add3A_1032 = arith.constant 0 : i32
        %add3A_1033 = arith.addi %add3A_1032, %select_n3A_1031 : i32
        %mul3A_1034 = arith.constant 8 : i32
        %mul3A_1035 = arith.muli %add3A_1033, %mul3A_1034 : i32
        %add3A_1036 = arith.constant 8192 : i32
        %add3A_1037 = arith.addi %add3A_1036, %select_n3A_1031 : i32
        %mul3A_1038 = arith.constant 8 : i32
        %mul3A_1039 = arith.muli %add3A_1037, %mul3A_1038 : i32
        %add3A_1040 = arith.constant 16384 : i32
        %add3A_1041 = arith.addi %add3A_1040, %select_n3A_1031 : i32
        %mul3A_1042 = arith.constant 8 : i32
        %mul3A_1043 = arith.muli %add3A_1041, %mul3A_1042 : i32
        %add3A_1044 = arith.constant 24576 : i32
        %add3A_1045 = arith.addi %add3A_1044, %select_n3A_1031 : i32
        %mul3A_1046 = arith.constant 8 : i32
        %mul3A_1047 = arith.muli %add3A_1045, %mul3A_1046 : i32
        %dma_start3A_1048 = arith.constant 1 : i32
        %dma_start3A_1049 = arith.constant 0 : i32
        %dma_start3A_1050 = arith.constant 0 : i32
        %dma_start3A_1051 = tpu.memref_slice %arg9[%dma_start3A_1048, %dma_start3A_1049, %dma_start3A_1050] : memref<2x32x128xf32, #tpu.memory_space<vmem>> -> memref<1x8x128xf32, #tpu.memory_space<vmem>>
        %dma_start3A_1052 = tpu.memref_squeeze %dma_start3A_1051 : memref<1x8x128xf32, #tpu.memory_space<vmem>> -> memref<8x128xf32, #tpu.memory_space<vmem>>
        %dma_start3A_1053 = arith.constant 0 : i32
        %dma_start3A_1054 = tpu.memref_slice %arg4[%mul3A_1035, %dma_start3A_1053] : memref<262144x128xf32, #tpu.memory_space<hbm>> -> memref<8x128xf32, #tpu.memory_space<hbm>>
        %dma_start3A_1055 = arith.constant 0 : i32
        %dma_start3A_1056 = tpu.memref_slice %arg4[%mul3A_1035, %dma_start3A_1055] : memref<262144x128xf32, #tpu.memory_space<hbm>> -> memref<8x128xf32, #tpu.memory_space<hbm>>
        %dma_start3A_1057 = arith.constant 0 : i32
        %dma_start3A_1058 = arith.constant 0 : i32
        %dma_start3A_1059 = tpu.memref_slice %arg9[%dma_start3A_1048, %dma_start3A_1057, %dma_start3A_1058] : memref<2x32x128xf32, #tpu.memory_space<vmem>> -> memref<1x8x128xf32, #tpu.memory_space<vmem>>
        %dma_start3A_1060 = tpu.memref_squeeze %dma_start3A_1059 : memref<1x8x128xf32, #tpu.memory_space<vmem>> -> memref<8x128xf32, #tpu.memory_space<vmem>>
        tpu.enqueue_dma source(%dma_start3A_1060 : memref<8x128xf32, #tpu.memory_space<vmem>>) target(%dma_start3A_1056 : memref<8x128xf32, #tpu.memory_space<hbm>>) target_semaphore(%arg12 : memref<!tpu.dma_semaphore, #tpu.memory_space<semaphore_mem>>)
        %dma_start3A_1061 = arith.constant 1 : i32
        %dma_start3A_1062 = arith.constant 8 : i32
        %dma_start3A_1063 = arith.constant 0 : i32
        %dma_start3A_1064 = tpu.memref_slice %arg9[%dma_start3A_1061, %dma_start3A_1062, %dma_start3A_1063] : memref<2x32x128xf32, #tpu.memory_space<vmem>> -> memref<1x8x128xf32, #tpu.memory_space<vmem>>
        %dma_start3A_1065 = tpu.memref_squeeze %dma_start3A_1064 : memref<1x8x128xf32, #tpu.memory_space<vmem>> -> memref<8x128xf32, #tpu.memory_space<vmem>>
        %dma_start3A_1066 = arith.constant 0 : i32
        %dma_start3A_1067 = tpu.memref_slice %arg4[%mul3A_1039, %dma_start3A_1066] : memref<262144x128xf32, #tpu.memory_space<hbm>> -> memref<8x128xf32, #tpu.memory_space<hbm>>
        %dma_start3A_1068 = arith.constant 0 : i32
        %dma_start3A_1069 = tpu.memref_slice %arg4[%mul3A_1039, %dma_start3A_1068] : memref<262144x128xf32, #tpu.memory_space<hbm>> -> memref<8x128xf32, #tpu.memory_space<hbm>>
        %dma_start3A_1070 = arith.constant 8 : i32
        %dma_start3A_1071 = arith.constant 0 : i32
        %dma_start3A_1072 = tpu.memref_slice %arg9[%dma_start3A_1061, %dma_start3A_1070, %dma_start3A_1071] : memref<2x32x128xf32, #tpu.memory_space<vmem>> -> memref<1x8x128xf32, #tpu.memory_space<vmem>>
        %dma_start3A_1073 = tpu.memref_squeeze %dma_start3A_1072 : memref<1x8x128xf32, #tpu.memory_space<vmem>> -> memref<8x128xf32, #tpu.memory_space<vmem>>
        tpu.enqueue_dma source(%dma_start3A_1073 : memref<8x128xf32, #tpu.memory_space<vmem>>) target(%dma_start3A_1069 : memref<8x128xf32, #tpu.memory_space<hbm>>) target_semaphore(%arg12 : memref<!tpu.dma_semaphore, #tpu.memory_space<semaphore_mem>>)
        %dma_start3A_1074 = arith.constant 1 : i32
        %dma_start3A_1075 = arith.constant 16 : i32
        %dma_start3A_1076 = arith.constant 0 : i32
        %dma_start3A_1077 = tpu.memref_slice %arg9[%dma_start3A_1074, %dma_start3A_1075, %dma_start3A_1076] : memref<2x32x128xf32, #tpu.memory_space<vmem>> -> memref<1x8x128xf32, #tpu.memory_space<vmem>>
        %dma_start3A_1078 = tpu.memref_squeeze %dma_start3A_1077 : memref<1x8x128xf32, #tpu.memory_space<vmem>> -> memref<8x128xf32, #tpu.memory_space<vmem>>
        %dma_start3A_1079 = arith.constant 0 : i32
        %dma_start3A_1080 = tpu.memref_slice %arg4[%mul3A_1043, %dma_start3A_1079] : memref<262144x128xf32, #tpu.memory_space<hbm>> -> memref<8x128xf32, #tpu.memory_space<hbm>>
        %dma_start3A_1081 = arith.constant 0 : i32
        %dma_start3A_1082 = tpu.memref_slice %arg4[%mul3A_1043, %dma_start3A_1081] : memref<262144x128xf32, #tpu.memory_space<hbm>> -> memref<8x128xf32, #tpu.memory_space<hbm>>
        %dma_start3A_1083 = arith.constant 16 : i32
        %dma_start3A_1084 = arith.constant 0 : i32
        %dma_start3A_1085 = tpu.memref_slice %arg9[%dma_start3A_1074, %dma_start3A_1083, %dma_start3A_1084] : memref<2x32x128xf32, #tpu.memory_space<vmem>> -> memref<1x8x128xf32, #tpu.memory_space<vmem>>
        %dma_start3A_1086 = tpu.memref_squeeze %dma_start3A_1085 : memref<1x8x128xf32, #tpu.memory_space<vmem>> -> memref<8x128xf32, #tpu.memory_space<vmem>>
        tpu.enqueue_dma source(%dma_start3A_1086 : memref<8x128xf32, #tpu.memory_space<vmem>>) target(%dma_start3A_1082 : memref<8x128xf32, #tpu.memory_space<hbm>>) target_semaphore(%arg12 : memref<!tpu.dma_semaphore, #tpu.memory_space<semaphore_mem>>)
        %dma_start3A_1087 = arith.constant 1 : i32
        %dma_start3A_1088 = arith.constant 24 : i32
        %dma_start3A_1089 = arith.constant 0 : i32
        %dma_start3A_1090 = tpu.memref_slice %arg9[%dma_start3A_1087, %dma_start3A_1088, %dma_start3A_1089] : memref<2x32x128xf32, #tpu.memory_space<vmem>> -> memref<1x8x128xf32, #tpu.memory_space<vmem>>
        %dma_start3A_1091 = tpu.memref_squeeze %dma_start3A_1090 : memref<1x8x128xf32, #tpu.memory_space<vmem>> -> memref<8x128xf32, #tpu.memory_space<vmem>>
        %dma_start3A_1092 = arith.constant 0 : i32
        %dma_start3A_1093 = tpu.memref_slice %arg4[%mul3A_1047, %dma_start3A_1092] : memref<262144x128xf32, #tpu.memory_space<hbm>> -> memref<8x128xf32, #tpu.memory_space<hbm>>
        %dma_start3A_1094 = arith.constant 0 : i32
        %dma_start3A_1095 = tpu.memref_slice %arg4[%mul3A_1047, %dma_start3A_1094] : memref<262144x128xf32, #tpu.memory_space<hbm>> -> memref<8x128xf32, #tpu.memory_space<hbm>>
        %dma_start3A_1096 = arith.constant 24 : i32
        %dma_start3A_1097 = arith.constant 0 : i32
        %dma_start3A_1098 = tpu.memref_slice %arg9[%dma_start3A_1087, %dma_start3A_1096, %dma_start3A_1097] : memref<2x32x128xf32, #tpu.memory_space<vmem>> -> memref<1x8x128xf32, #tpu.memory_space<vmem>>
        %dma_start3A_1099 = tpu.memref_squeeze %dma_start3A_1098 : memref<1x8x128xf32, #tpu.memory_space<vmem>> -> memref<8x128xf32, #tpu.memory_space<vmem>>
        tpu.enqueue_dma source(%dma_start3A_1099 : memref<8x128xf32, #tpu.memory_space<vmem>>) target(%dma_start3A_1095 : memref<8x128xf32, #tpu.memory_space<hbm>>) target_semaphore(%arg12 : memref<!tpu.dma_semaphore, #tpu.memory_space<semaphore_mem>>)
      } else {
      }
      %add3A_708 = arith.constant 1 : i32
      %add3A_709 = arith.addi %add3A_538, %add3A_708 : i32
      %mul3A_710 = arith.constant 128 : i32
      %mul3A_711 = arith.muli %add3A_709, %mul3A_710 : i32
      %add3A_712 = arith.addi %mul3A_2, %mul3A_711 : i32
      %jit3A_713 = arith.constant 128 : i32
      %div3A_714 = arith.divsi %add3A_712, %jit3A_713 : i32
      %sign3A_715 = arith.constant 0 : i32
      %sign3A_716 = arith.cmpi sgt, %add3A_712, %sign3A_715 : i32
      %sign3A_717 = arith.extui %sign3A_716 : i1 to i32
      %sign3A_718 = arith.constant 0 : i32
      %sign3A_719 = arith.cmpi slt, %add3A_712, %sign3A_718 : i32
      %sign3A_720 = arith.extui %sign3A_719 : i1 to i32
      %sign3A_721 = arith.subi %sign3A_717, %sign3A_720 : i32
      %sign3A_722 = arith.constant 0 : i32
      %sign3A_723 = arith.cmpi sgt, %jit3A_713, %sign3A_722 : i32
      %sign3A_724 = arith.extui %sign3A_723 : i1 to i32
      %sign3A_725 = arith.constant 0 : i32
      %sign3A_726 = arith.cmpi slt, %jit3A_713, %sign3A_725 : i32
      %sign3A_727 = arith.extui %sign3A_726 : i1 to i32
      %sign3A_728 = arith.subi %sign3A_724, %sign3A_727 : i32
      %ne3A_729 = arith.cmpi ne, %sign3A_721, %sign3A_728 : i32
      %rem3A_730 = arith.remsi %add3A_712, %jit3A_713 : i32
      %ne3A_731 = arith.constant 0 : i32
      %ne3A_732 = arith.cmpi ne, %rem3A_730, %ne3A_731 : i32
      %and3A_733 = arith.andi %ne3A_729, %ne3A_732 : i1
      %sub3A_734 = arith.constant 1 : i32
      %sub3A_735 = arith.subi %div3A_714, %sub3A_734 : i32
      %select_n3A_736 = arith.select %and3A_733, %sub3A_735, %div3A_714 : i32
      %mul3A_737 = arith.constant 8 : i32
      %mul3A_738 = arith.muli %select_n3A_736, %mul3A_737 : i32
      %dma_wait3A_739 = arith.constant 1 : i32
      %dma_wait3A_740 = arith.constant 0 : i32
      %dma_wait3A_741 = arith.constant 0 : i32
      %dma_wait3A_742 = tpu.memref_slice %arg5[%dma_wait3A_739, %dma_wait3A_740, %dma_wait3A_741] : memref<2x8x128xf32, #tpu.memory_space<vmem>> -> memref<1x8x128xf32, #tpu.memory_space<vmem>>
      %dma_wait3A_743 = tpu.memref_squeeze %dma_wait3A_742 : memref<1x8x128xf32, #tpu.memory_space<vmem>> -> memref<8x128xf32, #tpu.memory_space<vmem>>
      %dma_wait3A_744 = arith.constant 0 : i32
      %dma_wait3A_745 = tpu.memref_slice %arg2[%mul3A_738, %dma_wait3A_744] : memref<65536x128xf32, #tpu.memory_space<hbm>> -> memref<8x128xf32, #tpu.memory_space<hbm>>
      %dma_wait3A_746 = arith.constant 0 : i32
      %dma_wait3A_747 = arith.constant 0 : i32
      %dma_wait3A_748 = tpu.memref_slice %arg5[%dma_wait3A_739, %dma_wait3A_746, %dma_wait3A_747] : memref<2x8x128xf32, #tpu.memory_space<vmem>> -> memref<1x8x128xf32, #tpu.memory_space<vmem>>
      %dma_wait3A_749 = tpu.memref_squeeze %dma_wait3A_748 : memref<1x8x128xf32, #tpu.memory_space<vmem>> -> memref<8x128xf32, #tpu.memory_space<vmem>>
      %dma_wait3A_750 = arith.constant 0 : i32
      %dma_wait3A_751 = tpu.memref_slice %arg2[%mul3A_738, %dma_wait3A_750] : memref<65536x128xf32, #tpu.memory_space<hbm>> -> memref<8x128xf32, #tpu.memory_space<hbm>>
      tpu.wait_dma2 semaphore(%arg10 : memref<!tpu.dma_semaphore, #tpu.memory_space<semaphore_mem>>) src(%dma_wait3A_751 : memref<8x128xf32, #tpu.memory_space<hbm>>) dst(%dma_wait3A_749 : memref<8x128xf32, #tpu.memory_space<vmem>>)
      %add3A_752 = arith.constant 1 : i32
      %add3A_753 = arith.addi %add3A_709, %add3A_752 : i32
      %lt3A_754 = arith.constant 256 : i32
      %lt3A_755 = arith.cmpi slt, %add3A_753, %lt3A_754 : i32
      %convert_element_type3A_756 = arith.extui %lt3A_755 : i1 to i32
      %cond3A_757 = arith.constant 0 : i32
      %cond3A_758 = arith.cmpi ne, %convert_element_type3A_756, %cond3A_757 : i32
      scf.if %cond3A_758 {
        %add3A_881 = arith.constant 1 : i32
        %add3A_882 = arith.addi %add3A_709, %add3A_881 : i32
        %mul3A_883 = arith.constant 128 : i32
        %mul3A_884 = arith.muli %add3A_882, %mul3A_883 : i32
        %add3A_885 = arith.addi %mul3A_2, %mul3A_884 : i32
        %jit3A_886 = arith.constant 128 : i32
        %div3A_887 = arith.divsi %add3A_885, %jit3A_886 : i32
        %sign3A_888 = arith.constant 0 : i32
        %sign3A_889 = arith.cmpi sgt, %add3A_885, %sign3A_888 : i32
        %sign3A_890 = arith.extui %sign3A_889 : i1 to i32
        %sign3A_891 = arith.constant 0 : i32
        %sign3A_892 = arith.cmpi slt, %add3A_885, %sign3A_891 : i32
        %sign3A_893 = arith.extui %sign3A_892 : i1 to i32
        %sign3A_894 = arith.subi %sign3A_890, %sign3A_893 : i32
        %sign3A_895 = arith.constant 0 : i32
        %sign3A_896 = arith.cmpi sgt, %jit3A_886, %sign3A_895 : i32
        %sign3A_897 = arith.extui %sign3A_896 : i1 to i32
        %sign3A_898 = arith.constant 0 : i32
        %sign3A_899 = arith.cmpi slt, %jit3A_886, %sign3A_898 : i32
        %sign3A_900 = arith.extui %sign3A_899 : i1 to i32
        %sign3A_901 = arith.subi %sign3A_897, %sign3A_900 : i32
        %ne3A_902 = arith.cmpi ne, %sign3A_894, %sign3A_901 : i32
        %rem3A_903 = arith.remsi %add3A_885, %jit3A_886 : i32
        %ne3A_904 = arith.constant 0 : i32
        %ne3A_905 = arith.cmpi ne, %rem3A_903, %ne3A_904 : i32
        %and3A_906 = arith.andi %ne3A_902, %ne3A_905 : i1
        %sub3A_907 = arith.constant 1 : i32
        %sub3A_908 = arith.subi %div3A_887, %sub3A_907 : i32
        %select_n3A_909 = arith.select %and3A_906, %sub3A_908, %div3A_887 : i32
        %mul3A_910 = arith.constant 8 : i32
        %mul3A_911 = arith.muli %select_n3A_909, %mul3A_910 : i32
        %dma_start3A_912 = arith.constant 0 : i32
        %dma_start3A_913 = arith.constant 0 : i32
        %dma_start3A_914 = arith.constant 0 : i32
        %dma_start3A_915 = tpu.memref_slice %arg5[%dma_start3A_912, %dma_start3A_913, %dma_start3A_914] : memref<2x8x128xf32, #tpu.memory_space<vmem>> -> memref<1x8x128xf32, #tpu.memory_space<vmem>>
        %dma_start3A_916 = tpu.memref_squeeze %dma_start3A_915 : memref<1x8x128xf32, #tpu.memory_space<vmem>> -> memref<8x128xf32, #tpu.memory_space<vmem>>
        %dma_start3A_917 = arith.constant 0 : i32
        %dma_start3A_918 = tpu.memref_slice %arg2[%mul3A_911, %dma_start3A_917] : memref<65536x128xf32, #tpu.memory_space<hbm>> -> memref<8x128xf32, #tpu.memory_space<hbm>>
        %dma_start3A_919 = arith.constant 0 : i32
        %dma_start3A_920 = arith.constant 0 : i32
        %dma_start3A_921 = tpu.memref_slice %arg5[%dma_start3A_912, %dma_start3A_919, %dma_start3A_920] : memref<2x8x128xf32, #tpu.memory_space<vmem>> -> memref<1x8x128xf32, #tpu.memory_space<vmem>>
        %dma_start3A_922 = tpu.memref_squeeze %dma_start3A_921 : memref<1x8x128xf32, #tpu.memory_space<vmem>> -> memref<8x128xf32, #tpu.memory_space<vmem>>
        %dma_start3A_923 = arith.constant 0 : i32
        %dma_start3A_924 = tpu.memref_slice %arg2[%mul3A_911, %dma_start3A_923] : memref<65536x128xf32, #tpu.memory_space<hbm>> -> memref<8x128xf32, #tpu.memory_space<hbm>>
        tpu.enqueue_dma source(%dma_start3A_924 : memref<8x128xf32, #tpu.memory_space<hbm>>) target(%dma_start3A_922 : memref<8x128xf32, #tpu.memory_space<vmem>>) target_semaphore(%arg10 : memref<!tpu.dma_semaphore, #tpu.memory_space<semaphore_mem>>)
      } else {
      }
      %scan3A_759 = arith.constant 0 : i32
      %scan3A_760 = arith.constant 8 : i32
      %scan3A_761 = arith.addi %scan3A_759, %scan3A_760 : i32
      %scan3A_762 = arith.constant 1 : i32
      scf.for %scan3A_881 = %scan3A_759 to %scan3A_761 step %scan3A_762  : i32 {
        %mul3A_882 = arith.constant 16 : i32
        %mul3A_883 = arith.muli %scan3A_881, %mul3A_882 : i32
        %add3A_884 = arith.constant 0 : i32
        %add3A_885 = arith.addi %add3A_884, %mul3A_883 : i32
        %get3A = arith.constant 1 : i32
        %get3A_886 = arith.constant 0 : i32
        %get3A_887 = arith.index_cast %get3A : i32 to index
        %get3A_888 = arith.index_cast %get3A_886 : i32 to index
        %get3A_889 = arith.index_cast %add3A_885 : i32 to index
        %get3A_890 = tpu.vector_load %arg5[%get3A_887, %get3A_888, %get3A_889] {strides = array<i32>} : memref<2x8x128xf32, #tpu.memory_space<vmem>>, vector<16xf32>,
        %mul3A_891 = arith.constant 1.270000e+02 : f32
        %mul3A_892 = vector.broadcast %mul3A_891 : f32 to vector<16xf32>
        %mul3A_893 = arith.mulf %get3A_890, %mul3A_892 : vector<16xf32>
        %get3A_894 = arith.constant 1 : i32
        %get3A_895 = arith.constant 1 : i32
        %get3A_896 = arith.index_cast %get3A_894 : i32 to index
        %get3A_897 = arith.index_cast %get3A_895 : i32 to index
        %get3A_898 = arith.index_cast %add3A_885 : i32 to index
        %get3A_899 = tpu.vector_load %arg5[%get3A_896, %get3A_897, %get3A_898] {strides = array<i32>} : memref<2x8x128xf32, #tpu.memory_space<vmem>>, vector<16xf32>,
        %mul3A_900 = arith.constant 1.270000e+02 : f32
        %mul3A_901 = vector.broadcast %mul3A_900 : f32 to vector<16xf32>
        %mul3A_902 = arith.mulf %get3A_899, %mul3A_901 : vector<16xf32>
        %get3A_903 = arith.constant 1 : i32
        %get3A_904 = arith.constant 2 : i32
        %get3A_905 = arith.index_cast %get3A_903 : i32 to index
        %get3A_906 = arith.index_cast %get3A_904 : i32 to index
        %get3A_907 = arith.index_cast %add3A_885 : i32 to index
        %get3A_908 = tpu.vector_load %arg5[%get3A_905, %get3A_906, %get3A_907] {strides = array<i32>} : memref<2x8x128xf32, #tpu.memory_space<vmem>>, vector<16xf32>,
        %mul3A_909 = arith.constant 1.270000e+02 : f32
        %mul3A_910 = vector.broadcast %mul3A_909 : f32 to vector<16xf32>
        %mul3A_911 = arith.mulf %get3A_908, %mul3A_910 : vector<16xf32>
        %convert_element_type3A_912 = arith.fptosi %mul3A_893 : vector<16xf32> to vector<16xi32>
        %max3A = arith.constant 0 : i32
        %max3A_913 = vector.broadcast %max3A : i32 to vector<16xi32>
        %max3A_914 = arith.maxsi %convert_element_type3A_912, %max3A_913 : vector<16xi32>
        %min3A = arith.constant 126 : i32
        %min3A_915 = vector.broadcast %min3A : i32 to vector<16xi32>
        %min3A_916 = arith.minsi %max3A_914, %min3A_915 : vector<16xi32>
        %convert_element_type3A_917 = arith.fptosi %mul3A_902 : vector<16xf32> to vector<16xi32>
        %max3A_918 = arith.constant 0 : i32
        %max3A_919 = vector.broadcast %max3A_918 : i32 to vector<16xi32>
        %max3A_920 = arith.maxsi %convert_element_type3A_917, %max3A_919 : vector<16xi32>
        %min3A_921 = arith.constant 126 : i32
        %min3A_922 = vector.broadcast %min3A_921 : i32 to vector<16xi32>
        %min3A_923 = arith.minsi %max3A_920, %min3A_922 : vector<16xi32>
        %convert_element_type3A_924 = arith.fptosi %mul3A_911 : vector<16xf32> to vector<16xi32>
        %max3A_925 = arith.constant 0 : i32
        %max3A_926 = vector.broadcast %max3A_925 : i32 to vector<16xi32>
        %max3A_927 = arith.maxsi %convert_element_type3A_924, %max3A_926 : vector<16xi32>
        %min3A_928 = arith.constant 126 : i32
        %min3A_929 = vector.broadcast %min3A_928 : i32 to vector<16xi32>
        %min3A_930 = arith.minsi %max3A_927, %min3A_929 : vector<16xi32>
        %convert_element_type3A_931 = arith.sitofp %min3A_916 : vector<16xi32> to vector<16xf32>
        %sub3A_932 = arith.subf %mul3A_893, %convert_element_type3A_931 : vector<16xf32>
        %convert_element_type3A_933 = arith.sitofp %min3A_923 : vector<16xi32> to vector<16xf32>
        %sub3A_934 = arith.subf %mul3A_902, %convert_element_type3A_933 : vector<16xf32>
        %convert_element_type3A_935 = arith.sitofp %min3A_930 : vector<16xi32> to vector<16xf32>
        %sub3A_936 = arith.subf %mul3A_911, %convert_element_type3A_935 : vector<16xf32>
        %sub3A_937 = arith.constant 1.000000e+00 : f32
        %sub3A_938 = vector.broadcast %sub3A_937 : f32 to vector<16xf32>
        %sub3A_939 = arith.subf %sub3A_938, %sub3A_932 : vector<16xf32>
        %sub3A_940 = arith.constant 1.000000e+00 : f32
        %sub3A_941 = vector.broadcast %sub3A_940 : f32 to vector<16xf32>
        %sub3A_942 = arith.subf %sub3A_941, %sub3A_934 : vector<16xf32>
        %sub3A_943 = arith.constant 1.000000e+00 : f32
        %sub3A_944 = vector.broadcast %sub3A_943 : f32 to vector<16xf32>
        %sub3A_945 = arith.subf %sub3A_944, %sub3A_936 : vector<16xf32>
        %mul3A_946 = arith.constant 128 : i32
        %mul3A_947 = vector.broadcast %mul3A_946 : i32 to vector<16xi32>
        %mul3A_948 = arith.muli %min3A_916, %mul3A_947 : vector<16xi32>
        %add3A_949 = arith.addi %mul3A_948, %min3A_923 : vector<16xi32>
        %mul3A_950 = arith.constant 128 : i32
        %mul3A_951 = vector.broadcast %mul3A_950 : i32 to vector<16xi32>
        %mul3A_952 = arith.muli %add3A_949, %mul3A_951 : vector<16xi32>
        %add3A_953 = arith.addi %mul3A_952, %min3A_930 : vector<16xi32>
        %add3A_954 = arith.constant 0 : i32
        %add3A_955 = vector.broadcast %add3A_954 : i32 to vector<16xi32>
        %add3A_956 = arith.addi %add3A_953, %add3A_955 : vector<16xi32>
        %swap3A = arith.constant 1 : i32
        %swap3A_957 = arith.constant 0 : i32
        %swap3A_958 = arith.index_cast %swap3A : i32 to index
        %swap3A_959 = arith.index_cast %swap3A_957 : i32 to index
        %swap3A_960 = arith.index_cast %add3A_885 : i32 to index
        %swap3A_961 = tpu.vector_load %arg6[%swap3A_958, %swap3A_959, %swap3A_960] {strides = array<i32>} : memref<2x8x128xi32, #tpu.memory_space<vmem>>, vector<16xi32>,
        tpu.vector_store %arg6[%swap3A_958, %swap3A_959, %swap3A_960], %add3A_956 {strides = array<i32>} : memref<2x8x128xi32, #tpu.memory_space<vmem>>, vector<16xi32>,
        %mul3A_962 = arith.mulf %sub3A_939, %sub3A_942 : vector<16xf32>
        %mul3A_963 = arith.mulf %mul3A_962, %sub3A_945 : vector<16xf32>
        %swap3A_964 = arith.constant 1 : i32
        %swap3A_965 = arith.constant 0 : i32
        %swap3A_966 = arith.index_cast %swap3A_964 : i32 to index
        %swap3A_967 = arith.index_cast %swap3A_965 : i32 to index
        %swap3A_968 = arith.index_cast %add3A_885 : i32 to index
        %swap3A_969 = tpu.vector_load %arg7[%swap3A_966, %swap3A_967, %swap3A_968] {strides = array<i32>} : memref<2x8x128xf32, #tpu.memory_space<vmem>>, vector<16xf32>,
        tpu.vector_store %arg7[%swap3A_966, %swap3A_967, %swap3A_968], %mul3A_963 {strides = array<i32>} : memref<2x8x128xf32, #tpu.memory_space<vmem>>, vector<16xf32>,
        %add3A_970 = arith.constant 1 : i32
        %add3A_971 = vector.broadcast %add3A_970 : i32 to vector<16xi32>
        %add3A_972 = arith.addi %add3A_953, %add3A_971 : vector<16xi32>
        %swap3A_973 = arith.constant 1 : i32
        %swap3A_974 = arith.constant 1 : i32
        %swap3A_975 = arith.index_cast %swap3A_973 : i32 to index
        %swap3A_976 = arith.index_cast %swap3A_974 : i32 to index
        %swap3A_977 = arith.index_cast %add3A_885 : i32 to index
        %swap3A_978 = tpu.vector_load %arg6[%swap3A_975, %swap3A_976, %swap3A_977] {strides = array<i32>} : memref<2x8x128xi32, #tpu.memory_space<vmem>>, vector<16xi32>,
        tpu.vector_store %arg6[%swap3A_975, %swap3A_976, %swap3A_977], %add3A_972 {strides = array<i32>} : memref<2x8x128xi32, #tpu.memory_space<vmem>>, vector<16xi32>,
        %mul3A_979 = arith.mulf %sub3A_939, %sub3A_942 : vector<16xf32>
        %mul3A_980 = arith.mulf %mul3A_979, %sub3A_936 : vector<16xf32>
        %swap3A_981 = arith.constant 1 : i32
        %swap3A_982 = arith.constant 1 : i32
        %swap3A_983 = arith.index_cast %swap3A_981 : i32 to index
        %swap3A_984 = arith.index_cast %swap3A_982 : i32 to index
        %swap3A_985 = arith.index_cast %add3A_885 : i32 to index
        %swap3A_986 = tpu.vector_load %arg7[%swap3A_983, %swap3A_984, %swap3A_985] {strides = array<i32>} : memref<2x8x128xf32, #tpu.memory_space<vmem>>, vector<16xf32>,
        tpu.vector_store %arg7[%swap3A_983, %swap3A_984, %swap3A_985], %mul3A_980 {strides = array<i32>} : memref<2x8x128xf32, #tpu.memory_space<vmem>>, vector<16xf32>,
        %add3A_987 = arith.constant 128 : i32
        %add3A_988 = vector.broadcast %add3A_987 : i32 to vector<16xi32>
        %add3A_989 = arith.addi %add3A_953, %add3A_988 : vector<16xi32>
        %swap3A_990 = arith.constant 1 : i32
        %swap3A_991 = arith.constant 2 : i32
        %swap3A_992 = arith.index_cast %swap3A_990 : i32 to index
        %swap3A_993 = arith.index_cast %swap3A_991 : i32 to index
        %swap3A_994 = arith.index_cast %add3A_885 : i32 to index
        %swap3A_995 = tpu.vector_load %arg6[%swap3A_992, %swap3A_993, %swap3A_994] {strides = array<i32>} : memref<2x8x128xi32, #tpu.memory_space<vmem>>, vector<16xi32>,
        tpu.vector_store %arg6[%swap3A_992, %swap3A_993, %swap3A_994], %add3A_989 {strides = array<i32>} : memref<2x8x128xi32, #tpu.memory_space<vmem>>, vector<16xi32>,
        %mul3A_996 = arith.mulf %sub3A_939, %sub3A_934 : vector<16xf32>
        %mul3A_997 = arith.mulf %mul3A_996, %sub3A_945 : vector<16xf32>
        %swap3A_998 = arith.constant 1 : i32
        %swap3A_999 = arith.constant 2 : i32
        %swap3A_1000 = arith.index_cast %swap3A_998 : i32 to index
        %swap3A_1001 = arith.index_cast %swap3A_999 : i32 to index
        %swap3A_1002 = arith.index_cast %add3A_885 : i32 to index
        %swap3A_1003 = tpu.vector_load %arg7[%swap3A_1000, %swap3A_1001, %swap3A_1002] {strides = array<i32>} : memref<2x8x128xf32, #tpu.memory_space<vmem>>, vector<16xf32>,
        tpu.vector_store %arg7[%swap3A_1000, %swap3A_1001, %swap3A_1002], %mul3A_997 {strides = array<i32>} : memref<2x8x128xf32, #tpu.memory_space<vmem>>, vector<16xf32>,
        %add3A_1004 = arith.constant 129 : i32
        %add3A_1005 = vector.broadcast %add3A_1004 : i32 to vector<16xi32>
        %add3A_1006 = arith.addi %add3A_953, %add3A_1005 : vector<16xi32>
        %swap3A_1007 = arith.constant 1 : i32
        %swap3A_1008 = arith.constant 3 : i32
        %swap3A_1009 = arith.index_cast %swap3A_1007 : i32 to index
        %swap3A_1010 = arith.index_cast %swap3A_1008 : i32 to index
        %swap3A_1011 = arith.index_cast %add3A_885 : i32 to index
        %swap3A_1012 = tpu.vector_load %arg6[%swap3A_1009, %swap3A_1010, %swap3A_1011] {strides = array<i32>} : memref<2x8x128xi32, #tpu.memory_space<vmem>>, vector<16xi32>,
        tpu.vector_store %arg6[%swap3A_1009, %swap3A_1010, %swap3A_1011], %add3A_1006 {strides = array<i32>} : memref<2x8x128xi32, #tpu.memory_space<vmem>>, vector<16xi32>,
        %mul3A_1013 = arith.mulf %sub3A_939, %sub3A_934 : vector<16xf32>
        %mul3A_1014 = arith.mulf %mul3A_1013, %sub3A_936 : vector<16xf32>
        %swap3A_1015 = arith.constant 1 : i32
        %swap3A_1016 = arith.constant 3 : i32
        %swap3A_1017 = arith.index_cast %swap3A_1015 : i32 to index
        %swap3A_1018 = arith.index_cast %swap3A_1016 : i32 to index
        %swap3A_1019 = arith.index_cast %add3A_885 : i32 to index
        %swap3A_1020 = tpu.vector_load %arg7[%swap3A_1017, %swap3A_1018, %swap3A_1019] {strides = array<i32>} : memref<2x8x128xf32, #tpu.memory_space<vmem>>, vector<16xf32>,
        tpu.vector_store %arg7[%swap3A_1017, %swap3A_1018, %swap3A_1019], %mul3A_1014 {strides = array<i32>} : memref<2x8x128xf32, #tpu.memory_space<vmem>>, vector<16xf32>,
        %add3A_1021 = arith.constant 16384 : i32
        %add3A_1022 = vector.broadcast %add3A_1021 : i32 to vector<16xi32>
        %add3A_1023 = arith.addi %add3A_953, %add3A_1022 : vector<16xi32>
        %swap3A_1024 = arith.constant 1 : i32
        %swap3A_1025 = arith.constant 4 : i32
        %swap3A_1026 = arith.index_cast %swap3A_1024 : i32 to index
        %swap3A_1027 = arith.index_cast %swap3A_1025 : i32 to index
        %swap3A_1028 = arith.index_cast %add3A_885 : i32 to index
        %swap3A_1029 = tpu.vector_load %arg6[%swap3A_1026, %swap3A_1027, %swap3A_1028] {strides = array<i32>} : memref<2x8x128xi32, #tpu.memory_space<vmem>>, vector<16xi32>,
        tpu.vector_store %arg6[%swap3A_1026, %swap3A_1027, %swap3A_1028], %add3A_1023 {strides = array<i32>} : memref<2x8x128xi32, #tpu.memory_space<vmem>>, vector<16xi32>,
        %mul3A_1030 = arith.mulf %sub3A_932, %sub3A_942 : vector<16xf32>
        %mul3A_1031 = arith.mulf %mul3A_1030, %sub3A_945 : vector<16xf32>
        %swap3A_1032 = arith.constant 1 : i32
        %swap3A_1033 = arith.constant 4 : i32
        %swap3A_1034 = arith.index_cast %swap3A_1032 : i32 to index
        %swap3A_1035 = arith.index_cast %swap3A_1033 : i32 to index
        %swap3A_1036 = arith.index_cast %add3A_885 : i32 to index
        %swap3A_1037 = tpu.vector_load %arg7[%swap3A_1034, %swap3A_1035, %swap3A_1036] {strides = array<i32>} : memref<2x8x128xf32, #tpu.memory_space<vmem>>, vector<16xf32>,
        tpu.vector_store %arg7[%swap3A_1034, %swap3A_1035, %swap3A_1036], %mul3A_1031 {strides = array<i32>} : memref<2x8x128xf32, #tpu.memory_space<vmem>>, vector<16xf32>,
        %add3A_1038 = arith.constant 16385 : i32
        %add3A_1039 = vector.broadcast %add3A_1038 : i32 to vector<16xi32>
        %add3A_1040 = arith.addi %add3A_953, %add3A_1039 : vector<16xi32>
        %swap3A_1041 = arith.constant 1 : i32
        %swap3A_1042 = arith.constant 5 : i32
        %swap3A_1043 = arith.index_cast %swap3A_1041 : i32 to index
        %swap3A_1044 = arith.index_cast %swap3A_1042 : i32 to index
        %swap3A_1045 = arith.index_cast %add3A_885 : i32 to index
        %swap3A_1046 = tpu.vector_load %arg6[%swap3A_1043, %swap3A_1044, %swap3A_1045] {strides = array<i32>} : memref<2x8x128xi32, #tpu.memory_space<vmem>>, vector<16xi32>,
        tpu.vector_store %arg6[%swap3A_1043, %swap3A_1044, %swap3A_1045], %add3A_1040 {strides = array<i32>} : memref<2x8x128xi32, #tpu.memory_space<vmem>>, vector<16xi32>,
        %mul3A_1047 = arith.mulf %sub3A_932, %sub3A_942 : vector<16xf32>
        %mul3A_1048 = arith.mulf %mul3A_1047, %sub3A_936 : vector<16xf32>
        %swap3A_1049 = arith.constant 1 : i32
        %swap3A_1050 = arith.constant 5 : i32
        %swap3A_1051 = arith.index_cast %swap3A_1049 : i32 to index
        %swap3A_1052 = arith.index_cast %swap3A_1050 : i32 to index
        %swap3A_1053 = arith.index_cast %add3A_885 : i32 to index
        %swap3A_1054 = tpu.vector_load %arg7[%swap3A_1051, %swap3A_1052, %swap3A_1053] {strides = array<i32>} : memref<2x8x128xf32, #tpu.memory_space<vmem>>, vector<16xf32>,
        tpu.vector_store %arg7[%swap3A_1051, %swap3A_1052, %swap3A_1053], %mul3A_1048 {strides = array<i32>} : memref<2x8x128xf32, #tpu.memory_space<vmem>>, vector<16xf32>,
        %add3A_1055 = arith.constant 16512 : i32
        %add3A_1056 = vector.broadcast %add3A_1055 : i32 to vector<16xi32>
        %add3A_1057 = arith.addi %add3A_953, %add3A_1056 : vector<16xi32>
        %swap3A_1058 = arith.constant 1 : i32
        %swap3A_1059 = arith.constant 6 : i32
        %swap3A_1060 = arith.index_cast %swap3A_1058 : i32 to index
        %swap3A_1061 = arith.index_cast %swap3A_1059 : i32 to index
        %swap3A_1062 = arith.index_cast %add3A_885 : i32 to index
        %swap3A_1063 = tpu.vector_load %arg6[%swap3A_1060, %swap3A_1061, %swap3A_1062] {strides = array<i32>} : memref<2x8x128xi32, #tpu.memory_space<vmem>>, vector<16xi32>,
        tpu.vector_store %arg6[%swap3A_1060, %swap3A_1061, %swap3A_1062], %add3A_1057 {strides = array<i32>} : memref<2x8x128xi32, #tpu.memory_space<vmem>>, vector<16xi32>,
        %mul3A_1064 = arith.mulf %sub3A_932, %sub3A_934 : vector<16xf32>
        %mul3A_1065 = arith.mulf %mul3A_1064, %sub3A_945 : vector<16xf32>
        %swap3A_1066 = arith.constant 1 : i32
        %swap3A_1067 = arith.constant 6 : i32
        %swap3A_1068 = arith.index_cast %swap3A_1066 : i32 to index
        %swap3A_1069 = arith.index_cast %swap3A_1067 : i32 to index
        %swap3A_1070 = arith.index_cast %add3A_885 : i32 to index
        %swap3A_1071 = tpu.vector_load %arg7[%swap3A_1068, %swap3A_1069, %swap3A_1070] {strides = array<i32>} : memref<2x8x128xf32, #tpu.memory_space<vmem>>, vector<16xf32>,
        tpu.vector_store %arg7[%swap3A_1068, %swap3A_1069, %swap3A_1070], %mul3A_1065 {strides = array<i32>} : memref<2x8x128xf32, #tpu.memory_space<vmem>>, vector<16xf32>,
        %add3A_1072 = arith.constant 16513 : i32
        %add3A_1073 = vector.broadcast %add3A_1072 : i32 to vector<16xi32>
        %add3A_1074 = arith.addi %add3A_953, %add3A_1073 : vector<16xi32>
        %swap3A_1075 = arith.constant 1 : i32
        %swap3A_1076 = arith.constant 7 : i32
        %swap3A_1077 = arith.index_cast %swap3A_1075 : i32 to index
        %swap3A_1078 = arith.index_cast %swap3A_1076 : i32 to index
        %swap3A_1079 = arith.index_cast %add3A_885 : i32 to index
        %swap3A_1080 = tpu.vector_load %arg6[%swap3A_1077, %swap3A_1078, %swap3A_1079] {strides = array<i32>} : memref<2x8x128xi32, #tpu.memory_space<vmem>>, vector<16xi32>,
        tpu.vector_store %arg6[%swap3A_1077, %swap3A_1078, %swap3A_1079], %add3A_1074 {strides = array<i32>} : memref<2x8x128xi32, #tpu.memory_space<vmem>>, vector<16xi32>,
        %mul3A_1081 = arith.mulf %sub3A_932, %sub3A_934 : vector<16xf32>
        %mul3A_1082 = arith.mulf %mul3A_1081, %sub3A_936 : vector<16xf32>
        %swap3A_1083 = arith.constant 1 : i32
        %swap3A_1084 = arith.constant 7 : i32
        %swap3A_1085 = arith.index_cast %swap3A_1083 : i32 to index
        %swap3A_1086 = arith.index_cast %swap3A_1084 : i32 to index
        %swap3A_1087 = arith.index_cast %add3A_885 : i32 to index
        %swap3A_1088 = tpu.vector_load %arg7[%swap3A_1085, %swap3A_1086, %swap3A_1087] {strides = array<i32>} : memref<2x8x128xf32, #tpu.memory_space<vmem>>, vector<16xf32>,
        tpu.vector_store %arg7[%swap3A_1085, %swap3A_1086, %swap3A_1087], %mul3A_1082 {strides = array<i32>} : memref<2x8x128xf32, #tpu.memory_space<vmem>>, vector<16xf32>,
      }
      %scan3A_763 = arith.constant 8 : i32
      %dma_start3A_764 = arith.constant 1 : i32
      %dma_start3A_765 = arith.constant 0 : i32
      %dma_start3A_766 = arith.constant 1 : i32
      %dma_start3A_767 = arith.constant 0 : i32
      %dma_start3A_768 = arith.constant 0 : i32
      %dma_start3A_769 = arith.constant 0 : i32
      %dma_start3A_770 = tpu.memref_slice %arg8[%dma_start3A_766, %dma_start3A_767, %dma_start3A_768, %dma_start3A_769] : memref<2x8x128x32xf32, #tpu.memory_space<vmem>> -> memref<1x1x128x32xf32, #tpu.memory_space<vmem>>
      %dma_start3A_771 = tpu.memref_squeeze %dma_start3A_770 : memref<1x1x128x32xf32, #tpu.memory_space<vmem>> -> memref<128x32xf32, #tpu.memory_space<vmem>>
      %dma_start3A_772 = arith.constant 0 : i32
      %dma_start3A_773 = tpu.memref_slice %arg6[%dma_start3A_764, %dma_start3A_765, %dma_start3A_772] : memref<2x8x128xi32, #tpu.memory_space<vmem>> -> memref<1x1x128xi32, #tpu.memory_space<vmem>>
      %dma_start3A_774 = tpu.memref_squeeze %dma_start3A_773 : memref<1x1x128xi32, #tpu.memory_space<vmem>> -> memref<128xi32, #tpu.memory_space<vmem>>
      %dma_start3A_775 = arith.constant 0 : i32
      %dma_start3A_776 = arith.constant 0 : i32
      %dma_start3A_777 = tpu.memref_slice %arg3[%dma_start3A_775, %dma_start3A_776] : memref<2097152x32xf32, #tpu.memory_space<hbm>> -> memref<2097152x32xf32, #tpu.memory_space<hbm>>
      tpu.enqueue_indirect_dma source(%dma_start3A_777 : memref<2097152x32xf32, #tpu.memory_space<hbm>>) target(%dma_start3A_771 : memref<128x32xf32, #tpu.memory_space<vmem>>) offsets(%dma_start3A_774 : memref<128xi32, #tpu.memory_space<vmem>>) semaphore(%arg11 : memref<!tpu.dma_semaphore, #tpu.memory_space<semaphore_mem>>)
      %dma_start3A_778 = arith.constant 1 : i32
      %dma_start3A_779 = arith.constant 1 : i32
      %dma_start3A_780 = arith.constant 1 : i32
      %dma_start3A_781 = arith.constant 1 : i32
      %dma_start3A_782 = arith.constant 0 : i32
      %dma_start3A_783 = arith.constant 0 : i32
      %dma_start3A_784 = tpu.memref_slice %arg8[%dma_start3A_780, %dma_start3A_781, %dma_start3A_782, %dma_start3A_783] : memref<2x8x128x32xf32, #tpu.memory_space<vmem>> -> memref<1x1x128x32xf32, #tpu.memory_space<vmem>>
      %dma_start3A_785 = tpu.memref_squeeze %dma_start3A_784 : memref<1x1x128x32xf32, #tpu.memory_space<vmem>> -> memref<128x32xf32, #tpu.memory_space<vmem>>
      %dma_start3A_786 = arith.constant 0 : i32
      %dma_start3A_787 = tpu.memref_slice %arg6[%dma_start3A_778, %dma_start3A_779, %dma_start3A_786] : memref<2x8x128xi32, #tpu.memory_space<vmem>> -> memref<1x1x128xi32, #tpu.memory_space<vmem>>
      %dma_start3A_788 = tpu.memref_squeeze %dma_start3A_787 : memref<1x1x128xi32, #tpu.memory_space<vmem>> -> memref<128xi32, #tpu.memory_space<vmem>>
      %dma_start3A_789 = arith.constant 0 : i32
      %dma_start3A_790 = arith.constant 0 : i32
      %dma_start3A_791 = tpu.memref_slice %arg3[%dma_start3A_789, %dma_start3A_790] : memref<2097152x32xf32, #tpu.memory_space<hbm>> -> memref<2097152x32xf32, #tpu.memory_space<hbm>>
      tpu.enqueue_indirect_dma source(%dma_start3A_791 : memref<2097152x32xf32, #tpu.memory_space<hbm>>) target(%dma_start3A_785 : memref<128x32xf32, #tpu.memory_space<vmem>>) offsets(%dma_start3A_788 : memref<128xi32, #tpu.memory_space<vmem>>) semaphore(%arg11 : memref<!tpu.dma_semaphore, #tpu.memory_space<semaphore_mem>>)
      %dma_start3A_792 = arith.constant 1 : i32
      %dma_start3A_793 = arith.constant 2 : i32
      %dma_start3A_794 = arith.constant 1 : i32
      %dma_start3A_795 = arith.constant 2 : i32
      %dma_start3A_796 = arith.constant 0 : i32
      %dma_start3A_797 = arith.constant 0 : i32
      %dma_start3A_798 = tpu.memref_slice %arg8[%dma_start3A_794, %dma_start3A_795, %dma_start3A_796, %dma_start3A_797] : memref<2x8x128x32xf32, #tpu.memory_space<vmem>> -> memref<1x1x128x32xf32, #tpu.memory_space<vmem>>
      %dma_start3A_799 = tpu.memref_squeeze %dma_start3A_798 : memref<1x1x128x32xf32, #tpu.memory_space<vmem>> -> memref<128x32xf32, #tpu.memory_space<vmem>>
      %dma_start3A_800 = arith.constant 0 : i32
      %dma_start3A_801 = tpu.memref_slice %arg6[%dma_start3A_792, %dma_start3A_793, %dma_start3A_800] : memref<2x8x128xi32, #tpu.memory_space<vmem>> -> memref<1x1x128xi32, #tpu.memory_space<vmem>>
      %dma_start3A_802 = tpu.memref_squeeze %dma_start3A_801 : memref<1x1x128xi32, #tpu.memory_space<vmem>> -> memref<128xi32, #tpu.memory_space<vmem>>
      %dma_start3A_803 = arith.constant 0 : i32
      %dma_start3A_804 = arith.constant 0 : i32
      %dma_start3A_805 = tpu.memref_slice %arg3[%dma_start3A_803, %dma_start3A_804] : memref<2097152x32xf32, #tpu.memory_space<hbm>> -> memref<2097152x32xf32, #tpu.memory_space<hbm>>
      tpu.enqueue_indirect_dma source(%dma_start3A_805 : memref<2097152x32xf32, #tpu.memory_space<hbm>>) target(%dma_start3A_799 : memref<128x32xf32, #tpu.memory_space<vmem>>) offsets(%dma_start3A_802 : memref<128xi32, #tpu.memory_space<vmem>>) semaphore(%arg11 : memref<!tpu.dma_semaphore, #tpu.memory_space<semaphore_mem>>)
      %dma_start3A_806 = arith.constant 1 : i32
      %dma_start3A_807 = arith.constant 3 : i32
      %dma_start3A_808 = arith.constant 1 : i32
      %dma_start3A_809 = arith.constant 3 : i32
      %dma_start3A_810 = arith.constant 0 : i32
      %dma_start3A_811 = arith.constant 0 : i32
      %dma_start3A_812 = tpu.memref_slice %arg8[%dma_start3A_808, %dma_start3A_809, %dma_start3A_810, %dma_start3A_811] : memref<2x8x128x32xf32, #tpu.memory_space<vmem>> -> memref<1x1x128x32xf32, #tpu.memory_space<vmem>>
      %dma_start3A_813 = tpu.memref_squeeze %dma_start3A_812 : memref<1x1x128x32xf32, #tpu.memory_space<vmem>> -> memref<128x32xf32, #tpu.memory_space<vmem>>
      %dma_start3A_814 = arith.constant 0 : i32
      %dma_start3A_815 = tpu.memref_slice %arg6[%dma_start3A_806, %dma_start3A_807, %dma_start3A_814] : memref<2x8x128xi32, #tpu.memory_space<vmem>> -> memref<1x1x128xi32, #tpu.memory_space<vmem>>
      %dma_start3A_816 = tpu.memref_squeeze %dma_start3A_815 : memref<1x1x128xi32, #tpu.memory_space<vmem>> -> memref<128xi32, #tpu.memory_space<vmem>>
      %dma_start3A_817 = arith.constant 0 : i32
      %dma_start3A_818 = arith.constant 0 : i32
      %dma_start3A_819 = tpu.memref_slice %arg3[%dma_start3A_817, %dma_start3A_818] : memref<2097152x32xf32, #tpu.memory_space<hbm>> -> memref<2097152x32xf32, #tpu.memory_space<hbm>>
      tpu.enqueue_indirect_dma source(%dma_start3A_819 : memref<2097152x32xf32, #tpu.memory_space<hbm>>) target(%dma_start3A_813 : memref<128x32xf32, #tpu.memory_space<vmem>>) offsets(%dma_start3A_816 : memref<128xi32, #tpu.memory_space<vmem>>) semaphore(%arg11 : memref<!tpu.dma_semaphore, #tpu.memory_space<semaphore_mem>>)
      %dma_start3A_820 = arith.constant 1 : i32
      %dma_start3A_821 = arith.constant 4 : i32
      %dma_start3A_822 = arith.constant 1 : i32
      %dma_start3A_823 = arith.constant 4 : i32
      %dma_start3A_824 = arith.constant 0 : i32
      %dma_start3A_825 = arith.constant 0 : i32
      %dma_start3A_826 = tpu.memref_slice %arg8[%dma_start3A_822, %dma_start3A_823, %dma_start3A_824, %dma_start3A_825] : memref<2x8x128x32xf32, #tpu.memory_space<vmem>> -> memref<1x1x128x32xf32, #tpu.memory_space<vmem>>
      %dma_start3A_827 = tpu.memref_squeeze %dma_start3A_826 : memref<1x1x128x32xf32, #tpu.memory_space<vmem>> -> memref<128x32xf32, #tpu.memory_space<vmem>>
      %dma_start3A_828 = arith.constant 0 : i32
      %dma_start3A_829 = tpu.memref_slice %arg6[%dma_start3A_820, %dma_start3A_821, %dma_start3A_828] : memref<2x8x128xi32, #tpu.memory_space<vmem>> -> memref<1x1x128xi32, #tpu.memory_space<vmem>>
      %dma_start3A_830 = tpu.memref_squeeze %dma_start3A_829 : memref<1x1x128xi32, #tpu.memory_space<vmem>> -> memref<128xi32, #tpu.memory_space<vmem>>
      %dma_start3A_831 = arith.constant 0 : i32
      %dma_start3A_832 = arith.constant 0 : i32
      %dma_start3A_833 = tpu.memref_slice %arg3[%dma_start3A_831, %dma_start3A_832] : memref<2097152x32xf32, #tpu.memory_space<hbm>> -> memref<2097152x32xf32, #tpu.memory_space<hbm>>
      tpu.enqueue_indirect_dma source(%dma_start3A_833 : memref<2097152x32xf32, #tpu.memory_space<hbm>>) target(%dma_start3A_827 : memref<128x32xf32, #tpu.memory_space<vmem>>) offsets(%dma_start3A_830 : memref<128xi32, #tpu.memory_space<vmem>>) semaphore(%arg11 : memref<!tpu.dma_semaphore, #tpu.memory_space<semaphore_mem>>)
      %dma_start3A_834 = arith.constant 1 : i32
      %dma_start3A_835 = arith.constant 5 : i32
      %dma_start3A_836 = arith.constant 1 : i32
      %dma_start3A_837 = arith.constant 5 : i32
      %dma_start3A_838 = arith.constant 0 : i32
      %dma_start3A_839 = arith.constant 0 : i32
      %dma_start3A_840 = tpu.memref_slice %arg8[%dma_start3A_836, %dma_start3A_837, %dma_start3A_838, %dma_start3A_839] : memref<2x8x128x32xf32, #tpu.memory_space<vmem>> -> memref<1x1x128x32xf32, #tpu.memory_space<vmem>>
      %dma_start3A_841 = tpu.memref_squeeze %dma_start3A_840 : memref<1x1x128x32xf32, #tpu.memory_space<vmem>> -> memref<128x32xf32, #tpu.memory_space<vmem>>
      %dma_start3A_842 = arith.constant 0 : i32
      %dma_start3A_843 = tpu.memref_slice %arg6[%dma_start3A_834, %dma_start3A_835, %dma_start3A_842] : memref<2x8x128xi32, #tpu.memory_space<vmem>> -> memref<1x1x128xi32, #tpu.memory_space<vmem>>
      %dma_start3A_844 = tpu.memref_squeeze %dma_start3A_843 : memref<1x1x128xi32, #tpu.memory_space<vmem>> -> memref<128xi32, #tpu.memory_space<vmem>>
      %dma_start3A_845 = arith.constant 0 : i32
      %dma_start3A_846 = arith.constant 0 : i32
      %dma_start3A_847 = tpu.memref_slice %arg3[%dma_start3A_845, %dma_start3A_846] : memref<2097152x32xf32, #tpu.memory_space<hbm>> -> memref<2097152x32xf32, #tpu.memory_space<hbm>>
      tpu.enqueue_indirect_dma source(%dma_start3A_847 : memref<2097152x32xf32, #tpu.memory_space<hbm>>) target(%dma_start3A_841 : memref<128x32xf32, #tpu.memory_space<vmem>>) offsets(%dma_start3A_844 : memref<128xi32, #tpu.memory_space<vmem>>) semaphore(%arg11 : memref<!tpu.dma_semaphore, #tpu.memory_space<semaphore_mem>>)
      %dma_start3A_848 = arith.constant 1 : i32
      %dma_start3A_849 = arith.constant 6 : i32
      %dma_start3A_850 = arith.constant 1 : i32
      %dma_start3A_851 = arith.constant 6 : i32
      %dma_start3A_852 = arith.constant 0 : i32
      %dma_start3A_853 = arith.constant 0 : i32
      %dma_start3A_854 = tpu.memref_slice %arg8[%dma_start3A_850, %dma_start3A_851, %dma_start3A_852, %dma_start3A_853] : memref<2x8x128x32xf32, #tpu.memory_space<vmem>> -> memref<1x1x128x32xf32, #tpu.memory_space<vmem>>
      %dma_start3A_855 = tpu.memref_squeeze %dma_start3A_854 : memref<1x1x128x32xf32, #tpu.memory_space<vmem>> -> memref<128x32xf32, #tpu.memory_space<vmem>>
      %dma_start3A_856 = arith.constant 0 : i32
      %dma_start3A_857 = tpu.memref_slice %arg6[%dma_start3A_848, %dma_start3A_849, %dma_start3A_856] : memref<2x8x128xi32, #tpu.memory_space<vmem>> -> memref<1x1x128xi32, #tpu.memory_space<vmem>>
      %dma_start3A_858 = tpu.memref_squeeze %dma_start3A_857 : memref<1x1x128xi32, #tpu.memory_space<vmem>> -> memref<128xi32, #tpu.memory_space<vmem>>
      %dma_start3A_859 = arith.constant 0 : i32
      %dma_start3A_860 = arith.constant 0 : i32
      %dma_start3A_861 = tpu.memref_slice %arg3[%dma_start3A_859, %dma_start3A_860] : memref<2097152x32xf32, #tpu.memory_space<hbm>> -> memref<2097152x32xf32, #tpu.memory_space<hbm>>
      tpu.enqueue_indirect_dma source(%dma_start3A_861 : memref<2097152x32xf32, #tpu.memory_space<hbm>>) target(%dma_start3A_855 : memref<128x32xf32, #tpu.memory_space<vmem>>) offsets(%dma_start3A_858 : memref<128xi32, #tpu.memory_space<vmem>>) semaphore(%arg11 : memref<!tpu.dma_semaphore, #tpu.memory_space<semaphore_mem>>)
      %dma_start3A_862 = arith.constant 1 : i32
      %dma_start3A_863 = arith.constant 7 : i32
      %dma_start3A_864 = arith.constant 1 : i32
      %dma_start3A_865 = arith.constant 7 : i32
      %dma_start3A_866 = arith.constant 0 : i32
      %dma_start3A_867 = arith.constant 0 : i32
      %dma_start3A_868 = tpu.memref_slice %arg8[%dma_start3A_864, %dma_start3A_865, %dma_start3A_866, %dma_start3A_867] : memref<2x8x128x32xf32, #tpu.memory_space<vmem>> -> memref<1x1x128x32xf32, #tpu.memory_space<vmem>>
      %dma_start3A_869 = tpu.memref_squeeze %dma_start3A_868 : memref<1x1x128x32xf32, #tpu.memory_space<vmem>> -> memref<128x32xf32, #tpu.memory_space<vmem>>
      %dma_start3A_870 = arith.constant 0 : i32
      %dma_start3A_871 = tpu.memref_slice %arg6[%dma_start3A_862, %dma_start3A_863, %dma_start3A_870] : memref<2x8x128xi32, #tpu.memory_space<vmem>> -> memref<1x1x128xi32, #tpu.memory_space<vmem>>
      %dma_start3A_872 = tpu.memref_squeeze %dma_start3A_871 : memref<1x1x128xi32, #tpu.memory_space<vmem>> -> memref<128xi32, #tpu.memory_space<vmem>>
      %dma_start3A_873 = arith.constant 0 : i32
      %dma_start3A_874 = arith.constant 0 : i32
      %dma_start3A_875 = tpu.memref_slice %arg3[%dma_start3A_873, %dma_start3A_874] : memref<2097152x32xf32, #tpu.memory_space<hbm>> -> memref<2097152x32xf32, #tpu.memory_space<hbm>>
      tpu.enqueue_indirect_dma source(%dma_start3A_875 : memref<2097152x32xf32, #tpu.memory_space<hbm>>) target(%dma_start3A_869 : memref<128x32xf32, #tpu.memory_space<vmem>>) offsets(%dma_start3A_872 : memref<128xi32, #tpu.memory_space<vmem>>) semaphore(%arg11 : memref<!tpu.dma_semaphore, #tpu.memory_space<semaphore_mem>>)
      %ge3A_876 = arith.constant 1 : i32
      %ge3A_877 = arith.cmpi sge, %add3A_709, %ge3A_876 : i32
      %convert_element_type3A_878 = arith.extui %ge3A_877 : i1 to i32
      %cond3A_879 = arith.constant 0 : i32
      %cond3A_880 = arith.cmpi ne, %convert_element_type3A_878, %cond3A_879 : i32
      scf.if %cond3A_880 {
        %ge3A_881 = arith.constant 3 : i32
        %ge3A_882 = arith.cmpi sge, %add3A_709, %ge3A_881 : i32
        %convert_element_type3A_883 = arith.extui %ge3A_882 : i1 to i32
        %cond3A_884 = arith.constant 0 : i32
        %cond3A_885 = arith.cmpi ne, %convert_element_type3A_883, %cond3A_884 : i32
        scf.if %cond3A_885 {
          %sub3A_1100 = arith.constant 3 : i32
          %sub3A_1101 = arith.subi %add3A_709, %sub3A_1100 : i32
          %mul3A_1102 = arith.constant 128 : i32
          %mul3A_1103 = arith.muli %sub3A_1101, %mul3A_1102 : i32
          %add3A_1104 = arith.addi %mul3A_2, %mul3A_1103 : i32
          %jit3A_1105 = arith.constant 128 : i32
          %div3A_1106 = arith.divsi %add3A_1104, %jit3A_1105 : i32
          %sign3A_1107 = arith.constant 0 : i32
          %sign3A_1108 = arith.cmpi sgt, %add3A_1104, %sign3A_1107 : i32
          %sign3A_1109 = arith.extui %sign3A_1108 : i1 to i32
          %sign3A_1110 = arith.constant 0 : i32
          %sign3A_1111 = arith.cmpi slt, %add3A_1104, %sign3A_1110 : i32
          %sign3A_1112 = arith.extui %sign3A_1111 : i1 to i32
          %sign3A_1113 = arith.subi %sign3A_1109, %sign3A_1112 : i32
          %sign3A_1114 = arith.constant 0 : i32
          %sign3A_1115 = arith.cmpi sgt, %jit3A_1105, %sign3A_1114 : i32
          %sign3A_1116 = arith.extui %sign3A_1115 : i1 to i32
          %sign3A_1117 = arith.constant 0 : i32
          %sign3A_1118 = arith.cmpi slt, %jit3A_1105, %sign3A_1117 : i32
          %sign3A_1119 = arith.extui %sign3A_1118 : i1 to i32
          %sign3A_1120 = arith.subi %sign3A_1116, %sign3A_1119 : i32
          %ne3A_1121 = arith.cmpi ne, %sign3A_1113, %sign3A_1120 : i32
          %rem3A_1122 = arith.remsi %add3A_1104, %jit3A_1105 : i32
          %ne3A_1123 = arith.constant 0 : i32
          %ne3A_1124 = arith.cmpi ne, %rem3A_1122, %ne3A_1123 : i32
          %and3A_1125 = arith.andi %ne3A_1121, %ne3A_1124 : i1
          %sub3A_1126 = arith.constant 1 : i32
          %sub3A_1127 = arith.subi %div3A_1106, %sub3A_1126 : i32
          %select_n3A_1128 = arith.select %and3A_1125, %sub3A_1127, %div3A_1106 : i32
          %add3A_1129 = arith.constant 0 : i32
          %add3A_1130 = arith.addi %add3A_1129, %select_n3A_1128 : i32
          %mul3A_1131 = arith.constant 8 : i32
          %mul3A_1132 = arith.muli %add3A_1130, %mul3A_1131 : i32
          %add3A_1133 = arith.constant 8192 : i32
          %add3A_1134 = arith.addi %add3A_1133, %select_n3A_1128 : i32
          %mul3A_1135 = arith.constant 8 : i32
          %mul3A_1136 = arith.muli %add3A_1134, %mul3A_1135 : i32
          %add3A_1137 = arith.constant 16384 : i32
          %add3A_1138 = arith.addi %add3A_1137, %select_n3A_1128 : i32
          %mul3A_1139 = arith.constant 8 : i32
          %mul3A_1140 = arith.muli %add3A_1138, %mul3A_1139 : i32
          %add3A_1141 = arith.constant 24576 : i32
          %add3A_1142 = arith.addi %add3A_1141, %select_n3A_1128 : i32
          %mul3A_1143 = arith.constant 8 : i32
          %mul3A_1144 = arith.muli %add3A_1142, %mul3A_1143 : i32
          %dma_wait3A_1145 = arith.constant 0 : i32
          %dma_wait3A_1146 = arith.constant 0 : i32
          %dma_wait3A_1147 = arith.constant 0 : i32
          %dma_wait3A_1148 = tpu.memref_slice %arg9[%dma_wait3A_1145, %dma_wait3A_1146, %dma_wait3A_1147] : memref<2x32x128xf32, #tpu.memory_space<vmem>> -> memref<1x8x128xf32, #tpu.memory_space<vmem>>
          %dma_wait3A_1149 = tpu.memref_squeeze %dma_wait3A_1148 : memref<1x8x128xf32, #tpu.memory_space<vmem>> -> memref<8x128xf32, #tpu.memory_space<vmem>>
          %dma_wait3A_1150 = arith.constant 0 : i32
          %dma_wait3A_1151 = tpu.memref_slice %arg4[%mul3A_1132, %dma_wait3A_1150] : memref<262144x128xf32, #tpu.memory_space<hbm>> -> memref<8x128xf32, #tpu.memory_space<hbm>>
          %dma_wait3A_1152 = arith.constant 0 : i32
          %dma_wait3A_1153 = tpu.memref_slice %arg4[%mul3A_1132, %dma_wait3A_1152] : memref<262144x128xf32, #tpu.memory_space<hbm>> -> memref<8x128xf32, #tpu.memory_space<hbm>>
          %dma_wait3A_1154 = arith.constant 0 : i32
          %dma_wait3A_1155 = arith.constant 0 : i32
          %dma_wait3A_1156 = tpu.memref_slice %arg9[%dma_wait3A_1145, %dma_wait3A_1154, %dma_wait3A_1155] : memref<2x32x128xf32, #tpu.memory_space<vmem>> -> memref<1x8x128xf32, #tpu.memory_space<vmem>>
          %dma_wait3A_1157 = tpu.memref_squeeze %dma_wait3A_1156 : memref<1x8x128xf32, #tpu.memory_space<vmem>> -> memref<8x128xf32, #tpu.memory_space<vmem>>
          tpu.wait_dma2 semaphore(%arg12 : memref<!tpu.dma_semaphore, #tpu.memory_space<semaphore_mem>>) src(%dma_wait3A_1157 : memref<8x128xf32, #tpu.memory_space<vmem>>) dst(%dma_wait3A_1153 : memref<8x128xf32, #tpu.memory_space<hbm>>)
          %dma_wait3A_1158 = arith.constant 0 : i32
          %dma_wait3A_1159 = arith.constant 8 : i32
          %dma_wait3A_1160 = arith.constant 0 : i32
          %dma_wait3A_1161 = tpu.memref_slice %arg9[%dma_wait3A_1158, %dma_wait3A_1159, %dma_wait3A_1160] : memref<2x32x128xf32, #tpu.memory_space<vmem>> -> memref<1x8x128xf32, #tpu.memory_space<vmem>>
          %dma_wait3A_1162 = tpu.memref_squeeze %dma_wait3A_1161 : memref<1x8x128xf32, #tpu.memory_space<vmem>> -> memref<8x128xf32, #tpu.memory_space<vmem>>
          %dma_wait3A_1163 = arith.constant 0 : i32
          %dma_wait3A_1164 = tpu.memref_slice %arg4[%mul3A_1136, %dma_wait3A_1163] : memref<262144x128xf32, #tpu.memory_space<hbm>> -> memref<8x128xf32, #tpu.memory_space<hbm>>
          %dma_wait3A_1165 = arith.constant 0 : i32
          %dma_wait3A_1166 = tpu.memref_slice %arg4[%mul3A_1136, %dma_wait3A_1165] : memref<262144x128xf32, #tpu.memory_space<hbm>> -> memref<8x128xf32, #tpu.memory_space<hbm>>
          %dma_wait3A_1167 = arith.constant 8 : i32
          %dma_wait3A_1168 = arith.constant 0 : i32
          %dma_wait3A_1169 = tpu.memref_slice %arg9[%dma_wait3A_1158, %dma_wait3A_1167, %dma_wait3A_1168] : memref<2x32x128xf32, #tpu.memory_space<vmem>> -> memref<1x8x128xf32, #tpu.memory_space<vmem>>
          %dma_wait3A_1170 = tpu.memref_squeeze %dma_wait3A_1169 : memref<1x8x128xf32, #tpu.memory_space<vmem>> -> memref<8x128xf32, #tpu.memory_space<vmem>>
          tpu.wait_dma2 semaphore(%arg12 : memref<!tpu.dma_semaphore, #tpu.memory_space<semaphore_mem>>) src(%dma_wait3A_1170 : memref<8x128xf32, #tpu.memory_space<vmem>>) dst(%dma_wait3A_1166 : memref<8x128xf32, #tpu.memory_space<hbm>>)
          %dma_wait3A_1171 = arith.constant 0 : i32
          %dma_wait3A_1172 = arith.constant 16 : i32
          %dma_wait3A_1173 = arith.constant 0 : i32
          %dma_wait3A_1174 = tpu.memref_slice %arg9[%dma_wait3A_1171, %dma_wait3A_1172, %dma_wait3A_1173] : memref<2x32x128xf32, #tpu.memory_space<vmem>> -> memref<1x8x128xf32, #tpu.memory_space<vmem>>
          %dma_wait3A_1175 = tpu.memref_squeeze %dma_wait3A_1174 : memref<1x8x128xf32, #tpu.memory_space<vmem>> -> memref<8x128xf32, #tpu.memory_space<vmem>>
          %dma_wait3A_1176 = arith.constant 0 : i32
          %dma_wait3A_1177 = tpu.memref_slice %arg4[%mul3A_1140, %dma_wait3A_1176] : memref<262144x128xf32, #tpu.memory_space<hbm>> -> memref<8x128xf32, #tpu.memory_space<hbm>>
          %dma_wait3A_1178 = arith.constant 0 : i32
          %dma_wait3A_1179 = tpu.memref_slice %arg4[%mul3A_1140, %dma_wait3A_1178] : memref<262144x128xf32, #tpu.memory_space<hbm>> -> memref<8x128xf32, #tpu.memory_space<hbm>>
          %dma_wait3A_1180 = arith.constant 16 : i32
          %dma_wait3A_1181 = arith.constant 0 : i32
          %dma_wait3A_1182 = tpu.memref_slice %arg9[%dma_wait3A_1171, %dma_wait3A_1180, %dma_wait3A_1181] : memref<2x32x128xf32, #tpu.memory_space<vmem>> -> memref<1x8x128xf32, #tpu.memory_space<vmem>>
          %dma_wait3A_1183 = tpu.memref_squeeze %dma_wait3A_1182 : memref<1x8x128xf32, #tpu.memory_space<vmem>> -> memref<8x128xf32, #tpu.memory_space<vmem>>
          tpu.wait_dma2 semaphore(%arg12 : memref<!tpu.dma_semaphore, #tpu.memory_space<semaphore_mem>>) src(%dma_wait3A_1183 : memref<8x128xf32, #tpu.memory_space<vmem>>) dst(%dma_wait3A_1179 : memref<8x128xf32, #tpu.memory_space<hbm>>)
          %dma_wait3A_1184 = arith.constant 0 : i32
          %dma_wait3A_1185 = arith.constant 24 : i32
          %dma_wait3A_1186 = arith.constant 0 : i32
          %dma_wait3A_1187 = tpu.memref_slice %arg9[%dma_wait3A_1184, %dma_wait3A_1185, %dma_wait3A_1186] : memref<2x32x128xf32, #tpu.memory_space<vmem>> -> memref<1x8x128xf32, #tpu.memory_space<vmem>>
          %dma_wait3A_1188 = tpu.memref_squeeze %dma_wait3A_1187 : memref<1x8x128xf32, #tpu.memory_space<vmem>> -> memref<8x128xf32, #tpu.memory_space<vmem>>
          %dma_wait3A_1189 = arith.constant 0 : i32
          %dma_wait3A_1190 = tpu.memref_slice %arg4[%mul3A_1144, %dma_wait3A_1189] : memref<262144x128xf32, #tpu.memory_space<hbm>> -> memref<8x128xf32, #tpu.memory_space<hbm>>
          %dma_wait3A_1191 = arith.constant 0 : i32
          %dma_wait3A_1192 = tpu.memref_slice %arg4[%mul3A_1144, %dma_wait3A_1191] : memref<262144x128xf32, #tpu.memory_space<hbm>> -> memref<8x128xf32, #tpu.memory_space<hbm>>
          %dma_wait3A_1193 = arith.constant 24 : i32
          %dma_wait3A_1194 = arith.constant 0 : i32
          %dma_wait3A_1195 = tpu.memref_slice %arg9[%dma_wait3A_1184, %dma_wait3A_1193, %dma_wait3A_1194] : memref<2x32x128xf32, #tpu.memory_space<vmem>> -> memref<1x8x128xf32, #tpu.memory_space<vmem>>
          %dma_wait3A_1196 = tpu.memref_squeeze %dma_wait3A_1195 : memref<1x8x128xf32, #tpu.memory_space<vmem>> -> memref<8x128xf32, #tpu.memory_space<vmem>>
          tpu.wait_dma2 semaphore(%arg12 : memref<!tpu.dma_semaphore, #tpu.memory_space<semaphore_mem>>) src(%dma_wait3A_1196 : memref<8x128xf32, #tpu.memory_space<vmem>>) dst(%dma_wait3A_1192 : memref<8x128xf32, #tpu.memory_space<hbm>>)
        } else {
        }
        %dma_wait3A_886 = arith.constant 0 : i32
        %dma_wait3A_887 = arith.constant 0 : i32
        %dma_wait3A_888 = arith.constant 0 : i32
        %dma_wait3A_889 = arith.constant 0 : i32
        %dma_wait3A_890 = arith.constant 0 : i32
        %dma_wait3A_891 = arith.constant 0 : i32
        %dma_wait3A_892 = tpu.memref_slice %arg8[%dma_wait3A_888, %dma_wait3A_889, %dma_wait3A_890, %dma_wait3A_891] : memref<2x8x128x32xf32, #tpu.memory_space<vmem>> -> memref<1x1x128x32xf32, #tpu.memory_space<vmem>>
        %dma_wait3A_893 = tpu.memref_squeeze %dma_wait3A_892 : memref<1x1x128x32xf32, #tpu.memory_space<vmem>> -> memref<128x32xf32, #tpu.memory_space<vmem>>
        %dma_wait3A_894 = arith.constant 0 : i32
        %dma_wait3A_895 = tpu.memref_slice %arg6[%dma_wait3A_886, %dma_wait3A_887, %dma_wait3A_894] : memref<2x8x128xi32, #tpu.memory_space<vmem>> -> memref<1x1x128xi32, #tpu.memory_space<vmem>>
        %dma_wait3A_896 = tpu.memref_squeeze %dma_wait3A_895 : memref<1x1x128xi32, #tpu.memory_space<vmem>> -> memref<128xi32, #tpu.memory_space<vmem>>
        %dma_wait3A_897 = arith.constant 0 : i32
        %dma_wait3A_898 = arith.constant 0 : i32
        %dma_wait3A_899 = tpu.memref_slice %arg3[%dma_wait3A_897, %dma_wait3A_898] : memref<2097152x32xf32, #tpu.memory_space<hbm>> -> memref<2097152x32xf32, #tpu.memory_space<hbm>>
        tpu.wait_indirect_dma semaphore(%arg11 : memref<!tpu.dma_semaphore, #tpu.memory_space<semaphore_mem>>) src(%dma_wait3A_899 : memref<2097152x32xf32, #tpu.memory_space<hbm>>) dst(%dma_wait3A_893 : memref<128x32xf32, #tpu.memory_space<vmem>>)
        %dma_wait3A_900 = arith.constant 0 : i32
        %dma_wait3A_901 = arith.constant 1 : i32
        %dma_wait3A_902 = arith.constant 0 : i32
        %dma_wait3A_903 = arith.constant 1 : i32
        %dma_wait3A_904 = arith.constant 0 : i32
        %dma_wait3A_905 = arith.constant 0 : i32
        %dma_wait3A_906 = tpu.memref_slice %arg8[%dma_wait3A_902, %dma_wait3A_903, %dma_wait3A_904, %dma_wait3A_905] : memref<2x8x128x32xf32, #tpu.memory_space<vmem>> -> memref<1x1x128x32xf32, #tpu.memory_space<vmem>>
        %dma_wait3A_907 = tpu.memref_squeeze %dma_wait3A_906 : memref<1x1x128x32xf32, #tpu.memory_space<vmem>> -> memref<128x32xf32, #tpu.memory_space<vmem>>
        %dma_wait3A_908 = arith.constant 0 : i32
        %dma_wait3A_909 = tpu.memref_slice %arg6[%dma_wait3A_900, %dma_wait3A_901, %dma_wait3A_908] : memref<2x8x128xi32, #tpu.memory_space<vmem>> -> memref<1x1x128xi32, #tpu.memory_space<vmem>>
        %dma_wait3A_910 = tpu.memref_squeeze %dma_wait3A_909 : memref<1x1x128xi32, #tpu.memory_space<vmem>> -> memref<128xi32, #tpu.memory_space<vmem>>
        %dma_wait3A_911 = arith.constant 0 : i32
        %dma_wait3A_912 = arith.constant 0 : i32
        %dma_wait3A_913 = tpu.memref_slice %arg3[%dma_wait3A_911, %dma_wait3A_912] : memref<2097152x32xf32, #tpu.memory_space<hbm>> -> memref<2097152x32xf32, #tpu.memory_space<hbm>>
        tpu.wait_indirect_dma semaphore(%arg11 : memref<!tpu.dma_semaphore, #tpu.memory_space<semaphore_mem>>) src(%dma_wait3A_913 : memref<2097152x32xf32, #tpu.memory_space<hbm>>) dst(%dma_wait3A_907 : memref<128x32xf32, #tpu.memory_space<vmem>>)
        %dma_wait3A_914 = arith.constant 0 : i32
        %dma_wait3A_915 = arith.constant 2 : i32
        %dma_wait3A_916 = arith.constant 0 : i32
        %dma_wait3A_917 = arith.constant 2 : i32
        %dma_wait3A_918 = arith.constant 0 : i32
        %dma_wait3A_919 = arith.constant 0 : i32
        %dma_wait3A_920 = tpu.memref_slice %arg8[%dma_wait3A_916, %dma_wait3A_917, %dma_wait3A_918, %dma_wait3A_919] : memref<2x8x128x32xf32, #tpu.memory_space<vmem>> -> memref<1x1x128x32xf32, #tpu.memory_space<vmem>>
        %dma_wait3A_921 = tpu.memref_squeeze %dma_wait3A_920 : memref<1x1x128x32xf32, #tpu.memory_space<vmem>> -> memref<128x32xf32, #tpu.memory_space<vmem>>
        %dma_wait3A_922 = arith.constant 0 : i32
        %dma_wait3A_923 = tpu.memref_slice %arg6[%dma_wait3A_914, %dma_wait3A_915, %dma_wait3A_922] : memref<2x8x128xi32, #tpu.memory_space<vmem>> -> memref<1x1x128xi32, #tpu.memory_space<vmem>>
        %dma_wait3A_924 = tpu.memref_squeeze %dma_wait3A_923 : memref<1x1x128xi32, #tpu.memory_space<vmem>> -> memref<128xi32, #tpu.memory_space<vmem>>
        %dma_wait3A_925 = arith.constant 0 : i32
        %dma_wait3A_926 = arith.constant 0 : i32
        %dma_wait3A_927 = tpu.memref_slice %arg3[%dma_wait3A_925, %dma_wait3A_926] : memref<2097152x32xf32, #tpu.memory_space<hbm>> -> memref<2097152x32xf32, #tpu.memory_space<hbm>>
        tpu.wait_indirect_dma semaphore(%arg11 : memref<!tpu.dma_semaphore, #tpu.memory_space<semaphore_mem>>) src(%dma_wait3A_927 : memref<2097152x32xf32, #tpu.memory_space<hbm>>) dst(%dma_wait3A_921 : memref<128x32xf32, #tpu.memory_space<vmem>>)
        %dma_wait3A_928 = arith.constant 0 : i32
        %dma_wait3A_929 = arith.constant 3 : i32
        %dma_wait3A_930 = arith.constant 0 : i32
        %dma_wait3A_931 = arith.constant 3 : i32
        %dma_wait3A_932 = arith.constant 0 : i32
        %dma_wait3A_933 = arith.constant 0 : i32
        %dma_wait3A_934 = tpu.memref_slice %arg8[%dma_wait3A_930, %dma_wait3A_931, %dma_wait3A_932, %dma_wait3A_933] : memref<2x8x128x32xf32, #tpu.memory_space<vmem>> -> memref<1x1x128x32xf32, #tpu.memory_space<vmem>>
        %dma_wait3A_935 = tpu.memref_squeeze %dma_wait3A_934 : memref<1x1x128x32xf32, #tpu.memory_space<vmem>> -> memref<128x32xf32, #tpu.memory_space<vmem>>
        %dma_wait3A_936 = arith.constant 0 : i32
        %dma_wait3A_937 = tpu.memref_slice %arg6[%dma_wait3A_928, %dma_wait3A_929, %dma_wait3A_936] : memref<2x8x128xi32, #tpu.memory_space<vmem>> -> memref<1x1x128xi32, #tpu.memory_space<vmem>>
        %dma_wait3A_938 = tpu.memref_squeeze %dma_wait3A_937 : memref<1x1x128xi32, #tpu.memory_space<vmem>> -> memref<128xi32, #tpu.memory_space<vmem>>
        %dma_wait3A_939 = arith.constant 0 : i32
        %dma_wait3A_940 = arith.constant 0 : i32
        %dma_wait3A_941 = tpu.memref_slice %arg3[%dma_wait3A_939, %dma_wait3A_940] : memref<2097152x32xf32, #tpu.memory_space<hbm>> -> memref<2097152x32xf32, #tpu.memory_space<hbm>>
        tpu.wait_indirect_dma semaphore(%arg11 : memref<!tpu.dma_semaphore, #tpu.memory_space<semaphore_mem>>) src(%dma_wait3A_941 : memref<2097152x32xf32, #tpu.memory_space<hbm>>) dst(%dma_wait3A_935 : memref<128x32xf32, #tpu.memory_space<vmem>>)
        %dma_wait3A_942 = arith.constant 0 : i32
        %dma_wait3A_943 = arith.constant 4 : i32
        %dma_wait3A_944 = arith.constant 0 : i32
        %dma_wait3A_945 = arith.constant 4 : i32
        %dma_wait3A_946 = arith.constant 0 : i32
        %dma_wait3A_947 = arith.constant 0 : i32
        %dma_wait3A_948 = tpu.memref_slice %arg8[%dma_wait3A_944, %dma_wait3A_945, %dma_wait3A_946, %dma_wait3A_947] : memref<2x8x128x32xf32, #tpu.memory_space<vmem>> -> memref<1x1x128x32xf32, #tpu.memory_space<vmem>>
        %dma_wait3A_949 = tpu.memref_squeeze %dma_wait3A_948 : memref<1x1x128x32xf32, #tpu.memory_space<vmem>> -> memref<128x32xf32, #tpu.memory_space<vmem>>
        %dma_wait3A_950 = arith.constant 0 : i32
        %dma_wait3A_951 = tpu.memref_slice %arg6[%dma_wait3A_942, %dma_wait3A_943, %dma_wait3A_950] : memref<2x8x128xi32, #tpu.memory_space<vmem>> -> memref<1x1x128xi32, #tpu.memory_space<vmem>>
        %dma_wait3A_952 = tpu.memref_squeeze %dma_wait3A_951 : memref<1x1x128xi32, #tpu.memory_space<vmem>> -> memref<128xi32, #tpu.memory_space<vmem>>
        %dma_wait3A_953 = arith.constant 0 : i32
        %dma_wait3A_954 = arith.constant 0 : i32
        %dma_wait3A_955 = tpu.memref_slice %arg3[%dma_wait3A_953, %dma_wait3A_954] : memref<2097152x32xf32, #tpu.memory_space<hbm>> -> memref<2097152x32xf32, #tpu.memory_space<hbm>>
        tpu.wait_indirect_dma semaphore(%arg11 : memref<!tpu.dma_semaphore, #tpu.memory_space<semaphore_mem>>) src(%dma_wait3A_955 : memref<2097152x32xf32, #tpu.memory_space<hbm>>) dst(%dma_wait3A_949 : memref<128x32xf32, #tpu.memory_space<vmem>>)
        %dma_wait3A_956 = arith.constant 0 : i32
        %dma_wait3A_957 = arith.constant 5 : i32
        %dma_wait3A_958 = arith.constant 0 : i32
        %dma_wait3A_959 = arith.constant 5 : i32
        %dma_wait3A_960 = arith.constant 0 : i32
        %dma_wait3A_961 = arith.constant 0 : i32
        %dma_wait3A_962 = tpu.memref_slice %arg8[%dma_wait3A_958, %dma_wait3A_959, %dma_wait3A_960, %dma_wait3A_961] : memref<2x8x128x32xf32, #tpu.memory_space<vmem>> -> memref<1x1x128x32xf32, #tpu.memory_space<vmem>>
        %dma_wait3A_963 = tpu.memref_squeeze %dma_wait3A_962 : memref<1x1x128x32xf32, #tpu.memory_space<vmem>> -> memref<128x32xf32, #tpu.memory_space<vmem>>
        %dma_wait3A_964 = arith.constant 0 : i32
        %dma_wait3A_965 = tpu.memref_slice %arg6[%dma_wait3A_956, %dma_wait3A_957, %dma_wait3A_964] : memref<2x8x128xi32, #tpu.memory_space<vmem>> -> memref<1x1x128xi32, #tpu.memory_space<vmem>>
        %dma_wait3A_966 = tpu.memref_squeeze %dma_wait3A_965 : memref<1x1x128xi32, #tpu.memory_space<vmem>> -> memref<128xi32, #tpu.memory_space<vmem>>
        %dma_wait3A_967 = arith.constant 0 : i32
        %dma_wait3A_968 = arith.constant 0 : i32
        %dma_wait3A_969 = tpu.memref_slice %arg3[%dma_wait3A_967, %dma_wait3A_968] : memref<2097152x32xf32, #tpu.memory_space<hbm>> -> memref<2097152x32xf32, #tpu.memory_space<hbm>>
        tpu.wait_indirect_dma semaphore(%arg11 : memref<!tpu.dma_semaphore, #tpu.memory_space<semaphore_mem>>) src(%dma_wait3A_969 : memref<2097152x32xf32, #tpu.memory_space<hbm>>) dst(%dma_wait3A_963 : memref<128x32xf32, #tpu.memory_space<vmem>>)
        %dma_wait3A_970 = arith.constant 0 : i32
        %dma_wait3A_971 = arith.constant 6 : i32
        %dma_wait3A_972 = arith.constant 0 : i32
        %dma_wait3A_973 = arith.constant 6 : i32
        %dma_wait3A_974 = arith.constant 0 : i32
        %dma_wait3A_975 = arith.constant 0 : i32
        %dma_wait3A_976 = tpu.memref_slice %arg8[%dma_wait3A_972, %dma_wait3A_973, %dma_wait3A_974, %dma_wait3A_975] : memref<2x8x128x32xf32, #tpu.memory_space<vmem>> -> memref<1x1x128x32xf32, #tpu.memory_space<vmem>>
        %dma_wait3A_977 = tpu.memref_squeeze %dma_wait3A_976 : memref<1x1x128x32xf32, #tpu.memory_space<vmem>> -> memref<128x32xf32, #tpu.memory_space<vmem>>
        %dma_wait3A_978 = arith.constant 0 : i32
        %dma_wait3A_979 = tpu.memref_slice %arg6[%dma_wait3A_970, %dma_wait3A_971, %dma_wait3A_978] : memref<2x8x128xi32, #tpu.memory_space<vmem>> -> memref<1x1x128xi32, #tpu.memory_space<vmem>>
        %dma_wait3A_980 = tpu.memref_squeeze %dma_wait3A_979 : memref<1x1x128xi32, #tpu.memory_space<vmem>> -> memref<128xi32, #tpu.memory_space<vmem>>
        %dma_wait3A_981 = arith.constant 0 : i32
        %dma_wait3A_982 = arith.constant 0 : i32
        %dma_wait3A_983 = tpu.memref_slice %arg3[%dma_wait3A_981, %dma_wait3A_982] : memref<2097152x32xf32, #tpu.memory_space<hbm>> -> memref<2097152x32xf32, #tpu.memory_space<hbm>>
        tpu.wait_indirect_dma semaphore(%arg11 : memref<!tpu.dma_semaphore, #tpu.memory_space<semaphore_mem>>) src(%dma_wait3A_983 : memref<2097152x32xf32, #tpu.memory_space<hbm>>) dst(%dma_wait3A_977 : memref<128x32xf32, #tpu.memory_space<vmem>>)
        %dma_wait3A_984 = arith.constant 0 : i32
        %dma_wait3A_985 = arith.constant 7 : i32
        %dma_wait3A_986 = arith.constant 0 : i32
        %dma_wait3A_987 = arith.constant 7 : i32
        %dma_wait3A_988 = arith.constant 0 : i32
        %dma_wait3A_989 = arith.constant 0 : i32
        %dma_wait3A_990 = tpu.memref_slice %arg8[%dma_wait3A_986, %dma_wait3A_987, %dma_wait3A_988, %dma_wait3A_989] : memref<2x8x128x32xf32, #tpu.memory_space<vmem>> -> memref<1x1x128x32xf32, #tpu.memory_space<vmem>>
        %dma_wait3A_991 = tpu.memref_squeeze %dma_wait3A_990 : memref<1x1x128x32xf32, #tpu.memory_space<vmem>> -> memref<128x32xf32, #tpu.memory_space<vmem>>
        %dma_wait3A_992 = arith.constant 0 : i32
        %dma_wait3A_993 = tpu.memref_slice %arg6[%dma_wait3A_984, %dma_wait3A_985, %dma_wait3A_992] : memref<2x8x128xi32, #tpu.memory_space<vmem>> -> memref<1x1x128xi32, #tpu.memory_space<vmem>>
        %dma_wait3A_994 = tpu.memref_squeeze %dma_wait3A_993 : memref<1x1x128xi32, #tpu.memory_space<vmem>> -> memref<128xi32, #tpu.memory_space<vmem>>
        %dma_wait3A_995 = arith.constant 0 : i32
        %dma_wait3A_996 = arith.constant 0 : i32
        %dma_wait3A_997 = tpu.memref_slice %arg3[%dma_wait3A_995, %dma_wait3A_996] : memref<2097152x32xf32, #tpu.memory_space<hbm>> -> memref<2097152x32xf32, #tpu.memory_space<hbm>>
        tpu.wait_indirect_dma semaphore(%arg11 : memref<!tpu.dma_semaphore, #tpu.memory_space<semaphore_mem>>) src(%dma_wait3A_997 : memref<2097152x32xf32, #tpu.memory_space<hbm>>) dst(%dma_wait3A_991 : memref<128x32xf32, #tpu.memory_space<vmem>>)
        %scan3A_998 = arith.constant 0 : i32
        %scan3A_999 = arith.constant 128 : i32
        %scan3A_1000 = arith.addi %scan3A_998, %scan3A_999 : i32
        %scan3A_1001 = arith.constant 1 : i32
        scf.for %scan3A_1100 = %scan3A_998 to %scan3A_1000 step %scan3A_1001  : i32 {
          %mul3A_1101 = arith.constant 1 : i32
          %mul3A_1102 = arith.muli %scan3A_1100, %mul3A_1101 : i32
          %add3A_1103 = arith.constant 0 : i32
          %add3A_1104 = arith.addi %add3A_1103, %mul3A_1102 : i32
          %broadcast_in_dim3A = vector.broadcast %add3A_1104 : i32 to vector<16xi32>
          %broadcast_in_dim3A_1105 = arith.constant 0 : i32
          %broadcast_in_dim3A_1106 = vector.broadcast %broadcast_in_dim3A_1105 : i32 to vector<16xi32>
          %gather3A = arith.constant 0 : i32
          %gather3A_1107 = arith.constant 0 : i32
          %gather3A_1108 = arith.constant 0 : i32
          %gather3A_1109 = tpu.memref_slice %arg7[%gather3A, %gather3A_1107, %gather3A_1108] : memref<2x8x128xf32, #tpu.memory_space<vmem>> -> memref<1x8x128xf32, #tpu.memory_space<vmem>>
          %gather3A_1110 = tpu.memref_squeeze %gather3A_1109 : memref<1x8x128xf32, #tpu.memory_space<vmem>> -> memref<8x128xf32, #tpu.memory_space<vmem>>
          %gather3A_1111 = tpu.vector_load_idx %gather3A_1110[%broadcast_in_dim3A_1106, %broadcast_in_dim3A] : memref<8x128xf32, #tpu.memory_space<vmem>>[vector<16xi32>, vector<16xi32>], vector<16xf32>,
          %get3A = arith.constant 0 : i32
          %get3A_1112 = arith.constant 0 : i32
          %get3A_1113 = arith.index_cast %get3A : i32 to index
          %get3A_1114 = arith.index_cast %get3A_1112 : i32 to index
          %get3A_1115 = arith.index_cast %add3A_1104 : i32 to index
          %get3A_1116 = arith.constant 0 : index
          %get3A_1117 = tpu.vector_load %arg8[%get3A_1113, %get3A_1114, %get3A_1115, %get3A_1116] {strides = array<i32>} : memref<2x8x128x32xf32, #tpu.memory_space<vmem>>, vector<16xf32>,
          %get3A_1118 = arith.constant 0 : i32
          %get3A_1119 = arith.constant 0 : i32
          %get3A_1120 = arith.index_cast %get3A_1118 : i32 to index
          %get3A_1121 = arith.index_cast %get3A_1119 : i32 to index
          %get3A_1122 = arith.index_cast %add3A_1104 : i32 to index
          %get3A_1123 = arith.constant 12 : index
          %get3A_1124 = tpu.vector_load %arg8[%get3A_1120, %get3A_1121, %get3A_1122, %get3A_1123] {strides = array<i32>} : memref<2x8x128x32xf32, #tpu.memory_space<vmem>>, vector<16xf32>,
          %mul3A_1125 = arith.mulf %gather3A_1111, %get3A_1117 : vector<16xf32>
          %mul3A_1126 = arith.mulf %gather3A_1111, %get3A_1124 : vector<16xf32>
          %broadcast_in_dim3A_1127 = arith.constant 1 : i32
          %broadcast_in_dim3A_1128 = vector.broadcast %broadcast_in_dim3A_1127 : i32 to vector<16xi32>
          %gather3A_1129 = arith.constant 0 : i32
          %gather3A_1130 = arith.constant 0 : i32
          %gather3A_1131 = arith.constant 0 : i32
          %gather3A_1132 = tpu.memref_slice %arg7[%gather3A_1129, %gather3A_1130, %gather3A_1131] : memref<2x8x128xf32, #tpu.memory_space<vmem>> -> memref<1x8x128xf32, #tpu.memory_space<vmem>>
          %gather3A_1133 = tpu.memref_squeeze %gather3A_1132 : memref<1x8x128xf32, #tpu.memory_space<vmem>> -> memref<8x128xf32, #tpu.memory_space<vmem>>
          %gather3A_1134 = tpu.vector_load_idx %gather3A_1133[%broadcast_in_dim3A_1128, %broadcast_in_dim3A] : memref<8x128xf32, #tpu.memory_space<vmem>>[vector<16xi32>, vector<16xi32>], vector<16xf32>,
          %get3A_1135 = arith.constant 0 : i32
          %get3A_1136 = arith.constant 1 : i32
          %get3A_1137 = arith.index_cast %get3A_1135 : i32 to index
          %get3A_1138 = arith.index_cast %get3A_1136 : i32 to index
          %get3A_1139 = arith.index_cast %add3A_1104 : i32 to index
          %get3A_1140 = arith.constant 0 : index
          %get3A_1141 = tpu.vector_load %arg8[%get3A_1137, %get3A_1138, %get3A_1139, %get3A_1140] {strides = array<i32>} : memref<2x8x128x32xf32, #tpu.memory_space<vmem>>, vector<16xf32>,
          %get3A_1142 = arith.constant 0 : i32
          %get3A_1143 = arith.constant 1 : i32
          %get3A_1144 = arith.index_cast %get3A_1142 : i32 to index
          %get3A_1145 = arith.index_cast %get3A_1143 : i32 to index
          %get3A_1146 = arith.index_cast %add3A_1104 : i32 to index
          %get3A_1147 = arith.constant 12 : index
          %get3A_1148 = tpu.vector_load %arg8[%get3A_1144, %get3A_1145, %get3A_1146, %get3A_1147] {strides = array<i32>} : memref<2x8x128x32xf32, #tpu.memory_space<vmem>>, vector<16xf32>,
          %mul3A_1149 = arith.mulf %gather3A_1134, %get3A_1141 : vector<16xf32>
          %add3A_1150 = arith.addf %mul3A_1125, %mul3A_1149 : vector<16xf32>
          %mul3A_1151 = arith.mulf %gather3A_1134, %get3A_1148 : vector<16xf32>
          %add3A_1152 = arith.addf %mul3A_1126, %mul3A_1151 : vector<16xf32>
          %broadcast_in_dim3A_1153 = arith.constant 2 : i32
          %broadcast_in_dim3A_1154 = vector.broadcast %broadcast_in_dim3A_1153 : i32 to vector<16xi32>
          %gather3A_1155 = arith.constant 0 : i32
          %gather3A_1156 = arith.constant 0 : i32
          %gather3A_1157 = arith.constant 0 : i32
          %gather3A_1158 = tpu.memref_slice %arg7[%gather3A_1155, %gather3A_1156, %gather3A_1157] : memref<2x8x128xf32, #tpu.memory_space<vmem>> -> memref<1x8x128xf32, #tpu.memory_space<vmem>>
          %gather3A_1159 = tpu.memref_squeeze %gather3A_1158 : memref<1x8x128xf32, #tpu.memory_space<vmem>> -> memref<8x128xf32, #tpu.memory_space<vmem>>
          %gather3A_1160 = tpu.vector_load_idx %gather3A_1159[%broadcast_in_dim3A_1154, %broadcast_in_dim3A] : memref<8x128xf32, #tpu.memory_space<vmem>>[vector<16xi32>, vector<16xi32>], vector<16xf32>,
          %get3A_1161 = arith.constant 0 : i32
          %get3A_1162 = arith.constant 2 : i32
          %get3A_1163 = arith.index_cast %get3A_1161 : i32 to index
          %get3A_1164 = arith.index_cast %get3A_1162 : i32 to index
          %get3A_1165 = arith.index_cast %add3A_1104 : i32 to index
          %get3A_1166 = arith.constant 0 : index
          %get3A_1167 = tpu.vector_load %arg8[%get3A_1163, %get3A_1164, %get3A_1165, %get3A_1166] {strides = array<i32>} : memref<2x8x128x32xf32, #tpu.memory_space<vmem>>, vector<16xf32>,
          %get3A_1168 = arith.constant 0 : i32
          %get3A_1169 = arith.constant 2 : i32
          %get3A_1170 = arith.index_cast %get3A_1168 : i32 to index
          %get3A_1171 = arith.index_cast %get3A_1169 : i32 to index
          %get3A_1172 = arith.index_cast %add3A_1104 : i32 to index
          %get3A_1173 = arith.constant 12 : index
          %get3A_1174 = tpu.vector_load %arg8[%get3A_1170, %get3A_1171, %get3A_1172, %get3A_1173] {strides = array<i32>} : memref<2x8x128x32xf32, #tpu.memory_space<vmem>>, vector<16xf32>,
          %mul3A_1175 = arith.mulf %gather3A_1160, %get3A_1167 : vector<16xf32>
          %add3A_1176 = arith.addf %add3A_1150, %mul3A_1175 : vector<16xf32>
          %mul3A_1177 = arith.mulf %gather3A_1160, %get3A_1174 : vector<16xf32>
          %add3A_1178 = arith.addf %add3A_1152, %mul3A_1177 : vector<16xf32>
          %broadcast_in_dim3A_1179 = arith.constant 3 : i32
          %broadcast_in_dim3A_1180 = vector.broadcast %broadcast_in_dim3A_1179 : i32 to vector<16xi32>
          %gather3A_1181 = arith.constant 0 : i32
          %gather3A_1182 = arith.constant 0 : i32
          %gather3A_1183 = arith.constant 0 : i32
          %gather3A_1184 = tpu.memref_slice %arg7[%gather3A_1181, %gather3A_1182, %gather3A_1183] : memref<2x8x128xf32, #tpu.memory_space<vmem>> -> memref<1x8x128xf32, #tpu.memory_space<vmem>>
          %gather3A_1185 = tpu.memref_squeeze %gather3A_1184 : memref<1x8x128xf32, #tpu.memory_space<vmem>> -> memref<8x128xf32, #tpu.memory_space<vmem>>
          %gather3A_1186 = tpu.vector_load_idx %gather3A_1185[%broadcast_in_dim3A_1180, %broadcast_in_dim3A] : memref<8x128xf32, #tpu.memory_space<vmem>>[vector<16xi32>, vector<16xi32>], vector<16xf32>,
          %get3A_1187 = arith.constant 0 : i32
          %get3A_1188 = arith.constant 3 : i32
          %get3A_1189 = arith.index_cast %get3A_1187 : i32 to index
          %get3A_1190 = arith.index_cast %get3A_1188 : i32 to index
          %get3A_1191 = arith.index_cast %add3A_1104 : i32 to index
          %get3A_1192 = arith.constant 0 : index
          %get3A_1193 = tpu.vector_load %arg8[%get3A_1189, %get3A_1190, %get3A_1191, %get3A_1192] {strides = array<i32>} : memref<2x8x128x32xf32, #tpu.memory_space<vmem>>, vector<16xf32>,
          %get3A_1194 = arith.constant 0 : i32
          %get3A_1195 = arith.constant 3 : i32
          %get3A_1196 = arith.index_cast %get3A_1194 : i32 to index
          %get3A_1197 = arith.index_cast %get3A_1195 : i32 to index
          %get3A_1198 = arith.index_cast %add3A_1104 : i32 to index
          %get3A_1199 = arith.constant 12 : index
          %get3A_1200 = tpu.vector_load %arg8[%get3A_1196, %get3A_1197, %get3A_1198, %get3A_1199] {strides = array<i32>} : memref<2x8x128x32xf32, #tpu.memory_space<vmem>>, vector<16xf32>,
          %mul3A_1201 = arith.mulf %gather3A_1186, %get3A_1193 : vector<16xf32>
          %add3A_1202 = arith.addf %add3A_1176, %mul3A_1201 : vector<16xf32>
          %mul3A_1203 = arith.mulf %gather3A_1186, %get3A_1200 : vector<16xf32>
          %add3A_1204 = arith.addf %add3A_1178, %mul3A_1203 : vector<16xf32>
          %broadcast_in_dim3A_1205 = arith.constant 4 : i32
          %broadcast_in_dim3A_1206 = vector.broadcast %broadcast_in_dim3A_1205 : i32 to vector<16xi32>
          %gather3A_1207 = arith.constant 0 : i32
          %gather3A_1208 = arith.constant 0 : i32
          %gather3A_1209 = arith.constant 0 : i32
          %gather3A_1210 = tpu.memref_slice %arg7[%gather3A_1207, %gather3A_1208, %gather3A_1209] : memref<2x8x128xf32, #tpu.memory_space<vmem>> -> memref<1x8x128xf32, #tpu.memory_space<vmem>>
          %gather3A_1211 = tpu.memref_squeeze %gather3A_1210 : memref<1x8x128xf32, #tpu.memory_space<vmem>> -> memref<8x128xf32, #tpu.memory_space<vmem>>
          %gather3A_1212 = tpu.vector_load_idx %gather3A_1211[%broadcast_in_dim3A_1206, %broadcast_in_dim3A] : memref<8x128xf32, #tpu.memory_space<vmem>>[vector<16xi32>, vector<16xi32>], vector<16xf32>,
          %get3A_1213 = arith.constant 0 : i32
          %get3A_1214 = arith.constant 4 : i32
          %get3A_1215 = arith.index_cast %get3A_1213 : i32 to index
          %get3A_1216 = arith.index_cast %get3A_1214 : i32 to index
          %get3A_1217 = arith.index_cast %add3A_1104 : i32 to index
          %get3A_1218 = arith.constant 0 : index
          %get3A_1219 = tpu.vector_load %arg8[%get3A_1215, %get3A_1216, %get3A_1217, %get3A_1218] {strides = array<i32>} : memref<2x8x128x32xf32, #tpu.memory_space<vmem>>, vector<16xf32>,
          %get3A_1220 = arith.constant 0 : i32
          %get3A_1221 = arith.constant 4 : i32
          %get3A_1222 = arith.index_cast %get3A_1220 : i32 to index
          %get3A_1223 = arith.index_cast %get3A_1221 : i32 to index
          %get3A_1224 = arith.index_cast %add3A_1104 : i32 to index
          %get3A_1225 = arith.constant 12 : index
          %get3A_1226 = tpu.vector_load %arg8[%get3A_1222, %get3A_1223, %get3A_1224, %get3A_1225] {strides = array<i32>} : memref<2x8x128x32xf32, #tpu.memory_space<vmem>>, vector<16xf32>,
          %mul3A_1227 = arith.mulf %gather3A_1212, %get3A_1219 : vector<16xf32>
          %add3A_1228 = arith.addf %add3A_1202, %mul3A_1227 : vector<16xf32>
          %mul3A_1229 = arith.mulf %gather3A_1212, %get3A_1226 : vector<16xf32>
          %add3A_1230 = arith.addf %add3A_1204, %mul3A_1229 : vector<16xf32>
          %broadcast_in_dim3A_1231 = arith.constant 5 : i32
          %broadcast_in_dim3A_1232 = vector.broadcast %broadcast_in_dim3A_1231 : i32 to vector<16xi32>
          %gather3A_1233 = arith.constant 0 : i32
          %gather3A_1234 = arith.constant 0 : i32
          %gather3A_1235 = arith.constant 0 : i32
          %gather3A_1236 = tpu.memref_slice %arg7[%gather3A_1233, %gather3A_1234, %gather3A_1235] : memref<2x8x128xf32, #tpu.memory_space<vmem>> -> memref<1x8x128xf32, #tpu.memory_space<vmem>>
          %gather3A_1237 = tpu.memref_squeeze %gather3A_1236 : memref<1x8x128xf32, #tpu.memory_space<vmem>> -> memref<8x128xf32, #tpu.memory_space<vmem>>
          %gather3A_1238 = tpu.vector_load_idx %gather3A_1237[%broadcast_in_dim3A_1232, %broadcast_in_dim3A] : memref<8x128xf32, #tpu.memory_space<vmem>>[vector<16xi32>, vector<16xi32>], vector<16xf32>,
          %get3A_1239 = arith.constant 0 : i32
          %get3A_1240 = arith.constant 5 : i32
          %get3A_1241 = arith.index_cast %get3A_1239 : i32 to index
          %get3A_1242 = arith.index_cast %get3A_1240 : i32 to index
          %get3A_1243 = arith.index_cast %add3A_1104 : i32 to index
          %get3A_1244 = arith.constant 0 : index
          %get3A_1245 = tpu.vector_load %arg8[%get3A_1241, %get3A_1242, %get3A_1243, %get3A_1244] {strides = array<i32>} : memref<2x8x128x32xf32, #tpu.memory_space<vmem>>, vector<16xf32>,
          %get3A_1246 = arith.constant 0 : i32
          %get3A_1247 = arith.constant 5 : i32
          %get3A_1248 = arith.index_cast %get3A_1246 : i32 to index
          %get3A_1249 = arith.index_cast %get3A_1247 : i32 to index
          %get3A_1250 = arith.index_cast %add3A_1104 : i32 to index
          %get3A_1251 = arith.constant 12 : index
          %get3A_1252 = tpu.vector_load %arg8[%get3A_1248, %get3A_1249, %get3A_1250, %get3A_1251] {strides = array<i32>} : memref<2x8x128x32xf32, #tpu.memory_space<vmem>>, vector<16xf32>,
          %mul3A_1253 = arith.mulf %gather3A_1238, %get3A_1245 : vector<16xf32>
          %add3A_1254 = arith.addf %add3A_1228, %mul3A_1253 : vector<16xf32>
          %mul3A_1255 = arith.mulf %gather3A_1238, %get3A_1252 : vector<16xf32>
          %add3A_1256 = arith.addf %add3A_1230, %mul3A_1255 : vector<16xf32>
          %broadcast_in_dim3A_1257 = arith.constant 6 : i32
          %broadcast_in_dim3A_1258 = vector.broadcast %broadcast_in_dim3A_1257 : i32 to vector<16xi32>
          %gather3A_1259 = arith.constant 0 : i32
          %gather3A_1260 = arith.constant 0 : i32
          %gather3A_1261 = arith.constant 0 : i32
          %gather3A_1262 = tpu.memref_slice %arg7[%gather3A_1259, %gather3A_1260, %gather3A_1261] : memref<2x8x128xf32, #tpu.memory_space<vmem>> -> memref<1x8x128xf32, #tpu.memory_space<vmem>>
          %gather3A_1263 = tpu.memref_squeeze %gather3A_1262 : memref<1x8x128xf32, #tpu.memory_space<vmem>> -> memref<8x128xf32, #tpu.memory_space<vmem>>
          %gather3A_1264 = tpu.vector_load_idx %gather3A_1263[%broadcast_in_dim3A_1258, %broadcast_in_dim3A] : memref<8x128xf32, #tpu.memory_space<vmem>>[vector<16xi32>, vector<16xi32>], vector<16xf32>,
          %get3A_1265 = arith.constant 0 : i32
          %get3A_1266 = arith.constant 6 : i32
          %get3A_1267 = arith.index_cast %get3A_1265 : i32 to index
          %get3A_1268 = arith.index_cast %get3A_1266 : i32 to index
          %get3A_1269 = arith.index_cast %add3A_1104 : i32 to index
          %get3A_1270 = arith.constant 0 : index
          %get3A_1271 = tpu.vector_load %arg8[%get3A_1267, %get3A_1268, %get3A_1269, %get3A_1270] {strides = array<i32>} : memref<2x8x128x32xf32, #tpu.memory_space<vmem>>, vector<16xf32>,
          %get3A_1272 = arith.constant 0 : i32
          %get3A_1273 = arith.constant 6 : i32
          %get3A_1274 = arith.index_cast %get3A_1272 : i32 to index
          %get3A_1275 = arith.index_cast %get3A_1273 : i32 to index
          %get3A_1276 = arith.index_cast %add3A_1104 : i32 to index
          %get3A_1277 = arith.constant 12 : index
          %get3A_1278 = tpu.vector_load %arg8[%get3A_1274, %get3A_1275, %get3A_1276, %get3A_1277] {strides = array<i32>} : memref<2x8x128x32xf32, #tpu.memory_space<vmem>>, vector<16xf32>,
          %mul3A_1279 = arith.mulf %gather3A_1264, %get3A_1271 : vector<16xf32>
          %add3A_1280 = arith.addf %add3A_1254, %mul3A_1279 : vector<16xf32>
          %mul3A_1281 = arith.mulf %gather3A_1264, %get3A_1278 : vector<16xf32>
          %add3A_1282 = arith.addf %add3A_1256, %mul3A_1281 : vector<16xf32>
          %broadcast_in_dim3A_1283 = arith.constant 7 : i32
          %broadcast_in_dim3A_1284 = vector.broadcast %broadcast_in_dim3A_1283 : i32 to vector<16xi32>
          %gather3A_1285 = arith.constant 0 : i32
          %gather3A_1286 = arith.constant 0 : i32
          %gather3A_1287 = arith.constant 0 : i32
          %gather3A_1288 = tpu.memref_slice %arg7[%gather3A_1285, %gather3A_1286, %gather3A_1287] : memref<2x8x128xf32, #tpu.memory_space<vmem>> -> memref<1x8x128xf32, #tpu.memory_space<vmem>>
          %gather3A_1289 = tpu.memref_squeeze %gather3A_1288 : memref<1x8x128xf32, #tpu.memory_space<vmem>> -> memref<8x128xf32, #tpu.memory_space<vmem>>
          %gather3A_1290 = tpu.vector_load_idx %gather3A_1289[%broadcast_in_dim3A_1284, %broadcast_in_dim3A] : memref<8x128xf32, #tpu.memory_space<vmem>>[vector<16xi32>, vector<16xi32>], vector<16xf32>,
          %get3A_1291 = arith.constant 0 : i32
          %get3A_1292 = arith.constant 7 : i32
          %get3A_1293 = arith.index_cast %get3A_1291 : i32 to index
          %get3A_1294 = arith.index_cast %get3A_1292 : i32 to index
          %get3A_1295 = arith.index_cast %add3A_1104 : i32 to index
          %get3A_1296 = arith.constant 0 : index
          %get3A_1297 = tpu.vector_load %arg8[%get3A_1293, %get3A_1294, %get3A_1295, %get3A_1296] {strides = array<i32>} : memref<2x8x128x32xf32, #tpu.memory_space<vmem>>, vector<16xf32>,
          %get3A_1298 = arith.constant 0 : i32
          %get3A_1299 = arith.constant 7 : i32
          %get3A_1300 = arith.index_cast %get3A_1298 : i32 to index
          %get3A_1301 = arith.index_cast %get3A_1299 : i32 to index
          %get3A_1302 = arith.index_cast %add3A_1104 : i32 to index
          %get3A_1303 = arith.constant 12 : index
          %get3A_1304 = tpu.vector_load %arg8[%get3A_1300, %get3A_1301, %get3A_1302, %get3A_1303] {strides = array<i32>} : memref<2x8x128x32xf32, #tpu.memory_space<vmem>>, vector<16xf32>,
          %mul3A_1305 = arith.mulf %gather3A_1290, %get3A_1297 : vector<16xf32>
          %add3A_1306 = arith.addf %add3A_1280, %mul3A_1305 : vector<16xf32>
          %mul3A_1307 = arith.mulf %gather3A_1290, %get3A_1304 : vector<16xf32>
          %add3A_1308 = arith.addf %add3A_1282, %mul3A_1307 : vector<16xf32>
          %scatter3A = arith.constant 0 : i32
          %scatter3A_1309 = arith.constant 0 : i32
          %scatter3A_1310 = arith.constant 0 : i32
          %scatter3A_1311 = tpu.memref_slice %arg9[%scatter3A, %scatter3A_1309, %scatter3A_1310] : memref<2x32x128xf32, #tpu.memory_space<vmem>> -> memref<1x32x128xf32, #tpu.memory_space<vmem>>
          %scatter3A_1312 = tpu.memref_squeeze %scatter3A_1311 : memref<1x32x128xf32, #tpu.memory_space<vmem>> -> memref<32x128xf32, #tpu.memory_space<vmem>>
          tpu.vector_store_idx %scatter3A_1312[%iota3A, %broadcast_in_dim3A], %add3A_1306 : memref<32x128xf32, #tpu.memory_space<vmem>>[vector<16xi32>, vector<16xi32>], vector<16xf32>,
          %scatter3A_1313 = arith.constant 0 : i32
          %scatter3A_1314 = arith.constant 0 : i32
          %scatter3A_1315 = arith.constant 0 : i32
          %scatter3A_1316 = tpu.memref_slice %arg9[%scatter3A_1313, %scatter3A_1314, %scatter3A_1315] : memref<2x32x128xf32, #tpu.memory_space<vmem>> -> memref<1x32x128xf32, #tpu.memory_space<vmem>>
          %scatter3A_1317 = tpu.memref_squeeze %scatter3A_1316 : memref<1x32x128xf32, #tpu.memory_space<vmem>> -> memref<32x128xf32, #tpu.memory_space<vmem>>
          tpu.vector_store_idx %scatter3A_1317[%add3A_5, %broadcast_in_dim3A], %add3A_1308 : memref<32x128xf32, #tpu.memory_space<vmem>>[vector<16xi32>, vector<16xi32>], vector<16xf32>,
        }
        %scan3A_1002 = arith.constant 128 : i32
        %sub3A_1003 = arith.constant 1 : i32
        %sub3A_1004 = arith.subi %add3A_709, %sub3A_1003 : i32
        %mul3A_1005 = arith.constant 128 : i32
        %mul3A_1006 = arith.muli %sub3A_1004, %mul3A_1005 : i32
        %add3A_1007 = arith.addi %mul3A_2, %mul3A_1006 : i32
        %jit3A_1008 = arith.constant 128 : i32
        %div3A_1009 = arith.divsi %add3A_1007, %jit3A_1008 : i32
        %sign3A_1010 = arith.constant 0 : i32
        %sign3A_1011 = arith.cmpi sgt, %add3A_1007, %sign3A_1010 : i32
        %sign3A_1012 = arith.extui %sign3A_1011 : i1 to i32
        %sign3A_1013 = arith.constant 0 : i32
        %sign3A_1014 = arith.cmpi slt, %add3A_1007, %sign3A_1013 : i32
        %sign3A_1015 = arith.extui %sign3A_1014 : i1 to i32
        %sign3A_1016 = arith.subi %sign3A_1012, %sign3A_1015 : i32
        %sign3A_1017 = arith.constant 0 : i32
        %sign3A_1018 = arith.cmpi sgt, %jit3A_1008, %sign3A_1017 : i32
        %sign3A_1019 = arith.extui %sign3A_1018 : i1 to i32
        %sign3A_1020 = arith.constant 0 : i32
        %sign3A_1021 = arith.cmpi slt, %jit3A_1008, %sign3A_1020 : i32
        %sign3A_1022 = arith.extui %sign3A_1021 : i1 to i32
        %sign3A_1023 = arith.subi %sign3A_1019, %sign3A_1022 : i32
        %ne3A_1024 = arith.cmpi ne, %sign3A_1016, %sign3A_1023 : i32
        %rem3A_1025 = arith.remsi %add3A_1007, %jit3A_1008 : i32
        %ne3A_1026 = arith.constant 0 : i32
        %ne3A_1027 = arith.cmpi ne, %rem3A_1025, %ne3A_1026 : i32
        %and3A_1028 = arith.andi %ne3A_1024, %ne3A_1027 : i1
        %sub3A_1029 = arith.constant 1 : i32
        %sub3A_1030 = arith.subi %div3A_1009, %sub3A_1029 : i32
        %select_n3A_1031 = arith.select %and3A_1028, %sub3A_1030, %div3A_1009 : i32
        %add3A_1032 = arith.constant 0 : i32
        %add3A_1033 = arith.addi %add3A_1032, %select_n3A_1031 : i32
        %mul3A_1034 = arith.constant 8 : i32
        %mul3A_1035 = arith.muli %add3A_1033, %mul3A_1034 : i32
        %add3A_1036 = arith.constant 8192 : i32
        %add3A_1037 = arith.addi %add3A_1036, %select_n3A_1031 : i32
        %mul3A_1038 = arith.constant 8 : i32
        %mul3A_1039 = arith.muli %add3A_1037, %mul3A_1038 : i32
        %add3A_1040 = arith.constant 16384 : i32
        %add3A_1041 = arith.addi %add3A_1040, %select_n3A_1031 : i32
        %mul3A_1042 = arith.constant 8 : i32
        %mul3A_1043 = arith.muli %add3A_1041, %mul3A_1042 : i32
        %add3A_1044 = arith.constant 24576 : i32
        %add3A_1045 = arith.addi %add3A_1044, %select_n3A_1031 : i32
        %mul3A_1046 = arith.constant 8 : i32
        %mul3A_1047 = arith.muli %add3A_1045, %mul3A_1046 : i32
        %dma_start3A_1048 = arith.constant 0 : i32
        %dma_start3A_1049 = arith.constant 0 : i32
        %dma_start3A_1050 = arith.constant 0 : i32
        %dma_start3A_1051 = tpu.memref_slice %arg9[%dma_start3A_1048, %dma_start3A_1049, %dma_start3A_1050] : memref<2x32x128xf32, #tpu.memory_space<vmem>> -> memref<1x8x128xf32, #tpu.memory_space<vmem>>
        %dma_start3A_1052 = tpu.memref_squeeze %dma_start3A_1051 : memref<1x8x128xf32, #tpu.memory_space<vmem>> -> memref<8x128xf32, #tpu.memory_space<vmem>>
        %dma_start3A_1053 = arith.constant 0 : i32
        %dma_start3A_1054 = tpu.memref_slice %arg4[%mul3A_1035, %dma_start3A_1053] : memref<262144x128xf32, #tpu.memory_space<hbm>> -> memref<8x128xf32, #tpu.memory_space<hbm>>
        %dma_start3A_1055 = arith.constant 0 : i32
        %dma_start3A_1056 = tpu.memref_slice %arg4[%mul3A_1035, %dma_start3A_1055] : memref<262144x128xf32, #tpu.memory_space<hbm>> -> memref<8x128xf32, #tpu.memory_space<hbm>>
        %dma_start3A_1057 = arith.constant 0 : i32
        %dma_start3A_1058 = arith.constant 0 : i32
        %dma_start3A_1059 = tpu.memref_slice %arg9[%dma_start3A_1048, %dma_start3A_1057, %dma_start3A_1058] : memref<2x32x128xf32, #tpu.memory_space<vmem>> -> memref<1x8x128xf32, #tpu.memory_space<vmem>>
        %dma_start3A_1060 = tpu.memref_squeeze %dma_start3A_1059 : memref<1x8x128xf32, #tpu.memory_space<vmem>> -> memref<8x128xf32, #tpu.memory_space<vmem>>
        tpu.enqueue_dma source(%dma_start3A_1060 : memref<8x128xf32, #tpu.memory_space<vmem>>) target(%dma_start3A_1056 : memref<8x128xf32, #tpu.memory_space<hbm>>) target_semaphore(%arg12 : memref<!tpu.dma_semaphore, #tpu.memory_space<semaphore_mem>>)
        %dma_start3A_1061 = arith.constant 0 : i32
        %dma_start3A_1062 = arith.constant 8 : i32
        %dma_start3A_1063 = arith.constant 0 : i32
        %dma_start3A_1064 = tpu.memref_slice %arg9[%dma_start3A_1061, %dma_start3A_1062, %dma_start3A_1063] : memref<2x32x128xf32, #tpu.memory_space<vmem>> -> memref<1x8x128xf32, #tpu.memory_space<vmem>>
        %dma_start3A_1065 = tpu.memref_squeeze %dma_start3A_1064 : memref<1x8x128xf32, #tpu.memory_space<vmem>> -> memref<8x128xf32, #tpu.memory_space<vmem>>
        %dma_start3A_1066 = arith.constant 0 : i32
        %dma_start3A_1067 = tpu.memref_slice %arg4[%mul3A_1039, %dma_start3A_1066] : memref<262144x128xf32, #tpu.memory_space<hbm>> -> memref<8x128xf32, #tpu.memory_space<hbm>>
        %dma_start3A_1068 = arith.constant 0 : i32
        %dma_start3A_1069 = tpu.memref_slice %arg4[%mul3A_1039, %dma_start3A_1068] : memref<262144x128xf32, #tpu.memory_space<hbm>> -> memref<8x128xf32, #tpu.memory_space<hbm>>
        %dma_start3A_1070 = arith.constant 8 : i32
        %dma_start3A_1071 = arith.constant 0 : i32
        %dma_start3A_1072 = tpu.memref_slice %arg9[%dma_start3A_1061, %dma_start3A_1070, %dma_start3A_1071] : memref<2x32x128xf32, #tpu.memory_space<vmem>> -> memref<1x8x128xf32, #tpu.memory_space<vmem>>
        %dma_start3A_1073 = tpu.memref_squeeze %dma_start3A_1072 : memref<1x8x128xf32, #tpu.memory_space<vmem>> -> memref<8x128xf32, #tpu.memory_space<vmem>>
        tpu.enqueue_dma source(%dma_start3A_1073 : memref<8x128xf32, #tpu.memory_space<vmem>>) target(%dma_start3A_1069 : memref<8x128xf32, #tpu.memory_space<hbm>>) target_semaphore(%arg12 : memref<!tpu.dma_semaphore, #tpu.memory_space<semaphore_mem>>)
        %dma_start3A_1074 = arith.constant 0 : i32
        %dma_start3A_1075 = arith.constant 16 : i32
        %dma_start3A_1076 = arith.constant 0 : i32
        %dma_start3A_1077 = tpu.memref_slice %arg9[%dma_start3A_1074, %dma_start3A_1075, %dma_start3A_1076] : memref<2x32x128xf32, #tpu.memory_space<vmem>> -> memref<1x8x128xf32, #tpu.memory_space<vmem>>
        %dma_start3A_1078 = tpu.memref_squeeze %dma_start3A_1077 : memref<1x8x128xf32, #tpu.memory_space<vmem>> -> memref<8x128xf32, #tpu.memory_space<vmem>>
        %dma_start3A_1079 = arith.constant 0 : i32
        %dma_start3A_1080 = tpu.memref_slice %arg4[%mul3A_1043, %dma_start3A_1079] : memref<262144x128xf32, #tpu.memory_space<hbm>> -> memref<8x128xf32, #tpu.memory_space<hbm>>
        %dma_start3A_1081 = arith.constant 0 : i32
        %dma_start3A_1082 = tpu.memref_slice %arg4[%mul3A_1043, %dma_start3A_1081] : memref<262144x128xf32, #tpu.memory_space<hbm>> -> memref<8x128xf32, #tpu.memory_space<hbm>>
        %dma_start3A_1083 = arith.constant 16 : i32
        %dma_start3A_1084 = arith.constant 0 : i32
        %dma_start3A_1085 = tpu.memref_slice %arg9[%dma_start3A_1074, %dma_start3A_1083, %dma_start3A_1084] : memref<2x32x128xf32, #tpu.memory_space<vmem>> -> memref<1x8x128xf32, #tpu.memory_space<vmem>>
        %dma_start3A_1086 = tpu.memref_squeeze %dma_start3A_1085 : memref<1x8x128xf32, #tpu.memory_space<vmem>> -> memref<8x128xf32, #tpu.memory_space<vmem>>
        tpu.enqueue_dma source(%dma_start3A_1086 : memref<8x128xf32, #tpu.memory_space<vmem>>) target(%dma_start3A_1082 : memref<8x128xf32, #tpu.memory_space<hbm>>) target_semaphore(%arg12 : memref<!tpu.dma_semaphore, #tpu.memory_space<semaphore_mem>>)
        %dma_start3A_1087 = arith.constant 0 : i32
        %dma_start3A_1088 = arith.constant 24 : i32
        %dma_start3A_1089 = arith.constant 0 : i32
        %dma_start3A_1090 = tpu.memref_slice %arg9[%dma_start3A_1087, %dma_start3A_1088, %dma_start3A_1089] : memref<2x32x128xf32, #tpu.memory_space<vmem>> -> memref<1x8x128xf32, #tpu.memory_space<vmem>>
        %dma_start3A_1091 = tpu.memref_squeeze %dma_start3A_1090 : memref<1x8x128xf32, #tpu.memory_space<vmem>> -> memref<8x128xf32, #tpu.memory_space<vmem>>
        %dma_start3A_1092 = arith.constant 0 : i32
        %dma_start3A_1093 = tpu.memref_slice %arg4[%mul3A_1047, %dma_start3A_1092] : memref<262144x128xf32, #tpu.memory_space<hbm>> -> memref<8x128xf32, #tpu.memory_space<hbm>>
        %dma_start3A_1094 = arith.constant 0 : i32
        %dma_start3A_1095 = tpu.memref_slice %arg4[%mul3A_1047, %dma_start3A_1094] : memref<262144x128xf32, #tpu.memory_space<hbm>> -> memref<8x128xf32, #tpu.memory_space<hbm>>
        %dma_start3A_1096 = arith.constant 24 : i32
        %dma_start3A_1097 = arith.constant 0 : i32
        %dma_start3A_1098 = tpu.memref_slice %arg9[%dma_start3A_1087, %dma_start3A_1096, %dma_start3A_1097] : memref<2x32x128xf32, #tpu.memory_space<vmem>> -> memref<1x8x128xf32, #tpu.memory_space<vmem>>
        %dma_start3A_1099 = tpu.memref_squeeze %dma_start3A_1098 : memref<1x8x128xf32, #tpu.memory_space<vmem>> -> memref<8x128xf32, #tpu.memory_space<vmem>>
        tpu.enqueue_dma source(%dma_start3A_1099 : memref<8x128xf32, #tpu.memory_space<vmem>>) target(%dma_start3A_1095 : memref<8x128xf32, #tpu.memory_space<hbm>>) target_semaphore(%arg12 : memref<!tpu.dma_semaphore, #tpu.memory_space<semaphore_mem>>)
      } else {
      }
    }
    %scan3A_41 = arith.constant 128 : i32
    %add3A_42 = arith.constant 32384 : i32
    %add3A_43 = arith.addi %mul3A_2, %add3A_42 : i32
    %jit3A_44 = arith.constant 128 : i32
    %div3A_45 = arith.divsi %add3A_43, %jit3A_44 : i32
    %sign3A_46 = arith.constant 0 : i32
    %sign3A_47 = arith.cmpi sgt, %add3A_43, %sign3A_46 : i32
    %sign3A_48 = arith.extui %sign3A_47 : i1 to i32
    %sign3A_49 = arith.constant 0 : i32
    %sign3A_50 = arith.cmpi slt, %add3A_43, %sign3A_49 : i32
    %sign3A_51 = arith.extui %sign3A_50 : i1 to i32
    %sign3A_52 = arith.subi %sign3A_48, %sign3A_51 : i32
    %sign3A_53 = arith.constant 0 : i32
    %sign3A_54 = arith.cmpi sgt, %jit3A_44, %sign3A_53 : i32
    %sign3A_55 = arith.extui %sign3A_54 : i1 to i32
    %sign3A_56 = arith.constant 0 : i32
    %sign3A_57 = arith.cmpi slt, %jit3A_44, %sign3A_56 : i32
    %sign3A_58 = arith.extui %sign3A_57 : i1 to i32
    %sign3A_59 = arith.subi %sign3A_55, %sign3A_58 : i32
    %ne3A_60 = arith.cmpi ne, %sign3A_52, %sign3A_59 : i32
    %rem3A_61 = arith.remsi %add3A_43, %jit3A_44 : i32
    %ne3A_62 = arith.constant 0 : i32
    %ne3A_63 = arith.cmpi ne, %rem3A_61, %ne3A_62 : i32
    %and3A_64 = arith.andi %ne3A_60, %ne3A_63 : i1
    %sub3A_65 = arith.constant 1 : i32
    %sub3A_66 = arith.subi %div3A_45, %sub3A_65 : i32
    %select_n3A_67 = arith.select %and3A_64, %sub3A_66, %div3A_45 : i32
    %add3A_68 = arith.constant 0 : i32
    %add3A_69 = arith.addi %add3A_68, %select_n3A_67 : i32
    %mul3A_70 = arith.constant 8 : i32
    %mul3A_71 = arith.muli %add3A_69, %mul3A_70 : i32
    %add3A_72 = arith.constant 8192 : i32
    %add3A_73 = arith.addi %add3A_72, %select_n3A_67 : i32
    %mul3A_74 = arith.constant 8 : i32
    %mul3A_75 = arith.muli %add3A_73, %mul3A_74 : i32
    %add3A_76 = arith.constant 16384 : i32
    %add3A_77 = arith.addi %add3A_76, %select_n3A_67 : i32
    %mul3A_78 = arith.constant 8 : i32
    %mul3A_79 = arith.muli %add3A_77, %mul3A_78 : i32
    %add3A_80 = arith.constant 24576 : i32
    %add3A_81 = arith.addi %add3A_80, %select_n3A_67 : i32
    %mul3A_82 = arith.constant 8 : i32
    %mul3A_83 = arith.muli %add3A_81, %mul3A_82 : i32
    %dma_wait3A = arith.constant 1 : i32
    %dma_wait3A_84 = arith.constant 0 : i32
    %dma_wait3A_85 = arith.constant 0 : i32
    %dma_wait3A_86 = tpu.memref_slice %arg9[%dma_wait3A, %dma_wait3A_84, %dma_wait3A_85] : memref<2x32x128xf32, #tpu.memory_space<vmem>> -> memref<1x8x128xf32, #tpu.memory_space<vmem>>
    %dma_wait3A_87 = tpu.memref_squeeze %dma_wait3A_86 : memref<1x8x128xf32, #tpu.memory_space<vmem>> -> memref<8x128xf32, #tpu.memory_space<vmem>>
    %dma_wait3A_88 = arith.constant 0 : i32
    %dma_wait3A_89 = tpu.memref_slice %arg4[%mul3A_71, %dma_wait3A_88] : memref<262144x128xf32, #tpu.memory_space<hbm>> -> memref<8x128xf32, #tpu.memory_space<hbm>>
    %dma_wait3A_90 = arith.constant 0 : i32
    %dma_wait3A_91 = tpu.memref_slice %arg4[%mul3A_71, %dma_wait3A_90] : memref<262144x128xf32, #tpu.memory_space<hbm>> -> memref<8x128xf32, #tpu.memory_space<hbm>>
    %dma_wait3A_92 = arith.constant 0 : i32
    %dma_wait3A_93 = arith.constant 0 : i32
    %dma_wait3A_94 = tpu.memref_slice %arg9[%dma_wait3A, %dma_wait3A_92, %dma_wait3A_93] : memref<2x32x128xf32, #tpu.memory_space<vmem>> -> memref<1x8x128xf32, #tpu.memory_space<vmem>>
    %dma_wait3A_95 = tpu.memref_squeeze %dma_wait3A_94 : memref<1x8x128xf32, #tpu.memory_space<vmem>> -> memref<8x128xf32, #tpu.memory_space<vmem>>
    tpu.wait_dma2 semaphore(%arg12 : memref<!tpu.dma_semaphore, #tpu.memory_space<semaphore_mem>>) src(%dma_wait3A_95 : memref<8x128xf32, #tpu.memory_space<vmem>>) dst(%dma_wait3A_91 : memref<8x128xf32, #tpu.memory_space<hbm>>)
    %dma_wait3A_96 = arith.constant 1 : i32
    %dma_wait3A_97 = arith.constant 8 : i32
    %dma_wait3A_98 = arith.constant 0 : i32
    %dma_wait3A_99 = tpu.memref_slice %arg9[%dma_wait3A_96, %dma_wait3A_97, %dma_wait3A_98] : memref<2x32x128xf32, #tpu.memory_space<vmem>> -> memref<1x8x128xf32, #tpu.memory_space<vmem>>
    %dma_wait3A_100 = tpu.memref_squeeze %dma_wait3A_99 : memref<1x8x128xf32, #tpu.memory_space<vmem>> -> memref<8x128xf32, #tpu.memory_space<vmem>>
    %dma_wait3A_101 = arith.constant 0 : i32
    %dma_wait3A_102 = tpu.memref_slice %arg4[%mul3A_75, %dma_wait3A_101] : memref<262144x128xf32, #tpu.memory_space<hbm>> -> memref<8x128xf32, #tpu.memory_space<hbm>>
    %dma_wait3A_103 = arith.constant 0 : i32
    %dma_wait3A_104 = tpu.memref_slice %arg4[%mul3A_75, %dma_wait3A_103] : memref<262144x128xf32, #tpu.memory_space<hbm>> -> memref<8x128xf32, #tpu.memory_space<hbm>>
    %dma_wait3A_105 = arith.constant 8 : i32
    %dma_wait3A_106 = arith.constant 0 : i32
    %dma_wait3A_107 = tpu.memref_slice %arg9[%dma_wait3A_96, %dma_wait3A_105, %dma_wait3A_106] : memref<2x32x128xf32, #tpu.memory_space<vmem>> -> memref<1x8x128xf32, #tpu.memory_space<vmem>>
    %dma_wait3A_108 = tpu.memref_squeeze %dma_wait3A_107 : memref<1x8x128xf32, #tpu.memory_space<vmem>> -> memref<8x128xf32, #tpu.memory_space<vmem>>
    tpu.wait_dma2 semaphore(%arg12 : memref<!tpu.dma_semaphore, #tpu.memory_space<semaphore_mem>>) src(%dma_wait3A_108 : memref<8x128xf32, #tpu.memory_space<vmem>>) dst(%dma_wait3A_104 : memref<8x128xf32, #tpu.memory_space<hbm>>)
    %dma_wait3A_109 = arith.constant 1 : i32
    %dma_wait3A_110 = arith.constant 16 : i32
    %dma_wait3A_111 = arith.constant 0 : i32
    %dma_wait3A_112 = tpu.memref_slice %arg9[%dma_wait3A_109, %dma_wait3A_110, %dma_wait3A_111] : memref<2x32x128xf32, #tpu.memory_space<vmem>> -> memref<1x8x128xf32, #tpu.memory_space<vmem>>
    %dma_wait3A_113 = tpu.memref_squeeze %dma_wait3A_112 : memref<1x8x128xf32, #tpu.memory_space<vmem>> -> memref<8x128xf32, #tpu.memory_space<vmem>>
    %dma_wait3A_114 = arith.constant 0 : i32
    %dma_wait3A_115 = tpu.memref_slice %arg4[%mul3A_79, %dma_wait3A_114] : memref<262144x128xf32, #tpu.memory_space<hbm>> -> memref<8x128xf32, #tpu.memory_space<hbm>>
    %dma_wait3A_116 = arith.constant 0 : i32
    %dma_wait3A_117 = tpu.memref_slice %arg4[%mul3A_79, %dma_wait3A_116] : memref<262144x128xf32, #tpu.memory_space<hbm>> -> memref<8x128xf32, #tpu.memory_space<hbm>>
    %dma_wait3A_118 = arith.constant 16 : i32
    %dma_wait3A_119 = arith.constant 0 : i32
    %dma_wait3A_120 = tpu.memref_slice %arg9[%dma_wait3A_109, %dma_wait3A_118, %dma_wait3A_119] : memref<2x32x128xf32, #tpu.memory_space<vmem>> -> memref<1x8x128xf32, #tpu.memory_space<vmem>>
    %dma_wait3A_121 = tpu.memref_squeeze %dma_wait3A_120 : memref<1x8x128xf32, #tpu.memory_space<vmem>> -> memref<8x128xf32, #tpu.memory_space<vmem>>
    tpu.wait_dma2 semaphore(%arg12 : memref<!tpu.dma_semaphore, #tpu.memory_space<semaphore_mem>>) src(%dma_wait3A_121 : memref<8x128xf32, #tpu.memory_space<vmem>>) dst(%dma_wait3A_117 : memref<8x128xf32, #tpu.memory_space<hbm>>)
    %dma_wait3A_122 = arith.constant 1 : i32
    %dma_wait3A_123 = arith.constant 24 : i32
    %dma_wait3A_124 = arith.constant 0 : i32
    %dma_wait3A_125 = tpu.memref_slice %arg9[%dma_wait3A_122, %dma_wait3A_123, %dma_wait3A_124] : memref<2x32x128xf32, #tpu.memory_space<vmem>> -> memref<1x8x128xf32, #tpu.memory_space<vmem>>
    %dma_wait3A_126 = tpu.memref_squeeze %dma_wait3A_125 : memref<1x8x128xf32, #tpu.memory_space<vmem>> -> memref<8x128xf32, #tpu.memory_space<vmem>>
    %dma_wait3A_127 = arith.constant 0 : i32
    %dma_wait3A_128 = tpu.memref_slice %arg4[%mul3A_83, %dma_wait3A_127] : memref<262144x128xf32, #tpu.memory_space<hbm>> -> memref<8x128xf32, #tpu.memory_space<hbm>>
    %dma_wait3A_129 = arith.constant 0 : i32
    %dma_wait3A_130 = tpu.memref_slice %arg4[%mul3A_83, %dma_wait3A_129] : memref<262144x128xf32, #tpu.memory_space<hbm>> -> memref<8x128xf32, #tpu.memory_space<hbm>>
    %dma_wait3A_131 = arith.constant 24 : i32
    %dma_wait3A_132 = arith.constant 0 : i32
    %dma_wait3A_133 = tpu.memref_slice %arg9[%dma_wait3A_122, %dma_wait3A_131, %dma_wait3A_132] : memref<2x32x128xf32, #tpu.memory_space<vmem>> -> memref<1x8x128xf32, #tpu.memory_space<vmem>>
    %dma_wait3A_134 = tpu.memref_squeeze %dma_wait3A_133 : memref<1x8x128xf32, #tpu.memory_space<vmem>> -> memref<8x128xf32, #tpu.memory_space<vmem>>
    tpu.wait_dma2 semaphore(%arg12 : memref<!tpu.dma_semaphore, #tpu.memory_space<semaphore_mem>>) src(%dma_wait3A_134 : memref<8x128xf32, #tpu.memory_space<vmem>>) dst(%dma_wait3A_130 : memref<8x128xf32, #tpu.memory_space<hbm>>)
    %dma_wait3A_135 = arith.constant 1 : i32
    %dma_wait3A_136 = arith.constant 0 : i32
    %dma_wait3A_137 = arith.constant 1 : i32
    %dma_wait3A_138 = arith.constant 0 : i32
    %dma_wait3A_139 = arith.constant 0 : i32
    %dma_wait3A_140 = arith.constant 0 : i32
    %dma_wait3A_141 = tpu.memref_slice %arg8[%dma_wait3A_137, %dma_wait3A_138, %dma_wait3A_139, %dma_wait3A_140] : memref<2x8x128x32xf32, #tpu.memory_space<vmem>> -> memref<1x1x128x32xf32, #tpu.memory_space<vmem>>
    %dma_wait3A_142 = tpu.memref_squeeze %dma_wait3A_141 : memref<1x1x128x32xf32, #tpu.memory_space<vmem>> -> memref<128x32xf32, #tpu.memory_space<vmem>>
    %dma_wait3A_143 = arith.constant 0 : i32
    %dma_wait3A_144 = tpu.memref_slice %arg6[%dma_wait3A_135, %dma_wait3A_136, %dma_wait3A_143] : memref<2x8x128xi32, #tpu.memory_space<vmem>> -> memref<1x1x128xi32, #tpu.memory_space<vmem>>
    %dma_wait3A_145 = tpu.memref_squeeze %dma_wait3A_144 : memref<1x1x128xi32, #tpu.memory_space<vmem>> -> memref<128xi32, #tpu.memory_space<vmem>>
    %dma_wait3A_146 = arith.constant 0 : i32
    %dma_wait3A_147 = arith.constant 0 : i32
    %dma_wait3A_148 = tpu.memref_slice %arg3[%dma_wait3A_146, %dma_wait3A_147] : memref<2097152x32xf32, #tpu.memory_space<hbm>> -> memref<2097152x32xf32, #tpu.memory_space<hbm>>
    tpu.wait_indirect_dma semaphore(%arg11 : memref<!tpu.dma_semaphore, #tpu.memory_space<semaphore_mem>>) src(%dma_wait3A_148 : memref<2097152x32xf32, #tpu.memory_space<hbm>>) dst(%dma_wait3A_142 : memref<128x32xf32, #tpu.memory_space<vmem>>)
    %dma_wait3A_149 = arith.constant 1 : i32
    %dma_wait3A_150 = arith.constant 1 : i32
    %dma_wait3A_151 = arith.constant 1 : i32
    %dma_wait3A_152 = arith.constant 1 : i32
    %dma_wait3A_153 = arith.constant 0 : i32
    %dma_wait3A_154 = arith.constant 0 : i32
    %dma_wait3A_155 = tpu.memref_slice %arg8[%dma_wait3A_151, %dma_wait3A_152, %dma_wait3A_153, %dma_wait3A_154] : memref<2x8x128x32xf32, #tpu.memory_space<vmem>> -> memref<1x1x128x32xf32, #tpu.memory_space<vmem>>
    %dma_wait3A_156 = tpu.memref_squeeze %dma_wait3A_155 : memref<1x1x128x32xf32, #tpu.memory_space<vmem>> -> memref<128x32xf32, #tpu.memory_space<vmem>>
    %dma_wait3A_157 = arith.constant 0 : i32
    %dma_wait3A_158 = tpu.memref_slice %arg6[%dma_wait3A_149, %dma_wait3A_150, %dma_wait3A_157] : memref<2x8x128xi32, #tpu.memory_space<vmem>> -> memref<1x1x128xi32, #tpu.memory_space<vmem>>
    %dma_wait3A_159 = tpu.memref_squeeze %dma_wait3A_158 : memref<1x1x128xi32, #tpu.memory_space<vmem>> -> memref<128xi32, #tpu.memory_space<vmem>>
    %dma_wait3A_160 = arith.constant 0 : i32
    %dma_wait3A_161 = arith.constant 0 : i32
    %dma_wait3A_162 = tpu.memref_slice %arg3[%dma_wait3A_160, %dma_wait3A_161] : memref<2097152x32xf32, #tpu.memory_space<hbm>> -> memref<2097152x32xf32, #tpu.memory_space<hbm>>
    tpu.wait_indirect_dma semaphore(%arg11 : memref<!tpu.dma_semaphore, #tpu.memory_space<semaphore_mem>>) src(%dma_wait3A_162 : memref<2097152x32xf32, #tpu.memory_space<hbm>>) dst(%dma_wait3A_156 : memref<128x32xf32, #tpu.memory_space<vmem>>)
    %dma_wait3A_163 = arith.constant 1 : i32
    %dma_wait3A_164 = arith.constant 2 : i32
    %dma_wait3A_165 = arith.constant 1 : i32
    %dma_wait3A_166 = arith.constant 2 : i32
    %dma_wait3A_167 = arith.constant 0 : i32
    %dma_wait3A_168 = arith.constant 0 : i32
    %dma_wait3A_169 = tpu.memref_slice %arg8[%dma_wait3A_165, %dma_wait3A_166, %dma_wait3A_167, %dma_wait3A_168] : memref<2x8x128x32xf32, #tpu.memory_space<vmem>> -> memref<1x1x128x32xf32, #tpu.memory_space<vmem>>
    %dma_wait3A_170 = tpu.memref_squeeze %dma_wait3A_169 : memref<1x1x128x32xf32, #tpu.memory_space<vmem>> -> memref<128x32xf32, #tpu.memory_space<vmem>>
    %dma_wait3A_171 = arith.constant 0 : i32
    %dma_wait3A_172 = tpu.memref_slice %arg6[%dma_wait3A_163, %dma_wait3A_164, %dma_wait3A_171] : memref<2x8x128xi32, #tpu.memory_space<vmem>> -> memref<1x1x128xi32, #tpu.memory_space<vmem>>
    %dma_wait3A_173 = tpu.memref_squeeze %dma_wait3A_172 : memref<1x1x128xi32, #tpu.memory_space<vmem>> -> memref<128xi32, #tpu.memory_space<vmem>>
    %dma_wait3A_174 = arith.constant 0 : i32
    %dma_wait3A_175 = arith.constant 0 : i32
    %dma_wait3A_176 = tpu.memref_slice %arg3[%dma_wait3A_174, %dma_wait3A_175] : memref<2097152x32xf32, #tpu.memory_space<hbm>> -> memref<2097152x32xf32, #tpu.memory_space<hbm>>
    tpu.wait_indirect_dma semaphore(%arg11 : memref<!tpu.dma_semaphore, #tpu.memory_space<semaphore_mem>>) src(%dma_wait3A_176 : memref<2097152x32xf32, #tpu.memory_space<hbm>>) dst(%dma_wait3A_170 : memref<128x32xf32, #tpu.memory_space<vmem>>)
    %dma_wait3A_177 = arith.constant 1 : i32
    %dma_wait3A_178 = arith.constant 3 : i32
    %dma_wait3A_179 = arith.constant 1 : i32
    %dma_wait3A_180 = arith.constant 3 : i32
    %dma_wait3A_181 = arith.constant 0 : i32
    %dma_wait3A_182 = arith.constant 0 : i32
    %dma_wait3A_183 = tpu.memref_slice %arg8[%dma_wait3A_179, %dma_wait3A_180, %dma_wait3A_181, %dma_wait3A_182] : memref<2x8x128x32xf32, #tpu.memory_space<vmem>> -> memref<1x1x128x32xf32, #tpu.memory_space<vmem>>
    %dma_wait3A_184 = tpu.memref_squeeze %dma_wait3A_183 : memref<1x1x128x32xf32, #tpu.memory_space<vmem>> -> memref<128x32xf32, #tpu.memory_space<vmem>>
    %dma_wait3A_185 = arith.constant 0 : i32
    %dma_wait3A_186 = tpu.memref_slice %arg6[%dma_wait3A_177, %dma_wait3A_178, %dma_wait3A_185] : memref<2x8x128xi32, #tpu.memory_space<vmem>> -> memref<1x1x128xi32, #tpu.memory_space<vmem>>
    %dma_wait3A_187 = tpu.memref_squeeze %dma_wait3A_186 : memref<1x1x128xi32, #tpu.memory_space<vmem>> -> memref<128xi32, #tpu.memory_space<vmem>>
    %dma_wait3A_188 = arith.constant 0 : i32
    %dma_wait3A_189 = arith.constant 0 : i32
    %dma_wait3A_190 = tpu.memref_slice %arg3[%dma_wait3A_188, %dma_wait3A_189] : memref<2097152x32xf32, #tpu.memory_space<hbm>> -> memref<2097152x32xf32, #tpu.memory_space<hbm>>
    tpu.wait_indirect_dma semaphore(%arg11 : memref<!tpu.dma_semaphore, #tpu.memory_space<semaphore_mem>>) src(%dma_wait3A_190 : memref<2097152x32xf32, #tpu.memory_space<hbm>>) dst(%dma_wait3A_184 : memref<128x32xf32, #tpu.memory_space<vmem>>)
    %dma_wait3A_191 = arith.constant 1 : i32
    %dma_wait3A_192 = arith.constant 4 : i32
    %dma_wait3A_193 = arith.constant 1 : i32
    %dma_wait3A_194 = arith.constant 4 : i32
    %dma_wait3A_195 = arith.constant 0 : i32
    %dma_wait3A_196 = arith.constant 0 : i32
    %dma_wait3A_197 = tpu.memref_slice %arg8[%dma_wait3A_193, %dma_wait3A_194, %dma_wait3A_195, %dma_wait3A_196] : memref<2x8x128x32xf32, #tpu.memory_space<vmem>> -> memref<1x1x128x32xf32, #tpu.memory_space<vmem>>
    %dma_wait3A_198 = tpu.memref_squeeze %dma_wait3A_197 : memref<1x1x128x32xf32, #tpu.memory_space<vmem>> -> memref<128x32xf32, #tpu.memory_space<vmem>>
    %dma_wait3A_199 = arith.constant 0 : i32
    %dma_wait3A_200 = tpu.memref_slice %arg6[%dma_wait3A_191, %dma_wait3A_192, %dma_wait3A_199] : memref<2x8x128xi32, #tpu.memory_space<vmem>> -> memref<1x1x128xi32, #tpu.memory_space<vmem>>
    %dma_wait3A_201 = tpu.memref_squeeze %dma_wait3A_200 : memref<1x1x128xi32, #tpu.memory_space<vmem>> -> memref<128xi32, #tpu.memory_space<vmem>>
    %dma_wait3A_202 = arith.constant 0 : i32
    %dma_wait3A_203 = arith.constant 0 : i32
    %dma_wait3A_204 = tpu.memref_slice %arg3[%dma_wait3A_202, %dma_wait3A_203] : memref<2097152x32xf32, #tpu.memory_space<hbm>> -> memref<2097152x32xf32, #tpu.memory_space<hbm>>
    tpu.wait_indirect_dma semaphore(%arg11 : memref<!tpu.dma_semaphore, #tpu.memory_space<semaphore_mem>>) src(%dma_wait3A_204 : memref<2097152x32xf32, #tpu.memory_space<hbm>>) dst(%dma_wait3A_198 : memref<128x32xf32, #tpu.memory_space<vmem>>)
    %dma_wait3A_205 = arith.constant 1 : i32
    %dma_wait3A_206 = arith.constant 5 : i32
    %dma_wait3A_207 = arith.constant 1 : i32
    %dma_wait3A_208 = arith.constant 5 : i32
    %dma_wait3A_209 = arith.constant 0 : i32
    %dma_wait3A_210 = arith.constant 0 : i32
    %dma_wait3A_211 = tpu.memref_slice %arg8[%dma_wait3A_207, %dma_wait3A_208, %dma_wait3A_209, %dma_wait3A_210] : memref<2x8x128x32xf32, #tpu.memory_space<vmem>> -> memref<1x1x128x32xf32, #tpu.memory_space<vmem>>
    %dma_wait3A_212 = tpu.memref_squeeze %dma_wait3A_211 : memref<1x1x128x32xf32, #tpu.memory_space<vmem>> -> memref<128x32xf32, #tpu.memory_space<vmem>>
    %dma_wait3A_213 = arith.constant 0 : i32
    %dma_wait3A_214 = tpu.memref_slice %arg6[%dma_wait3A_205, %dma_wait3A_206, %dma_wait3A_213] : memref<2x8x128xi32, #tpu.memory_space<vmem>> -> memref<1x1x128xi32, #tpu.memory_space<vmem>>
    %dma_wait3A_215 = tpu.memref_squeeze %dma_wait3A_214 : memref<1x1x128xi32, #tpu.memory_space<vmem>> -> memref<128xi32, #tpu.memory_space<vmem>>
    %dma_wait3A_216 = arith.constant 0 : i32
    %dma_wait3A_217 = arith.constant 0 : i32
    %dma_wait3A_218 = tpu.memref_slice %arg3[%dma_wait3A_216, %dma_wait3A_217] : memref<2097152x32xf32, #tpu.memory_space<hbm>> -> memref<2097152x32xf32, #tpu.memory_space<hbm>>
    tpu.wait_indirect_dma semaphore(%arg11 : memref<!tpu.dma_semaphore, #tpu.memory_space<semaphore_mem>>) src(%dma_wait3A_218 : memref<2097152x32xf32, #tpu.memory_space<hbm>>) dst(%dma_wait3A_212 : memref<128x32xf32, #tpu.memory_space<vmem>>)
    %dma_wait3A_219 = arith.constant 1 : i32
    %dma_wait3A_220 = arith.constant 6 : i32
    %dma_wait3A_221 = arith.constant 1 : i32
    %dma_wait3A_222 = arith.constant 6 : i32
    %dma_wait3A_223 = arith.constant 0 : i32
    %dma_wait3A_224 = arith.constant 0 : i32
    %dma_wait3A_225 = tpu.memref_slice %arg8[%dma_wait3A_221, %dma_wait3A_222, %dma_wait3A_223, %dma_wait3A_224] : memref<2x8x128x32xf32, #tpu.memory_space<vmem>> -> memref<1x1x128x32xf32, #tpu.memory_space<vmem>>
    %dma_wait3A_226 = tpu.memref_squeeze %dma_wait3A_225 : memref<1x1x128x32xf32, #tpu.memory_space<vmem>> -> memref<128x32xf32, #tpu.memory_space<vmem>>
    %dma_wait3A_227 = arith.constant 0 : i32
    %dma_wait3A_228 = tpu.memref_slice %arg6[%dma_wait3A_219, %dma_wait3A_220, %dma_wait3A_227] : memref<2x8x128xi32, #tpu.memory_space<vmem>> -> memref<1x1x128xi32, #tpu.memory_space<vmem>>
    %dma_wait3A_229 = tpu.memref_squeeze %dma_wait3A_228 : memref<1x1x128xi32, #tpu.memory_space<vmem>> -> memref<128xi32, #tpu.memory_space<vmem>>
    %dma_wait3A_230 = arith.constant 0 : i32
    %dma_wait3A_231 = arith.constant 0 : i32
    %dma_wait3A_232 = tpu.memref_slice %arg3[%dma_wait3A_230, %dma_wait3A_231] : memref<2097152x32xf32, #tpu.memory_space<hbm>> -> memref<2097152x32xf32, #tpu.memory_space<hbm>>
    tpu.wait_indirect_dma semaphore(%arg11 : memref<!tpu.dma_semaphore, #tpu.memory_space<semaphore_mem>>) src(%dma_wait3A_232 : memref<2097152x32xf32, #tpu.memory_space<hbm>>) dst(%dma_wait3A_226 : memref<128x32xf32, #tpu.memory_space<vmem>>)
    %dma_wait3A_233 = arith.constant 1 : i32
    %dma_wait3A_234 = arith.constant 7 : i32
    %dma_wait3A_235 = arith.constant 1 : i32
    %dma_wait3A_236 = arith.constant 7 : i32
    %dma_wait3A_237 = arith.constant 0 : i32
    %dma_wait3A_238 = arith.constant 0 : i32
    %dma_wait3A_239 = tpu.memref_slice %arg8[%dma_wait3A_235, %dma_wait3A_236, %dma_wait3A_237, %dma_wait3A_238] : memref<2x8x128x32xf32, #tpu.memory_space<vmem>> -> memref<1x1x128x32xf32, #tpu.memory_space<vmem>>
    %dma_wait3A_240 = tpu.memref_squeeze %dma_wait3A_239 : memref<1x1x128x32xf32, #tpu.memory_space<vmem>> -> memref<128x32xf32, #tpu.memory_space<vmem>>
    %dma_wait3A_241 = arith.constant 0 : i32
    %dma_wait3A_242 = tpu.memref_slice %arg6[%dma_wait3A_233, %dma_wait3A_234, %dma_wait3A_241] : memref<2x8x128xi32, #tpu.memory_space<vmem>> -> memref<1x1x128xi32, #tpu.memory_space<vmem>>
    %dma_wait3A_243 = tpu.memref_squeeze %dma_wait3A_242 : memref<1x1x128xi32, #tpu.memory_space<vmem>> -> memref<128xi32, #tpu.memory_space<vmem>>
    %dma_wait3A_244 = arith.constant 0 : i32
    %dma_wait3A_245 = arith.constant 0 : i32
    %dma_wait3A_246 = tpu.memref_slice %arg3[%dma_wait3A_244, %dma_wait3A_245] : memref<2097152x32xf32, #tpu.memory_space<hbm>> -> memref<2097152x32xf32, #tpu.memory_space<hbm>>
    tpu.wait_indirect_dma semaphore(%arg11 : memref<!tpu.dma_semaphore, #tpu.memory_space<semaphore_mem>>) src(%dma_wait3A_246 : memref<2097152x32xf32, #tpu.memory_space<hbm>>) dst(%dma_wait3A_240 : memref<128x32xf32, #tpu.memory_space<vmem>>)
    %scan3A_247 = arith.constant 0 : i32
    %scan3A_248 = arith.constant 128 : i32
    %scan3A_249 = arith.addi %scan3A_247, %scan3A_248 : i32
    %scan3A_250 = arith.constant 1 : i32
    scf.for %scan3A_534 = %scan3A_247 to %scan3A_249 step %scan3A_250  : i32 {
      %mul3A_535 = arith.constant 1 : i32
      %mul3A_536 = arith.muli %scan3A_534, %mul3A_535 : i32
      %add3A_537 = arith.constant 0 : i32
      %add3A_538 = arith.addi %add3A_537, %mul3A_536 : i32
      %broadcast_in_dim3A = vector.broadcast %add3A_538 : i32 to vector<16xi32>
      %broadcast_in_dim3A_539 = arith.constant 0 : i32
      %broadcast_in_dim3A_540 = vector.broadcast %broadcast_in_dim3A_539 : i32 to vector<16xi32>
      %gather3A = arith.constant 1 : i32
      %gather3A_541 = arith.constant 0 : i32
      %gather3A_542 = arith.constant 0 : i32
      %gather3A_543 = tpu.memref_slice %arg7[%gather3A, %gather3A_541, %gather3A_542] : memref<2x8x128xf32, #tpu.memory_space<vmem>> -> memref<1x8x128xf32, #tpu.memory_space<vmem>>
      %gather3A_544 = tpu.memref_squeeze %gather3A_543 : memref<1x8x128xf32, #tpu.memory_space<vmem>> -> memref<8x128xf32, #tpu.memory_space<vmem>>
      %gather3A_545 = tpu.vector_load_idx %gather3A_544[%broadcast_in_dim3A_540, %broadcast_in_dim3A] : memref<8x128xf32, #tpu.memory_space<vmem>>[vector<16xi32>, vector<16xi32>], vector<16xf32>,
      %get3A = arith.constant 1 : i32
      %get3A_546 = arith.constant 0 : i32
      %get3A_547 = arith.index_cast %get3A : i32 to index
      %get3A_548 = arith.index_cast %get3A_546 : i32 to index
      %get3A_549 = arith.index_cast %add3A_538 : i32 to index
      %get3A_550 = arith.constant 0 : index
      %get3A_551 = tpu.vector_load %arg8[%get3A_547, %get3A_548, %get3A_549, %get3A_550] {strides = array<i32>} : memref<2x8x128x32xf32, #tpu.memory_space<vmem>>, vector<16xf32>,
      %get3A_552 = arith.constant 1 : i32
      %get3A_553 = arith.constant 0 : i32
      %get3A_554 = arith.index_cast %get3A_552 : i32 to index
      %get3A_555 = arith.index_cast %get3A_553 : i32 to index
      %get3A_556 = arith.index_cast %add3A_538 : i32 to index
      %get3A_557 = arith.constant 12 : index
      %get3A_558 = tpu.vector_load %arg8[%get3A_554, %get3A_555, %get3A_556, %get3A_557] {strides = array<i32>} : memref<2x8x128x32xf32, #tpu.memory_space<vmem>>, vector<16xf32>,
      %mul3A_559 = arith.mulf %gather3A_545, %get3A_551 : vector<16xf32>
      %mul3A_560 = arith.mulf %gather3A_545, %get3A_558 : vector<16xf32>
      %broadcast_in_dim3A_561 = arith.constant 1 : i32
      %broadcast_in_dim3A_562 = vector.broadcast %broadcast_in_dim3A_561 : i32 to vector<16xi32>
      %gather3A_563 = arith.constant 1 : i32
      %gather3A_564 = arith.constant 0 : i32
      %gather3A_565 = arith.constant 0 : i32
      %gather3A_566 = tpu.memref_slice %arg7[%gather3A_563, %gather3A_564, %gather3A_565] : memref<2x8x128xf32, #tpu.memory_space<vmem>> -> memref<1x8x128xf32, #tpu.memory_space<vmem>>
      %gather3A_567 = tpu.memref_squeeze %gather3A_566 : memref<1x8x128xf32, #tpu.memory_space<vmem>> -> memref<8x128xf32, #tpu.memory_space<vmem>>
      %gather3A_568 = tpu.vector_load_idx %gather3A_567[%broadcast_in_dim3A_562, %broadcast_in_dim3A] : memref<8x128xf32, #tpu.memory_space<vmem>>[vector<16xi32>, vector<16xi32>], vector<16xf32>,
      %get3A_569 = arith.constant 1 : i32
      %get3A_570 = arith.constant 1 : i32
      %get3A_571 = arith.index_cast %get3A_569 : i32 to index
      %get3A_572 = arith.index_cast %get3A_570 : i32 to index
      %get3A_573 = arith.index_cast %add3A_538 : i32 to index
      %get3A_574 = arith.constant 0 : index
      %get3A_575 = tpu.vector_load %arg8[%get3A_571, %get3A_572, %get3A_573, %get3A_574] {strides = array<i32>} : memref<2x8x128x32xf32, #tpu.memory_space<vmem>>, vector<16xf32>,
      %get3A_576 = arith.constant 1 : i32
      %get3A_577 = arith.constant 1 : i32
      %get3A_578 = arith.index_cast %get3A_576 : i32 to index
      %get3A_579 = arith.index_cast %get3A_577 : i32 to index
      %get3A_580 = arith.index_cast %add3A_538 : i32 to index
      %get3A_581 = arith.constant 12 : index
      %get3A_582 = tpu.vector_load %arg8[%get3A_578, %get3A_579, %get3A_580, %get3A_581] {strides = array<i32>} : memref<2x8x128x32xf32, #tpu.memory_space<vmem>>, vector<16xf32>,
      %mul3A_583 = arith.mulf %gather3A_568, %get3A_575 : vector<16xf32>
      %add3A_584 = arith.addf %mul3A_559, %mul3A_583 : vector<16xf32>
      %mul3A_585 = arith.mulf %gather3A_568, %get3A_582 : vector<16xf32>
      %add3A_586 = arith.addf %mul3A_560, %mul3A_585 : vector<16xf32>
      %broadcast_in_dim3A_587 = arith.constant 2 : i32
      %broadcast_in_dim3A_588 = vector.broadcast %broadcast_in_dim3A_587 : i32 to vector<16xi32>
      %gather3A_589 = arith.constant 1 : i32
      %gather3A_590 = arith.constant 0 : i32
      %gather3A_591 = arith.constant 0 : i32
      %gather3A_592 = tpu.memref_slice %arg7[%gather3A_589, %gather3A_590, %gather3A_591] : memref<2x8x128xf32, #tpu.memory_space<vmem>> -> memref<1x8x128xf32, #tpu.memory_space<vmem>>
      %gather3A_593 = tpu.memref_squeeze %gather3A_592 : memref<1x8x128xf32, #tpu.memory_space<vmem>> -> memref<8x128xf32, #tpu.memory_space<vmem>>
      %gather3A_594 = tpu.vector_load_idx %gather3A_593[%broadcast_in_dim3A_588, %broadcast_in_dim3A] : memref<8x128xf32, #tpu.memory_space<vmem>>[vector<16xi32>, vector<16xi32>], vector<16xf32>,
      %get3A_595 = arith.constant 1 : i32
      %get3A_596 = arith.constant 2 : i32
      %get3A_597 = arith.index_cast %get3A_595 : i32 to index
      %get3A_598 = arith.index_cast %get3A_596 : i32 to index
      %get3A_599 = arith.index_cast %add3A_538 : i32 to index
      %get3A_600 = arith.constant 0 : index
      %get3A_601 = tpu.vector_load %arg8[%get3A_597, %get3A_598, %get3A_599, %get3A_600] {strides = array<i32>} : memref<2x8x128x32xf32, #tpu.memory_space<vmem>>, vector<16xf32>,
      %get3A_602 = arith.constant 1 : i32
      %get3A_603 = arith.constant 2 : i32
      %get3A_604 = arith.index_cast %get3A_602 : i32 to index
      %get3A_605 = arith.index_cast %get3A_603 : i32 to index
      %get3A_606 = arith.index_cast %add3A_538 : i32 to index
      %get3A_607 = arith.constant 12 : index
      %get3A_608 = tpu.vector_load %arg8[%get3A_604, %get3A_605, %get3A_606, %get3A_607] {strides = array<i32>} : memref<2x8x128x32xf32, #tpu.memory_space<vmem>>, vector<16xf32>,
      %mul3A_609 = arith.mulf %gather3A_594, %get3A_601 : vector<16xf32>
      %add3A_610 = arith.addf %add3A_584, %mul3A_609 : vector<16xf32>
      %mul3A_611 = arith.mulf %gather3A_594, %get3A_608 : vector<16xf32>
      %add3A_612 = arith.addf %add3A_586, %mul3A_611 : vector<16xf32>
      %broadcast_in_dim3A_613 = arith.constant 3 : i32
      %broadcast_in_dim3A_614 = vector.broadcast %broadcast_in_dim3A_613 : i32 to vector<16xi32>
      %gather3A_615 = arith.constant 1 : i32
      %gather3A_616 = arith.constant 0 : i32
      %gather3A_617 = arith.constant 0 : i32
      %gather3A_618 = tpu.memref_slice %arg7[%gather3A_615, %gather3A_616, %gather3A_617] : memref<2x8x128xf32, #tpu.memory_space<vmem>> -> memref<1x8x128xf32, #tpu.memory_space<vmem>>
      %gather3A_619 = tpu.memref_squeeze %gather3A_618 : memref<1x8x128xf32, #tpu.memory_space<vmem>> -> memref<8x128xf32, #tpu.memory_space<vmem>>
      %gather3A_620 = tpu.vector_load_idx %gather3A_619[%broadcast_in_dim3A_614, %broadcast_in_dim3A] : memref<8x128xf32, #tpu.memory_space<vmem>>[vector<16xi32>, vector<16xi32>], vector<16xf32>,
      %get3A_621 = arith.constant 1 : i32
      %get3A_622 = arith.constant 3 : i32
      %get3A_623 = arith.index_cast %get3A_621 : i32 to index
      %get3A_624 = arith.index_cast %get3A_622 : i32 to index
      %get3A_625 = arith.index_cast %add3A_538 : i32 to index
      %get3A_626 = arith.constant 0 : index
      %get3A_627 = tpu.vector_load %arg8[%get3A_623, %get3A_624, %get3A_625, %get3A_626] {strides = array<i32>} : memref<2x8x128x32xf32, #tpu.memory_space<vmem>>, vector<16xf32>,
      %get3A_628 = arith.constant 1 : i32
      %get3A_629 = arith.constant 3 : i32
      %get3A_630 = arith.index_cast %get3A_628 : i32 to index
      %get3A_631 = arith.index_cast %get3A_629 : i32 to index
      %get3A_632 = arith.index_cast %add3A_538 : i32 to index
      %get3A_633 = arith.constant 12 : index
      %get3A_634 = tpu.vector_load %arg8[%get3A_630, %get3A_631, %get3A_632, %get3A_633] {strides = array<i32>} : memref<2x8x128x32xf32, #tpu.memory_space<vmem>>, vector<16xf32>,
      %mul3A_635 = arith.mulf %gather3A_620, %get3A_627 : vector<16xf32>
      %add3A_636 = arith.addf %add3A_610, %mul3A_635 : vector<16xf32>
      %mul3A_637 = arith.mulf %gather3A_620, %get3A_634 : vector<16xf32>
      %add3A_638 = arith.addf %add3A_612, %mul3A_637 : vector<16xf32>
      %broadcast_in_dim3A_639 = arith.constant 4 : i32
      %broadcast_in_dim3A_640 = vector.broadcast %broadcast_in_dim3A_639 : i32 to vector<16xi32>
      %gather3A_641 = arith.constant 1 : i32
      %gather3A_642 = arith.constant 0 : i32
      %gather3A_643 = arith.constant 0 : i32
      %gather3A_644 = tpu.memref_slice %arg7[%gather3A_641, %gather3A_642, %gather3A_643] : memref<2x8x128xf32, #tpu.memory_space<vmem>> -> memref<1x8x128xf32, #tpu.memory_space<vmem>>
      %gather3A_645 = tpu.memref_squeeze %gather3A_644 : memref<1x8x128xf32, #tpu.memory_space<vmem>> -> memref<8x128xf32, #tpu.memory_space<vmem>>
      %gather3A_646 = tpu.vector_load_idx %gather3A_645[%broadcast_in_dim3A_640, %broadcast_in_dim3A] : memref<8x128xf32, #tpu.memory_space<vmem>>[vector<16xi32>, vector<16xi32>], vector<16xf32>,
      %get3A_647 = arith.constant 1 : i32
      %get3A_648 = arith.constant 4 : i32
      %get3A_649 = arith.index_cast %get3A_647 : i32 to index
      %get3A_650 = arith.index_cast %get3A_648 : i32 to index
      %get3A_651 = arith.index_cast %add3A_538 : i32 to index
      %get3A_652 = arith.constant 0 : index
      %get3A_653 = tpu.vector_load %arg8[%get3A_649, %get3A_650, %get3A_651, %get3A_652] {strides = array<i32>} : memref<2x8x128x32xf32, #tpu.memory_space<vmem>>, vector<16xf32>,
      %get3A_654 = arith.constant 1 : i32
      %get3A_655 = arith.constant 4 : i32
      %get3A_656 = arith.index_cast %get3A_654 : i32 to index
      %get3A_657 = arith.index_cast %get3A_655 : i32 to index
      %get3A_658 = arith.index_cast %add3A_538 : i32 to index
      %get3A_659 = arith.constant 12 : index
      %get3A_660 = tpu.vector_load %arg8[%get3A_656, %get3A_657, %get3A_658, %get3A_659] {strides = array<i32>} : memref<2x8x128x32xf32, #tpu.memory_space<vmem>>, vector<16xf32>,
      %mul3A_661 = arith.mulf %gather3A_646, %get3A_653 : vector<16xf32>
      %add3A_662 = arith.addf %add3A_636, %mul3A_661 : vector<16xf32>
      %mul3A_663 = arith.mulf %gather3A_646, %get3A_660 : vector<16xf32>
      %add3A_664 = arith.addf %add3A_638, %mul3A_663 : vector<16xf32>
      %broadcast_in_dim3A_665 = arith.constant 5 : i32
      %broadcast_in_dim3A_666 = vector.broadcast %broadcast_in_dim3A_665 : i32 to vector<16xi32>
      %gather3A_667 = arith.constant 1 : i32
      %gather3A_668 = arith.constant 0 : i32
      %gather3A_669 = arith.constant 0 : i32
      %gather3A_670 = tpu.memref_slice %arg7[%gather3A_667, %gather3A_668, %gather3A_669] : memref<2x8x128xf32, #tpu.memory_space<vmem>> -> memref<1x8x128xf32, #tpu.memory_space<vmem>>
      %gather3A_671 = tpu.memref_squeeze %gather3A_670 : memref<1x8x128xf32, #tpu.memory_space<vmem>> -> memref<8x128xf32, #tpu.memory_space<vmem>>
      %gather3A_672 = tpu.vector_load_idx %gather3A_671[%broadcast_in_dim3A_666, %broadcast_in_dim3A] : memref<8x128xf32, #tpu.memory_space<vmem>>[vector<16xi32>, vector<16xi32>], vector<16xf32>,
      %get3A_673 = arith.constant 1 : i32
      %get3A_674 = arith.constant 5 : i32
      %get3A_675 = arith.index_cast %get3A_673 : i32 to index
      %get3A_676 = arith.index_cast %get3A_674 : i32 to index
      %get3A_677 = arith.index_cast %add3A_538 : i32 to index
      %get3A_678 = arith.constant 0 : index
      %get3A_679 = tpu.vector_load %arg8[%get3A_675, %get3A_676, %get3A_677, %get3A_678] {strides = array<i32>} : memref<2x8x128x32xf32, #tpu.memory_space<vmem>>, vector<16xf32>,
      %get3A_680 = arith.constant 1 : i32
      %get3A_681 = arith.constant 5 : i32
      %get3A_682 = arith.index_cast %get3A_680 : i32 to index
      %get3A_683 = arith.index_cast %get3A_681 : i32 to index
      %get3A_684 = arith.index_cast %add3A_538 : i32 to index
      %get3A_685 = arith.constant 12 : index
      %get3A_686 = tpu.vector_load %arg8[%get3A_682, %get3A_683, %get3A_684, %get3A_685] {strides = array<i32>} : memref<2x8x128x32xf32, #tpu.memory_space<vmem>>, vector<16xf32>,
      %mul3A_687 = arith.mulf %gather3A_672, %get3A_679 : vector<16xf32>
      %add3A_688 = arith.addf %add3A_662, %mul3A_687 : vector<16xf32>
      %mul3A_689 = arith.mulf %gather3A_672, %get3A_686 : vector<16xf32>
      %add3A_690 = arith.addf %add3A_664, %mul3A_689 : vector<16xf32>
      %broadcast_in_dim3A_691 = arith.constant 6 : i32
      %broadcast_in_dim3A_692 = vector.broadcast %broadcast_in_dim3A_691 : i32 to vector<16xi32>
      %gather3A_693 = arith.constant 1 : i32
      %gather3A_694 = arith.constant 0 : i32
      %gather3A_695 = arith.constant 0 : i32
      %gather3A_696 = tpu.memref_slice %arg7[%gather3A_693, %gather3A_694, %gather3A_695] : memref<2x8x128xf32, #tpu.memory_space<vmem>> -> memref<1x8x128xf32, #tpu.memory_space<vmem>>
      %gather3A_697 = tpu.memref_squeeze %gather3A_696 : memref<1x8x128xf32, #tpu.memory_space<vmem>> -> memref<8x128xf32, #tpu.memory_space<vmem>>
      %gather3A_698 = tpu.vector_load_idx %gather3A_697[%broadcast_in_dim3A_692, %broadcast_in_dim3A] : memref<8x128xf32, #tpu.memory_space<vmem>>[vector<16xi32>, vector<16xi32>], vector<16xf32>,
      %get3A_699 = arith.constant 1 : i32
      %get3A_700 = arith.constant 6 : i32
      %get3A_701 = arith.index_cast %get3A_699 : i32 to index
      %get3A_702 = arith.index_cast %get3A_700 : i32 to index
      %get3A_703 = arith.index_cast %add3A_538 : i32 to index
      %get3A_704 = arith.constant 0 : index
      %get3A_705 = tpu.vector_load %arg8[%get3A_701, %get3A_702, %get3A_703, %get3A_704] {strides = array<i32>} : memref<2x8x128x32xf32, #tpu.memory_space<vmem>>, vector<16xf32>,
      %get3A_706 = arith.constant 1 : i32
      %get3A_707 = arith.constant 6 : i32
      %get3A_708 = arith.index_cast %get3A_706 : i32 to index
      %get3A_709 = arith.index_cast %get3A_707 : i32 to index
      %get3A_710 = arith.index_cast %add3A_538 : i32 to index
      %get3A_711 = arith.constant 12 : index
      %get3A_712 = tpu.vector_load %arg8[%get3A_708, %get3A_709, %get3A_710, %get3A_711] {strides = array<i32>} : memref<2x8x128x32xf32, #tpu.memory_space<vmem>>, vector<16xf32>,
      %mul3A_713 = arith.mulf %gather3A_698, %get3A_705 : vector<16xf32>
      %add3A_714 = arith.addf %add3A_688, %mul3A_713 : vector<16xf32>
      %mul3A_715 = arith.mulf %gather3A_698, %get3A_712 : vector<16xf32>
      %add3A_716 = arith.addf %add3A_690, %mul3A_715 : vector<16xf32>
      %broadcast_in_dim3A_717 = arith.constant 7 : i32
      %broadcast_in_dim3A_718 = vector.broadcast %broadcast_in_dim3A_717 : i32 to vector<16xi32>
      %gather3A_719 = arith.constant 1 : i32
      %gather3A_720 = arith.constant 0 : i32
      %gather3A_721 = arith.constant 0 : i32
      %gather3A_722 = tpu.memref_slice %arg7[%gather3A_719, %gather3A_720, %gather3A_721] : memref<2x8x128xf32, #tpu.memory_space<vmem>> -> memref<1x8x128xf32, #tpu.memory_space<vmem>>
      %gather3A_723 = tpu.memref_squeeze %gather3A_722 : memref<1x8x128xf32, #tpu.memory_space<vmem>> -> memref<8x128xf32, #tpu.memory_space<vmem>>
      %gather3A_724 = tpu.vector_load_idx %gather3A_723[%broadcast_in_dim3A_718, %broadcast_in_dim3A] : memref<8x128xf32, #tpu.memory_space<vmem>>[vector<16xi32>, vector<16xi32>], vector<16xf32>,
      %get3A_725 = arith.constant 1 : i32
      %get3A_726 = arith.constant 7 : i32
      %get3A_727 = arith.index_cast %get3A_725 : i32 to index
      %get3A_728 = arith.index_cast %get3A_726 : i32 to index
      %get3A_729 = arith.index_cast %add3A_538 : i32 to index
      %get3A_730 = arith.constant 0 : index
      %get3A_731 = tpu.vector_load %arg8[%get3A_727, %get3A_728, %get3A_729, %get3A_730] {strides = array<i32>} : memref<2x8x128x32xf32, #tpu.memory_space<vmem>>, vector<16xf32>,
      %get3A_732 = arith.constant 1 : i32
      %get3A_733 = arith.constant 7 : i32
      %get3A_734 = arith.index_cast %get3A_732 : i32 to index
      %get3A_735 = arith.index_cast %get3A_733 : i32 to index
      %get3A_736 = arith.index_cast %add3A_538 : i32 to index
      %get3A_737 = arith.constant 12 : index
      %get3A_738 = tpu.vector_load %arg8[%get3A_734, %get3A_735, %get3A_736, %get3A_737] {strides = array<i32>} : memref<2x8x128x32xf32, #tpu.memory_space<vmem>>, vector<16xf32>,
      %mul3A_739 = arith.mulf %gather3A_724, %get3A_731 : vector<16xf32>
      %add3A_740 = arith.addf %add3A_714, %mul3A_739 : vector<16xf32>
      %mul3A_741 = arith.mulf %gather3A_724, %get3A_738 : vector<16xf32>
      %add3A_742 = arith.addf %add3A_716, %mul3A_741 : vector<16xf32>
      %scatter3A = arith.constant 1 : i32
      %scatter3A_743 = arith.constant 0 : i32
      %scatter3A_744 = arith.constant 0 : i32
      %scatter3A_745 = tpu.memref_slice %arg9[%scatter3A, %scatter3A_743, %scatter3A_744] : memref<2x32x128xf32, #tpu.memory_space<vmem>> -> memref<1x32x128xf32, #tpu.memory_space<vmem>>
      %scatter3A_746 = tpu.memref_squeeze %scatter3A_745 : memref<1x32x128xf32, #tpu.memory_space<vmem>> -> memref<32x128xf32, #tpu.memory_space<vmem>>
      tpu.vector_store_idx %scatter3A_746[%iota3A, %broadcast_in_dim3A], %add3A_740 : memref<32x128xf32, #tpu.memory_space<vmem>>[vector<16xi32>, vector<16xi32>], vector<16xf32>,
      %scatter3A_747 = arith.constant 1 : i32
      %scatter3A_748 = arith.constant 0 : i32
      %scatter3A_749 = arith.constant 0 : i32
      %scatter3A_750 = tpu.memref_slice %arg9[%scatter3A_747, %scatter3A_748, %scatter3A_749] : memref<2x32x128xf32, #tpu.memory_space<vmem>> -> memref<1x32x128xf32, #tpu.memory_space<vmem>>
      %scatter3A_751 = tpu.memref_squeeze %scatter3A_750 : memref<1x32x128xf32, #tpu.memory_space<vmem>> -> memref<32x128xf32, #tpu.memory_space<vmem>>
      tpu.vector_store_idx %scatter3A_751[%add3A_5, %broadcast_in_dim3A], %add3A_742 : memref<32x128xf32, #tpu.memory_space<vmem>>[vector<16xi32>, vector<16xi32>], vector<16xf32>,
    }
    %scan3A_251 = arith.constant 128 : i32
    %add3A_252 = arith.constant 32640 : i32
    %add3A_253 = arith.addi %mul3A_2, %add3A_252 : i32
    %jit3A_254 = arith.constant 128 : i32
    %div3A_255 = arith.divsi %add3A_253, %jit3A_254 : i32
    %sign3A_256 = arith.constant 0 : i32
    %sign3A_257 = arith.cmpi sgt, %add3A_253, %sign3A_256 : i32
    %sign3A_258 = arith.extui %sign3A_257 : i1 to i32
    %sign3A_259 = arith.constant 0 : i32
    %sign3A_260 = arith.cmpi slt, %add3A_253, %sign3A_259 : i32
    %sign3A_261 = arith.extui %sign3A_260 : i1 to i32
    %sign3A_262 = arith.subi %sign3A_258, %sign3A_261 : i32
    %sign3A_263 = arith.constant 0 : i32
    %sign3A_264 = arith.cmpi sgt, %jit3A_254, %sign3A_263 : i32
    %sign3A_265 = arith.extui %sign3A_264 : i1 to i32
    %sign3A_266 = arith.constant 0 : i32
    %sign3A_267 = arith.cmpi slt, %jit3A_254, %sign3A_266 : i32
    %sign3A_268 = arith.extui %sign3A_267 : i1 to i32
    %sign3A_269 = arith.subi %sign3A_265, %sign3A_268 : i32
    %ne3A_270 = arith.cmpi ne, %sign3A_262, %sign3A_269 : i32
    %rem3A_271 = arith.remsi %add3A_253, %jit3A_254 : i32
    %ne3A_272 = arith.constant 0 : i32
    %ne3A_273 = arith.cmpi ne, %rem3A_271, %ne3A_272 : i32
    %and3A_274 = arith.andi %ne3A_270, %ne3A_273 : i1
    %sub3A_275 = arith.constant 1 : i32
    %sub3A_276 = arith.subi %div3A_255, %sub3A_275 : i32
    %select_n3A_277 = arith.select %and3A_274, %sub3A_276, %div3A_255 : i32
    %add3A_278 = arith.constant 0 : i32
    %add3A_279 = arith.addi %add3A_278, %select_n3A_277 : i32
    %mul3A_280 = arith.constant 8 : i32
    %mul3A_281 = arith.muli %add3A_279, %mul3A_280 : i32
    %add3A_282 = arith.constant 8192 : i32
    %add3A_283 = arith.addi %add3A_282, %select_n3A_277 : i32
    %mul3A_284 = arith.constant 8 : i32
    %mul3A_285 = arith.muli %add3A_283, %mul3A_284 : i32
    %add3A_286 = arith.constant 16384 : i32
    %add3A_287 = arith.addi %add3A_286, %select_n3A_277 : i32
    %mul3A_288 = arith.constant 8 : i32
    %mul3A_289 = arith.muli %add3A_287, %mul3A_288 : i32
    %add3A_290 = arith.constant 24576 : i32
    %add3A_291 = arith.addi %add3A_290, %select_n3A_277 : i32
    %mul3A_292 = arith.constant 8 : i32
    %mul3A_293 = arith.muli %add3A_291, %mul3A_292 : i32
    %dma_start3A_294 = arith.constant 1 : i32
    %dma_start3A_295 = arith.constant 0 : i32
    %dma_start3A_296 = arith.constant 0 : i32
    %dma_start3A_297 = tpu.memref_slice %arg9[%dma_start3A_294, %dma_start3A_295, %dma_start3A_296] : memref<2x32x128xf32, #tpu.memory_space<vmem>> -> memref<1x8x128xf32, #tpu.memory_space<vmem>>
    %dma_start3A_298 = tpu.memref_squeeze %dma_start3A_297 : memref<1x8x128xf32, #tpu.memory_space<vmem>> -> memref<8x128xf32, #tpu.memory_space<vmem>>
    %dma_start3A_299 = arith.constant 0 : i32
    %dma_start3A_300 = tpu.memref_slice %arg4[%mul3A_281, %dma_start3A_299] : memref<262144x128xf32, #tpu.memory_space<hbm>> -> memref<8x128xf32, #tpu.memory_space<hbm>>
    %dma_start3A_301 = arith.constant 0 : i32
    %dma_start3A_302 = tpu.memref_slice %arg4[%mul3A_281, %dma_start3A_301] : memref<262144x128xf32, #tpu.memory_space<hbm>> -> memref<8x128xf32, #tpu.memory_space<hbm>>
    %dma_start3A_303 = arith.constant 0 : i32
    %dma_start3A_304 = arith.constant 0 : i32
    %dma_start3A_305 = tpu.memref_slice %arg9[%dma_start3A_294, %dma_start3A_303, %dma_start3A_304] : memref<2x32x128xf32, #tpu.memory_space<vmem>> -> memref<1x8x128xf32, #tpu.memory_space<vmem>>
    %dma_start3A_306 = tpu.memref_squeeze %dma_start3A_305 : memref<1x8x128xf32, #tpu.memory_space<vmem>> -> memref<8x128xf32, #tpu.memory_space<vmem>>
    tpu.enqueue_dma source(%dma_start3A_306 : memref<8x128xf32, #tpu.memory_space<vmem>>) target(%dma_start3A_302 : memref<8x128xf32, #tpu.memory_space<hbm>>) target_semaphore(%arg12 : memref<!tpu.dma_semaphore, #tpu.memory_space<semaphore_mem>>)
    %dma_start3A_307 = arith.constant 1 : i32
    %dma_start3A_308 = arith.constant 8 : i32
    %dma_start3A_309 = arith.constant 0 : i32
    %dma_start3A_310 = tpu.memref_slice %arg9[%dma_start3A_307, %dma_start3A_308, %dma_start3A_309] : memref<2x32x128xf32, #tpu.memory_space<vmem>> -> memref<1x8x128xf32, #tpu.memory_space<vmem>>
    %dma_start3A_311 = tpu.memref_squeeze %dma_start3A_310 : memref<1x8x128xf32, #tpu.memory_space<vmem>> -> memref<8x128xf32, #tpu.memory_space<vmem>>
    %dma_start3A_312 = arith.constant 0 : i32
    %dma_start3A_313 = tpu.memref_slice %arg4[%mul3A_285, %dma_start3A_312] : memref<262144x128xf32, #tpu.memory_space<hbm>> -> memref<8x128xf32, #tpu.memory_space<hbm>>
    %dma_start3A_314 = arith.constant 0 : i32
    %dma_start3A_315 = tpu.memref_slice %arg4[%mul3A_285, %dma_start3A_314] : memref<262144x128xf32, #tpu.memory_space<hbm>> -> memref<8x128xf32, #tpu.memory_space<hbm>>
    %dma_start3A_316 = arith.constant 8 : i32
    %dma_start3A_317 = arith.constant 0 : i32
    %dma_start3A_318 = tpu.memref_slice %arg9[%dma_start3A_307, %dma_start3A_316, %dma_start3A_317] : memref<2x32x128xf32, #tpu.memory_space<vmem>> -> memref<1x8x128xf32, #tpu.memory_space<vmem>>
    %dma_start3A_319 = tpu.memref_squeeze %dma_start3A_318 : memref<1x8x128xf32, #tpu.memory_space<vmem>> -> memref<8x128xf32, #tpu.memory_space<vmem>>
    tpu.enqueue_dma source(%dma_start3A_319 : memref<8x128xf32, #tpu.memory_space<vmem>>) target(%dma_start3A_315 : memref<8x128xf32, #tpu.memory_space<hbm>>) target_semaphore(%arg12 : memref<!tpu.dma_semaphore, #tpu.memory_space<semaphore_mem>>)
    %dma_start3A_320 = arith.constant 1 : i32
    %dma_start3A_321 = arith.constant 16 : i32
    %dma_start3A_322 = arith.constant 0 : i32
    %dma_start3A_323 = tpu.memref_slice %arg9[%dma_start3A_320, %dma_start3A_321, %dma_start3A_322] : memref<2x32x128xf32, #tpu.memory_space<vmem>> -> memref<1x8x128xf32, #tpu.memory_space<vmem>>
    %dma_start3A_324 = tpu.memref_squeeze %dma_start3A_323 : memref<1x8x128xf32, #tpu.memory_space<vmem>> -> memref<8x128xf32, #tpu.memory_space<vmem>>
    %dma_start3A_325 = arith.constant 0 : i32
    %dma_start3A_326 = tpu.memref_slice %arg4[%mul3A_289, %dma_start3A_325] : memref<262144x128xf32, #tpu.memory_space<hbm>> -> memref<8x128xf32, #tpu.memory_space<hbm>>
    %dma_start3A_327 = arith.constant 0 : i32
    %dma_start3A_328 = tpu.memref_slice %arg4[%mul3A_289, %dma_start3A_327] : memref<262144x128xf32, #tpu.memory_space<hbm>> -> memref<8x128xf32, #tpu.memory_space<hbm>>
    %dma_start3A_329 = arith.constant 16 : i32
    %dma_start3A_330 = arith.constant 0 : i32
    %dma_start3A_331 = tpu.memref_slice %arg9[%dma_start3A_320, %dma_start3A_329, %dma_start3A_330] : memref<2x32x128xf32, #tpu.memory_space<vmem>> -> memref<1x8x128xf32, #tpu.memory_space<vmem>>
    %dma_start3A_332 = tpu.memref_squeeze %dma_start3A_331 : memref<1x8x128xf32, #tpu.memory_space<vmem>> -> memref<8x128xf32, #tpu.memory_space<vmem>>
    tpu.enqueue_dma source(%dma_start3A_332 : memref<8x128xf32, #tpu.memory_space<vmem>>) target(%dma_start3A_328 : memref<8x128xf32, #tpu.memory_space<hbm>>) target_semaphore(%arg12 : memref<!tpu.dma_semaphore, #tpu.memory_space<semaphore_mem>>)
    %dma_start3A_333 = arith.constant 1 : i32
    %dma_start3A_334 = arith.constant 24 : i32
    %dma_start3A_335 = arith.constant 0 : i32
    %dma_start3A_336 = tpu.memref_slice %arg9[%dma_start3A_333, %dma_start3A_334, %dma_start3A_335] : memref<2x32x128xf32, #tpu.memory_space<vmem>> -> memref<1x8x128xf32, #tpu.memory_space<vmem>>
    %dma_start3A_337 = tpu.memref_squeeze %dma_start3A_336 : memref<1x8x128xf32, #tpu.memory_space<vmem>> -> memref<8x128xf32, #tpu.memory_space<vmem>>
    %dma_start3A_338 = arith.constant 0 : i32
    %dma_start3A_339 = tpu.memref_slice %arg4[%mul3A_293, %dma_start3A_338] : memref<262144x128xf32, #tpu.memory_space<hbm>> -> memref<8x128xf32, #tpu.memory_space<hbm>>
    %dma_start3A_340 = arith.constant 0 : i32
    %dma_start3A_341 = tpu.memref_slice %arg4[%mul3A_293, %dma_start3A_340] : memref<262144x128xf32, #tpu.memory_space<hbm>> -> memref<8x128xf32, #tpu.memory_space<hbm>>
    %dma_start3A_342 = arith.constant 24 : i32
    %dma_start3A_343 = arith.constant 0 : i32
    %dma_start3A_344 = tpu.memref_slice %arg9[%dma_start3A_333, %dma_start3A_342, %dma_start3A_343] : memref<2x32x128xf32, #tpu.memory_space<vmem>> -> memref<1x8x128xf32, #tpu.memory_space<vmem>>
    %dma_start3A_345 = tpu.memref_squeeze %dma_start3A_344 : memref<1x8x128xf32, #tpu.memory_space<vmem>> -> memref<8x128xf32, #tpu.memory_space<vmem>>
    tpu.enqueue_dma source(%dma_start3A_345 : memref<8x128xf32, #tpu.memory_space<vmem>>) target(%dma_start3A_341 : memref<8x128xf32, #tpu.memory_space<hbm>>) target_semaphore(%arg12 : memref<!tpu.dma_semaphore, #tpu.memory_space<semaphore_mem>>)
    %add3A_346 = arith.constant 32512 : i32
    %add3A_347 = arith.addi %mul3A_2, %add3A_346 : i32
    %jit3A_348 = arith.constant 128 : i32
    %div3A_349 = arith.divsi %add3A_347, %jit3A_348 : i32
    %sign3A_350 = arith.constant 0 : i32
    %sign3A_351 = arith.cmpi sgt, %add3A_347, %sign3A_350 : i32
    %sign3A_352 = arith.extui %sign3A_351 : i1 to i32
    %sign3A_353 = arith.constant 0 : i32
    %sign3A_354 = arith.cmpi slt, %add3A_347, %sign3A_353 : i32
    %sign3A_355 = arith.extui %sign3A_354 : i1 to i32
    %sign3A_356 = arith.subi %sign3A_352, %sign3A_355 : i32
    %sign3A_357 = arith.constant 0 : i32
    %sign3A_358 = arith.cmpi sgt, %jit3A_348, %sign3A_357 : i32
    %sign3A_359 = arith.extui %sign3A_358 : i1 to i32
    %sign3A_360 = arith.constant 0 : i32
    %sign3A_361 = arith.cmpi slt, %jit3A_348, %sign3A_360 : i32
    %sign3A_362 = arith.extui %sign3A_361 : i1 to i32
    %sign3A_363 = arith.subi %sign3A_359, %sign3A_362 : i32
    %ne3A_364 = arith.cmpi ne, %sign3A_356, %sign3A_363 : i32
    %rem3A_365 = arith.remsi %add3A_347, %jit3A_348 : i32
    %ne3A_366 = arith.constant 0 : i32
    %ne3A_367 = arith.cmpi ne, %rem3A_365, %ne3A_366 : i32
    %and3A_368 = arith.andi %ne3A_364, %ne3A_367 : i1
    %sub3A_369 = arith.constant 1 : i32
    %sub3A_370 = arith.subi %div3A_349, %sub3A_369 : i32
    %select_n3A_371 = arith.select %and3A_368, %sub3A_370, %div3A_349 : i32
    %add3A_372 = arith.constant 0 : i32
    %add3A_373 = arith.addi %add3A_372, %select_n3A_371 : i32
    %mul3A_374 = arith.constant 8 : i32
    %mul3A_375 = arith.muli %add3A_373, %mul3A_374 : i32
    %add3A_376 = arith.constant 8192 : i32
    %add3A_377 = arith.addi %add3A_376, %select_n3A_371 : i32
    %mul3A_378 = arith.constant 8 : i32
    %mul3A_379 = arith.muli %add3A_377, %mul3A_378 : i32
    %add3A_380 = arith.constant 16384 : i32
    %add3A_381 = arith.addi %add3A_380, %select_n3A_371 : i32
    %mul3A_382 = arith.constant 8 : i32
    %mul3A_383 = arith.muli %add3A_381, %mul3A_382 : i32
    %add3A_384 = arith.constant 24576 : i32
    %add3A_385 = arith.addi %add3A_384, %select_n3A_371 : i32
    %mul3A_386 = arith.constant 8 : i32
    %mul3A_387 = arith.muli %add3A_385, %mul3A_386 : i32
    %dma_wait3A_388 = arith.constant 0 : i32
    %dma_wait3A_389 = arith.constant 0 : i32
    %dma_wait3A_390 = arith.constant 0 : i32
    %dma_wait3A_391 = tpu.memref_slice %arg9[%dma_wait3A_388, %dma_wait3A_389, %dma_wait3A_390] : memref<2x32x128xf32, #tpu.memory_space<vmem>> -> memref<1x8x128xf32, #tpu.memory_space<vmem>>
    %dma_wait3A_392 = tpu.memref_squeeze %dma_wait3A_391 : memref<1x8x128xf32, #tpu.memory_space<vmem>> -> memref<8x128xf32, #tpu.memory_space<vmem>>
    %dma_wait3A_393 = arith.constant 0 : i32
    %dma_wait3A_394 = tpu.memref_slice %arg4[%mul3A_375, %dma_wait3A_393] : memref<262144x128xf32, #tpu.memory_space<hbm>> -> memref<8x128xf32, #tpu.memory_space<hbm>>
    %dma_wait3A_395 = arith.constant 0 : i32
    %dma_wait3A_396 = tpu.memref_slice %arg4[%mul3A_375, %dma_wait3A_395] : memref<262144x128xf32, #tpu.memory_space<hbm>> -> memref<8x128xf32, #tpu.memory_space<hbm>>
    %dma_wait3A_397 = arith.constant 0 : i32
    %dma_wait3A_398 = arith.constant 0 : i32
    %dma_wait3A_399 = tpu.memref_slice %arg9[%dma_wait3A_388, %dma_wait3A_397, %dma_wait3A_398] : memref<2x32x128xf32, #tpu.memory_space<vmem>> -> memref<1x8x128xf32, #tpu.memory_space<vmem>>
    %dma_wait3A_400 = tpu.memref_squeeze %dma_wait3A_399 : memref<1x8x128xf32, #tpu.memory_space<vmem>> -> memref<8x128xf32, #tpu.memory_space<vmem>>
    tpu.wait_dma2 semaphore(%arg12 : memref<!tpu.dma_semaphore, #tpu.memory_space<semaphore_mem>>) src(%dma_wait3A_400 : memref<8x128xf32, #tpu.memory_space<vmem>>) dst(%dma_wait3A_396 : memref<8x128xf32, #tpu.memory_space<hbm>>)
    %dma_wait3A_401 = arith.constant 0 : i32
    %dma_wait3A_402 = arith.constant 8 : i32
    %dma_wait3A_403 = arith.constant 0 : i32
    %dma_wait3A_404 = tpu.memref_slice %arg9[%dma_wait3A_401, %dma_wait3A_402, %dma_wait3A_403] : memref<2x32x128xf32, #tpu.memory_space<vmem>> -> memref<1x8x128xf32, #tpu.memory_space<vmem>>
    %dma_wait3A_405 = tpu.memref_squeeze %dma_wait3A_404 : memref<1x8x128xf32, #tpu.memory_space<vmem>> -> memref<8x128xf32, #tpu.memory_space<vmem>>
    %dma_wait3A_406 = arith.constant 0 : i32
    %dma_wait3A_407 = tpu.memref_slice %arg4[%mul3A_379, %dma_wait3A_406] : memref<262144x128xf32, #tpu.memory_space<hbm>> -> memref<8x128xf32, #tpu.memory_space<hbm>>
    %dma_wait3A_408 = arith.constant 0 : i32
    %dma_wait3A_409 = tpu.memref_slice %arg4[%mul3A_379, %dma_wait3A_408] : memref<262144x128xf32, #tpu.memory_space<hbm>> -> memref<8x128xf32, #tpu.memory_space<hbm>>
    %dma_wait3A_410 = arith.constant 8 : i32
    %dma_wait3A_411 = arith.constant 0 : i32
    %dma_wait3A_412 = tpu.memref_slice %arg9[%dma_wait3A_401, %dma_wait3A_410, %dma_wait3A_411] : memref<2x32x128xf32, #tpu.memory_space<vmem>> -> memref<1x8x128xf32, #tpu.memory_space<vmem>>
    %dma_wait3A_413 = tpu.memref_squeeze %dma_wait3A_412 : memref<1x8x128xf32, #tpu.memory_space<vmem>> -> memref<8x128xf32, #tpu.memory_space<vmem>>
    tpu.wait_dma2 semaphore(%arg12 : memref<!tpu.dma_semaphore, #tpu.memory_space<semaphore_mem>>) src(%dma_wait3A_413 : memref<8x128xf32, #tpu.memory_space<vmem>>) dst(%dma_wait3A_409 : memref<8x128xf32, #tpu.memory_space<hbm>>)
    %dma_wait3A_414 = arith.constant 0 : i32
    %dma_wait3A_415 = arith.constant 16 : i32
    %dma_wait3A_416 = arith.constant 0 : i32
    %dma_wait3A_417 = tpu.memref_slice %arg9[%dma_wait3A_414, %dma_wait3A_415, %dma_wait3A_416] : memref<2x32x128xf32, #tpu.memory_space<vmem>> -> memref<1x8x128xf32, #tpu.memory_space<vmem>>
    %dma_wait3A_418 = tpu.memref_squeeze %dma_wait3A_417 : memref<1x8x128xf32, #tpu.memory_space<vmem>> -> memref<8x128xf32, #tpu.memory_space<vmem>>
    %dma_wait3A_419 = arith.constant 0 : i32
    %dma_wait3A_420 = tpu.memref_slice %arg4[%mul3A_383, %dma_wait3A_419] : memref<262144x128xf32, #tpu.memory_space<hbm>> -> memref<8x128xf32, #tpu.memory_space<hbm>>
    %dma_wait3A_421 = arith.constant 0 : i32
    %dma_wait3A_422 = tpu.memref_slice %arg4[%mul3A_383, %dma_wait3A_421] : memref<262144x128xf32, #tpu.memory_space<hbm>> -> memref<8x128xf32, #tpu.memory_space<hbm>>
    %dma_wait3A_423 = arith.constant 16 : i32
    %dma_wait3A_424 = arith.constant 0 : i32
    %dma_wait3A_425 = tpu.memref_slice %arg9[%dma_wait3A_414, %dma_wait3A_423, %dma_wait3A_424] : memref<2x32x128xf32, #tpu.memory_space<vmem>> -> memref<1x8x128xf32, #tpu.memory_space<vmem>>
    %dma_wait3A_426 = tpu.memref_squeeze %dma_wait3A_425 : memref<1x8x128xf32, #tpu.memory_space<vmem>> -> memref<8x128xf32, #tpu.memory_space<vmem>>
    tpu.wait_dma2 semaphore(%arg12 : memref<!tpu.dma_semaphore, #tpu.memory_space<semaphore_mem>>) src(%dma_wait3A_426 : memref<8x128xf32, #tpu.memory_space<vmem>>) dst(%dma_wait3A_422 : memref<8x128xf32, #tpu.memory_space<hbm>>)
    %dma_wait3A_427 = arith.constant 0 : i32
    %dma_wait3A_428 = arith.constant 24 : i32
    %dma_wait3A_429 = arith.constant 0 : i32
    %dma_wait3A_430 = tpu.memref_slice %arg9[%dma_wait3A_427, %dma_wait3A_428, %dma_wait3A_429] : memref<2x32x128xf32, #tpu.memory_space<vmem>> -> memref<1x8x128xf32, #tpu.memory_space<vmem>>
    %dma_wait3A_431 = tpu.memref_squeeze %dma_wait3A_430 : memref<1x8x128xf32, #tpu.memory_space<vmem>> -> memref<8x128xf32, #tpu.memory_space<vmem>>
    %dma_wait3A_432 = arith.constant 0 : i32
    %dma_wait3A_433 = tpu.memref_slice %arg4[%mul3A_387, %dma_wait3A_432] : memref<262144x128xf32, #tpu.memory_space<hbm>> -> memref<8x128xf32, #tpu.memory_space<hbm>>
    %dma_wait3A_434 = arith.constant 0 : i32
    %dma_wait3A_435 = tpu.memref_slice %arg4[%mul3A_387, %dma_wait3A_434] : memref<262144x128xf32, #tpu.memory_space<hbm>> -> memref<8x128xf32, #tpu.memory_space<hbm>>
    %dma_wait3A_436 = arith.constant 24 : i32
    %dma_wait3A_437 = arith.constant 0 : i32
    %dma_wait3A_438 = tpu.memref_slice %arg9[%dma_wait3A_427, %dma_wait3A_436, %dma_wait3A_437] : memref<2x32x128xf32, #tpu.memory_space<vmem>> -> memref<1x8x128xf32, #tpu.memory_space<vmem>>
    %dma_wait3A_439 = tpu.memref_squeeze %dma_wait3A_438 : memref<1x8x128xf32, #tpu.memory_space<vmem>> -> memref<8x128xf32, #tpu.memory_space<vmem>>
    tpu.wait_dma2 semaphore(%arg12 : memref<!tpu.dma_semaphore, #tpu.memory_space<semaphore_mem>>) src(%dma_wait3A_439 : memref<8x128xf32, #tpu.memory_space<vmem>>) dst(%dma_wait3A_435 : memref<8x128xf32, #tpu.memory_space<hbm>>)
    %add3A_440 = arith.constant 32640 : i32
    %add3A_441 = arith.addi %mul3A_2, %add3A_440 : i32
    %jit3A_442 = arith.constant 128 : i32
    %div3A_443 = arith.divsi %add3A_441, %jit3A_442 : i32
    %sign3A_444 = arith.constant 0 : i32
    %sign3A_445 = arith.cmpi sgt, %add3A_441, %sign3A_444 : i32
    %sign3A_446 = arith.extui %sign3A_445 : i1 to i32
    %sign3A_447 = arith.constant 0 : i32
    %sign3A_448 = arith.cmpi slt, %add3A_441, %sign3A_447 : i32
    %sign3A_449 = arith.extui %sign3A_448 : i1 to i32
    %sign3A_450 = arith.subi %sign3A_446, %sign3A_449 : i32
    %sign3A_451 = arith.constant 0 : i32
    %sign3A_452 = arith.cmpi sgt, %jit3A_442, %sign3A_451 : i32
    %sign3A_453 = arith.extui %sign3A_452 : i1 to i32
    %sign3A_454 = arith.constant 0 : i32
    %sign3A_455 = arith.cmpi slt, %jit3A_442, %sign3A_454 : i32
    %sign3A_456 = arith.extui %sign3A_455 : i1 to i32
    %sign3A_457 = arith.subi %sign3A_453, %sign3A_456 : i32
    %ne3A_458 = arith.cmpi ne, %sign3A_450, %sign3A_457 : i32
    %rem3A_459 = arith.remsi %add3A_441, %jit3A_442 : i32
    %ne3A_460 = arith.constant 0 : i32
    %ne3A_461 = arith.cmpi ne, %rem3A_459, %ne3A_460 : i32
    %and3A_462 = arith.andi %ne3A_458, %ne3A_461 : i1
    %sub3A_463 = arith.constant 1 : i32
    %sub3A_464 = arith.subi %div3A_443, %sub3A_463 : i32
    %select_n3A_465 = arith.select %and3A_462, %sub3A_464, %div3A_443 : i32
    %add3A_466 = arith.constant 0 : i32
    %add3A_467 = arith.addi %add3A_466, %select_n3A_465 : i32
    %mul3A_468 = arith.constant 8 : i32
    %mul3A_469 = arith.muli %add3A_467, %mul3A_468 : i32
    %add3A_470 = arith.constant 8192 : i32
    %add3A_471 = arith.addi %add3A_470, %select_n3A_465 : i32
    %mul3A_472 = arith.constant 8 : i32
    %mul3A_473 = arith.muli %add3A_471, %mul3A_472 : i32
    %add3A_474 = arith.constant 16384 : i32
    %add3A_475 = arith.addi %add3A_474, %select_n3A_465 : i32
    %mul3A_476 = arith.constant 8 : i32
    %mul3A_477 = arith.muli %add3A_475, %mul3A_476 : i32
    %add3A_478 = arith.constant 24576 : i32
    %add3A_479 = arith.addi %add3A_478, %select_n3A_465 : i32
    %mul3A_480 = arith.constant 8 : i32
    %mul3A_481 = arith.muli %add3A_479, %mul3A_480 : i32
    %dma_wait3A_482 = arith.constant 1 : i32
    %dma_wait3A_483 = arith.constant 0 : i32
    %dma_wait3A_484 = arith.constant 0 : i32
    %dma_wait3A_485 = tpu.memref_slice %arg9[%dma_wait3A_482, %dma_wait3A_483, %dma_wait3A_484] : memref<2x32x128xf32, #tpu.memory_space<vmem>> -> memref<1x8x128xf32, #tpu.memory_space<vmem>>
    %dma_wait3A_486 = tpu.memref_squeeze %dma_wait3A_485 : memref<1x8x128xf32, #tpu.memory_space<vmem>> -> memref<8x128xf32, #tpu.memory_space<vmem>>
    %dma_wait3A_487 = arith.constant 0 : i32
    %dma_wait3A_488 = tpu.memref_slice %arg4[%mul3A_469, %dma_wait3A_487] : memref<262144x128xf32, #tpu.memory_space<hbm>> -> memref<8x128xf32, #tpu.memory_space<hbm>>
    %dma_wait3A_489 = arith.constant 0 : i32
    %dma_wait3A_490 = tpu.memref_slice %arg4[%mul3A_469, %dma_wait3A_489] : memref<262144x128xf32, #tpu.memory_space<hbm>> -> memref<8x128xf32, #tpu.memory_space<hbm>>
    %dma_wait3A_491 = arith.constant 0 : i32
    %dma_wait3A_492 = arith.constant 0 : i32
    %dma_wait3A_493 = tpu.memref_slice %arg9[%dma_wait3A_482, %dma_wait3A_491, %dma_wait3A_492] : memref<2x32x128xf32, #tpu.memory_space<vmem>> -> memref<1x8x128xf32, #tpu.memory_space<vmem>>
    %dma_wait3A_494 = tpu.memref_squeeze %dma_wait3A_493 : memref<1x8x128xf32, #tpu.memory_space<vmem>> -> memref<8x128xf32, #tpu.memory_space<vmem>>
    tpu.wait_dma2 semaphore(%arg12 : memref<!tpu.dma_semaphore, #tpu.memory_space<semaphore_mem>>) src(%dma_wait3A_494 : memref<8x128xf32, #tpu.memory_space<vmem>>) dst(%dma_wait3A_490 : memref<8x128xf32, #tpu.memory_space<hbm>>)
    %dma_wait3A_495 = arith.constant 1 : i32
    %dma_wait3A_496 = arith.constant 8 : i32
    %dma_wait3A_497 = arith.constant 0 : i32
    %dma_wait3A_498 = tpu.memref_slice %arg9[%dma_wait3A_495, %dma_wait3A_496, %dma_wait3A_497] : memref<2x32x128xf32, #tpu.memory_space<vmem>> -> memref<1x8x128xf32, #tpu.memory_space<vmem>>
    %dma_wait3A_499 = tpu.memref_squeeze %dma_wait3A_498 : memref<1x8x128xf32, #tpu.memory_space<vmem>> -> memref<8x128xf32, #tpu.memory_space<vmem>>
    %dma_wait3A_500 = arith.constant 0 : i32
    %dma_wait3A_501 = tpu.memref_slice %arg4[%mul3A_473, %dma_wait3A_500] : memref<262144x128xf32, #tpu.memory_space<hbm>> -> memref<8x128xf32, #tpu.memory_space<hbm>>
    %dma_wait3A_502 = arith.constant 0 : i32
    %dma_wait3A_503 = tpu.memref_slice %arg4[%mul3A_473, %dma_wait3A_502] : memref<262144x128xf32, #tpu.memory_space<hbm>> -> memref<8x128xf32, #tpu.memory_space<hbm>>
    %dma_wait3A_504 = arith.constant 8 : i32
    %dma_wait3A_505 = arith.constant 0 : i32
    %dma_wait3A_506 = tpu.memref_slice %arg9[%dma_wait3A_495, %dma_wait3A_504, %dma_wait3A_505] : memref<2x32x128xf32, #tpu.memory_space<vmem>> -> memref<1x8x128xf32, #tpu.memory_space<vmem>>
    %dma_wait3A_507 = tpu.memref_squeeze %dma_wait3A_506 : memref<1x8x128xf32, #tpu.memory_space<vmem>> -> memref<8x128xf32, #tpu.memory_space<vmem>>
    tpu.wait_dma2 semaphore(%arg12 : memref<!tpu.dma_semaphore, #tpu.memory_space<semaphore_mem>>) src(%dma_wait3A_507 : memref<8x128xf32, #tpu.memory_space<vmem>>) dst(%dma_wait3A_503 : memref<8x128xf32, #tpu.memory_space<hbm>>)
    %dma_wait3A_508 = arith.constant 1 : i32
    %dma_wait3A_509 = arith.constant 16 : i32
    %dma_wait3A_510 = arith.constant 0 : i32
    %dma_wait3A_511 = tpu.memref_slice %arg9[%dma_wait3A_508, %dma_wait3A_509, %dma_wait3A_510] : memref<2x32x128xf32, #tpu.memory_space<vmem>> -> memref<1x8x128xf32, #tpu.memory_space<vmem>>
    %dma_wait3A_512 = tpu.memref_squeeze %dma_wait3A_511 : memref<1x8x128xf32, #tpu.memory_space<vmem>> -> memref<8x128xf32, #tpu.memory_space<vmem>>
    %dma_wait3A_513 = arith.constant 0 : i32
    %dma_wait3A_514 = tpu.memref_slice %arg4[%mul3A_477, %dma_wait3A_513] : memref<262144x128xf32, #tpu.memory_space<hbm>> -> memref<8x128xf32, #tpu.memory_space<hbm>>
    %dma_wait3A_515 = arith.constant 0 : i32
    %dma_wait3A_516 = tpu.memref_slice %arg4[%mul3A_477, %dma_wait3A_515] : memref<262144x128xf32, #tpu.memory_space<hbm>> -> memref<8x128xf32, #tpu.memory_space<hbm>>
    %dma_wait3A_517 = arith.constant 16 : i32
    %dma_wait3A_518 = arith.constant 0 : i32
    %dma_wait3A_519 = tpu.memref_slice %arg9[%dma_wait3A_508, %dma_wait3A_517, %dma_wait3A_518] : memref<2x32x128xf32, #tpu.memory_space<vmem>> -> memref<1x8x128xf32, #tpu.memory_space<vmem>>
    %dma_wait3A_520 = tpu.memref_squeeze %dma_wait3A_519 : memref<1x8x128xf32, #tpu.memory_space<vmem>> -> memref<8x128xf32, #tpu.memory_space<vmem>>
    tpu.wait_dma2 semaphore(%arg12 : memref<!tpu.dma_semaphore, #tpu.memory_space<semaphore_mem>>) src(%dma_wait3A_520 : memref<8x128xf32, #tpu.memory_space<vmem>>) dst(%dma_wait3A_516 : memref<8x128xf32, #tpu.memory_space<hbm>>)
    %dma_wait3A_521 = arith.constant 1 : i32
    %dma_wait3A_522 = arith.constant 24 : i32
    %dma_wait3A_523 = arith.constant 0 : i32
    %dma_wait3A_524 = tpu.memref_slice %arg9[%dma_wait3A_521, %dma_wait3A_522, %dma_wait3A_523] : memref<2x32x128xf32, #tpu.memory_space<vmem>> -> memref<1x8x128xf32, #tpu.memory_space<vmem>>
    %dma_wait3A_525 = tpu.memref_squeeze %dma_wait3A_524 : memref<1x8x128xf32, #tpu.memory_space<vmem>> -> memref<8x128xf32, #tpu.memory_space<vmem>>
    %dma_wait3A_526 = arith.constant 0 : i32
    %dma_wait3A_527 = tpu.memref_slice %arg4[%mul3A_481, %dma_wait3A_526] : memref<262144x128xf32, #tpu.memory_space<hbm>> -> memref<8x128xf32, #tpu.memory_space<hbm>>
    %dma_wait3A_528 = arith.constant 0 : i32
    %dma_wait3A_529 = tpu.memref_slice %arg4[%mul3A_481, %dma_wait3A_528] : memref<262144x128xf32, #tpu.memory_space<hbm>> -> memref<8x128xf32, #tpu.memory_space<hbm>>
    %dma_wait3A_530 = arith.constant 24 : i32
    %dma_wait3A_531 = arith.constant 0 : i32
    %dma_wait3A_532 = tpu.memref_slice %arg9[%dma_wait3A_521, %dma_wait3A_530, %dma_wait3A_531] : memref<2x32x128xf32, #tpu.memory_space<vmem>> -> memref<1x8x128xf32, #tpu.memory_space<vmem>>
    %dma_wait3A_533 = tpu.memref_squeeze %dma_wait3A_532 : memref<1x8x128xf32, #tpu.memory_space<vmem>> -> memref<8x128xf32, #tpu.memory_space<vmem>>
    tpu.wait_dma2 semaphore(%arg12 : memref<!tpu.dma_semaphore, #tpu.memory_space<semaphore_mem>>) src(%dma_wait3A_533 : memref<8x128xf32, #tpu.memory_space<vmem>>) dst(%dma_wait3A_529 : memref<8x128xf32, #tpu.memory_space<hbm>>)
    return
  }
}

</mosaic_0001>

<sc_bundles>
// kernel: kernel.4.cloned.1.call-start
scs
__scs_entry_jumppad:
0x0: {  	(pc) =	sbr.rel $0x88, $3  }
0x1: {  	(tag) =	ssettag $0x0;
	lr =	simm.s32 $0x1  }
0x2: {  	[smem:$0x3F9F] =	sst lr;
	_ =	strace $0xD0000000  }
0x3: {  	_ = 	snop  }
0x4: {  	_ = 	snop  }
0x5: {  	_ = 	snop  }
0x6: {  	_ = 	snop  }
0x7: {  	_ = 	snop  }
__scs_overlays_trampoline_lowered:
0x8: {  	[smem:$0x3FAE] =	sst s0  }
0x9: {  	[smem:$0x3FAF] =	sst s1  }
0xa: {  	[smem:$0x3FB0] =	sst s2  }
0xb: {  	[smem:$0x3FB1] =	sst s3  }
0xc: {  	[smem:$0x3FB2] =	sst s4  }
0xd: {  	[smem:$0x3FB3] =	sst s5  }
0xe: {  	[smem:$0x3FB4] =	sst s6  }
0xf: {  	[smem:$0x3FB5] =	sst s7  }
0x10: {  	[smem:$0x3FB6] =	sst s8  }
0x11: {  	[smem:$0x3FB7] =	sst s9;
	s0 =	simm.s32 @!p0 $0x0  }
0x12: {  	s1 =	sld [smem:$0x3F9D];
	s0 =	simm.s32 @p0 $0x1  }
0x13: {  	[smem:$0x3FB8] =	sst s0;
	s0 =	simm.s32 @!p1 $0x0  }
0x14: {  	s2 =	sld [smem:$0x3F9C];
	s0 =	simm.s32 @p1 $0x1  }
0x15: {  	[smem:$0x3FB9] =	sst s0;
	s0 =	simm.s32 @!p2 $0x0  }
0x16: {  	s3 =	sld [smem:$0x3FDB];
	s0 =	simm.s32 @p2 $0x1  }
0x17: {  	s4 =	simm.s32 $0x1BF5;
	[smem:$0x3FBB] =	sst s0  }
0x18: {  	s0 =	sld [smem:$0x3F9E];
	_ =	swait.ge [sflag:s4], $0x0  }
0x19: {  	s7 =	sld [smem:$0x3F9F]  }
0x1a: {  	s8 =	sadd.s32 $0xFFFFE003, lr  }
0x1b: {  	s9 =	sadd.s32 $0xFFFFFEF7, lr;
	s5 =	simm.s32 $0xFFFFFFFF;
	p2 =	slt.u32 s8, $0xFFFFF086  }
0x1c: {  	p1 =	slt.u32 s9, $0xF7A;
	s5 =	simm.s32 @!p2 $0x0  }
0x1d: {  	s5 =	simm.s32 @p1 $0x1;
	p0 =	seq.s32 s7, s2  }
0x1e: {  	s7 =	smul.u32 @!p0 $0xF7A, s2;
	p2 =	seq.s32 @!p0 s5, $0x0  }
0x1f: {  	s9 =	smul.u32 $0xF7A, s1;
	s8 =	simm.s32 @!p0 $0x1BF5;
	p2 =	por !p2, p0  }
0x20: {  	[sflag:s8] =	ssyncset.s32 @!p0 $0xFFFFF086;
	s6 =	sadd.s32 @!p0 s3, s7;
	s7 =	simm.s32 @!p0 $0x108  }
0x21: {  	s3 =	sadd.s32 s3, s9;
	s6 =	sadd.s32 @!p0 $0x88, s6;
	s7 =	simm.s32 @p2 $0x1082  }
0x22: {  	[simem:s7], [sflag:s8] =	dma.local @!p0 [hbm:s6], $0xF7A  }
0x23: {  	s9 =	sor.u32 $0xD0000000, s2;
	s6 =	simm.s32 $0x108;
	_ =	swait.ge @!p0 [sflag:s8], $0x0  }
0x24: {  	s3 =	sadd.s32 $0x88, s3;
	s6 =	simm.s32 @!p1 $0x1082;
	[sflag:s4] =	ssyncset.s32 $0xFFFFF086  }
0x25: {  	[simem:s6], [sflag:s4] =	dma.local [hbm:s3], $0xF7A  }
0x26: {  	[smem:$0x3F9F] =	sst s1;
	(tag) =	ssettag s2;
	_ =	strace s9  }
0x27: {  	s1 =	sld [smem:$0x3FAF]  }
0x28: {  	s2 =	sld [smem:$0x3FB0]  }
0x29: {  	s4 =	sld [smem:$0x3FB2]  }
0x2a: {  	p0 =	seq.s32 s5, $0x0;
	s5 =	sld [smem:$0x3FB3]  }
0x2b: {  	s6 =	sld [smem:$0x3FB4]  }
0x2c: {  	s7 =	sld [smem:$0x3FB5]  }
0x2d: {  	s3 =	simm.s32 $0x108;
	s8 =	sld [smem:$0x3FB6]  }
0x2e: {  	s3 =	simm.s32 @!p0 $0x1082;
	s9 =	sld [smem:$0x3FB7]  }
0x2f: {  	lr =	sadd.s32 s0, s3;
	s0 =	sld [smem:$0x3FAE]  }
0x30: {  	s3 =	sld [smem:$0x3FB1]  }
0x31: {  	[smem:$0x3FBA] =	sst s10  }
0x32: {  	s10 =	sld [smem:$0x3FB8];
	_ =	sdelay $0x3  }
0x33: {  	p0 =	seq.s32 s10, $0x1;
	s10 =	sld [smem:$0x3FBA];
	_ =	sdelay $0x3  }
0x34: {  	[smem:$0x3FBA] =	sst s10  }
0x35: {  	s10 =	sld [smem:$0x3FB9];
	_ =	sdelay $0x3  }
0x36: {  	p1 =	seq.s32 s10, $0x1;
	s10 =	sld [smem:$0x3FBA];
	_ =	sdelay $0x3  }
0x37: {  	[smem:$0x3FBA] =	sst s10  }
0x38: {  	s10 =	sld [smem:$0x3FBB]  }
0x39: {  	_ = 	snop;
	(pc) =	sbr.ind lr, $3  }
0x3a: {  	_ = 	snop  }
0x3b: {  	_ = 	snop  }
0x3c: {  	p2 =	seq.s32 s10, $0x1;
	s10 =	sld [smem:$0x3FBA]  }
0x3d: {  	_ =	shalt  }
0x3e: {  	_ =	shalt  }
0x3f: {  	_ =	shalt  }
0x40: {  	_ =	shalt  }
0x41: {  	_ =	shalt  }
0x42: {  	_ =	shalt  }
0x43: {  	_ =	shalt  }
0x44: {  	_ =	shalt  }
0x45: {  	_ =	shalt  }
0x46: {  	_ =	shalt  }
0x47: {  	_ =	shalt  }
0x48: {  	_ =	shalt  }
0x49: {  	_ =	shalt  }
0x4a: {  	_ =	shalt  }
0x4b: {  	_ =	shalt  }
0x4c: {  	_ =	shalt  }
0x4d: {  	_ =	shalt  }
0x4e: {  	_ =	shalt  }
0x4f: {  	_ =	shalt  }
0x50: {  	_ =	shalt  }
0x51: {  	_ =	shalt  }
0x52: {  	_ =	shalt  }
0x53: {  	_ =	shalt  }
0x54: {  	_ =	shalt  }
0x55: {  	_ =	shalt  }
0x56: {  	_ =	shalt  }
0x57: {  	_ =	shalt  }
0x58: {  	_ =	shalt  }
0x59: {  	_ =	shalt  }
0x5a: {  	_ =	shalt  }
0x5b: {  	_ =	shalt  }
0x5c: {  	_ =	shalt  }
0x5d: {  	_ =	shalt  }
0x5e: {  	_ =	shalt  }
0x5f: {  	_ =	shalt  }
0x60: {  	_ =	shalt  }
0x61: {  	_ =	shalt  }
0x62: {  	_ =	shalt  }
0x63: {  	_ =	shalt  }
0x64: {  	_ =	shalt  }
0x65: {  	_ =	shalt  }
0x66: {  	_ =	shalt  }
0x67: {  	_ =	shalt  }
0x68: {  	_ =	shalt  }
0x69: {  	_ =	shalt  }
0x6a: {  	_ =	shalt  }
0x6b: {  	_ =	shalt  }
0x6c: {  	_ =	shalt  }
0x6d: {  	_ =	shalt  }
0x6e: {  	_ =	shalt  }
0x6f: {  	_ =	shalt  }
0x70: {  	_ =	shalt  }
0x71: {  	_ =	shalt  }
0x72: {  	_ =	shalt  }
0x73: {  	_ =	shalt  }
0x74: {  	_ =	shalt  }
0x75: {  	_ =	shalt  }
0x76: {  	_ =	shalt  }
0x77: {  	_ =	shalt  }
0x78: {  	_ =	shalt  }
0x79: {  	_ =	shalt  }
0x7a: {  	_ =	shalt  }
0x7b: {  	_ =	shalt  }
0x7c: {  	_ =	shalt  }
0x7d: {  	_ =	shalt  }
0x7e: {  	_ =	shalt  }
0x7f: {  	_ =	shalt  }
0x80: {  	_ =	shalt  }
0x81: {  	_ =	shalt  }
0x82: {  	_ =	shalt  }
0x83: {  	_ =	shalt  }
0x84: {  	_ =	shalt  }
0x85: {  	_ =	shalt  }
0x86: {  	_ =	shalt  }
0x87: {  	_ =	shalt  }
.Lfunc_end0:
.L_simem_size_0:
called_computation_lowered:
.L_overlay_start_0:
0x88: {  	s2 =	sld [smem:$0x3FD9]  }
0x89: {  	s3 =	sld [smem:$0x3FFE];
	_ =	sdelay $0x1  }
0x8a: {  	s1 =	srdreg.scid  }
0x8b: {  	s0 =	sand.u32 $0x1, s1  }
0x8c: {  	s16 =	sshll.u32 s0, $0xA;
	s2 =	sadd.s32 s3, s2  }
0x8d: {  	s2 =	sadd.s32 s2, s16  }
0x8e: {  	[smem:$0x3FC6] =	sst s2  }
0x8f: {  	_ = 	snop  }
0x90: {  	(tm) =	ssettm $0x1  }
0x91: {  	s17 =	sld [smem:$0x3FFB];
	_ =	sdelay $0x3  }
0x92: {  	_ =	strace s17  }
0x93: {  	s2 =	sld [smem:$0x3FFC];
	_ =	sdelay $0x3  }
0x94: {  	_ =	strace s2  }
0x95: {  	s2 =	sld [smem:$0x3FFD];
	_ =	sdelay $0x3  }
0x96: {  	_ =	strace s2  }
0x97: {  	_ =	strace $0x8FFFFFFF  }
0x98: {  	s18 =	sld [smem:$0x3FDB];
	_ =	sdelay $0x1  }
0x99: {  	s19 =	simm.s32 $_scs_section_size  }
0x9a: {  	s4 =	simm.s32 $_size__tile_overlayer_lowered;
	s5 =	simm.s32 $_tile_overlayer_lowered  }
0x9b: {  	s22 =	simm.s32 $0x1BFF;
	s21 =	sshll.u32 s5, $0x1;
	s2 =	sadd.s32 s19, s18  }
0x9c: {  	s6 =	simm.s32 $0x0;
	s20 =	sshll.u32 s4, $0x1;
	s4 =	sadd.s32 s21, s2  }
0x9d: {  	[timem:s6], [sflag:s22] =	dma.local [hbm:s4], s20  }
0x9e: {  	_ =	swait.ge [sflag:s22], s20  }
0x9f: {  	s3 =	ssub.s32 $0x0, s20;
	[sflag:s22] =	ssyncset.done $0x0  }
0xa0: {  	[sflag:s22] =	ssyncadd.s32 s3;
	_ =	sdelay $0x1  }
0xa1: {  	s23 =	simm.s32 $0x1B8B  }
0xa2: {  	_ =	swait.ge [sflag:s23], $0x1  }
0xa3: {  	[sflag:s23] =	ssyncset.done $0x0  }
0xa4: {  	s25 =	simm.s32 $0x1B8E;
	s24 =	sld [smem:$0x3FFE];
	[sflag:s23] =	ssyncadd.s32 $0xFFFFFFFF  }
0xa5: {  	s26 =	simm.s32 $execute0_lowered;
	[smem:$0x3FD2] =	sst s25  }
0xa6: {  	s4 =	sshll.u32 s26, $0x1;
	_ =	strace $0x80000046;
	[dreg:$0x1] =	wrdreg $0xFFFFFFFF  }
0xa7: {  	s28 =	simm.s32 $_size_execute0_lowered;
	s2 =	sadd.s32 s2, s4;
	[dreg:$0x0] =	wrdreg $0x0  }
0xa8: {  	s4 =	sshll.u32 s28, $0x1;
	[dreg:$0x2] =	wrdreg s2  }
0xa9: {  	[dreg:$0x3] =	wrdreg s4  }
0xaa: {  	[dreg:$0x4] =	wrdreg $0xC0  }
0xab: {  	_ =	task [dreg:s6], $0x5FFFF  }
0xac: {  	[dreg:$0x1] =	wrdreg $0xFFFFFFFF  }
0xad: {  	[dreg:$0x0] =	wrdreg $0x60  }
0xae: {  	[dreg:$0x2] =	wrdreg s24  }
0xaf: {  	[dreg:$0x3] =	wrdreg $0x9  }
0xb0: {  	_ =	task.clear_ibuf [dreg:s6], $0x4FFFF;
	_ =	strace $0x90000046  }
0xb1: {  	s29 =	simm.s32 $0x9;
	_ =	strace $0x80000048  }
0xb2: {  	_ =	swait.ge [sflag:s29], $0x1  }
0xb3: {  	[sflag:s29] =	ssyncadd.s32 $0xFFFFFFFF  }
0xb4: {  	_ =	strace $0x90000048  }
0xb5: {  	_ =	sfence  }
0xb6: {  	s30 =	sld [smem:$0x0];
	_ =	sdelay $0x2  }
0xb7: {  	s31 =	sshll.u32 s1, $0xD;
	s1 =	sshrl.u32 s1, $0x2  }
0xb8: {  	s3 =	sand.u32 $0x4000, s31;
	s1 =	sadd.s32 s1, s30  }
0xb9: {  	s0 =	sor.u32 s3, s0;
	s1 =	sshll.u32 s1, $0x11  }
0xba: {  	s0 =	sor.u32 s1, s0  }
0xbb: {  	s0 =	sadd.s32 $0x8F2B, s0  }
0xbc: {  	[sflag:s0] =	ssyncadd.remote.s32 $0x1  }
0xbd: {  	_ =	sfence.sel $0xFFFF  }
0xbe: {  	[dreg:$0x0] =	wrdreg $0xFFFFFFFF;
	(pc) =	sbr.abs _section_cstart, $3  }
0xbf: {  	[dreg:$0x1] =	wrdreg $0xFFFFFFFF  }
0xc0: {  	_ =	task.clear_ibuf [dreg:s6], $0x2FFFF;
	_ =	strace $0x9FFFFFFF  }
0xc1: {  	(tm) =	ssettm $0x7FFFFFFF  }
tec
execute0_lowered:
.L_overlay_start_1:
0x0: {  	(tag) =	ssettag $0x1  }
0x1: {  	s0 =	rddreg [dreg:$0x0];
	s1 =	simm.s32 $0x0  }
0x2: {  	s2 =	srdreg.scid;
	s7 =	stileid.u32;
	s28 =	simm.s32 $0x7000  }
0x3: {  	s29 =	simm.s32 $0x1;
	s30 =	simm.s32 $0x8000;
	s31 =	simm.s32 $0xC000  }
0x4: {  	[smem:$0x7FF] =	sst s1;
	s3 =	sadd.s32 $0xA00, s0;
	s2 =	sand.u32 $0x1, s2  }
0x5: {  	s4 =	sadd.s32 $0x800A00, s0;
	s7 =	sshll.u32 s7, $0x11;
	s5 =	ssub.s32 $0x2, s2  }
0x6: {  	s8 =	sadd.s32 $0x400A00, s0;
	s9 =	sadd.s32 $0x600A00, s0;
	s6 =	sshrl.u32 s5, $0x1  }
0x7: {  	_ =	strace $0x80000047;
	s2 =	sshll.u32 s2, $0x10;
	s10 =	ssub.s32 s5, s6  }
0x8: {  	s5 =	sor.u32 s2, s7;
	s6 =	sadd.s32 $0x200A00, s0;
	s0 =	simm.s32 $0x2  }
0x9: {  	s2 =	simm.s32 $0x0;
	s7 =	sadd.s32 s3, s5;
	s20 =	sadd.s32 s5, s6  }
0xa: {  	s21 =	sadd.s32 s5, s8;
	s22 =	sadd.s32 s5, s9;
	[dreg:$0x2] =	wrdreg s20  }
0xb: {  	s25 =	sshll.u32 s5, $0x2;
	s18 =	sor.u32 $0x400, s5;
	[dreg:$0x3] =	wrdreg s21  }
.Ltmp0:
0xc: {  	s19 =	sor.u32 $0x600, s5;
	[dreg:$0x4] =	wrdreg s22;
	(pc) =	sbr.rel .LBB2_1-.Ltmp0, $4  }
0xd: {  	s23 =	sadd.s32 $0x200, s7;
	s24 =	sadd.s32 $0x200200, s7;
	s26 =	sadd.s32 $0x400200, s7  }
0xe: {  	s16 =	sadd.s32 $0x600200, s7;
	s17 =	sadd.s32 s4, s25;
	[dreg:$0x5] =	wrdreg s23  }
0xf: {  	v0 =	vlaneseq.u32;
	s20 =	smax.u32 s10, $0x1;
	s25 =	simm.s32 $0x5000;
	[dreg:$0x6] =	wrdreg s24  }
0x10: {  	v0 =	vmul.u32 $0x20, v0;
	[dreg:$0x7] =	wrdreg s26;
	s24 =	simm.s32 $0x4000;
	s26 =	simm.s32 $0x6000  }
.LBB2_8:
0x11: {  	s2 =	sadd.s32 $0x1, s2  }
0x12: {  	_ =	swait.ge [sflag:s0], $0x4000;
	p0 =	sne.s32 s2, s20  }
.Ltmp1:
0x13: {  	[sflag:s0] =	ssyncset.done $0x0;
	(pc) =	sbr.rel @!p0 .LBB2_9-.Ltmp1, $4  }
0x14: {  	[sflag:s0] =	ssyncadd.s32 $0xFFFFC000  }
0x15: {  	_ =	swait.ge [sflag:s0], $0x4000  }
0x16: {  	[sflag:s0] =	ssyncset.done $0x0  }
0x17: {  	[sflag:s0] =	ssyncadd.s32 $0xFFFFC000  }
.LBB2_1:
0x18: {  	[tilespmem:s1], [sflag:$0x1] =	stream.linear.gather [hbm4b:s7+s1], $0x1000, $0x38;
	[tilespmem:$0x10000] =	vst v63  }
0x19: {  	s10 =	rddreg [dreg:$0x2];
	s11 =	simm.s32 $0x1000  }
0x1a: {  	[tilespmem:s11], [sflag:$0x1] =	stream.linear.gather [hbm4b:s10+s1], $0x1000, $0x38;
	[tilespmem:$0x10000] =	vst v63  }
0x1b: {  	s12 =	rddreg [dreg:$0x3];
	s13 =	simm.s32 $0x2000  }
0x1c: {  	[tilespmem:s13], [sflag:$0x1] =	stream.linear.gather [hbm4b:s12+s1], $0x1000, $0x38;
	[tilespmem:$0x10000] =	vst v63  }
0x1d: {  	s14 =	rddreg [dreg:$0x4];
	s15 =	simm.s32 $0x3000  }
0x1e: {  	[tilespmem:s15], [sflag:$0x1] =	stream.linear.gather [hbm4b:s14+s1], $0x1000, $0x38;
	[tilespmem:$0x10000] =	vst v63  }
0x1f: {  	s21 =	rddreg [dreg:$0x5]  }
0x20: {  	[tilespmem:s24], [sflag:$0x1] =	stream.linear.gather [hbm4b:s21+s1], $0x1000, $0x38;
	[tilespmem:$0x10000] =	vst v63  }
0x21: {  	s22 =	rddreg [dreg:$0x6]  }
0x22: {  	[tilespmem:s25], [sflag:$0x1] =	stream.linear.gather [hbm4b:s22+s1], $0x1000, $0x38;
	[tilespmem:$0x10000] =	vst v63  }
0x23: {  	s23 =	rddreg [dreg:$0x7]  }
0x24: {  	[tilespmem:s26], [sflag:$0x1] =	stream.linear.gather [hbm4b:s23+s1], $0x1000, $0x38;
	[tilespmem:$0x10000] =	vst v63  }
0x25: {  	s21 =	simm.s32 $0x0  }
0x26: {  	[tilespmem:s28], [sflag:$0x1] =	stream.linear.gather [hbm4b:s16+s1], $0x1000, $0x38;
	[tilespmem:$0x10000] =	vst v63  }
.LBB2_2:
0x27: {  	_ =	swait.ge [sflag:s29], $0x1000  }
0x28: {  	[sflag:s29] =	ssyncset.done $0x0  }
0x29: {  	[sflag:s29] =	ssyncadd.s32 $0xFFFFF000  }
0x2a: {  	_ =	swait.ge [sflag:s29], $0x1000  }
0x2b: {  	[sflag:s29] =	ssyncset.done $0x0  }
0x2c: {  	[sflag:s29] =	ssyncadd.s32 $0xFFFFF000  }
0x2d: {  	_ =	swait.ge [sflag:s29], $0x1000  }
0x2e: {  	[sflag:s29] =	ssyncset.done $0x0  }
0x2f: {  	[sflag:s29] =	ssyncadd.s32 $0xFFFFF000  }
0x30: {  	_ =	swait.ge [sflag:s29], $0x1000  }
0x31: {  	p0 =	seq.s32 s21, $0x0;
	s10 =	simm.s32 $0x0;
	[sflag:s29] =	ssyncset.done $0x0  }
0x32: {  	s11 =	simm.s32 @!p0 $0x2;
	s12 =	smul.u32 $0xE00, s10;
	[sflag:s29] =	ssyncadd.s32 $0xFFFFF000  }
0x33: {  	s10 =	simm.s32 $0x0;
	_ =	swait.ge @!p0 [sflag:s11], $0x4000  }
0x34: {  	v1 =	vmov s10;
	s12 =	sshra.s32 s12, $0x2;
	[sflag:s11] =	ssyncset.done @!p0 $0x0  }
0x35: {  	v1 =	vshll.u32 v1, $0x5;
	s15 =	sadd.s32 $0x0, s12;
	[sflag:s11] =	ssyncadd.s32 @!p0 $0xFFFFC000  }
0x36: {  	v1 =	vor.u32 v0, v1;
	v2 =	vld [tilespmem:s15+$0x0];
	_ =	sdelay $0x4  }
0x37: {  	[tilespmem:v1+s30+$0x0] =	vst.idx.msk $0xffff, v2  }
0x38: {  	v3 =	vor.u32 $0x1, v1;
	v2 =	vld [tilespmem:s15+$0x80];
	_ =	sdelay $0x4  }
0x39: {  	[tilespmem:v3+s30+$0x0] =	vst.idx.msk $0xffff, v2  }
0x3a: {  	v3 =	vor.u32 $0x2, v1;
	v2 =	vld [tilespmem:s15+$0x100];
	_ =	sdelay $0x4  }
0x3b: {  	[tilespmem:v3+s30+$0x0] =	vst.idx.msk $0xffff, v2  }
0x3c: {  	v3 =	vor.u32 $0x3, v1;
	v2 =	vld [tilespmem:s15+$0x180];
	_ =	sdelay $0x4  }
0x3d: {  	[tilespmem:v3+s30+$0x0] =	vst.idx.msk $0xffff, v2  }
0x3e: {  	v3 =	vor.u32 $0x4, v1;
	v2 =	vld [tilespmem:s15+$0x200];
	_ =	sdelay $0x4  }
0x3f: {  	[tilespmem:v3+s30+$0x0] =	vst.idx.msk $0xffff, v2  }
0x40: {  	v3 =	vor.u32 $0x5, v1;
	v2 =	vld [tilespmem:s15+$0x280];
	_ =	sdelay $0x4  }
0x41: {  	[tilespmem:v3+s30+$0x0] =	vst.idx.msk $0xffff, v2  }
0x42: {  	v3 =	vor.u32 $0x6, v1;
	v2 =	vld [tilespmem:s15+$0x300];
	_ =	sdelay $0x4  }
0x43: {  	[tilespmem:v3+s30+$0x0] =	vst.idx.msk $0xffff, v2  }
0x44: {  	v3 =	vor.u32 $0x7, v1;
	v2 =	vld [tilespmem:s15+$0x380];
	_ =	sdelay $0x4  }
0x45: {  	[tilespmem:v3+s30+$0x0] =	vst.idx.msk $0xffff, v2  }
0x46: {  	v3 =	vor.u32 $0x8, v1;
	v2 =	vld [tilespmem:s15+$0x1000];
	_ =	sdelay $0x4  }
0x47: {  	[tilespmem:v3+s30+$0x0] =	vst.idx.msk $0xffff, v2  }
0x48: {  	v3 =	vor.u32 $0x9, v1;
	v2 =	vld [tilespmem:s15+$0x1080];
	_ =	sdelay $0x4  }
0x49: {  	[tilespmem:v3+s30+$0x0] =	vst.idx.msk $0xffff, v2  }
0x4a: {  	v3 =	vor.u32 $0xA, v1;
	v2 =	vld [tilespmem:s15+$0x1100];
	_ =	sdelay $0x4  }
0x4b: {  	[tilespmem:v3+s30+$0x0] =	vst.idx.msk $0xffff, v2  }
0x4c: {  	v3 =	vor.u32 $0xB, v1;
	v2 =	vld [tilespmem:s15+$0x1180];
	_ =	sdelay $0x4  }
0x4d: {  	[tilespmem:v3+s30+$0x0] =	vst.idx.msk $0xffff, v2  }
0x4e: {  	v3 =	vor.u32 $0xC, v1;
	v2 =	vld [tilespmem:s15+$0x1200];
	_ =	sdelay $0x4  }
0x4f: {  	[tilespmem:v3+s30+$0x0] =	vst.idx.msk $0xffff, v2  }
0x50: {  	v3 =	vor.u32 $0xD, v1;
	v2 =	vld [tilespmem:s15+$0x1280];
	_ =	sdelay $0x4  }
0x51: {  	[tilespmem:v3+s30+$0x0] =	vst.idx.msk $0xffff, v2  }
0x52: {  	v3 =	vor.u32 $0xE, v1;
	v2 =	vld [tilespmem:s15+$0x1300];
	_ =	sdelay $0x4  }
0x53: {  	[tilespmem:v3+s30+$0x0] =	vst.idx.msk $0xffff, v2  }
0x54: {  	v3 =	vor.u32 $0xF, v1;
	v2 =	vld [tilespmem:s15+$0x1380];
	_ =	sdelay $0x4  }
0x55: {  	[tilespmem:v3+s30+$0x0] =	vst.idx.msk $0xffff, v2  }
0x56: {  	v3 =	vor.u32 $0x10, v1;
	v2 =	vld [tilespmem:s15+$0x2000];
	_ =	sdelay $0x4  }
0x57: {  	[tilespmem:v3+s30+$0x0] =	vst.idx.msk $0xffff, v2  }
0x58: {  	v3 =	vor.u32 $0x11, v1;
	v2 =	vld [tilespmem:s15+$0x2080];
	_ =	sdelay $0x4  }
0x59: {  	[tilespmem:v3+s30+$0x0] =	vst.idx.msk $0xffff, v2  }
0x5a: {  	v3 =	vor.u32 $0x12, v1;
	v2 =	vld [tilespmem:s15+$0x2100];
	_ =	sdelay $0x4  }
0x5b: {  	[tilespmem:v3+s30+$0x0] =	vst.idx.msk $0xffff, v2  }
0x5c: {  	v3 =	vor.u32 $0x13, v1;
	v2 =	vld [tilespmem:s15+$0x2180];
	_ =	sdelay $0x4  }
0x5d: {  	[tilespmem:v3+s30+$0x0] =	vst.idx.msk $0xffff, v2  }
0x5e: {  	v3 =	vor.u32 $0x14, v1;
	v2 =	vld [tilespmem:s15+$0x2200];
	_ =	sdelay $0x4  }
0x5f: {  	[tilespmem:v3+s30+$0x0] =	vst.idx.msk $0xffff, v2  }
0x60: {  	v3 =	vor.u32 $0x15, v1;
	v2 =	vld [tilespmem:s15+$0x2280];
	_ =	sdelay $0x4  }
0x61: {  	[tilespmem:v3+s30+$0x0] =	vst.idx.msk $0xffff, v2  }
0x62: {  	v3 =	vor.u32 $0x16, v1;
	v2 =	vld [tilespmem:s15+$0x2300];
	_ =	sdelay $0x4  }
0x63: {  	[tilespmem:v3+s30+$0x0] =	vst.idx.msk $0xffff, v2  }
0x64: {  	v3 =	vor.u32 $0x17, v1;
	v2 =	vld [tilespmem:s15+$0x2380];
	_ =	sdelay $0x4  }
0x65: {  	[tilespmem:v3+s30+$0x0] =	vst.idx.msk $0xffff, v2  }
0x66: {  	v3 =	vor.u32 $0x18, v1;
	v2 =	vld [tilespmem:s15+$0x3000];
	_ =	sdelay $0x4  }
0x67: {  	[tilespmem:v3+s30+$0x0] =	vst.idx.msk $0xffff, v2  }
0x68: {  	v3 =	vor.u32 $0x19, v1;
	v2 =	vld [tilespmem:s15+$0x3080];
	_ =	sdelay $0x4  }
0x69: {  	[tilespmem:v3+s30+$0x0] =	vst.idx.msk $0xffff, v2  }
0x6a: {  	v3 =	vor.u32 $0x1A, v1;
	v2 =	vld [tilespmem:s15+$0x3100];
	_ =	sdelay $0x4  }
0x6b: {  	[tilespmem:v3+s30+$0x0] =	vst.idx.msk $0xffff, v2  }
0x6c: {  	s22 =	sshll.u32 s21, $0xA;
	s23 =	simm.s32 $0x40;
	v1 =	vor.u32 $0x1B, v1;
	v2 =	vld [tilespmem:s15+$0x3180]  }
0x6d: {  	s13 =	simm.s32 $0x0;
	s12 =	simm.s32 $0x80;
	s11 =	simm.s32 $0x1  }
.LBB2_3:
0x6e: {  	p1 =	sne.s32 s12, $0x7C0;
	s13 =	smul.u32 $0xE00, s13  }
0x6f: {  	s10 =	sadd.s32 $0x10, s10  }
0x70: {  	s14 =	sshra.s32 s23, $0x2;
	s23 =	smov.u32 s12;
	v3 =	vmov s10;
	s13 =	sshra.s32 s13, $0x2  }
0x71: {  	v3 =	vshll.u32 v3, $0x5;
	s13 =	sadd.s32 s14, s13;
	[tilespmem:v1+s30+$0x0] =	vst.idx.msk $0xffff, v2  }
0x72: {  	v1 =	vor.u32 v0, v3;
	v2 =	vld [tilespmem:s13+$0x0];
	_ =	sdelay $0x4  }
0x73: {  	[tilespmem:v1+s30+$0x0] =	vst.idx.msk $0xffff, v2  }
0x74: {  	v3 =	vor.u32 $0x1, v1;
	v2 =	vld [tilespmem:s13+$0x80];
	_ =	sdelay $0x4  }
0x75: {  	[tilespmem:v3+s30+$0x0] =	vst.idx.msk $0xffff, v2  }
0x76: {  	v3 =	vor.u32 $0x2, v1;
	v2 =	vld [tilespmem:s13+$0x100];
	_ =	sdelay $0x4  }
0x77: {  	[tilespmem:v3+s30+$0x0] =	vst.idx.msk $0xffff, v2  }
0x78: {  	v3 =	vor.u32 $0x3, v1;
	v2 =	vld [tilespmem:s13+$0x180];
	_ =	sdelay $0x4  }
0x79: {  	[tilespmem:v3+s30+$0x0] =	vst.idx.msk $0xffff, v2  }
0x7a: {  	v3 =	vor.u32 $0x4, v1;
	v2 =	vld [tilespmem:s13+$0x200];
	_ =	sdelay $0x4  }
0x7b: {  	[tilespmem:v3+s30+$0x0] =	vst.idx.msk $0xffff, v2  }
0x7c: {  	v3 =	vor.u32 $0x5, v1;
	v2 =	vld [tilespmem:s13+$0x280];
	_ =	sdelay $0x4  }
0x7d: {  	[tilespmem:v3+s30+$0x0] =	vst.idx.msk $0xffff, v2  }
0x7e: {  	v3 =	vor.u32 $0x6, v1;
	v2 =	vld [tilespmem:s13+$0x300];
	_ =	sdelay $0x4  }
0x7f: {  	[tilespmem:v3+s30+$0x0] =	vst.idx.msk $0xffff, v2  }
0x80: {  	v3 =	vor.u32 $0x7, v1;
	v2 =	vld [tilespmem:s13+$0x380];
	_ =	sdelay $0x4  }
0x81: {  	[tilespmem:v3+s30+$0x0] =	vst.idx.msk $0xffff, v2  }
0x82: {  	v3 =	vor.u32 $0x8, v1;
	v2 =	vld [tilespmem:s13+$0x1000];
	_ =	sdelay $0x4  }
0x83: {  	[tilespmem:v3+s30+$0x0] =	vst.idx.msk $0xffff, v2  }
0x84: {  	v3 =	vor.u32 $0x9, v1;
	v2 =	vld [tilespmem:s13+$0x1080];
	_ =	sdelay $0x4  }
0x85: {  	[tilespmem:v3+s30+$0x0] =	vst.idx.msk $0xffff, v2  }
0x86: {  	v3 =	vor.u32 $0xA, v1;
	v2 =	vld [tilespmem:s13+$0x1100];
	_ =	sdelay $0x4  }
0x87: {  	[tilespmem:v3+s30+$0x0] =	vst.idx.msk $0xffff, v2  }
0x88: {  	v3 =	vor.u32 $0xB, v1;
	v2 =	vld [tilespmem:s13+$0x1180];
	_ =	sdelay $0x4  }
0x89: {  	[tilespmem:v3+s30+$0x0] =	vst.idx.msk $0xffff, v2  }
0x8a: {  	v3 =	vor.u32 $0xC, v1;
	v2 =	vld [tilespmem:s13+$0x1200];
	_ =	sdelay $0x4  }
0x8b: {  	[tilespmem:v3+s30+$0x0] =	vst.idx.msk $0xffff, v2  }
0x8c: {  	v3 =	vor.u32 $0xD, v1;
	v2 =	vld [tilespmem:s13+$0x1280];
	_ =	sdelay $0x4  }
0x8d: {  	[tilespmem:v3+s30+$0x0] =	vst.idx.msk $0xffff, v2  }
0x8e: {  	v3 =	vor.u32 $0xE, v1;
	v2 =	vld [tilespmem:s13+$0x1300];
	_ =	sdelay $0x4  }
0x8f: {  	[tilespmem:v3+s30+$0x0] =	vst.idx.msk $0xffff, v2  }
0x90: {  	v3 =	vor.u32 $0xF, v1;
	v2 =	vld [tilespmem:s13+$0x1380];
	_ =	sdelay $0x4  }
0x91: {  	[tilespmem:v3+s30+$0x0] =	vst.idx.msk $0xffff, v2  }
0x92: {  	v3 =	vor.u32 $0x10, v1;
	v2 =	vld [tilespmem:s13+$0x2000];
	_ =	sdelay $0x4  }
0x93: {  	[tilespmem:v3+s30+$0x0] =	vst.idx.msk $0xffff, v2  }
0x94: {  	v3 =	vor.u32 $0x11, v1;
	v2 =	vld [tilespmem:s13+$0x2080];
	_ =	sdelay $0x4  }
0x95: {  	[tilespmem:v3+s30+$0x0] =	vst.idx.msk $0xffff, v2  }
0x96: {  	v3 =	vor.u32 $0x12, v1;
	v2 =	vld [tilespmem:s13+$0x2100];
	_ =	sdelay $0x4  }
0x97: {  	[tilespmem:v3+s30+$0x0] =	vst.idx.msk $0xffff, v2  }
0x98: {  	v3 =	vor.u32 $0x13, v1;
	v2 =	vld [tilespmem:s13+$0x2180];
	_ =	sdelay $0x4  }
0x99: {  	[tilespmem:v3+s30+$0x0] =	vst.idx.msk $0xffff, v2  }
0x9a: {  	v3 =	vor.u32 $0x14, v1;
	v2 =	vld [tilespmem:s13+$0x2200];
	_ =	sdelay $0x4  }
0x9b: {  	[tilespmem:v3+s30+$0x0] =	vst.idx.msk $0xffff, v2  }
0x9c: {  	v3 =	vor.u32 $0x15, v1;
	v2 =	vld [tilespmem:s13+$0x2280];
	_ =	sdelay $0x4  }
0x9d: {  	[tilespmem:v3+s30+$0x0] =	vst.idx.msk $0xffff, v2  }
0x9e: {  	v3 =	vor.u32 $0x16, v1;
	v2 =	vld [tilespmem:s13+$0x2300];
	_ =	sdelay $0x4  }
0x9f: {  	[tilespmem:v3+s30+$0x0] =	vst.idx.msk $0xffff, v2  }
0xa0: {  	v3 =	vor.u32 $0x17, v1;
	v2 =	vld [tilespmem:s13+$0x2380];
	_ =	sdelay $0x4  }
0xa1: {  	[tilespmem:v3+s30+$0x0] =	vst.idx.msk $0xffff, v2  }
0xa2: {  	v3 =	vor.u32 $0x18, v1;
	v2 =	vld [tilespmem:s13+$0x3000];
	_ =	sdelay $0x4  }
0xa3: {  	[tilespmem:v3+s30+$0x0] =	vst.idx.msk $0xffff, v2  }
0xa4: {  	v3 =	vor.u32 $0x19, v1;
	v2 =	vld [tilespmem:s13+$0x3080];
	_ =	sdelay $0x4  }
0xa5: {  	[tilespmem:v3+s30+$0x0] =	vst.idx.msk $0xffff, v2  }
0xa6: {  	v3 =	vor.u32 $0x1A, v1;
	v2 =	vld [tilespmem:s13+$0x3100];
	_ =	sdelay $0x2  }
.Ltmp2:
0xa7: {  	(pc) =	sbr.rel @p1 .LBB2_3-.Ltmp2, $4  }
0xa8: {  	_ = 	snop  }
0xa9: {  	[tilespmem:v3+s30+$0x0] =	vst.idx.msk $0xffff, v2  }
0xaa: {  	s11 =	sadd.s32 $0x1, s11;
	v1 =	vor.u32 $0x1B, v1;
	v2 =	vld [tilespmem:s13+$0x3180]  }
0xab: {  	s12 =	sadd.s32 $0x40, s12;
	s13 =	sshrl.u32 s11, $0x3  }
0xac: {  	_ = 	snop  }
0xad: {  	s11 =	smul.u32 $0xE00, s13  }
0xae: {  	s10 =	sadd.s32 $0x10, s10  }
0xaf: {  	s12 =	sshra.s32 s23, $0x2;
	v3 =	vmov s10;
	s11 =	sshra.s32 s11, $0x2  }
0xb0: {  	v3 =	vshll.u32 v3, $0x5;
	s10 =	sadd.s32 s12, s11;
	[tilespmem:v1+s30+$0x0] =	vst.idx.msk $0xffff, v2  }
0xb1: {  	v2 =	vor.u32 v0, v3;
	v1 =	vld [tilespmem:s10+$0x0];
	_ =	sdelay $0x4  }
0xb2: {  	[tilespmem:v2+s30+$0x0] =	vst.idx.msk $0xffff, v1  }
0xb3: {  	v3 =	vor.u32 $0x1, v2;
	v1 =	vld [tilespmem:s10+$0x80];
	_ =	sdelay $0x4  }
0xb4: {  	[tilespmem:v3+s30+$0x0] =	vst.idx.msk $0xffff, v1  }
0xb5: {  	v3 =	vor.u32 $0x2, v2;
	v1 =	vld [tilespmem:s10+$0x100];
	_ =	sdelay $0x4  }
0xb6: {  	[tilespmem:v3+s30+$0x0] =	vst.idx.msk $0xffff, v1  }
0xb7: {  	v3 =	vor.u32 $0x3, v2;
	v1 =	vld [tilespmem:s10+$0x180];
	_ =	sdelay $0x4  }
0xb8: {  	[tilespmem:v3+s30+$0x0] =	vst.idx.msk $0xffff, v1  }
0xb9: {  	v3 =	vor.u32 $0x4, v2;
	v1 =	vld [tilespmem:s10+$0x200];
	_ =	sdelay $0x4  }
0xba: {  	[tilespmem:v3+s30+$0x0] =	vst.idx.msk $0xffff, v1  }
0xbb: {  	v3 =	vor.u32 $0x5, v2;
	v1 =	vld [tilespmem:s10+$0x280];
	_ =	sdelay $0x4  }
0xbc: {  	[tilespmem:v3+s30+$0x0] =	vst.idx.msk $0xffff, v1  }
0xbd: {  	v3 =	vor.u32 $0x6, v2;
	v1 =	vld [tilespmem:s10+$0x300];
	_ =	sdelay $0x4  }
0xbe: {  	[tilespmem:v3+s30+$0x0] =	vst.idx.msk $0xffff, v1  }
0xbf: {  	v3 =	vor.u32 $0x7, v2;
	v1 =	vld [tilespmem:s10+$0x380];
	_ =	sdelay $0x4  }
0xc0: {  	[tilespmem:v3+s30+$0x0] =	vst.idx.msk $0xffff, v1  }
0xc1: {  	v3 =	vor.u32 $0x8, v2;
	v1 =	vld [tilespmem:s10+$0x1000];
	_ =	sdelay $0x4  }
0xc2: {  	[tilespmem:v3+s30+$0x0] =	vst.idx.msk $0xffff, v1  }
0xc3: {  	v3 =	vor.u32 $0x9, v2;
	v1 =	vld [tilespmem:s10+$0x1080];
	_ =	sdelay $0x4  }
0xc4: {  	[tilespmem:v3+s30+$0x0] =	vst.idx.msk $0xffff, v1  }
0xc5: {  	v3 =	vor.u32 $0xA, v2;
	v1 =	vld [tilespmem:s10+$0x1100];
	_ =	sdelay $0x4  }
0xc6: {  	[tilespmem:v3+s30+$0x0] =	vst.idx.msk $0xffff, v1  }
0xc7: {  	v3 =	vor.u32 $0xB, v2;
	v1 =	vld [tilespmem:s10+$0x1180];
	_ =	sdelay $0x4  }
0xc8: {  	[tilespmem:v3+s30+$0x0] =	vst.idx.msk $0xffff, v1  }
0xc9: {  	v3 =	vor.u32 $0xC, v2;
	v1 =	vld [tilespmem:s10+$0x1200];
	_ =	sdelay $0x4  }
0xca: {  	[tilespmem:v3+s30+$0x0] =	vst.idx.msk $0xffff, v1  }
0xcb: {  	v3 =	vor.u32 $0xD, v2;
	v1 =	vld [tilespmem:s10+$0x1280];
	_ =	sdelay $0x4  }
0xcc: {  	[tilespmem:v3+s30+$0x0] =	vst.idx.msk $0xffff, v1  }
0xcd: {  	v3 =	vor.u32 $0xE, v2;
	v1 =	vld [tilespmem:s10+$0x1300];
	_ =	sdelay $0x4  }
0xce: {  	[tilespmem:v3+s30+$0x0] =	vst.idx.msk $0xffff, v1  }
0xcf: {  	v3 =	vor.u32 $0xF, v2;
	v1 =	vld [tilespmem:s10+$0x1380];
	_ =	sdelay $0x4  }
0xd0: {  	[tilespmem:v3+s30+$0x0] =	vst.idx.msk $0xffff, v1  }
0xd1: {  	v3 =	vor.u32 $0x10, v2;
	v1 =	vld [tilespmem:s10+$0x2000];
	_ =	sdelay $0x4  }
0xd2: {  	[tilespmem:v3+s30+$0x0] =	vst.idx.msk $0xffff, v1  }
0xd3: {  	v3 =	vor.u32 $0x11, v2;
	v1 =	vld [tilespmem:s10+$0x2080];
	_ =	sdelay $0x4  }
0xd4: {  	[tilespmem:v3+s30+$0x0] =	vst.idx.msk $0xffff, v1  }
0xd5: {  	v3 =	vor.u32 $0x12, v2;
	v1 =	vld [tilespmem:s10+$0x2100];
	_ =	sdelay $0x4  }
0xd6: {  	[tilespmem:v3+s30+$0x0] =	vst.idx.msk $0xffff, v1  }
0xd7: {  	v3 =	vor.u32 $0x13, v2;
	v1 =	vld [tilespmem:s10+$0x2180];
	_ =	sdelay $0x4  }
0xd8: {  	[tilespmem:v3+s30+$0x0] =	vst.idx.msk $0xffff, v1  }
0xd9: {  	v3 =	vor.u32 $0x14, v2;
	v1 =	vld [tilespmem:s10+$0x2200];
	_ =	sdelay $0x4  }
0xda: {  	[tilespmem:v3+s30+$0x0] =	vst.idx.msk $0xffff, v1  }
0xdb: {  	v3 =	vor.u32 $0x15, v2;
	v1 =	vld [tilespmem:s10+$0x2280];
	_ =	sdelay $0x4  }
0xdc: {  	[tilespmem:v3+s30+$0x0] =	vst.idx.msk $0xffff, v1  }
0xdd: {  	v3 =	vor.u32 $0x16, v2;
	v1 =	vld [tilespmem:s10+$0x2300];
	_ =	sdelay $0x4  }
0xde: {  	[tilespmem:v3+s30+$0x0] =	vst.idx.msk $0xffff, v1  }
0xdf: {  	v3 =	vor.u32 $0x17, v2;
	v1 =	vld [tilespmem:s10+$0x2380];
	_ =	sdelay $0x4  }
0xe0: {  	[tilespmem:v3+s30+$0x0] =	vst.idx.msk $0xffff, v1  }
0xe1: {  	v3 =	vor.u32 $0x18, v2;
	v1 =	vld [tilespmem:s10+$0x3000];
	_ =	sdelay $0x4  }
0xe2: {  	[tilespmem:v3+s30+$0x0] =	vst.idx.msk $0xffff, v1  }
0xe3: {  	v3 =	vor.u32 $0x19, v2;
	v1 =	vld [tilespmem:s10+$0x3080];
	_ =	sdelay $0x4  }
0xe4: {  	[tilespmem:v3+s30+$0x0] =	vst.idx.msk $0xffff, v1  }
0xe5: {  	v3 =	vor.u32 $0x1A, v2;
	v1 =	vld [tilespmem:s10+$0x3100];
	_ =	sdelay $0x4  }
0xe6: {  	[tilespmem:v3+s30+$0x0] =	vst.idx.msk $0xffff, v1  }
0xe7: {  	v2 =	vor.u32 $0x1B, v2;
	v1 =	vld [tilespmem:s10+$0x3180];
	_ =	sdelay $0x3  }
0xe8: {  	s13 =	sshll.u32 s21, $0xC  }
0xe9: {  	p1 =	seq.s32 s21, $0x3F;
	s10 =	sadd.s32 s13, s17;
	[tilespmem:v2+s30+$0x0] =	vst.idx.msk $0xffff, v1  }
0xea: {  	[hbm4b:s10+s1] =	stream.linear.scatter [tilespmem:s30], [sflag:$0x2], $0x4000, $0x38;
	[tilespmem:$0x10000] =	vst v63  }
0xeb: {  	s10 =	sadd.s32 @!p1 s22, s18  }
0xec: {  	s12 =	simm.s32 @!p1 $0x0;
	s11 =	sadd.s32 @!p1 s3, s10  }
0xed: {  	[tilespmem:s12], [sflag:$0x1] =	stream.linear.gather @!p1 [hbm4b:s11+s12], $0x1000, $0x38;
	[tilespmem:$0x10000] =	vst v63  }
0xee: {  	s13 =	simm.s32 @!p1 $0x1000;
	s11 =	sadd.s32 @!p1 s10, s6  }
0xef: {  	[tilespmem:s13], [sflag:$0x1] =	stream.linear.gather @!p1 [hbm4b:s11+s12], $0x1000, $0x38;
	[tilespmem:$0x10000] =	vst v63  }
0xf0: {  	s11 =	sadd.s32 @!p1 s10, s8;
	s13 =	simm.s32 @!p1 $0x2000  }
0xf1: {  	[tilespmem:s13], [sflag:$0x1] =	stream.linear.gather @!p1 [hbm4b:s11+s12], $0x1000, $0x38;
	[tilespmem:$0x10000] =	vst v63  }
0xf2: {  	s10 =	sadd.s32 @!p1 s10, s9;
	s11 =	simm.s32 @!p1 $0x3000  }
0xf3: {  	[tilespmem:s11], [sflag:$0x1] =	stream.linear.gather @!p1 [hbm4b:s10+s12], $0x1000, $0x38;
	[tilespmem:$0x10000] =	vst v63  }
0xf4: {  	_ =	swait.ge [sflag:s29], $0x1000  }
0xf5: {  	[sflag:s29] =	ssyncset.done $0x0  }
0xf6: {  	[sflag:s29] =	ssyncadd.s32 $0xFFFFF000  }
0xf7: {  	_ =	swait.ge [sflag:s29], $0x1000  }
0xf8: {  	[sflag:s29] =	ssyncset.done $0x0  }
0xf9: {  	[sflag:s29] =	ssyncadd.s32 $0xFFFFF000  }
0xfa: {  	_ =	swait.ge [sflag:s29], $0x1000  }
0xfb: {  	[sflag:s29] =	ssyncset.done $0x0  }
0xfc: {  	[sflag:s29] =	ssyncadd.s32 $0xFFFFF000  }
0xfd: {  	_ =	swait.ge [sflag:s29], $0x1000  }
0xfe: {  	s14 =	simm.s32 $0x0;
	[sflag:s29] =	ssyncset.done $0x0  }
0xff: {  	s15 =	smul.u32 $0xE00, s14;
	s11 =	simm.s32 @!p0 $0x2;
	[sflag:s29] =	ssyncadd.s32 $0xFFFFF000  }
0x100: {  	s10 =	simm.s32 $0x0;
	_ =	swait.ge @!p0 [sflag:s11], $0x4000  }
0x101: {  	s12 =	sshra.s32 s15, $0x2;
	v1 =	vmov s10;
	[sflag:s11] =	ssyncset.done @!p0 $0x0  }
0x102: {  	s12 =	sadd.s32 $0x0, s12;
	v1 =	vshll.u32 v1, $0x5;
	[sflag:s11] =	ssyncadd.s32 @!p0 $0xFFFFC000  }
0x103: {  	v1 =	vor.u32 v0, v1;
	v2 =	vld [tilespmem:s12+$0x4000];
	_ =	sdelay $0x4  }
0x104: {  	[tilespmem:v1+s31+$0x0] =	vst.idx.msk $0xffff, v2  }
0x105: {  	v3 =	vor.u32 $0x1, v1;
	v2 =	vld [tilespmem:s12+$0x4080];
	_ =	sdelay $0x4  }
0x106: {  	[tilespmem:v3+s31+$0x0] =	vst.idx.msk $0xffff, v2  }
0x107: {  	v3 =	vor.u32 $0x2, v1;
	v2 =	vld [tilespmem:s12+$0x4100];
	_ =	sdelay $0x4  }
0x108: {  	[tilespmem:v3+s31+$0x0] =	vst.idx.msk $0xffff, v2  }
0x109: {  	v3 =	vor.u32 $0x3, v1;
	v2 =	vld [tilespmem:s12+$0x4180];
	_ =	sdelay $0x4  }
0x10a: {  	[tilespmem:v3+s31+$0x0] =	vst.idx.msk $0xffff, v2  }
0x10b: {  	v3 =	vor.u32 $0x4, v1;
	v2 =	vld [tilespmem:s12+$0x4200];
	_ =	sdelay $0x4  }
0x10c: {  	[tilespmem:v3+s31+$0x0] =	vst.idx.msk $0xffff, v2  }
0x10d: {  	v3 =	vor.u32 $0x5, v1;
	v2 =	vld [tilespmem:s12+$0x4280];
	_ =	sdelay $0x4  }
0x10e: {  	[tilespmem:v3+s31+$0x0] =	vst.idx.msk $0xffff, v2  }
0x10f: {  	v3 =	vor.u32 $0x6, v1;
	v2 =	vld [tilespmem:s12+$0x4300];
	_ =	sdelay $0x4  }
0x110: {  	[tilespmem:v3+s31+$0x0] =	vst.idx.msk $0xffff, v2  }
0x111: {  	v3 =	vor.u32 $0x7, v1;
	v2 =	vld [tilespmem:s12+$0x4380];
	_ =	sdelay $0x4  }
0x112: {  	[tilespmem:v3+s31+$0x0] =	vst.idx.msk $0xffff, v2  }
0x113: {  	v3 =	vor.u32 $0x8, v1;
	v2 =	vld [tilespmem:s12+$0x5000];
	_ =	sdelay $0x4  }
0x114: {  	[tilespmem:v3+s31+$0x0] =	vst.idx.msk $0xffff, v2  }
0x115: {  	v3 =	vor.u32 $0x9, v1;
	v2 =	vld [tilespmem:s12+$0x5080];
	_ =	sdelay $0x4  }
0x116: {  	[tilespmem:v3+s31+$0x0] =	vst.idx.msk $0xffff, v2  }
0x117: {  	v3 =	vor.u32 $0xA, v1;
	v2 =	vld [tilespmem:s12+$0x5100];
	_ =	sdelay $0x4  }
0x118: {  	[tilespmem:v3+s31+$0x0] =	vst.idx.msk $0xffff, v2  }
0x119: {  	v3 =	vor.u32 $0xB, v1;
	v2 =	vld [tilespmem:s12+$0x5180];
	_ =	sdelay $0x4  }
0x11a: {  	[tilespmem:v3+s31+$0x0] =	vst.idx.msk $0xffff, v2  }
0x11b: {  	v3 =	vor.u32 $0xC, v1;
	v2 =	vld [tilespmem:s12+$0x5200];
	_ =	sdelay $0x4  }
0x11c: {  	[tilespmem:v3+s31+$0x0] =	vst.idx.msk $0xffff, v2  }
0x11d: {  	v3 =	vor.u32 $0xD, v1;
	v2 =	vld [tilespmem:s12+$0x5280];
	_ =	sdelay $0x4  }
0x11e: {  	[tilespmem:v3+s31+$0x0] =	vst.idx.msk $0xffff, v2  }
0x11f: {  	v3 =	vor.u32 $0xE, v1;
	v2 =	vld [tilespmem:s12+$0x5300];
	_ =	sdelay $0x4  }
0x120: {  	[tilespmem:v3+s31+$0x0] =	vst.idx.msk $0xffff, v2  }
0x121: {  	v3 =	vor.u32 $0xF, v1;
	v2 =	vld [tilespmem:s12+$0x5380];
	_ =	sdelay $0x4  }
0x122: {  	[tilespmem:v3+s31+$0x0] =	vst.idx.msk $0xffff, v2  }
0x123: {  	v3 =	vor.u32 $0x10, v1;
	v2 =	vld [tilespmem:s12+$0x6000];
	_ =	sdelay $0x4  }
0x124: {  	[tilespmem:v3+s31+$0x0] =	vst.idx.msk $0xffff, v2  }
0x125: {  	v3 =	vor.u32 $0x11, v1;
	v2 =	vld [tilespmem:s12+$0x6080];
	_ =	sdelay $0x4  }
0x126: {  	[tilespmem:v3+s31+$0x0] =	vst.idx.msk $0xffff, v2  }
0x127: {  	v3 =	vor.u32 $0x12, v1;
	v2 =	vld [tilespmem:s12+$0x6100];
	_ =	sdelay $0x4  }
0x128: {  	[tilespmem:v3+s31+$0x0] =	vst.idx.msk $0xffff, v2  }
0x129: {  	v3 =	vor.u32 $0x13, v1;
	v2 =	vld [tilespmem:s12+$0x6180];
	_ =	sdelay $0x4  }
0x12a: {  	[tilespmem:v3+s31+$0x0] =	vst.idx.msk $0xffff, v2  }
0x12b: {  	v3 =	vor.u32 $0x14, v1;
	v2 =	vld [tilespmem:s12+$0x6200];
	_ =	sdelay $0x4  }
0x12c: {  	[tilespmem:v3+s31+$0x0] =	vst.idx.msk $0xffff, v2  }
0x12d: {  	v3 =	vor.u32 $0x15, v1;
	v2 =	vld [tilespmem:s12+$0x6280];
	_ =	sdelay $0x4  }
0x12e: {  	[tilespmem:v3+s31+$0x0] =	vst.idx.msk $0xffff, v2  }
0x12f: {  	v3 =	vor.u32 $0x16, v1;
	v2 =	vld [tilespmem:s12+$0x6300];
	_ =	sdelay $0x4  }
0x130: {  	[tilespmem:v3+s31+$0x0] =	vst.idx.msk $0xffff, v2  }
0x131: {  	v3 =	vor.u32 $0x17, v1;
	v2 =	vld [tilespmem:s12+$0x6380];
	_ =	sdelay $0x4  }
0x132: {  	[tilespmem:v3+s31+$0x0] =	vst.idx.msk $0xffff, v2  }
0x133: {  	v3 =	vor.u32 $0x18, v1;
	v2 =	vld [tilespmem:s12+$0x7000];
	_ =	sdelay $0x4  }
0x134: {  	[tilespmem:v3+s31+$0x0] =	vst.idx.msk $0xffff, v2  }
0x135: {  	v3 =	vor.u32 $0x19, v1;
	v2 =	vld [tilespmem:s12+$0x7080];
	_ =	sdelay $0x4  }
0x136: {  	[tilespmem:v3+s31+$0x0] =	vst.idx.msk $0xffff, v2  }
0x137: {  	v3 =	vor.u32 $0x1A, v1;
	v2 =	vld [tilespmem:s12+$0x7100];
	_ =	sdelay $0x4  }
0x138: {  	s23 =	sadd.s32 s22, s5;
	[tilespmem:v3+s31+$0x0] =	vst.idx.msk $0xffff, v2  }
0x139: {  	s23 =	sadd.s32 $0x200, s23;
	s14 =	simm.s32 $0x0;
	v1 =	vor.u32 $0x1B, v1;
	v2 =	vld [tilespmem:s12+$0x7180]  }
0x13a: {  	s13 =	simm.s32 $0x80;
	s11 =	simm.s32 $0x40;
	s12 =	simm.s32 $0x1  }
.LBB2_5:
0x13b: {  	p0 =	sne.s32 s13, $0x7C0;
	s14 =	smul.u32 $0xE00, s14  }
0x13c: {  	s10 =	sadd.s32 $0x10, s10  }
0x13d: {  	s15 =	sshra.s32 s11, $0x2;
	s11 =	smov.u32 s13;
	v3 =	vmov s10;
	s14 =	sshra.s32 s14, $0x2  }
0x13e: {  	v3 =	vshll.u32 v3, $0x5;
	s14 =	sadd.s32 s15, s14;
	[tilespmem:v1+s31+$0x0] =	vst.idx.msk $0xffff, v2  }
0x13f: {  	v1 =	vor.u32 v0, v3;
	v2 =	vld [tilespmem:s14+$0x4000];
	_ =	sdelay $0x4  }
0x140: {  	[tilespmem:v1+s31+$0x0] =	vst.idx.msk $0xffff, v2  }
0x141: {  	v3 =	vor.u32 $0x1, v1;
	v2 =	vld [tilespmem:s14+$0x4080];
	_ =	sdelay $0x4  }
0x142: {  	[tilespmem:v3+s31+$0x0] =	vst.idx.msk $0xffff, v2  }
0x143: {  	v3 =	vor.u32 $0x2, v1;
	v2 =	vld [tilespmem:s14+$0x4100];
	_ =	sdelay $0x4  }
0x144: {  	[tilespmem:v3+s31+$0x0] =	vst.idx.msk $0xffff, v2  }
0x145: {  	v3 =	vor.u32 $0x3, v1;
	v2 =	vld [tilespmem:s14+$0x4180];
	_ =	sdelay $0x4  }
0x146: {  	[tilespmem:v3+s31+$0x0] =	vst.idx.msk $0xffff, v2  }
0x147: {  	v3 =	vor.u32 $0x4, v1;
	v2 =	vld [tilespmem:s14+$0x4200];
	_ =	sdelay $0x4  }
0x148: {  	[tilespmem:v3+s31+$0x0] =	vst.idx.msk $0xffff, v2  }
0x149: {  	v3 =	vor.u32 $0x5, v1;
	v2 =	vld [tilespmem:s14+$0x4280];
	_ =	sdelay $0x4  }
0x14a: {  	[tilespmem:v3+s31+$0x0] =	vst.idx.msk $0xffff, v2  }
0x14b: {  	v3 =	vor.u32 $0x6, v1;
	v2 =	vld [tilespmem:s14+$0x4300];
	_ =	sdelay $0x4  }
0x14c: {  	[tilespmem:v3+s31+$0x0] =	vst.idx.msk $0xffff, v2  }
0x14d: {  	v3 =	vor.u32 $0x7, v1;
	v2 =	vld [tilespmem:s14+$0x4380];
	_ =	sdelay $0x4  }
0x14e: {  	[tilespmem:v3+s31+$0x0] =	vst.idx.msk $0xffff, v2  }
0x14f: {  	v3 =	vor.u32 $0x8, v1;
	v2 =	vld [tilespmem:s14+$0x5000];
	_ =	sdelay $0x4  }
0x150: {  	[tilespmem:v3+s31+$0x0] =	vst.idx.msk $0xffff, v2  }
0x151: {  	v3 =	vor.u32 $0x9, v1;
	v2 =	vld [tilespmem:s14+$0x5080];
	_ =	sdelay $0x4  }
0x152: {  	[tilespmem:v3+s31+$0x0] =	vst.idx.msk $0xffff, v2  }
0x153: {  	v3 =	vor.u32 $0xA, v1;
	v2 =	vld [tilespmem:s14+$0x5100];
	_ =	sdelay $0x4  }
0x154: {  	[tilespmem:v3+s31+$0x0] =	vst.idx.msk $0xffff, v2  }
0x155: {  	v3 =	vor.u32 $0xB, v1;
	v2 =	vld [tilespmem:s14+$0x5180];
	_ =	sdelay $0x4  }
0x156: {  	[tilespmem:v3+s31+$0x0] =	vst.idx.msk $0xffff, v2  }
0x157: {  	v3 =	vor.u32 $0xC, v1;
	v2 =	vld [tilespmem:s14+$0x5200];
	_ =	sdelay $0x4  }
0x158: {  	[tilespmem:v3+s31+$0x0] =	vst.idx.msk $0xffff, v2  }
0x159: {  	v3 =	vor.u32 $0xD, v1;
	v2 =	vld [tilespmem:s14+$0x5280];
	_ =	sdelay $0x4  }
0x15a: {  	[tilespmem:v3+s31+$0x0] =	vst.idx.msk $0xffff, v2  }
0x15b: {  	v3 =	vor.u32 $0xE, v1;
	v2 =	vld [tilespmem:s14+$0x5300];
	_ =	sdelay $0x4  }
0x15c: {  	[tilespmem:v3+s31+$0x0] =	vst.idx.msk $0xffff, v2  }
0x15d: {  	v3 =	vor.u32 $0xF, v1;
	v2 =	vld [tilespmem:s14+$0x5380];
	_ =	sdelay $0x4  }
0x15e: {  	[tilespmem:v3+s31+$0x0] =	vst.idx.msk $0xffff, v2  }
0x15f: {  	v3 =	vor.u32 $0x10, v1;
	v2 =	vld [tilespmem:s14+$0x6000];
	_ =	sdelay $0x4  }
0x160: {  	[tilespmem:v3+s31+$0x0] =	vst.idx.msk $0xffff, v2  }
0x161: {  	v3 =	vor.u32 $0x11, v1;
	v2 =	vld [tilespmem:s14+$0x6080];
	_ =	sdelay $0x4  }
0x162: {  	[tilespmem:v3+s31+$0x0] =	vst.idx.msk $0xffff, v2  }
0x163: {  	v3 =	vor.u32 $0x12, v1;
	v2 =	vld [tilespmem:s14+$0x6100];
	_ =	sdelay $0x4  }
0x164: {  	[tilespmem:v3+s31+$0x0] =	vst.idx.msk $0xffff, v2  }
0x165: {  	v3 =	vor.u32 $0x13, v1;
	v2 =	vld [tilespmem:s14+$0x6180];
	_ =	sdelay $0x4  }
0x166: {  	[tilespmem:v3+s31+$0x0] =	vst.idx.msk $0xffff, v2  }
0x167: {  	v3 =	vor.u32 $0x14, v1;
	v2 =	vld [tilespmem:s14+$0x6200];
	_ =	sdelay $0x4  }
0x168: {  	[tilespmem:v3+s31+$0x0] =	vst.idx.msk $0xffff, v2  }
0x169: {  	v3 =	vor.u32 $0x15, v1;
	v2 =	vld [tilespmem:s14+$0x6280];
	_ =	sdelay $0x4  }
0x16a: {  	[tilespmem:v3+s31+$0x0] =	vst.idx.msk $0xffff, v2  }
0x16b: {  	v3 =	vor.u32 $0x16, v1;
	v2 =	vld [tilespmem:s14+$0x6300];
	_ =	sdelay $0x4  }
0x16c: {  	[tilespmem:v3+s31+$0x0] =	vst.idx.msk $0xffff, v2  }
0x16d: {  	v3 =	vor.u32 $0x17, v1;
	v2 =	vld [tilespmem:s14+$0x6380];
	_ =	sdelay $0x4  }
0x16e: {  	[tilespmem:v3+s31+$0x0] =	vst.idx.msk $0xffff, v2  }
0x16f: {  	v3 =	vor.u32 $0x18, v1;
	v2 =	vld [tilespmem:s14+$0x7000];
	_ =	sdelay $0x4  }
0x170: {  	[tilespmem:v3+s31+$0x0] =	vst.idx.msk $0xffff, v2  }
0x171: {  	v3 =	vor.u32 $0x19, v1;
	v2 =	vld [tilespmem:s14+$0x7080];
	_ =	sdelay $0x4  }
0x172: {  	[tilespmem:v3+s31+$0x0] =	vst.idx.msk $0xffff, v2  }
0x173: {  	v3 =	vor.u32 $0x1A, v1;
	v2 =	vld [tilespmem:s14+$0x7100];
	_ =	sdelay $0x2  }
.Ltmp3:
0x174: {  	(pc) =	sbr.rel @p0 .LBB2_5-.Ltmp3, $4  }
0x175: {  	_ = 	snop  }
0x176: {  	[tilespmem:v3+s31+$0x0] =	vst.idx.msk $0xffff, v2  }
0x177: {  	s12 =	sadd.s32 $0x1, s12;
	v1 =	vor.u32 $0x1B, v1;
	v2 =	vld [tilespmem:s14+$0x7180]  }
0x178: {  	s13 =	sadd.s32 $0x40, s13;
	s14 =	sshrl.u32 s12, $0x3  }
0x179: {  	_ = 	snop  }
0x17a: {  	s12 =	smul.u32 $0xE00, s14  }
0x17b: {  	s10 =	sadd.s32 $0x10, s10  }
0x17c: {  	s15 =	sshra.s32 s11, $0x2;
	v3 =	vmov s10;
	s12 =	sshra.s32 s12, $0x2  }
0x17d: {  	v3 =	vshll.u32 v3, $0x5;
	s10 =	sadd.s32 s15, s12;
	[tilespmem:v1+s31+$0x0] =	vst.idx.msk $0xffff, v2  }
0x17e: {  	v2 =	vor.u32 v0, v3;
	v1 =	vld [tilespmem:s10+$0x4000];
	_ =	sdelay $0x4  }
0x17f: {  	[tilespmem:v2+s31+$0x0] =	vst.idx.msk $0xffff, v1  }
0x180: {  	v3 =	vor.u32 $0x1, v2;
	v1 =	vld [tilespmem:s10+$0x4080];
	_ =	sdelay $0x4  }
0x181: {  	[tilespmem:v3+s31+$0x0] =	vst.idx.msk $0xffff, v1  }
0x182: {  	v3 =	vor.u32 $0x2, v2;
	v1 =	vld [tilespmem:s10+$0x4100];
	_ =	sdelay $0x4  }
0x183: {  	[tilespmem:v3+s31+$0x0] =	vst.idx.msk $0xffff, v1  }
0x184: {  	v3 =	vor.u32 $0x3, v2;
	v1 =	vld [tilespmem:s10+$0x4180];
	_ =	sdelay $0x4  }
0x185: {  	[tilespmem:v3+s31+$0x0] =	vst.idx.msk $0xffff, v1  }
0x186: {  	v3 =	vor.u32 $0x4, v2;
	v1 =	vld [tilespmem:s10+$0x4200];
	_ =	sdelay $0x4  }
0x187: {  	[tilespmem:v3+s31+$0x0] =	vst.idx.msk $0xffff, v1  }
0x188: {  	v3 =	vor.u32 $0x5, v2;
	v1 =	vld [tilespmem:s10+$0x4280];
	_ =	sdelay $0x4  }
0x189: {  	[tilespmem:v3+s31+$0x0] =	vst.idx.msk $0xffff, v1  }
0x18a: {  	v3 =	vor.u32 $0x6, v2;
	v1 =	vld [tilespmem:s10+$0x4300];
	_ =	sdelay $0x4  }
0x18b: {  	[tilespmem:v3+s31+$0x0] =	vst.idx.msk $0xffff, v1  }
0x18c: {  	v3 =	vor.u32 $0x7, v2;
	v1 =	vld [tilespmem:s10+$0x4380];
	_ =	sdelay $0x4  }
0x18d: {  	[tilespmem:v3+s31+$0x0] =	vst.idx.msk $0xffff, v1  }
0x18e: {  	v3 =	vor.u32 $0x8, v2;
	v1 =	vld [tilespmem:s10+$0x5000];
	_ =	sdelay $0x4  }
0x18f: {  	[tilespmem:v3+s31+$0x0] =	vst.idx.msk $0xffff, v1  }
0x190: {  	v3 =	vor.u32 $0x9, v2;
	v1 =	vld [tilespmem:s10+$0x5080];
	_ =	sdelay $0x4  }
0x191: {  	[tilespmem:v3+s31+$0x0] =	vst.idx.msk $0xffff, v1  }
0x192: {  	v3 =	vor.u32 $0xA, v2;
	v1 =	vld [tilespmem:s10+$0x5100];
	_ =	sdelay $0x4  }
0x193: {  	[tilespmem:v3+s31+$0x0] =	vst.idx.msk $0xffff, v1  }
0x194: {  	v3 =	vor.u32 $0xB, v2;
	v1 =	vld [tilespmem:s10+$0x5180];
	_ =	sdelay $0x4  }
0x195: {  	[tilespmem:v3+s31+$0x0] =	vst.idx.msk $0xffff, v1  }
0x196: {  	v3 =	vor.u32 $0xC, v2;
	v1 =	vld [tilespmem:s10+$0x5200];
	_ =	sdelay $0x4  }
0x197: {  	[tilespmem:v3+s31+$0x0] =	vst.idx.msk $0xffff, v1  }
0x198: {  	v3 =	vor.u32 $0xD, v2;
	v1 =	vld [tilespmem:s10+$0x5280];
	_ =	sdelay $0x4  }
0x199: {  	[tilespmem:v3+s31+$0x0] =	vst.idx.msk $0xffff, v1  }
0x19a: {  	v3 =	vor.u32 $0xE, v2;
	v1 =	vld [tilespmem:s10+$0x5300];
	_ =	sdelay $0x4  }
0x19b: {  	[tilespmem:v3+s31+$0x0] =	vst.idx.msk $0xffff, v1  }
0x19c: {  	v3 =	vor.u32 $0xF, v2;
	v1 =	vld [tilespmem:s10+$0x5380];
	_ =	sdelay $0x4  }
0x19d: {  	[tilespmem:v3+s31+$0x0] =	vst.idx.msk $0xffff, v1  }
0x19e: {  	v3 =	vor.u32 $0x10, v2;
	v1 =	vld [tilespmem:s10+$0x6000];
	_ =	sdelay $0x4  }
0x19f: {  	[tilespmem:v3+s31+$0x0] =	vst.idx.msk $0xffff, v1  }
0x1a0: {  	v3 =	vor.u32 $0x11, v2;
	v1 =	vld [tilespmem:s10+$0x6080];
	_ =	sdelay $0x4  }
0x1a1: {  	[tilespmem:v3+s31+$0x0] =	vst.idx.msk $0xffff, v1  }
0x1a2: {  	v3 =	vor.u32 $0x12, v2;
	v1 =	vld [tilespmem:s10+$0x6100];
	_ =	sdelay $0x4  }
0x1a3: {  	[tilespmem:v3+s31+$0x0] =	vst.idx.msk $0xffff, v1  }
0x1a4: {  	v3 =	vor.u32 $0x13, v2;
	v1 =	vld [tilespmem:s10+$0x6180];
	_ =	sdelay $0x4  }
0x1a5: {  	[tilespmem:v3+s31+$0x0] =	vst.idx.msk $0xffff, v1  }
0x1a6: {  	v3 =	vor.u32 $0x14, v2;
	v1 =	vld [tilespmem:s10+$0x6200];
	_ =	sdelay $0x4  }
0x1a7: {  	[tilespmem:v3+s31+$0x0] =	vst.idx.msk $0xffff, v1  }
0x1a8: {  	v3 =	vor.u32 $0x15, v2;
	v1 =	vld [tilespmem:s10+$0x6280];
	_ =	sdelay $0x4  }
0x1a9: {  	[tilespmem:v3+s31+$0x0] =	vst.idx.msk $0xffff, v1  }
0x1aa: {  	v3 =	vor.u32 $0x16, v2;
	v1 =	vld [tilespmem:s10+$0x6300];
	_ =	sdelay $0x4  }
0x1ab: {  	[tilespmem:v3+s31+$0x0] =	vst.idx.msk $0xffff, v1  }
0x1ac: {  	v3 =	vor.u32 $0x17, v2;
	v1 =	vld [tilespmem:s10+$0x6380];
	_ =	sdelay $0x4  }
0x1ad: {  	[tilespmem:v3+s31+$0x0] =	vst.idx.msk $0xffff, v1  }
0x1ae: {  	v3 =	vor.u32 $0x18, v2;
	v1 =	vld [tilespmem:s10+$0x7000];
	_ =	sdelay $0x4  }
0x1af: {  	[tilespmem:v3+s31+$0x0] =	vst.idx.msk $0xffff, v1  }
0x1b0: {  	v3 =	vor.u32 $0x19, v2;
	v1 =	vld [tilespmem:s10+$0x7080];
	_ =	sdelay $0x4  }
0x1b1: {  	[tilespmem:v3+s31+$0x0] =	vst.idx.msk $0xffff, v1  }
0x1b2: {  	v3 =	vor.u32 $0x1A, v2;
	v1 =	vld [tilespmem:s10+$0x7100];
	_ =	sdelay $0x4  }
0x1b3: {  	[tilespmem:v3+s31+$0x0] =	vst.idx.msk $0xffff, v1  }
0x1b4: {  	v2 =	vor.u32 $0x1B, v2;
	v1 =	vld [tilespmem:s10+$0x7180];
	_ =	sdelay $0x1  }
.Ltmp4:
0x1b5: {  	_ = 	snop;
	(pc) =	sbr.rel @p1 .LBB2_8-.Ltmp4, $4  }
0x1b6: {  	_ = 	snop  }
0x1b7: {  	s23 =	sshll.u32 s23, $0x2  }
0x1b8: {  	s10 =	sadd.s32 s4, s23;
	[tilespmem:v2+s31+$0x0] =	vst.idx.msk $0xffff, v1  }
0x1b9: {  	[hbm4b:s10+s1] =	stream.linear.scatter [tilespmem:s31], [sflag:$0x2], $0x4000, $0x38;
	[tilespmem:$0x10000] =	vst v63  }
0x1ba: {  	s10 =	sadd.s32 s22, s19  }
0x1bb: {  	s11 =	sadd.s32 s3, s10  }
0x1bc: {  	[tilespmem:s24], [sflag:$0x1] =	stream.linear.gather [hbm4b:s11+s1], $0x1000, $0x38;
	[tilespmem:$0x10000] =	vst v63  }
0x1bd: {  	s22 =	sadd.s32 s10, s6  }
0x1be: {  	[tilespmem:s25], [sflag:$0x1] =	stream.linear.gather [hbm4b:s22+s1], $0x1000, $0x38;
	[tilespmem:$0x10000] =	vst v63  }
.Ltmp5:
0x1bf: {  	_ = 	snop;
	(pc) =	sbr.rel .LBB2_2-.Ltmp5, $4  }
0x1c0: {  	s23 =	sadd.s32 s10, s8  }
0x1c1: {  	[tilespmem:s26], [sflag:$0x1] =	stream.linear.gather [hbm4b:s23+s1], $0x1000, $0x38;
	[tilespmem:$0x10000] =	vst v63  }
0x1c2: {  	s21 =	sadd.s32 $0x1, s21;
	s10 =	sadd.s32 s10, s9  }
0x1c3: {  	[tilespmem:s28], [sflag:$0x1] =	stream.linear.gather [hbm4b:s10+s1], $0x1000, $0x38;
	[tilespmem:$0x10000] =	vst v63  }
.LBB2_9:
0x1c4: {  	_ =	sfence.sel $0x180000  }
0x1c5: {  	[bflag:$0x0] =	sbarrier.arrive $0xFFFF  }
0x1c6: {  	_ =	strace $0x90000047  }
0x1c7: {  	s0 =	stileid.u32;
	[bflag:$0x2] =	sbarrier.arrive $0xFFFF  }
0x1c8: {  	p0 =	sne.s32 s0, $0x0;
	s0 =	rddreg [dreg:$0x1]  }
0x1c9: {  	s0 =	sadd.s32 @!p0 $0x100000, s0  }
0x1ca: {  	[sflag:s0] =	ssyncadd.tile.s32 @!p0 $0x1;
	_ =	shalt  }
.Lfunc_end2:
_tile_overlayer_lowered:
.L_overlay_start_2:
0x1cb: {  	(tag) =	ssettag $0x2  }
0x1cc: {  	s0 =	rddreg [dreg:$0x0];
	s2 =	stileid.u32  }
0x1cd: {  	s1 =	rddreg [dreg:$0x1];
	p0 =	sne.s32 s2, $0x0  }
0x1ce: {  	s3 =	rddreg [dreg:$0x2];
	[bflag:$0x3] =	sbarrier.arrive $0xFFFF;
	s2 =	simm.s32 @!p0 $0x1C03  }
0x1cf: {  	[timem:s3], [sflag:s2] =	dma.local @!p0 [hbm:s0], s1  }
0x1d0: {  	s0 =	simm.s32 @!p0 $0x3  }
0x1d1: {  	_ =	swait.ge @!p0 [sflag:s0], s1  }
0x1d2: {  	s1 =	ssub.s32 @!p0 $0x0, s1;
	[sflag:s0] =	ssyncset.done @!p0 $0x0  }
0x1d3: {  	[sflag:s0] =	ssyncadd.s32 @!p0 s1  }
0x1d4: {  	[bflag:$0x3] =	sbarrier.arrive $0xFFFF  }
0x1d5: {  	_ =	shalt  }

// kernel: kernel.7.cloned.1.call-start
scs
__scs_entry_jumppad:
0x0: {  	(pc) =	sbr.rel $0x88, $3  }
0x1: {  	(tag) =	ssettag $0x0;
	lr =	simm.s32 $0x1  }
0x2: {  	[smem:$0x3F9F] =	sst lr;
	_ =	strace $0xD0000000  }
0x3: {  	_ = 	snop  }
0x4: {  	_ = 	snop  }
0x5: {  	_ = 	snop  }
0x6: {  	_ = 	snop  }
0x7: {  	_ = 	snop  }
__scs_overlays_trampoline_lowered:
0x8: {  	[smem:$0x3FAE] =	sst s0  }
0x9: {  	[smem:$0x3FAF] =	sst s1  }
0xa: {  	[smem:$0x3FB0] =	sst s2  }
0xb: {  	[smem:$0x3FB1] =	sst s3  }
0xc: {  	[smem:$0x3FB2] =	sst s4  }
0xd: {  	[smem:$0x3FB3] =	sst s5  }
0xe: {  	[smem:$0x3FB4] =	sst s6  }
0xf: {  	[smem:$0x3FB5] =	sst s7  }
0x10: {  	[smem:$0x3FB6] =	sst s8  }
0x11: {  	[smem:$0x3FB7] =	sst s9;
	s0 =	simm.s32 @!p0 $0x0  }
0x12: {  	s1 =	sld [smem:$0x3F9D];
	s0 =	simm.s32 @p0 $0x1  }
0x13: {  	[smem:$0x3FB8] =	sst s0;
	s0 =	simm.s32 @!p1 $0x0  }
0x14: {  	s2 =	sld [smem:$0x3F9C];
	s0 =	simm.s32 @p1 $0x1  }
0x15: {  	[smem:$0x3FB9] =	sst s0;
	s0 =	simm.s32 @!p2 $0x0  }
0x16: {  	s3 =	sld [smem:$0x3FDB];
	s0 =	simm.s32 @p2 $0x1  }
0x17: {  	s4 =	simm.s32 $0x1BF5;
	[smem:$0x3FBB] =	sst s0  }
0x18: {  	s0 =	sld [smem:$0x3F9E];
	_ =	swait.ge [sflag:s4], $0x0  }
0x19: {  	s7 =	sld [smem:$0x3F9F]  }
0x1a: {  	s8 =	sadd.s32 $0xFFFFE003, lr  }
0x1b: {  	s9 =	sadd.s32 $0xFFFFFEF7, lr;
	s5 =	simm.s32 $0xFFFFFFFF;
	p2 =	slt.u32 s8, $0xFFFFF086  }
0x1c: {  	p1 =	slt.u32 s9, $0xF7A;
	s5 =	simm.s32 @!p2 $0x0  }
0x1d: {  	s5 =	simm.s32 @p1 $0x1;
	p0 =	seq.s32 s7, s2  }
0x1e: {  	s7 =	smul.u32 @!p0 $0xF7A, s2;
	p2 =	seq.s32 @!p0 s5, $0x0  }
0x1f: {  	s9 =	smul.u32 $0xF7A, s1;
	s8 =	simm.s32 @!p0 $0x1BF5;
	p2 =	por !p2, p0  }
0x20: {  	[sflag:s8] =	ssyncset.s32 @!p0 $0xFFFFF086;
	s6 =	sadd.s32 @!p0 s3, s7;
	s7 =	simm.s32 @!p0 $0x108  }
0x21: {  	s3 =	sadd.s32 s3, s9;
	s6 =	sadd.s32 @!p0 $0x88, s6;
	s7 =	simm.s32 @p2 $0x1082  }
0x22: {  	[simem:s7], [sflag:s8] =	dma.local @!p0 [hbm:s6], $0xF7A  }
0x23: {  	s9 =	sor.u32 $0xD0000000, s2;
	s6 =	simm.s32 $0x108;
	_ =	swait.ge @!p0 [sflag:s8], $0x0  }
0x24: {  	s3 =	sadd.s32 $0x88, s3;
	s6 =	simm.s32 @!p1 $0x1082;
	[sflag:s4] =	ssyncset.s32 $0xFFFFF086  }
0x25: {  	[simem:s6], [sflag:s4] =	dma.local [hbm:s3], $0xF7A  }
0x26: {  	[smem:$0x3F9F] =	sst s1;
	(tag) =	ssettag s2;
	_ =	strace s9  }
0x27: {  	s1 =	sld [smem:$0x3FAF]  }
0x28: {  	s2 =	sld [smem:$0x3FB0]  }
0x29: {  	s4 =	sld [smem:$0x3FB2]  }
0x2a: {  	p0 =	seq.s32 s5, $0x0;
	s5 =	sld [smem:$0x3FB3]  }
0x2b: {  	s6 =	sld [smem:$0x3FB4]  }
0x2c: {  	s7 =	sld [smem:$0x3FB5]  }
0x2d: {  	s3 =	simm.s32 $0x108;
	s8 =	sld [smem:$0x3FB6]  }
0x2e: {  	s3 =	simm.s32 @!p0 $0x1082;
	s9 =	sld [smem:$0x3FB7]  }
0x2f: {  	lr =	sadd.s32 s0, s3;
	s0 =	sld [smem:$0x3FAE]  }
0x30: {  	s3 =	sld [smem:$0x3FB1]  }
0x31: {  	[smem:$0x3FBA] =	sst s10  }
0x32: {  	s10 =	sld [smem:$0x3FB8];
	_ =	sdelay $0x3  }
0x33: {  	p0 =	seq.s32 s10, $0x1;
	s10 =	sld [smem:$0x3FBA];
	_ =	sdelay $0x3  }
0x34: {  	[smem:$0x3FBA] =	sst s10  }
0x35: {  	s10 =	sld [smem:$0x3FB9];
	_ =	sdelay $0x3  }
0x36: {  	p1 =	seq.s32 s10, $0x1;
	s10 =	sld [smem:$0x3FBA];
	_ =	sdelay $0x3  }
0x37: {  	[smem:$0x3FBA] =	sst s10  }
0x38: {  	s10 =	sld [smem:$0x3FBB]  }
0x39: {  	_ = 	snop;
	(pc) =	sbr.ind lr, $3  }
0x3a: {  	_ = 	snop  }
0x3b: {  	_ = 	snop  }
0x3c: {  	p2 =	seq.s32 s10, $0x1;
	s10 =	sld [smem:$0x3FBA]  }
0x3d: {  	_ =	shalt  }
0x3e: {  	_ =	shalt  }
0x3f: {  	_ =	shalt  }
0x40: {  	_ =	shalt  }
0x41: {  	_ =	shalt  }
0x42: {  	_ =	shalt  }
0x43: {  	_ =	shalt  }
0x44: {  	_ =	shalt  }
0x45: {  	_ =	shalt  }
0x46: {  	_ =	shalt  }
0x47: {  	_ =	shalt  }
0x48: {  	_ =	shalt  }
0x49: {  	_ =	shalt  }
0x4a: {  	_ =	shalt  }
0x4b: {  	_ =	shalt  }
0x4c: {  	_ =	shalt  }
0x4d: {  	_ =	shalt  }
0x4e: {  	_ =	shalt  }
0x4f: {  	_ =	shalt  }
0x50: {  	_ =	shalt  }
0x51: {  	_ =	shalt  }
0x52: {  	_ =	shalt  }
0x53: {  	_ =	shalt  }
0x54: {  	_ =	shalt  }
0x55: {  	_ =	shalt  }
0x56: {  	_ =	shalt  }
0x57: {  	_ =	shalt  }
0x58: {  	_ =	shalt  }
0x59: {  	_ =	shalt  }
0x5a: {  	_ =	shalt  }
0x5b: {  	_ =	shalt  }
0x5c: {  	_ =	shalt  }
0x5d: {  	_ =	shalt  }
0x5e: {  	_ =	shalt  }
0x5f: {  	_ =	shalt  }
0x60: {  	_ =	shalt  }
0x61: {  	_ =	shalt  }
0x62: {  	_ =	shalt  }
0x63: {  	_ =	shalt  }
0x64: {  	_ =	shalt  }
0x65: {  	_ =	shalt  }
0x66: {  	_ =	shalt  }
0x67: {  	_ =	shalt  }
0x68: {  	_ =	shalt  }
0x69: {  	_ =	shalt  }
0x6a: {  	_ =	shalt  }
0x6b: {  	_ =	shalt  }
0x6c: {  	_ =	shalt  }
0x6d: {  	_ =	shalt  }
0x6e: {  	_ =	shalt  }
0x6f: {  	_ =	shalt  }
0x70: {  	_ =	shalt  }
0x71: {  	_ =	shalt  }
0x72: {  	_ =	shalt  }
0x73: {  	_ =	shalt  }
0x74: {  	_ =	shalt  }
0x75: {  	_ =	shalt  }
0x76: {  	_ =	shalt  }
0x77: {  	_ =	shalt  }
0x78: {  	_ =	shalt  }
0x79: {  	_ =	shalt  }
0x7a: {  	_ =	shalt  }
0x7b: {  	_ =	shalt  }
0x7c: {  	_ =	shalt  }
0x7d: {  	_ =	shalt  }
0x7e: {  	_ =	shalt  }
0x7f: {  	_ =	shalt  }
0x80: {  	_ =	shalt  }
0x81: {  	_ =	shalt  }
0x82: {  	_ =	shalt  }
0x83: {  	_ =	shalt  }
0x84: {  	_ =	shalt  }
0x85: {  	_ =	shalt  }
0x86: {  	_ =	shalt  }
0x87: {  	_ =	shalt  }
.Lfunc_end0:
.L_simem_size_0:
called_computation.1_lowered:
.L_overlay_start_0:
0x88: {  	s2 =	sld [smem:$0x3FD9]  }
0x89: {  	s3 =	sld [smem:$0x3FFE];
	_ =	sdelay $0x1  }
0x8a: {  	s1 =	srdreg.scid  }
0x8b: {  	s0 =	sand.u32 $0x1, s1  }
0x8c: {  	s17 =	sshll.u32 s0, $0xA;
	s2 =	sadd.s32 s3, s2  }
0x8d: {  	s2 =	sadd.s32 s2, s17  }
0x8e: {  	[smem:$0x3FC6] =	sst s2  }
0x8f: {  	_ = 	snop  }
0x90: {  	s2 =	sld [smem:$0x3FD0];
	(tm) =	ssettm $0x1  }
0x91: {  	s18 =	sld [smem:$0x3FFB];
	_ =	sdelay $0x3  }
0x92: {  	_ =	strace s18  }
0x93: {  	s3 =	sld [smem:$0x3FFC];
	_ =	sdelay $0x3  }
0x94: {  	_ =	strace s3  }
0x95: {  	s3 =	sld [smem:$0x3FFD];
	_ =	sdelay $0x3  }
0x96: {  	_ =	strace s3  }
0x97: {  	_ =	strace $0x8FFFFFFF  }
0x98: {  	s19 =	sld [smem:$0x3FDB];
	_ =	sdelay $0x1  }
0x99: {  	s4 =	simm.s32 $_scs_section_size  }
0x9a: {  	s5 =	simm.s32 $_size__tile_overlayer_lowered;
	s6 =	simm.s32 $_tile_overlayer_lowered  }
0x9b: {  	s22 =	simm.s32 $0x1BFF;
	s21 =	sshll.u32 s6, $0x1;
	s3 =	sadd.s32 s4, s19  }
0x9c: {  	s7 =	simm.s32 $0x0;
	s20 =	sshll.u32 s5, $0x1;
	s5 =	sadd.s32 s21, s3  }
0x9d: {  	[timem:s7], [sflag:s22] =	dma.local [hbm:s5], s20  }
0x9e: {  	_ =	swait.ge [sflag:s22], s20  }
0x9f: {  	s4 =	ssub.s32 $0x0, s20;
	[sflag:s22] =	ssyncset.done $0x0  }
0xa0: {  	[sflag:s22] =	ssyncadd.s32 s4;
	_ =	sdelay $0x1  }
0xa1: {  	s23 =	simm.s32 $0x1B8B  }
0xa2: {  	_ =	swait.ge [sflag:s23], $0x1  }
0xa3: {  	[sflag:s23] =	ssyncset.done $0x0  }
0xa4: {  	s25 =	simm.s32 $0x1B8E;
	s24 =	sld [smem:$0x3FFE];
	[sflag:s23] =	ssyncadd.s32 $0xFFFFFFFF  }
0xa5: {  	s26 =	simm.s32 $execute0_lowered;
	[smem:$0x3FD2] =	sst s25  }
0xa6: {  	s5 =	sshll.u32 s26, $0x1;
	_ =	strace $0x80000049;
	[dreg:$0x1] =	wrdreg $0xFFFFFFFF  }
0xa7: {  	s28 =	simm.s32 $_size_execute0_lowered;
	s3 =	sadd.s32 s3, s5;
	[dreg:$0x0] =	wrdreg $0x0  }
0xa8: {  	s5 =	sshll.u32 s28, $0x1;
	[dreg:$0x2] =	wrdreg s3  }
0xa9: {  	[dreg:$0x3] =	wrdreg s5  }
0xaa: {  	[dreg:$0x4] =	wrdreg $0xC0  }
0xab: {  	_ =	task [dreg:s7], $0x5FFFF  }
0xac: {  	[dreg:$0x1] =	wrdreg $0xFFFFFFFF  }
0xad: {  	[dreg:$0x0] =	wrdreg $0x60  }
0xae: {  	[dreg:$0x2] =	wrdreg s2  }
0xaf: {  	[dreg:$0x3] =	wrdreg s24  }
0xb0: {  	[dreg:$0x4] =	wrdreg $0x9  }
0xb1: {  	_ =	task.clear_ibuf [dreg:s7], $0x5FFFF;
	_ =	strace $0x90000049  }
0xb2: {  	s29 =	simm.s32 $0x9;
	_ =	strace $0x8000004B  }
0xb3: {  	_ =	swait.ge [sflag:s29], $0x1  }
0xb4: {  	[sflag:s29] =	ssyncadd.s32 $0xFFFFFFFF  }
0xb5: {  	_ =	strace $0x9000004B  }
0xb6: {  	_ =	sfence  }
0xb7: {  	s30 =	sld [smem:$0x0];
	_ =	sdelay $0x2  }
0xb8: {  	s31 =	sshll.u32 s1, $0xD;
	s1 =	sshrl.u32 s1, $0x2  }
0xb9: {  	s3 =	sand.u32 $0x4000, s31;
	s1 =	sadd.s32 s1, s30  }
0xba: {  	s0 =	sor.u32 s3, s0;
	s1 =	sshll.u32 s1, $0x11  }
0xbb: {  	s0 =	sor.u32 s1, s0  }
0xbc: {  	s0 =	sadd.s32 $0x8F2B, s0  }
0xbd: {  	[sflag:s0] =	ssyncadd.remote.s32 $0x1  }
0xbe: {  	_ =	sfence.sel $0xFFFF  }
0xbf: {  	[dreg:$0x0] =	wrdreg $0xFFFFFFFF;
	(pc) =	sbr.abs _section_cstart, $3  }
0xc0: {  	[dreg:$0x1] =	wrdreg $0xFFFFFFFF  }
0xc1: {  	_ =	task.clear_ibuf [dreg:s7], $0x2FFFF;
	_ =	strace $0x9FFFFFFF  }
0xc2: {  	(tm) =	ssettm $0x7FFFFFFF  }
0xc3: {  	_ =	shalt  }
tec
execute0_lowered:
.L_overlay_start_1:
0x0: {  	(tag) =	ssettag $0x1  }
0x1: {  	s0 =	rddreg [dreg:$0x0]  }
0x2: {  	s1 =	rddreg [dreg:$0x1]  }
0x3: {  	s2 =	simm.s32 $0x0;
	s3 =	srdreg.scid;
	s4 =	stileid.u32  }
0x4: {  	s18 =	simm.s32 $0x1;
	s20 =	simm.s32 $0x80;
	s13 =	simm.s32 $0x10800  }
0x5: {  	s14 =	simm.s32 $0x2;
	s15 =	simm.s32 $0x1000;
	s16 =	simm.s32 $0x11800  }
0x6: {  	s17 =	simm.s32 $0x11C00;
	s19 =	simm.s32 $0x12400;
	s21 =	simm.s32 $0x3  }
0x7: {  	s22 =	simm.s32 $0x1400;
	s23 =	simm.s32 $0x12800;
	s25 =	simm.s32 $0x0  }
0x8: {  	[smem:$0x7FF] =	sst s2;
	s3 =	sand.u32 $0x1, s3;
	s10 =	sadd.s32 $0x100A00, s1  }
0x9: {  	s4 =	sshll.u32 s4, $0x10;
	s11 =	sadd.s32 $0x200A00, s1;
	s12 =	sadd.s32 $0x300A00, s1  }
0xa: {  	_ =	strace $0x8000004A;
	s6 =	ssub.s32 $0x2, s3;
	s5 =	sshll.u32 s3, $0xF  }
0xb: {  	s3 =	sadd.s32 $0x800A00, s1;
	s4 =	sor.u32 s5, s4;
	s5 =	sadd.s32 $0xA00, s1  }
0xc: {  	s7 =	sshrl.u32 s6, $0x1;
	s9 =	sadd.s32 s0, s4;
	s26 =	sadd.s32 s4, s5  }
0xd: {  	s1 =	simm.s32 $0xF80;
	[dreg:$0x3] =	wrdreg s9;
	s28 =	sadd.s32 $0x7F80, s26  }
0xe: {  	s6 =	ssub.s32 s6, s7;
	s29 =	sadd.s32 $0x107F80, s26;
	[dreg:$0x4] =	wrdreg s28  }
0xf: {  	v0 =	vlaneseq.u32;
	s7 =	sadd.s32 $0x80, s0;
	s30 =	sadd.s32 $0x207F80, s26;
	[dreg:$0x5] =	wrdreg s29  }
0x10: {  	v0 =	vmul.u32 $0x80, v0;
	s8 =	sadd.s32 $0xFFFFFF80, s4;
	s0 =	sadd.s32 $0x307F80, s26;
	[dreg:$0x6] =	wrdreg s30  }
0x11: {  	s9 =	sadd.s32 $0x100, s9;
	s31 =	smax.u32 s6, $0x1;
	[dreg:$0x7] =	wrdreg s0  }
0x12: {  	v1 =	vadd.s32 $0x600, v0;
	s6 =	simm.s32 $0x12000;
	[dreg:$0x8] =	wrdreg s31;
	s0 =	simm.s32 $0xF800  }
.LBB2_1:
0x13: {  	s24 =	rddreg [dreg:$0x3]  }
0x14: {  	[tilespmem:s2], [sflag:$0x1] =	stream.linear.gather [hbm4b:s24+s2], $0x400, $0x38;
	[tilespmem:$0x13800] =	vst v63  }
0x15: {  	[dreg:$0x9] =	wrdreg s25;
	s24 =	simm.s32 $0x0  }
.LBB2_2:
0x16: {  	s26 =	sshll.u32 s24, $0x8;
	_ =	swait.ge [sflag:s18], $0x400  }
0x17: {  	s29 =	simm.s32 $0x0;
	s25 =	sor.u32 s4, s26;
	[sflag:s18] =	ssyncset.done $0x0  }
0x18: {  	s30 =	simm.s32 $0x400;
	[sflag:s18] =	ssyncadd.s32 $0xFFFFFC00;
	s28 =	sadd.s32 s25, s7  }
0x19: {  	[tilespmem:s30], [sflag:$0x1] =	stream.linear.gather [hbm4b:s28+s29], $0x400, $0x38;
	[tilespmem:$0x13800] =	vst v63  }
0x1a: {  	s29 =	simm.s32 $0x0  }
0x1b: {  	v2 =	vld [tilespmem:s29+$0x80]  }
0x1c: {  	v3 =	vld [tilespmem:s29+$0x0]  }
0x1d: {  	v4 =	vld [tilespmem:s29+$0x100];
	_ =	sdelay $0x2  }
0x1e: {  	v2 =	vmul.f32 $1.270000000e+02, v2  }
0x1f: {  	v3 =	vmul.f32 $1.270000000e+02, v3  }
0x20: {  	v4 =	vmul.f32 $1.270000000e+02, v4;
	v5 =	vtrunc.f32 v2  }
0x21: {  	v6 =	vtrunc.f32 v3;
	v5 =	vcvt.f32.s32 v5  }
0x22: {  	v6 =	vcvt.f32.s32 v6  }
0x23: {  	v7 =	vtrunc.f32 v4;
	vm0 =	vgt.s32 v5, $0x0  }
0x24: {  	v7 =	vcvt.f32.s32 v7;
	vm11 =	vgt.s32 v6, $0x0;
	v5 =	vnsel vm0, $0x0, v5  }
0x25: {  	v6 =	vnsel vm11, $0x0, v6;
	v5 =	vmin.u32 v5, $0x7E  }
0x26: {  	vm12 =	vgt.s32 v7, $0x0;
	v6 =	vmin.u32 v6, $0x7E;
	v8 =	vcvt.s32.f32 v5  }
0x27: {  	s28 =	simm.s32 $0x10;
	v7 =	vnsel vm12, $0x0, v7;
	v9 =	vcvt.s32.f32 v6  }
0x28: {  	v8 =	vsub.f32 v2, v8;
	v2 =	vshll.u32 v5, $0x7;
	v5 =	vmin.u32 v7, $0x7E;
	v7 =	vld [tilespmem:s28+$0x80]  }
0x29: {  	v6 =	vshll.u32 v6, $0xE;
	v3 =	vsub.f32 v3, v9;
	v9 =	vcvt.s32.f32 v5  }
0x2a: {  	v2 =	vor.u32 v6, v2;
	v6 =	vld [tilespmem:s28+$0x0];
	v10 =	vsub.f32 $1.000000000e+00, v8  }
0x2b: {  	v11 =	vsub.f32 v4, v9;
	v4 =	vsub.f32 $1.000000000e+00, v3  }
0x2c: {  	v2 =	vor.u32 v5, v2;
	v12 =	vmul.f32 v8, v3;
	v9 =	vmul.f32 v10, v3  }
0x2d: {  	v13 =	vsub.f32 $1.000000000e+00, v11;
	v5 =	vmul.f32 v10, v4;
	v14 =	vmul.f32 $1.270000000e+02, v7  }
0x2e: {  	v3 =	vld [tilespmem:s28+$0x100];
	v8 =	vmul.f32 v8, v4;
	v10 =	vmul.f32 v9, v11  }
0x2f: {  	v16 =	vadd.s32 $0x80, v2;
	[tilespmem:s29+$0x800] =	vst v2;
	v4 =	vmul.f32 $1.270000000e+02, v6;
	v15 =	vmul.f32 v13, v5  }
0x30: {  	[tilespmem:s29+$0x900] =	vst v16;
	v7 =	vadd.s32 $0x1, v2;
	v5 =	vmul.f32 v5, v11;
	v6 =	vtrunc.f32 v14  }
0x31: {  	v61 =	vadd.s32 $0x4000, v2;
	[tilespmem:s29+$0x880] =	vst v7;
	v7 =	vmul.f32 v13, v8;
	v9 =	vmul.f32 v13, v9  }
0x32: {  	[tilespmem:s29+$0xA00] =	vst v61;
	v13 =	vmul.f32 v13, v12;
	v6 =	vcvt.f32.s32 v6  }
0x33: {  	[tilespmem:s29+$0x1280] =	vst v10;
	v17 =	vtrunc.f32 v4;
	v3 =	vmul.f32 $1.270000000e+02, v3  }
0x34: {  	v10 =	vadd.s32 $0x81, v2;
	[tilespmem:s29+$0x1000] =	vst v15;
	v17 =	vcvt.f32.s32 v17;
	vm13 =	vgt.s32 v6, $0x0  }
0x35: {  	[tilespmem:s29+$0x1100] =	vst v7;
	v7 =	vmul.f32 v11, v8;
	v6 =	vnsel vm13, $0x0, v6;
	v8 =	vtrunc.f32 v3  }
0x36: {  	[tilespmem:s29+$0x1080] =	vst v5;
	vm14 =	vgt.s32 v17, $0x0;
	v6 =	vmin.u32 v6, $0x7E;
	v8 =	vcvt.f32.s32 v8  }
0x37: {  	v5 =	vadd.s32 $0x4001, v2;
	[tilespmem:s29+$0x1200] =	vst v9;
	v62 =	vnsel vm14, $0x0, v17;
	v63 =	vcvt.s32.f32 v6  }
0x38: {  	[tilespmem:s29+$0x1180] =	vst v7;
	v7 =	vshll.u32 v6, $0x7;
	v16 =	vmin.u32 v62, $0x7E;
	vm15 =	vgt.s32 v8, $0x0  }
0x39: {  	[tilespmem:s29+$0x980] =	vst v10;
	v9 =	vcvt.s32.f32 v16;
	v8 =	vnsel vm15, $0x0, v8;
	v6 =	vsub.f32 v14, v63  }
0x3a: {  	s31 =	simm.s32 $0xC0;
	s30 =	simm.s32 $0x20;
	[tilespmem:s29+$0x1300] =	vst v13;
	v11 =	vmul.f32 v11, v12;
	v10 =	vshll.u32 v16, $0xE;
	v8 =	vmin.u32 v8, $0x7E  }
.LBB2_3:
0x3b: {  	p0 =	sne.s32 s31, $0x1C0;
	v12 =	vld [tilespmem:s30+$0x80];
	v4 =	vsub.f32 v4, v9;
	v9 =	vcvt.s32.f32 v8;
	v13 =	vsub.f32 $1.000000000e+00, v6;
	[tilespmem:s29+$0xA80] =	vst v5  }
0x3c: {  	v5 =	vor.u32 v10, v7;
	v7 =	vadd.s32 $0x4080, v2;
	v10 =	vadd.s32 $0x4081, v2;
	[tilespmem:s29+$0x1380] =	vst v11  }
0x3d: {  	v11 =	vld [tilespmem:s30+$0x0];
	v14 =	vsub.f32 v3, v9;
	v3 =	vsub.f32 $1.000000000e+00, v4;
	v9 =	vmul.f32 v13, v4;
	[tilespmem:s29+$0xB00] =	vst v7  }
0x3e: {  	v2 =	vor.u32 v8, v5;
	v15 =	vmul.f32 v6, v4;
	[tilespmem:s29+$0xB80] =	vst v10;
	s29 =	smov.u32 s28;
	s28 =	smov.u32 s30  }
0x3f: {  	v5 =	vld [tilespmem:s28+$0x100];
	v8 =	vsub.f32 $1.000000000e+00, v14;
	[tilespmem:s29+$0x800] =	vst v2;
	v4 =	vmul.f32 v13, v3;
	v7 =	vmul.f32 v9, v14  }
0x40: {  	v6 =	vmul.f32 v6, v3;
	v10 =	vmul.f32 $1.270000000e+02, v12;
	v12 =	vadd.s32 $0x1, v2  }
0x41: {  	v16 =	vadd.s32 $0x80, v2;
	v3 =	vmul.f32 v8, v4;
	v13 =	vmul.f32 v4, v14;
	[tilespmem:s29+$0x1280] =	vst v7  }
0x42: {  	v4 =	vmul.f32 $1.270000000e+02, v11;
	v7 =	vtrunc.f32 v10;
	[tilespmem:s29+$0x880] =	vst v12;
	v11 =	vadd.s32 $0x81, v2  }
0x43: {  	v17 =	vadd.s32 $0x4000, v2;
	v12 =	vmul.f32 v8, v6;
	v7 =	vcvt.f32.s32 v7;
	[tilespmem:s29+$0x1000] =	vst v3  }
0x44: {  	v3 =	vmul.f32 $1.270000000e+02, v5;
	v18 =	vtrunc.f32 v4;
	[tilespmem:s29+$0x1080] =	vst v13;
	v5 =	vadd.s32 $0x4001, v2  }
0x45: {  	v6 =	vmul.f32 v14, v6;
	v13 =	vcvt.f32.s32 v18;
	vm0 =	vgt.s32 v7, $0x0;
	[tilespmem:s29+$0x1100] =	vst v12  }
0x46: {  	v9 =	vmul.f32 v8, v9;
	v7 =	vnsel vm0, $0x0, v7;
	v12 =	vtrunc.f32 v3;
	[tilespmem:s29+$0x900] =	vst v16  }
.Ltmp0:
0x47: {  	vm0 =	vgt.s32 v13, $0x0;
	v7 =	vmin.u32 v7, $0x7E;
	v12 =	vcvt.f32.s32 v12;
	[tilespmem:s29+$0x1180] =	vst v6;
	(pc) =	sbr.rel @p0 .LBB2_3-.Ltmp0, $4  }
0x48: {  	v6 =	vnsel vm0, $0x0, v13;
	v13 =	vcvt.s32.f32 v7;
	v7 =	vshll.u32 v7, $0x7;
	[tilespmem:s29+$0x1200] =	vst v9  }
0x49: {  	v16 =	vmin.u32 v6, $0x7E;
	vm0 =	vgt.s32 v12, $0x0;
	[tilespmem:s29+$0x980] =	vst v11;
	v11 =	vmul.f32 v8, v15  }
0x4a: {  	v8 =	vnsel vm0, $0x0, v12;
	v9 =	vcvt.s32.f32 v16;
	v6 =	vsub.f32 v10, v13;
	[tilespmem:s29+$0xA00] =	vst v17  }
0x4b: {  	s30 =	sshra.s32 s31, $0x2;
	s31 =	sadd.s32 $0x40, s31;
	v10 =	vshll.u32 v16, $0xE;
	v8 =	vmin.u32 v8, $0x7E;
	[tilespmem:s29+$0x1300] =	vst v11;
	v11 =	vmul.f32 v14, v15  }
0x4c: {  	v12 =	vld [tilespmem:s30+$0x80];
	[tilespmem:s29+$0xA80] =	vst v5;
	v4 =	vsub.f32 v4, v9;
	v35 =	vcvt.s32.f32 v8  }
0x4d: {  	v36 =	vsub.f32 $1.000000000e+00, v6;
	v7 =	vor.u32 v10, v7;
	v37 =	vadd.s32 $0x4080, v2;
	[tilespmem:s29+$0x1380] =	vst v11  }
0x4e: {  	v2 =	vadd.s32 $0x4081, v2;
	v11 =	vld [tilespmem:s30+$0x0];
	v3 =	vsub.f32 v3, v35;
	v38 =	vsub.f32 $1.000000000e+00, v4;
	[tilespmem:s29+$0xB00] =	vst v37  }
0x4f: {  	v7 =	vor.u32 v8, v7;
	v13 =	vmul.f32 v36, v4;
	v4 =	vmul.f32 v6, v4;
	[tilespmem:s29+$0xB80] =	vst v2  }
0x50: {  	v14 =	vadd.s32 $0x1, v7;
	v2 =	vld [tilespmem:s30+$0x100];
	[tilespmem:s28+$0x800] =	vst v7;
	v39 =	vsub.f32 $1.000000000e+00, v3;
	v9 =	vmul.f32 v36, v38  }
0x51: {  	v15 =	vadd.s32 $0x80, v7;
	[tilespmem:s28+$0x880] =	vst v14;
	v40 =	vmul.f32 v13, v3;
	v5 =	vmul.f32 v6, v38  }
0x52: {  	v16 =	vadd.s32 $0x81, v7;
	[tilespmem:s28+$0x900] =	vst v15;
	v12 =	vmul.f32 $1.270000000e+02, v12;
	v41 =	vmul.f32 v39, v9  }
0x53: {  	v17 =	vadd.s32 $0x4000, v7;
	[tilespmem:s28+$0x980] =	vst v16;
	v9 =	vmul.f32 v9, v3;
	v44 =	vmul.f32 v39, v5  }
0x54: {  	v18 =	vadd.s32 $0x4001, v7;
	[tilespmem:s28+$0xA00] =	vst v17;
	v42 =	vmul.f32 $1.270000000e+02, v11;
	v43 =	vtrunc.f32 v12  }
0x55: {  	v54 =	vadd.s32 $0x4080, v7;
	[tilespmem:s28+$0xA80] =	vst v18;
	v5 =	vmul.f32 v3, v5;
	v11 =	vcvt.f32.s32 v43  }
0x56: {  	v7 =	vadd.s32 $0x4081, v7;
	[tilespmem:s28+$0xB00] =	vst v54;
	v2 =	vmul.f32 $1.270000000e+02, v2;
	v45 =	vtrunc.f32 v42  }
0x57: {  	[tilespmem:s28+$0xB80] =	vst v7;
	v13 =	vmul.f32 v39, v13;
	v6 =	vcvt.f32.s32 v45  }
0x58: {  	[tilespmem:s28+$0x1280] =	vst v40;
	v8 =	vmul.f32 v39, v4;
	vm0 =	vgt.s32 v11, $0x0;
	v47 =	vtrunc.f32 v2  }
0x59: {  	[tilespmem:s28+$0x1000] =	vst v41;
	v46 =	vnsel vm0, $0x0, v11;
	v11 =	vcvt.f32.s32 v47;
	vm14 =	vgt.s32 v6, $0x0  }
0x5a: {  	v3 =	vmul.f32 v3, v4;
	[tilespmem:s28+$0x1080] =	vst v9;
	v9 =	vmin.u32 v46, $0x7E;
	v48 =	vnsel vm14, $0x0, v6  }
0x5b: {  	[tilespmem:s28+$0x1180] =	vst v5;
	v49 =	vcvt.s32.f32 v9;
	vm15 =	vgt.s32 v11, $0x0;
	v5 =	vmin.u32 v48, $0x7E  }
0x5c: {  	[tilespmem:s28+$0x1100] =	vst v44;
	v9 =	vshll.u32 v9, $0x7;
	v11 =	vnsel vm15, $0x0, v11;
	v50 =	vcvt.s32.f32 v5  }
0x5d: {  	[tilespmem:s28+$0x1200] =	vst v13;
	v6 =	vsub.f32 v12, v49;
	v11 =	vmin.u32 v11, $0x7E;
	v5 =	vshll.u32 v5, $0xE  }
0x5e: {  	[tilespmem:s28+$0x1300] =	vst v8;
	v52 =	vcvt.s32.f32 v11;
	v5 =	vor.u32 v5, v9  }
0x5f: {  	[tilespmem:s28+$0x1380] =	vst v3;
	v51 =	vsub.f32 v42, v50;
	v53 =	vsub.f32 $1.000000000e+00, v6;
	v5 =	vor.u32 v11, v5  }
0x60: {  	v2 =	vsub.f32 v2, v52;
	[tilespmem:s30+$0x800] =	vst v5;
	v11 =	vadd.s32 $0x1, v5  }
0x61: {  	v61 =	vadd.s32 $0x80, v5;
	v3 =	vsub.f32 $1.000000000e+00, v51;
	v55 =	vmul.f32 v53, v51;
	[tilespmem:s30+$0x880] =	vst v11  }
0x62: {  	v62 =	vadd.s32 $0x4000, v5;
	[tilespmem:s30+$0x900] =	vst v61;
	v56 =	vsub.f32 $1.000000000e+00, v2  }
0x63: {  	v63 =	vadd.s32 $0x4001, v5;
	[tilespmem:s30+$0xA00] =	vst v62;
	v57 =	vmul.f32 v53, v3;
	v58 =	vmul.f32 v55, v2  }
0x64: {  	[tilespmem:s30+$0xA80] =	vst v63;
	v8 =	vmul.f32 v56, v55  }
0x65: {  	v3 =	vmul.f32 v6, v3;
	v59 =	vmul.f32 v56, v57;
	[tilespmem:s30+$0x1280] =	vst v58  }
0x66: {  	v9 =	vmul.f32 v57, v2;
	[tilespmem:s30+$0x1200] =	vst v8  }
0x67: {  	v4 =	vmul.f32 v6, v51;
	v60 =	vmul.f32 v56, v3;
	[tilespmem:s30+$0x1000] =	vst v59  }
0x68: {  	v3 =	vmul.f32 v2, v3;
	[tilespmem:s30+$0x1080] =	vst v9  }
0x69: {  	v2 =	vmul.f32 v2, v4;
	[tilespmem:s30+$0x1100] =	vst v60  }
0x6a: {  	[tilespmem:s30+$0x1180] =	vst v3  }
0x6b: {  	v3 =	vadd.s32 $0x81, v5;
	[tilespmem:s30+$0x1380] =	vst v2  }
0x6c: {  	v2 =	vadd.s32 $0x4081, v5;
	[tilespmem:s30+$0x980] =	vst v3;
	v3 =	vmul.f32 v56, v4  }
0x6d: {  	[tilespmem:s30+$0xB80] =	vst v2  }
0x6e: {  	[tilespmem:s30+$0x1300] =	vst v3;
	v3 =	vadd.s32 $0x4080, v5  }
0x6f: {  	s31 =	simm.s32 $0x1800;
	[tilespmem:s30+$0xB00] =	vst v3;
	s30 =	simm.s32 $0x800  }
0x70: {  	[tilespmem:s31], [sflag:$0x2] =	stream.indirect.gather [hbm4b:s3+s20], $0x20, s30, s20, $0xb8;
	[tilespmem:$0x13800] =	vst v63  }
0x71: {  	s30 =	simm.s32 $0x880;
	s31 =	simm.s32 $0x2800  }
0x72: {  	[tilespmem:s31], [sflag:$0x2] =	stream.indirect.gather [hbm4b:s3+s20], $0x20, s30, s20, $0xb8;
	[tilespmem:$0x13800] =	vst v63  }
0x73: {  	s30 =	simm.s32 $0x900;
	s31 =	simm.s32 $0x3800  }
0x74: {  	[tilespmem:s31], [sflag:$0x2] =	stream.indirect.gather [hbm4b:s3+s20], $0x20, s30, s20, $0xb8;
	[tilespmem:$0x13800] =	vst v63  }
0x75: {  	s30 =	simm.s32 $0x980;
	s31 =	simm.s32 $0x4800  }
0x76: {  	[tilespmem:s31], [sflag:$0x2] =	stream.indirect.gather [hbm4b:s3+s20], $0x20, s30, s20, $0xb8;
	[tilespmem:$0x13800] =	vst v63  }
0x77: {  	s30 =	simm.s32 $0xA00;
	s31 =	simm.s32 $0x5800  }
0x78: {  	[tilespmem:s31], [sflag:$0x2] =	stream.indirect.gather [hbm4b:s3+s20], $0x20, s30, s20, $0xb8;
	[tilespmem:$0x13800] =	vst v63  }
0x79: {  	p0 =	seq.s32 s24, $0x0;
	s30 =	simm.s32 $0xA80;
	s31 =	simm.s32 $0x6800  }
0x7a: {  	[tilespmem:s31], [sflag:$0x2] =	stream.indirect.gather [hbm4b:s3+s20], $0x20, s30, s20, $0xb8;
	[tilespmem:$0x13800] =	vst v63  }
.Ltmp1:
0x7b: {  	_ = 	snop;
	(pc) =	sbr.rel @p0 .LBB2_8-.Ltmp1, $4  }
0x7c: {  	s30 =	simm.s32 $0xB00;
	s31 =	simm.s32 $0x7800  }
0x7d: {  	[tilespmem:s31], [sflag:$0x2] =	stream.indirect.gather [hbm4b:s3+s20], $0x20, s30, s20, $0xb8;
	[tilespmem:$0x13800] =	vst v63  }
0x7e: {  	s30 =	simm.s32 $0xB80;
	s31 =	simm.s32 $0x8800  }
0x7f: {  	[tilespmem:s31], [sflag:$0x2] =	stream.indirect.gather [hbm4b:s3+s20], $0x20, s30, s20, $0xb8;
	[tilespmem:$0x13800] =	vst v63  }
0x80: {  	p1 =	seq.s32 s24, $0x1  }
0x81: {  	s28 =	simm.s32 @!p1 $0x3  }
0x82: {  	_ =	swait.ge @!p1 [sflag:s28], $0x400  }
0x83: {  	[sflag:s28] =	ssyncset.done @!p1 $0x0  }
0x84: {  	[sflag:s28] =	ssyncadd.s32 @!p1 $0xFFFFFC00  }
0x85: {  	_ =	swait.ge @!p1 [sflag:s28], $0x400  }
0x86: {  	[sflag:s28] =	ssyncset.done @!p1 $0x0  }
0x87: {  	[sflag:s28] =	ssyncadd.s32 @!p1 $0xFFFFFC00  }
0x88: {  	_ =	swait.ge @!p1 [sflag:s28], $0x400  }
0x89: {  	[sflag:s28] =	ssyncset.done @!p1 $0x0  }
0x8a: {  	[sflag:s28] =	ssyncadd.s32 @!p1 $0xFFFFFC00  }
0x8b: {  	_ =	swait.ge @!p1 [sflag:s28], $0x400  }
0x8c: {  	[sflag:s28] =	ssyncset.done @!p1 $0x0  }
0x8d: {  	[sflag:s28] =	ssyncadd.s32 @!p1 $0xFFFFFC00  }
0x8e: {  	_ =	swait.ge [sflag:s14], $0x1000  }
0x8f: {  	[sflag:s14] =	ssyncset.done $0x0  }
0x90: {  	[sflag:s14] =	ssyncadd.s32 $0xFFFFF000  }
0x91: {  	_ =	swait.ge [sflag:s14], $0x1000  }
0x92: {  	[sflag:s14] =	ssyncset.done $0x0  }
0x93: {  	[sflag:s14] =	ssyncadd.s32 $0xFFFFF000  }
0x94: {  	_ =	swait.ge [sflag:s14], $0x1000  }
0x95: {  	[sflag:s14] =	ssyncset.done $0x0  }
0x96: {  	[sflag:s14] =	ssyncadd.s32 $0xFFFFF000  }
0x97: {  	_ =	swait.ge [sflag:s14], $0x1000  }
0x98: {  	[sflag:s14] =	ssyncset.done $0x0  }
0x99: {  	[sflag:s14] =	ssyncadd.s32 $0xFFFFF000  }
0x9a: {  	_ =	swait.ge [sflag:s14], $0x1000  }
0x9b: {  	[sflag:s14] =	ssyncset.done $0x0  }
0x9c: {  	[sflag:s14] =	ssyncadd.s32 $0xFFFFF000  }
0x9d: {  	_ =	swait.ge [sflag:s14], $0x1000  }
0x9e: {  	[sflag:s14] =	ssyncset.done $0x0  }
0x9f: {  	[sflag:s14] =	ssyncadd.s32 $0xFFFFF000  }
0xa0: {  	_ =	swait.ge [sflag:s14], $0x1000  }
0xa1: {  	[sflag:s14] =	ssyncset.done $0x0  }
0xa2: {  	[sflag:s14] =	ssyncadd.s32 $0xFFFFF000  }
0xa3: {  	_ =	swait.ge [sflag:s14], $0x1000  }
0xa4: {  	[sflag:s14] =	ssyncset.done $0x0  }
0xa5: {  	s28 =	simm.s32 $0x0;
	[sflag:s14] =	ssyncadd.s32 $0xFFFFF000  }
0xa6: {  	v2 =	vld [tilespmem:s28+$0xF80C]  }
0xa7: {  	s29 =	simm.s32 $0x0;
	v4 =	vld [tilespmem:s28+$0xE80C]  }
0xa8: {  	v7 =	vmov s29;
	v5 =	vld [tilespmem:s28+$0xD80C]  }
0xa9: {  	s30 =	simm.s32 $0x80;
	v3 =	vand.u32 $0x7F, v7;
	v6 =	vld [tilespmem:s28+$0xC80C]  }
.LBB2_6:
0xaa: {  	p1 =	sne.s32 s30, $0x3F80;
	v8 =	vor.u32 $0x80, v3;
	v9 =	vld [tilespmem:s28+$0xB80C]  }
0xab: {  	v10 =	vld [tilespmem:s28+$0x980C]  }
0xac: {  	v12 =	vor.u32 $0x100, v3;
	v11 =	vld [tilespmem:s28+$0xA80C]  }
0xad: {  	v13 =	vld [tilespmem:s28+$0x9800]  }
0xae: {  	v14 =	vor.u32 $0x180, v3;
	v7 =	vld.idx.msk [tilespmem:v7+s22+$0x0], $0xffff  }
0xaf: {  	v8 =	vld.idx.msk [tilespmem:v8+s22+$0x0], $0xffff  }
0xb0: {  	v16 =	vor.u32 $0x200, v3;
	v15 =	vld [tilespmem:s28+$0xA800]  }
0xb1: {  	v12 =	vld.idx.msk [tilespmem:v12+s22+$0x0], $0xffff  }
0xb2: {  	v18 =	vor.u32 $0x280, v3;
	v17 =	vld [tilespmem:s28+$0xB800]  }
0xb3: {  	v14 =	vld.idx.msk [tilespmem:v14+s22+$0x0], $0xffff  }
0xb4: {  	v20 =	vor.u32 $0x300, v3;
	v19 =	vld [tilespmem:s28+$0xC800]  }
0xb5: {  	v13 =	vmul.f32 v13, v7;
	v15 =	vmul.f32 v15, v8;
	v16 =	vld.idx.msk [tilespmem:v16+s22+$0x0], $0xffff  }
0xb6: {  	v7 =	vmul.f32 v10, v7;
	v8 =	vmul.f32 v11, v8;
	v11 =	vor.u32 $0x380, v3;
	v10 =	vld [tilespmem:s28+$0xD800]  }
0xb7: {  	v13 =	vadd.f32 v15, v13;
	v15 =	vmul.f32 v17, v12;
	v17 =	vld.idx.msk [tilespmem:v18+s22+$0x0], $0xffff  }
0xb8: {  	v7 =	vadd.f32 v8, v7;
	v8 =	vmul.f32 v9, v12;
	v9 =	vld [tilespmem:s28+$0xE800]  }
0xb9: {  	v12 =	vadd.f32 v15, v13;
	v13 =	vmul.f32 v19, v14;
	v15 =	vld.idx.msk [tilespmem:v20+s22+$0x0], $0xffff  }
0xba: {  	v6 =	vmul.f32 v6, v14;
	v7 =	vadd.f32 v8, v7;
	v8 =	vld [tilespmem:s28+$0xF800]  }
0xbb: {  	v12 =	vadd.f32 v13, v12;
	v10 =	vmul.f32 v10, v16;
	v11 =	vld.idx.msk [tilespmem:v11+s22+$0x0], $0xffff  }
0xbc: {  	v5 =	vmul.f32 v5, v16;
	v6 =	vadd.f32 v6, v7;
	v7 =	vld [tilespmem:s28+$0x10800]  }
0xbd: {  	v10 =	vadd.f32 v10, v12;
	v9 =	vmul.f32 v9, v17;
	v12 =	vld [tilespmem:s28+$0x1080C]  }
0xbe: {  	v4 =	vmul.f32 v4, v17;
	v5 =	vadd.f32 v5, v6  }
0xbf: {  	v6 =	vadd.f32 v9, v10;
	v8 =	vmul.f32 v8, v15  }
0xc0: {  	v2 =	vmul.f32 v2, v15;
	v4 =	vadd.f32 v4, v5;
	v5 =	vor.u32 v0, v3  }
0xc1: {  	v3 =	vor.u32 v1, v3;
	v6 =	vadd.f32 v8, v6;
	v7 =	vmul.f32 v7, v11  }
0xc2: {  	v2 =	vadd.f32 v2, v4;
	v4 =	vmul.f32 v12, v11  }
0xc3: {  	v6 =	vadd.f32 v7, v6  }
0xc4: {  	v2 =	vadd.f32 v4, v2  }
0xc5: {  	[tilespmem:v5+s23+$0x0] =	vst.idx.msk $0xffff, v6  }
.Ltmp2:
0xc6: {  	s28 =	sshra.s32 s30, $0x2;
	[tilespmem:v3+s23+$0x0] =	vst.idx.msk $0xffff, v2;
	(pc) =	sbr.rel @p1 .LBB2_6-.Ltmp2, $4  }
0xc7: {  	v2 =	vld [tilespmem:s28+$0xF80C]  }
0xc8: {  	s29 =	sadd.s32 $0x1, s29;
	v4 =	vld [tilespmem:s28+$0xE80C]  }
0xc9: {  	v7 =	vmov s29;
	v5 =	vld [tilespmem:s28+$0xD80C]  }
0xca: {  	s30 =	sadd.s32 $0x80, s30;
	v3 =	vand.u32 $0x7F, v7;
	v6 =	vld [tilespmem:s28+$0xC80C]  }
0xcb: {  	v9 =	vld [tilespmem:s28+$0xB80C]  }
0xcc: {  	v8 =	vor.u32 $0x80, v3;
	v10 =	vld [tilespmem:s28+$0x980C]  }
0xcd: {  	v11 =	vld [tilespmem:s28+$0xA80C]  }
0xce: {  	v12 =	vor.u32 $0x100, v3;
	v13 =	vld [tilespmem:s28+$0x9800]  }
0xcf: {  	v7 =	vld.idx.msk [tilespmem:v7+s22+$0x0], $0xffff  }
0xd0: {  	v14 =	vor.u32 $0x180, v3;
	v15 =	vld [tilespmem:s28+$0xA800]  }
0xd1: {  	v8 =	vld.idx.msk [tilespmem:v8+s22+$0x0], $0xffff  }
0xd2: {  	v16 =	vor.u32 $0x200, v3;
	v17 =	vld [tilespmem:s28+$0xB800]  }
0xd3: {  	v12 =	vld.idx.msk [tilespmem:v12+s22+$0x0], $0xffff  }
0xd4: {  	v18 =	vor.u32 $0x280, v3;
	v19 =	vld [tilespmem:s28+$0xC800]  }
0xd5: {  	v14 =	vld.idx.msk [tilespmem:v14+s22+$0x0], $0xffff  }
0xd6: {  	v20 =	vor.u32 $0x300, v3;
	v49 =	vld [tilespmem:s28+$0xD800];
	v13 =	vmul.f32 v13, v7;
	v15 =	vmul.f32 v15, v8  }
0xd7: {  	v16 =	vld.idx.msk [tilespmem:v16+s22+$0x0], $0xffff;
	v7 =	vmul.f32 v10, v7;
	v8 =	vmul.f32 v11, v8  }
0xd8: {  	v50 =	vor.u32 $0x380, v3;
	v54 =	vld [tilespmem:s28+$0xE800];
	v51 =	vmul.f32 v17, v12;
	v13 =	vadd.f32 v15, v13  }
0xd9: {  	v52 =	vld.idx.msk [tilespmem:v18+s22+$0x0], $0xffff;
	v53 =	vmul.f32 v9, v12;
	v7 =	vadd.f32 v8, v7  }
0xda: {  	v58 =	vld [tilespmem:s28+$0xF800];
	v56 =	vmul.f32 v19, v14;
	v55 =	vadd.f32 v51, v13  }
0xdb: {  	v57 =	vld.idx.msk [tilespmem:v20+s22+$0x0], $0xffff;
	v6 =	vmul.f32 v6, v14;
	v7 =	vadd.f32 v53, v7  }
0xdc: {  	v59 =	vld [tilespmem:s28+$0x10800];
	v10 =	vmul.f32 v49, v16;
	v12 =	vadd.f32 v56, v55  }
0xdd: {  	v11 =	vld.idx.msk [tilespmem:v50+s22+$0x0], $0xffff;
	v5 =	vmul.f32 v5, v16;
	v6 =	vadd.f32 v6, v7  }
0xde: {  	v60 =	vld [tilespmem:s28+$0x1080C];
	v9 =	vmul.f32 v54, v52;
	v10 =	vadd.f32 v10, v12  }
0xdf: {  	v4 =	vmul.f32 v4, v52;
	v5 =	vadd.f32 v5, v6  }
0xe0: {  	v8 =	vmul.f32 v58, v57;
	v61 =	vadd.f32 v9, v10  }
0xe1: {  	v62 =	vor.u32 v0, v3;
	v2 =	vmul.f32 v2, v57;
	v4 =	vadd.f32 v4, v5  }
0xe2: {  	v3 =	vor.u32 v1, v3;
	v7 =	vmul.f32 v59, v11;
	v6 =	vadd.f32 v8, v61  }
0xe3: {  	v63 =	vmul.f32 v60, v11;
	v2 =	vadd.f32 v2, v4  }
0xe4: {  	v6 =	vadd.f32 v7, v6  }
0xe5: {  	s28 =	sadd.s32 s26, s8;
	v2 =	vadd.f32 v63, v2  }
0xe6: {  	s29 =	sand.u32 $0x1FFFFF80, s28;
	[tilespmem:v62+s23+$0x0] =	vst.idx.msk $0xffff, v6  }
0xe7: {  	s29 =	sadd.s32 s5, s29;
	[tilespmem:v3+s23+$0x0] =	vst.idx.msk $0xffff, v2  }
0xe8: {  	[hbm4b:s29+s2] =	stream.linear.scatter [tilespmem:s23], [sflag:$0x3], $0x400, $0x38;
	[tilespmem:$0x13800] =	vst v63  }
0xe9: {  	s30 =	simm.s32 $0x12C00;
	s31 =	sadd.s32 s10, s28  }
0xea: {  	[hbm4b:s31+s2] =	stream.linear.scatter [tilespmem:s30], [sflag:$0x3], $0x400, $0x38;
	[tilespmem:$0x13800] =	vst v63  }
0xeb: {  	s29 =	sadd.s32 s11, s28;
	s31 =	simm.s32 $0x13000  }
0xec: {  	[hbm4b:s29+s2] =	stream.linear.scatter [tilespmem:s31], [sflag:$0x3], $0x400, $0x38;
	[tilespmem:$0x13800] =	vst v63  }
0xed: {  	s28 =	sadd.s32 s12, s28;
	s31 =	simm.s32 $0x13400  }
0xee: {  	[hbm4b:s28+s2] =	stream.linear.scatter [tilespmem:s31], [sflag:$0x3], $0x400, $0x38;
	[tilespmem:$0x13800] =	vst v63  }
.LBB2_8:
0xef: {  	_ =	swait.ge [sflag:s18], $0x400  }
0xf0: {  	p1 =	seq.s32 s24, $0x7F;
	[sflag:s18] =	ssyncset.done $0x0  }
0xf1: {  	s26 =	sadd.s32 @!p1 s26, s9;
	s28 =	simm.s32 @!p1 $0x0;
	[sflag:s18] =	ssyncadd.s32 $0xFFFFFC00  }
0xf2: {  	[tilespmem:s28], [sflag:$0x1] =	stream.linear.gather @!p1 [hbm4b:s26+s28], $0x400, $0x38;
	[tilespmem:$0x13800] =	vst v63  }
0xf3: {  	s28 =	simm.s32 $0x0  }
0xf4: {  	v2 =	vld [tilespmem:s28+$0x480]  }
0xf5: {  	v3 =	vld [tilespmem:s28+$0x400]  }
0xf6: {  	v4 =	vld [tilespmem:s28+$0x500];
	_ =	sdelay $0x2  }
0xf7: {  	v2 =	vmul.f32 $1.270000000e+02, v2  }
0xf8: {  	v3 =	vmul.f32 $1.270000000e+02, v3  }
0xf9: {  	v4 =	vmul.f32 $1.270000000e+02, v4;
	v5 =	vtrunc.f32 v2  }
0xfa: {  	v6 =	vtrunc.f32 v3;
	v5 =	vcvt.f32.s32 v5  }
0xfb: {  	v6 =	vcvt.f32.s32 v6  }
0xfc: {  	v7 =	vtrunc.f32 v4;
	vm0 =	vgt.s32 v5, $0x0  }
0xfd: {  	v7 =	vcvt.f32.s32 v7;
	vm11 =	vgt.s32 v6, $0x0;
	v5 =	vnsel vm0, $0x0, v5  }
0xfe: {  	v6 =	vnsel vm11, $0x0, v6;
	v5 =	vmin.u32 v5, $0x7E  }
0xff: {  	vm12 =	vgt.s32 v7, $0x0;
	v6 =	vmin.u32 v6, $0x7E;
	v8 =	vcvt.s32.f32 v5  }
0x100: {  	s26 =	simm.s32 $0x10;
	v7 =	vnsel vm12, $0x0, v7;
	v9 =	vcvt.s32.f32 v6  }
0x101: {  	v8 =	vsub.f32 v2, v8;
	v2 =	vshll.u32 v5, $0x7;
	v5 =	vmin.u32 v7, $0x7E;
	v7 =	vld [tilespmem:s26+$0x480]  }
0x102: {  	v6 =	vshll.u32 v6, $0xE;
	v3 =	vsub.f32 v3, v9;
	v9 =	vcvt.s32.f32 v5  }
0x103: {  	v2 =	vor.u32 v6, v2;
	v6 =	vld [tilespmem:s26+$0x400];
	v10 =	vsub.f32 $1.000000000e+00, v8  }
0x104: {  	v11 =	vsub.f32 v4, v9;
	v4 =	vsub.f32 $1.000000000e+00, v3  }
0x105: {  	v2 =	vor.u32 v5, v2;
	v12 =	vmul.f32 v8, v3;
	v9 =	vmul.f32 v10, v3  }
0x106: {  	v13 =	vsub.f32 $1.000000000e+00, v11;
	v5 =	vmul.f32 v10, v4;
	v14 =	vmul.f32 $1.270000000e+02, v7  }
0x107: {  	v3 =	vld [tilespmem:s26+$0x500];
	v8 =	vmul.f32 v8, v4;
	v10 =	vmul.f32 v9, v11  }
0x108: {  	v16 =	vadd.s32 $0x80, v2;
	[tilespmem:s28+$0xC00] =	vst v2;
	v4 =	vmul.f32 $1.270000000e+02, v6;
	v15 =	vmul.f32 v13, v5  }
0x109: {  	[tilespmem:s28+$0xD00] =	vst v16;
	v7 =	vadd.s32 $0x1, v2;
	v5 =	vmul.f32 v5, v11;
	v6 =	vtrunc.f32 v14  }
0x10a: {  	v61 =	vadd.s32 $0x4000, v2;
	[tilespmem:s28+$0xC80] =	vst v7;
	v7 =	vmul.f32 v13, v8;
	v9 =	vmul.f32 v13, v9  }
0x10b: {  	[tilespmem:s28+$0xE00] =	vst v61;
	v13 =	vmul.f32 v13, v12;
	v6 =	vcvt.f32.s32 v6  }
0x10c: {  	[tilespmem:s28+$0x1680] =	vst v10;
	v17 =	vtrunc.f32 v4;
	v3 =	vmul.f32 $1.270000000e+02, v3  }
0x10d: {  	v10 =	vadd.s32 $0x81, v2;
	[tilespmem:s28+$0x1400] =	vst v15;
	v17 =	vcvt.f32.s32 v17;
	vm13 =	vgt.s32 v6, $0x0  }
0x10e: {  	[tilespmem:s28+$0x1500] =	vst v7;
	v7 =	vmul.f32 v11, v8;
	v6 =	vnsel vm13, $0x0, v6;
	v8 =	vtrunc.f32 v3  }
0x10f: {  	[tilespmem:s28+$0x1480] =	vst v5;
	vm14 =	vgt.s32 v17, $0x0;
	v6 =	vmin.u32 v6, $0x7E;
	v8 =	vcvt.f32.s32 v8  }
0x110: {  	v5 =	vadd.s32 $0x4001, v2;
	[tilespmem:s28+$0x1600] =	vst v9;
	v62 =	vnsel vm14, $0x0, v17;
	v63 =	vcvt.s32.f32 v6  }
0x111: {  	[tilespmem:s28+$0x1580] =	vst v7;
	v7 =	vshll.u32 v6, $0x7;
	v16 =	vmin.u32 v62, $0x7E;
	vm15 =	vgt.s32 v8, $0x0  }
0x112: {  	[tilespmem:s28+$0xD80] =	vst v10;
	v9 =	vcvt.s32.f32 v16;
	v8 =	vnsel vm15, $0x0, v8;
	v6 =	vsub.f32 v14, v63  }
0x113: {  	s29 =	simm.s32 $0x20;
	s30 =	simm.s32 $0xC0;
	[tilespmem:s28+$0x1700] =	vst v13;
	v11 =	vmul.f32 v11, v12;
	v10 =	vshll.u32 v16, $0xE;
	v8 =	vmin.u32 v8, $0x7E  }
.LBB2_9:
0x114: {  	p1 =	sne.s32 s30, $0x1C0;
	v12 =	vld [tilespmem:s29+$0x480];
	v4 =	vsub.f32 v4, v9;
	v9 =	vcvt.s32.f32 v8;
	v13 =	vsub.f32 $1.000000000e+00, v6;
	[tilespmem:s28+$0xE80] =	vst v5  }
0x115: {  	v5 =	vor.u32 v10, v7;
	v7 =	vadd.s32 $0x4080, v2;
	v10 =	vadd.s32 $0x4081, v2;
	[tilespmem:s28+$0x1780] =	vst v11  }
0x116: {  	v11 =	vld [tilespmem:s29+$0x400];
	v14 =	vsub.f32 v3, v9;
	v3 =	vsub.f32 $1.000000000e+00, v4;
	v9 =	vmul.f32 v13, v4;
	[tilespmem:s28+$0xF00] =	vst v7  }
0x117: {  	v2 =	vor.u32 v8, v5;
	v15 =	vmul.f32 v6, v4;
	[tilespmem:s28+$0xF80] =	vst v10;
	s28 =	smov.u32 s26;
	s26 =	smov.u32 s29  }
0x118: {  	v5 =	vld [tilespmem:s26+$0x500];
	v8 =	vsub.f32 $1.000000000e+00, v14;
	[tilespmem:s28+$0xC00] =	vst v2;
	v4 =	vmul.f32 v13, v3;
	v7 =	vmul.f32 v9, v14  }
0x119: {  	v6 =	vmul.f32 v6, v3;
	v10 =	vmul.f32 $1.270000000e+02, v12;
	v12 =	vadd.s32 $0x1, v2  }
0x11a: {  	v16 =	vadd.s32 $0x80, v2;
	v3 =	vmul.f32 v8, v4;
	v13 =	vmul.f32 v4, v14;
	[tilespmem:s28+$0x1680] =	vst v7  }
0x11b: {  	v4 =	vmul.f32 $1.270000000e+02, v11;
	v7 =	vtrunc.f32 v10;
	[tilespmem:s28+$0xC80] =	vst v12;
	v11 =	vadd.s32 $0x81, v2  }
0x11c: {  	v17 =	vadd.s32 $0x4000, v2;
	v12 =	vmul.f32 v8, v6;
	v7 =	vcvt.f32.s32 v7;
	[tilespmem:s28+$0x1400] =	vst v3  }
0x11d: {  	v3 =	vmul.f32 $1.270000000e+02, v5;
	v18 =	vtrunc.f32 v4;
	[tilespmem:s28+$0x1480] =	vst v13;
	v5 =	vadd.s32 $0x4001, v2  }
0x11e: {  	v6 =	vmul.f32 v14, v6;
	v13 =	vcvt.f32.s32 v18;
	vm0 =	vgt.s32 v7, $0x0;
	[tilespmem:s28+$0x1500] =	vst v12  }
0x11f: {  	v9 =	vmul.f32 v8, v9;
	v7 =	vnsel vm0, $0x0, v7;
	v12 =	vtrunc.f32 v3;
	[tilespmem:s28+$0xD00] =	vst v16  }
.Ltmp3:
0x120: {  	vm0 =	vgt.s32 v13, $0x0;
	v7 =	vmin.u32 v7, $0x7E;
	v12 =	vcvt.f32.s32 v12;
	[tilespmem:s28+$0x1580] =	vst v6;
	(pc) =	sbr.rel @p1 .LBB2_9-.Ltmp3, $4  }
0x121: {  	v6 =	vnsel vm0, $0x0, v13;
	v13 =	vcvt.s32.f32 v7;
	v7 =	vshll.u32 v7, $0x7;
	[tilespmem:s28+$0x1600] =	vst v9  }
0x122: {  	v16 =	vmin.u32 v6, $0x7E;
	vm0 =	vgt.s32 v12, $0x0;
	[tilespmem:s28+$0xD80] =	vst v11;
	v11 =	vmul.f32 v8, v15  }
0x123: {  	v8 =	vnsel vm0, $0x0, v12;
	v9 =	vcvt.s32.f32 v16;
	v6 =	vsub.f32 v10, v13;
	[tilespmem:s28+$0xE00] =	vst v17  }
0x124: {  	s29 =	sshra.s32 s30, $0x2;
	s30 =	sadd.s32 $0x40, s30;
	v10 =	vshll.u32 v16, $0xE;
	v8 =	vmin.u32 v8, $0x7E;
	[tilespmem:s28+$0x1700] =	vst v11;
	v11 =	vmul.f32 v14, v15  }
0x125: {  	v4 =	vsub.f32 v4, v9  }
0x126: {  	v12 =	vld [tilespmem:s29+$0x480];
	[tilespmem:s28+$0xE80] =	vst v5;
	v5 =	vcvt.s32.f32 v8;
	v48 =	vsub.f32 $1.000000000e+00, v6;
	v7 =	vor.u32 v10, v7  }
0x127: {  	v49 =	vadd.s32 $0x4080, v2;
	v2 =	vadd.s32 $0x4081, v2;
	[tilespmem:s28+$0x1780] =	vst v11;
	v7 =	vor.u32 v8, v7  }
0x128: {  	v11 =	vld [tilespmem:s29+$0x400];
	v3 =	vsub.f32 v3, v5;
	v5 =	vsub.f32 $1.000000000e+00, v4;
	v13 =	vmul.f32 v48, v4;
	[tilespmem:s28+$0xF00] =	vst v49  }
0x129: {  	v4 =	vmul.f32 v6, v4;
	[tilespmem:s28+$0xF80] =	vst v2;
	v14 =	vadd.s32 $0x1, v7  }
0x12a: {  	v2 =	vld [tilespmem:s29+$0x500];
	[tilespmem:s26+$0xC00] =	vst v7;
	v8 =	vsub.f32 $1.000000000e+00, v3;
	v9 =	vmul.f32 v48, v5;
	v50 =	vmul.f32 v13, v3  }
0x12b: {  	v15 =	vadd.s32 $0x80, v7;
	[tilespmem:s26+$0xC80] =	vst v14;
	v5 =	vmul.f32 v6, v5;
	v12 =	vmul.f32 $1.270000000e+02, v12  }
0x12c: {  	v16 =	vadd.s32 $0x81, v7;
	[tilespmem:s26+$0xD00] =	vst v15;
	v6 =	vmul.f32 v8, v9;
	v9 =	vmul.f32 v9, v3  }
0x12d: {  	v17 =	vadd.s32 $0x4000, v7;
	[tilespmem:s26+$0xD80] =	vst v16;
	v51 =	vmul.f32 $1.270000000e+02, v11;
	v52 =	vtrunc.f32 v12  }
0x12e: {  	v18 =	vadd.s32 $0x4001, v7;
	[tilespmem:s26+$0xE00] =	vst v17;
	v53 =	vmul.f32 v8, v5;
	v11 =	vcvt.f32.s32 v52  }
0x12f: {  	v58 =	vadd.s32 $0x4080, v7;
	[tilespmem:s26+$0x1400] =	vst v6;
	v2 =	vmul.f32 $1.270000000e+02, v2;
	v6 =	vtrunc.f32 v51  }
0x130: {  	[tilespmem:s26+$0xE80] =	vst v18;
	v7 =	vadd.s32 $0x4081, v7;
	v5 =	vmul.f32 v3, v5;
	v6 =	vcvt.f32.s32 v6  }
0x131: {  	[tilespmem:s26+$0xF00] =	vst v58;
	v13 =	vmul.f32 v8, v13;
	vm0 =	vgt.s32 v11, $0x0;
	v55 =	vtrunc.f32 v2  }
0x132: {  	[tilespmem:s26+$0x1480] =	vst v9;
	v54 =	vnsel vm0, $0x0, v11;
	v11 =	vcvt.f32.s32 v55;
	vm14 =	vgt.s32 v6, $0x0  }
0x133: {  	v8 =	vmul.f32 v8, v4;
	[tilespmem:s26+$0x1580] =	vst v5;
	v9 =	vmin.u32 v54, $0x7E;
	v5 =	vnsel vm14, $0x0, v6  }
0x134: {  	[tilespmem:s26+$0xF80] =	vst v7;
	v6 =	vcvt.s32.f32 v9;
	vm15 =	vgt.s32 v11, $0x0;
	v5 =	vmin.u32 v5, $0x7E  }
0x135: {  	[tilespmem:s26+$0x1680] =	vst v50;
	v3 =	vmul.f32 v3, v4;
	v11 =	vnsel vm15, $0x0, v11;
	v56 =	vcvt.s32.f32 v5  }
0x136: {  	[tilespmem:s26+$0x1500] =	vst v53;
	v9 =	vshll.u32 v9, $0x7;
	v6 =	vsub.f32 v12, v6;
	v11 =	vmin.u32 v11, $0x7E  }
0x137: {  	[tilespmem:s26+$0x1700] =	vst v8;
	v5 =	vshll.u32 v5, $0xE;
	v8 =	vcvt.s32.f32 v11;
	v4 =	vsub.f32 v51, v56  }
0x138: {  	[tilespmem:s26+$0x1600] =	vst v13;
	v5 =	vor.u32 v5, v9;
	v57 =	vsub.f32 $1.000000000e+00, v6  }
0x139: {  	[tilespmem:s26+$0x1780] =	vst v3;
	v5 =	vor.u32 v11, v5;
	v2 =	vsub.f32 v2, v8;
	v3 =	vsub.f32 $1.000000000e+00, v4  }
0x13a: {  	[tilespmem:s29+$0xC00] =	vst v5;
	v11 =	vadd.s32 $0x1, v5;
	v63 =	vadd.s32 $0x80, v5;
	v8 =	vmul.f32 v57, v4  }
0x13b: {  	[tilespmem:s29+$0xC80] =	vst v11;
	v4 =	vmul.f32 v6, v4;
	v7 =	vsub.f32 $1.000000000e+00, v2;
	v59 =	vmul.f32 v57, v3  }
0x13c: {  	[tilespmem:s29+$0xD00] =	vst v63;
	v60 =	vmul.f32 v8, v2;
	v3 =	vmul.f32 v6, v3;
	v6 =	vadd.s32 $0x4000, v5  }
0x13d: {  	[tilespmem:s29+$0xE00] =	vst v6  }
0x13e: {  	v8 =	vmul.f32 v7, v8;
	v6 =	vadd.s32 $0x4001, v5;
	[tilespmem:s29+$0x1680] =	vst v60  }
0x13f: {  	v61 =	vmul.f32 v7, v59;
	[tilespmem:s29+$0xE80] =	vst v6  }
0x140: {  	v9 =	vmul.f32 v59, v2;
	[tilespmem:s29+$0x1600] =	vst v8  }
0x141: {  	v62 =	vmul.f32 v7, v3;
	[tilespmem:s29+$0x1400] =	vst v61  }
0x142: {  	v3 =	vmul.f32 v2, v3;
	[tilespmem:s29+$0x1480] =	vst v9  }
0x143: {  	v2 =	vmul.f32 v2, v4;
	[tilespmem:s29+$0x1500] =	vst v62  }
0x144: {  	[tilespmem:s29+$0x1580] =	vst v3  }
0x145: {  	v3 =	vadd.s32 $0x81, v5;
	[tilespmem:s29+$0x1780] =	vst v2  }
0x146: {  	v2 =	vadd.s32 $0x4081, v5;
	[tilespmem:s29+$0xD80] =	vst v3;
	v3 =	vmul.f32 v7, v4  }
0x147: {  	[tilespmem:s29+$0xF80] =	vst v2  }
0x148: {  	[tilespmem:s29+$0x1700] =	vst v3;
	v3 =	vadd.s32 $0x4080, v5  }
0x149: {  	s31 =	simm.s32 $0xC00;
	s28 =	simm.s32 $0x9800;
	[tilespmem:s29+$0xF00] =	vst v3  }
0x14a: {  	[tilespmem:s28], [sflag:$0x2] =	stream.indirect.gather [hbm4b:s3+s20], $0x20, s31, s20, $0xb8;
	[tilespmem:$0x13800] =	vst v63  }
0x14b: {  	s30 =	simm.s32 $0xC80;
	s28 =	simm.s32 $0xA800  }
0x14c: {  	[tilespmem:s28], [sflag:$0x2] =	stream.indirect.gather [hbm4b:s3+s20], $0x20, s30, s20, $0xb8;
	[tilespmem:$0x13800] =	vst v63  }
0x14d: {  	s31 =	simm.s32 $0xD00;
	s28 =	simm.s32 $0xB800  }
0x14e: {  	[tilespmem:s28], [sflag:$0x2] =	stream.indirect.gather [hbm4b:s3+s20], $0x20, s31, s20, $0xb8;
	[tilespmem:$0x13800] =	vst v63  }
0x14f: {  	s30 =	simm.s32 $0xD80;
	s28 =	simm.s32 $0xC800  }
0x150: {  	[tilespmem:s28], [sflag:$0x2] =	stream.indirect.gather [hbm4b:s3+s20], $0x20, s30, s20, $0xb8;
	[tilespmem:$0x13800] =	vst v63  }
0x151: {  	s31 =	simm.s32 $0xE00;
	s28 =	simm.s32 $0xD800  }
0x152: {  	[tilespmem:s28], [sflag:$0x2] =	stream.indirect.gather [hbm4b:s3+s20], $0x20, s31, s20, $0xb8;
	[tilespmem:$0x13800] =	vst v63  }
0x153: {  	s30 =	simm.s32 $0xE80;
	s28 =	simm.s32 $0xE800  }
0x154: {  	[tilespmem:s28], [sflag:$0x2] =	stream.indirect.gather [hbm4b:s3+s20], $0x20, s30, s20, $0xb8;
	[tilespmem:$0x13800] =	vst v63  }
0x155: {  	s31 =	simm.s32 $0xF00  }
0x156: {  	[tilespmem:s0], [sflag:$0x2] =	stream.indirect.gather [hbm4b:s3+s20], $0x20, s31, s20, $0xb8;
	[tilespmem:$0x13800] =	vst v63  }
0x157: {  	s26 =	simm.s32 @!p0 $0x3  }
0x158: {  	[tilespmem:s13], [sflag:$0x2] =	stream.indirect.gather [hbm4b:s3+s20], $0x20, s1, s20, $0xb8;
	[tilespmem:$0x13800] =	vst v63  }
0x159: {  	_ =	swait.ge @!p0 [sflag:s26], $0x400  }
0x15a: {  	[sflag:s26] =	ssyncset.done @!p0 $0x0  }
0x15b: {  	[sflag:s26] =	ssyncadd.s32 @!p0 $0xFFFFFC00  }
0x15c: {  	_ =	swait.ge @!p0 [sflag:s26], $0x400  }
0x15d: {  	[sflag:s26] =	ssyncset.done @!p0 $0x0  }
0x15e: {  	[sflag:s26] =	ssyncadd.s32 @!p0 $0xFFFFFC00  }
0x15f: {  	_ =	swait.ge @!p0 [sflag:s26], $0x400  }
0x160: {  	[sflag:s26] =	ssyncset.done @!p0 $0x0  }
0x161: {  	[sflag:s26] =	ssyncadd.s32 @!p0 $0xFFFFFC00  }
0x162: {  	_ =	swait.ge @!p0 [sflag:s26], $0x400  }
0x163: {  	[sflag:s26] =	ssyncset.done @!p0 $0x0  }
0x164: {  	[sflag:s26] =	ssyncadd.s32 @!p0 $0xFFFFFC00  }
0x165: {  	_ =	swait.ge [sflag:s14], $0x1000  }
0x166: {  	[sflag:s14] =	ssyncset.done $0x0  }
0x167: {  	[sflag:s14] =	ssyncadd.s32 $0xFFFFF000  }
0x168: {  	_ =	swait.ge [sflag:s14], $0x1000  }
0x169: {  	[sflag:s14] =	ssyncset.done $0x0  }
0x16a: {  	[sflag:s14] =	ssyncadd.s32 $0xFFFFF000  }
0x16b: {  	_ =	swait.ge [sflag:s14], $0x1000  }
0x16c: {  	[sflag:s14] =	ssyncset.done $0x0  }
0x16d: {  	[sflag:s14] =	ssyncadd.s32 $0xFFFFF000  }
0x16e: {  	_ =	swait.ge [sflag:s14], $0x1000  }
0x16f: {  	[sflag:s14] =	ssyncset.done $0x0  }
0x170: {  	[sflag:s14] =	ssyncadd.s32 $0xFFFFF000  }
0x171: {  	_ =	swait.ge [sflag:s14], $0x1000  }
0x172: {  	[sflag:s14] =	ssyncset.done $0x0  }
0x173: {  	[sflag:s14] =	ssyncadd.s32 $0xFFFFF000  }
0x174: {  	_ =	swait.ge [sflag:s14], $0x1000  }
0x175: {  	[sflag:s14] =	ssyncset.done $0x0  }
0x176: {  	[sflag:s14] =	ssyncadd.s32 $0xFFFFF000  }
0x177: {  	_ =	swait.ge [sflag:s14], $0x1000  }
0x178: {  	[sflag:s14] =	ssyncset.done $0x0  }
0x179: {  	[sflag:s14] =	ssyncadd.s32 $0xFFFFF000  }
0x17a: {  	_ =	swait.ge [sflag:s14], $0x1000  }
0x17b: {  	[sflag:s14] =	ssyncset.done $0x0  }
0x17c: {  	s26 =	simm.s32 $0x0;
	[sflag:s14] =	ssyncadd.s32 $0xFFFFF000  }
0x17d: {  	v2 =	vld [tilespmem:s26+$0x780C]  }
0x17e: {  	s28 =	simm.s32 $0x0;
	v4 =	vld [tilespmem:s26+$0x680C]  }
0x17f: {  	v7 =	vmov s28;
	v5 =	vld [tilespmem:s26+$0x580C]  }
0x180: {  	s29 =	simm.s32 $0x80;
	v3 =	vand.u32 $0x7F, v7;
	v6 =	vld [tilespmem:s26+$0x480C]  }
.LBB2_11:
0x181: {  	p0 =	sne.s32 s29, $0x3F80;
	v8 =	vor.u32 $0x80, v3;
	v9 =	vld [tilespmem:s26+$0x380C]  }
0x182: {  	v10 =	vld [tilespmem:s26+$0x180C]  }
0x183: {  	v12 =	vor.u32 $0x100, v3;
	v11 =	vld [tilespmem:s26+$0x280C]  }
0x184: {  	v13 =	vld [tilespmem:s26+$0x1800]  }
0x185: {  	v14 =	vor.u32 $0x180, v3;
	v7 =	vld.idx.msk [tilespmem:v7+s15+$0x0], $0xffff  }
0x186: {  	v8 =	vld.idx.msk [tilespmem:v8+s15+$0x0], $0xffff  }
0x187: {  	v16 =	vor.u32 $0x200, v3;
	v15 =	vld [tilespmem:s26+$0x2800]  }
0x188: {  	v12 =	vld.idx.msk [tilespmem:v12+s15+$0x0], $0xffff  }
0x189: {  	v18 =	vor.u32 $0x280, v3;
	v17 =	vld [tilespmem:s26+$0x3800]  }
0x18a: {  	v14 =	vld.idx.msk [tilespmem:v14+s15+$0x0], $0xffff  }
0x18b: {  	v20 =	vor.u32 $0x300, v3;
	v19 =	vld [tilespmem:s26+$0x4800]  }
0x18c: {  	v13 =	vmul.f32 v13, v7;
	v15 =	vmul.f32 v15, v8;
	v16 =	vld.idx.msk [tilespmem:v16+s15+$0x0], $0xffff  }
0x18d: {  	v7 =	vmul.f32 v10, v7;
	v8 =	vmul.f32 v11, v8;
	v11 =	vor.u32 $0x380, v3;
	v10 =	vld [tilespmem:s26+$0x5800]  }
0x18e: {  	v13 =	vadd.f32 v15, v13;
	v15 =	vmul.f32 v17, v12;
	v17 =	vld.idx.msk [tilespmem:v18+s15+$0x0], $0xffff  }
0x18f: {  	v7 =	vadd.f32 v8, v7;
	v8 =	vmul.f32 v9, v12;
	v9 =	vld [tilespmem:s26+$0x6800]  }
0x190: {  	v12 =	vadd.f32 v15, v13;
	v13 =	vmul.f32 v19, v14;
	v15 =	vld.idx.msk [tilespmem:v20+s15+$0x0], $0xffff  }
0x191: {  	v6 =	vmul.f32 v6, v14;
	v7 =	vadd.f32 v8, v7;
	v8 =	vld [tilespmem:s26+$0x7800]  }
0x192: {  	v12 =	vadd.f32 v13, v12;
	v10 =	vmul.f32 v10, v16;
	v11 =	vld.idx.msk [tilespmem:v11+s15+$0x0], $0xffff  }
0x193: {  	v5 =	vmul.f32 v5, v16;
	v6 =	vadd.f32 v6, v7;
	v7 =	vld [tilespmem:s26+$0x8800]  }
0x194: {  	v10 =	vadd.f32 v10, v12;
	v9 =	vmul.f32 v9, v17;
	v12 =	vld [tilespmem:s26+$0x880C]  }
0x195: {  	v4 =	vmul.f32 v4, v17;
	v5 =	vadd.f32 v5, v6  }
0x196: {  	v6 =	vadd.f32 v9, v10;
	v8 =	vmul.f32 v8, v15  }
0x197: {  	v2 =	vmul.f32 v2, v15;
	v4 =	vadd.f32 v4, v5;
	v5 =	vor.u32 v0, v3  }
0x198: {  	v3 =	vor.u32 v1, v3;
	v6 =	vadd.f32 v8, v6;
	v7 =	vmul.f32 v7, v11  }
0x199: {  	v2 =	vadd.f32 v2, v4;
	v4 =	vmul.f32 v12, v11  }
0x19a: {  	v6 =	vadd.f32 v7, v6  }
0x19b: {  	v2 =	vadd.f32 v4, v2  }
0x19c: {  	[tilespmem:v5+s16+$0x0] =	vst.idx.msk $0xffff, v6  }
.Ltmp4:
0x19d: {  	s26 =	sshra.s32 s29, $0x2;
	[tilespmem:v3+s16+$0x0] =	vst.idx.msk $0xffff, v2;
	(pc) =	sbr.rel @p0 .LBB2_11-.Ltmp4, $4  }
0x19e: {  	v2 =	vld [tilespmem:s26+$0x780C]  }
0x19f: {  	s28 =	sadd.s32 $0x1, s28;
	v4 =	vld [tilespmem:s26+$0x680C]  }
0x1a0: {  	v7 =	vmov s28;
	v5 =	vld [tilespmem:s26+$0x580C]  }
0x1a1: {  	s29 =	sadd.s32 $0x80, s29;
	v3 =	vand.u32 $0x7F, v7;
	v6 =	vld [tilespmem:s26+$0x480C]  }
0x1a2: {  	v9 =	vld [tilespmem:s26+$0x380C]  }
0x1a3: {  	v8 =	vor.u32 $0x80, v3;
	v10 =	vld [tilespmem:s26+$0x180C]  }
0x1a4: {  	v11 =	vld [tilespmem:s26+$0x280C]  }
0x1a5: {  	v12 =	vor.u32 $0x100, v3;
	v13 =	vld [tilespmem:s26+$0x1800]  }
0x1a6: {  	v7 =	vld.idx.msk [tilespmem:v7+s15+$0x0], $0xffff  }
0x1a7: {  	v14 =	vor.u32 $0x180, v3;
	v15 =	vld [tilespmem:s26+$0x2800]  }
0x1a8: {  	v8 =	vld.idx.msk [tilespmem:v8+s15+$0x0], $0xffff  }
0x1a9: {  	v16 =	vor.u32 $0x200, v3;
	v17 =	vld [tilespmem:s26+$0x3800]  }
0x1aa: {  	v12 =	vld.idx.msk [tilespmem:v12+s15+$0x0], $0xffff  }
0x1ab: {  	v18 =	vor.u32 $0x280, v3;
	v19 =	vld [tilespmem:s26+$0x4800]  }
0x1ac: {  	v14 =	vld.idx.msk [tilespmem:v14+s15+$0x0], $0xffff  }
0x1ad: {  	v20 =	vor.u32 $0x300, v3;
	v49 =	vld [tilespmem:s26+$0x5800];
	v13 =	vmul.f32 v13, v7;
	v15 =	vmul.f32 v15, v8  }
0x1ae: {  	v16 =	vld.idx.msk [tilespmem:v16+s15+$0x0], $0xffff;
	v7 =	vmul.f32 v10, v7;
	v8 =	vmul.f32 v11, v8  }
0x1af: {  	v50 =	vor.u32 $0x380, v3;
	v54 =	vld [tilespmem:s26+$0x6800];
	v51 =	vmul.f32 v17, v12;
	v13 =	vadd.f32 v15, v13  }
0x1b0: {  	v52 =	vld.idx.msk [tilespmem:v18+s15+$0x0], $0xffff;
	v53 =	vmul.f32 v9, v12;
	v7 =	vadd.f32 v8, v7  }
0x1b1: {  	v58 =	vld [tilespmem:s26+$0x7800];
	v56 =	vmul.f32 v19, v14;
	v55 =	vadd.f32 v51, v13  }
0x1b2: {  	v57 =	vld.idx.msk [tilespmem:v20+s15+$0x0], $0xffff;
	v6 =	vmul.f32 v6, v14;
	v7 =	vadd.f32 v53, v7  }
0x1b3: {  	v59 =	vld [tilespmem:s26+$0x8800];
	v10 =	vmul.f32 v49, v16;
	v12 =	vadd.f32 v56, v55  }
0x1b4: {  	v11 =	vld.idx.msk [tilespmem:v50+s15+$0x0], $0xffff;
	v5 =	vmul.f32 v5, v16;
	v6 =	vadd.f32 v6, v7  }
0x1b5: {  	v60 =	vld [tilespmem:s26+$0x880C];
	v9 =	vmul.f32 v54, v52;
	v10 =	vadd.f32 v10, v12  }
0x1b6: {  	v4 =	vmul.f32 v4, v52;
	v5 =	vadd.f32 v5, v6  }
0x1b7: {  	v8 =	vmul.f32 v58, v57;
	v61 =	vadd.f32 v9, v10  }
0x1b8: {  	v62 =	vor.u32 v0, v3;
	v2 =	vmul.f32 v2, v57;
	v4 =	vadd.f32 v4, v5  }
0x1b9: {  	v3 =	vor.u32 v1, v3;
	v7 =	vmul.f32 v59, v11;
	v6 =	vadd.f32 v8, v61  }
0x1ba: {  	v63 =	vmul.f32 v60, v11;
	v2 =	vadd.f32 v2, v4  }
0x1bb: {  	v6 =	vadd.f32 v7, v6  }
0x1bc: {  	v2 =	vadd.f32 v63, v2  }
0x1bd: {  	[tilespmem:v62+s16+$0x0] =	vst.idx.msk $0xffff, v6  }
0x1be: {  	s28 =	sadd.s32 s5, s25;
	s24 =	sadd.s32 $0x1, s24;
	[tilespmem:v3+s16+$0x0] =	vst.idx.msk $0xffff, v2  }
0x1bf: {  	[hbm4b:s28+s2] =	stream.linear.scatter [tilespmem:s16], [sflag:$0x3], $0x400, $0x38;
	[tilespmem:$0x13800] =	vst v63  }
0x1c0: {  	s29 =	sadd.s32 s25, s10;
	p0 =	sne.s32 s24, $0x80  }
0x1c1: {  	[hbm4b:s29+s2] =	stream.linear.scatter [tilespmem:s17], [sflag:$0x3], $0x400, $0x38;
	[tilespmem:$0x13800] =	vst v63  }
.Ltmp5:
0x1c2: {  	_ = 	snop;
	(pc) =	sbr.rel @p0 .LBB2_2-.Ltmp5, $4  }
0x1c3: {  	s30 =	sadd.s32 s25, s11  }
0x1c4: {  	[hbm4b:s30+s2] =	stream.linear.scatter [tilespmem:s6], [sflag:$0x3], $0x400, $0x38;
	[tilespmem:$0x13800] =	vst v63  }
0x1c5: {  	s31 =	sadd.s32 s25, s12  }
0x1c6: {  	[hbm4b:s31+s2] =	stream.linear.scatter [tilespmem:s19], [sflag:$0x3], $0x400, $0x38;
	[tilespmem:$0x13800] =	vst v63  }
0x1c7: {  	_ =	swait.ge [sflag:s21], $0x400  }
0x1c8: {  	[sflag:s21] =	ssyncset.done $0x0  }
0x1c9: {  	[sflag:s21] =	ssyncadd.s32 $0xFFFFFC00  }
0x1ca: {  	_ =	swait.ge [sflag:s21], $0x400  }
0x1cb: {  	[sflag:s21] =	ssyncset.done $0x0  }
0x1cc: {  	[sflag:s21] =	ssyncadd.s32 $0xFFFFFC00  }
0x1cd: {  	_ =	swait.ge [sflag:s21], $0x400  }
0x1ce: {  	[sflag:s21] =	ssyncset.done $0x0  }
0x1cf: {  	[sflag:s21] =	ssyncadd.s32 $0xFFFFFC00  }
0x1d0: {  	_ =	swait.ge [sflag:s21], $0x400  }
0x1d1: {  	[sflag:s21] =	ssyncset.done $0x0  }
0x1d2: {  	[sflag:s21] =	ssyncadd.s32 $0xFFFFFC00  }
0x1d3: {  	_ =	swait.ge [sflag:s14], $0x1000  }
0x1d4: {  	[sflag:s14] =	ssyncset.done $0x0  }
0x1d5: {  	[sflag:s14] =	ssyncadd.s32 $0xFFFFF000  }
0x1d6: {  	_ =	swait.ge [sflag:s14], $0x1000  }
0x1d7: {  	[sflag:s14] =	ssyncset.done $0x0  }
0x1d8: {  	[sflag:s14] =	ssyncadd.s32 $0xFFFFF000  }
0x1d9: {  	_ =	swait.ge [sflag:s14], $0x1000  }
0x1da: {  	[sflag:s14] =	ssyncset.done $0x0  }
0x1db: {  	[sflag:s14] =	ssyncadd.s32 $0xFFFFF000  }
0x1dc: {  	_ =	swait.ge [sflag:s14], $0x1000  }
0x1dd: {  	[sflag:s14] =	ssyncset.done $0x0  }
0x1de: {  	[sflag:s14] =	ssyncadd.s32 $0xFFFFF000  }
0x1df: {  	_ =	swait.ge [sflag:s14], $0x1000  }
0x1e0: {  	[sflag:s14] =	ssyncset.done $0x0  }
0x1e1: {  	[sflag:s14] =	ssyncadd.s32 $0xFFFFF000  }
0x1e2: {  	_ =	swait.ge [sflag:s14], $0x1000  }
0x1e3: {  	[sflag:s14] =	ssyncset.done $0x0  }
0x1e4: {  	[sflag:s14] =	ssyncadd.s32 $0xFFFFF000  }
0x1e5: {  	_ =	swait.ge [sflag:s14], $0x1000  }
0x1e6: {  	[sflag:s14] =	ssyncset.done $0x0  }
0x1e7: {  	[sflag:s14] =	ssyncadd.s32 $0xFFFFF000  }
0x1e8: {  	_ =	swait.ge [sflag:s14], $0x1000  }
0x1e9: {  	[sflag:s14] =	ssyncset.done $0x0  }
0x1ea: {  	s24 =	simm.s32 $0x0;
	[sflag:s14] =	ssyncadd.s32 $0xFFFFF000  }
0x1eb: {  	v2 =	vld [tilespmem:s24+$0xF80C]  }
0x1ec: {  	s25 =	simm.s32 $0x0;
	v4 =	vld [tilespmem:s24+$0xE80C]  }
0x1ed: {  	v7 =	vmov s25;
	v5 =	vld [tilespmem:s24+$0xD80C]  }
0x1ee: {  	s26 =	simm.s32 $0x80;
	v3 =	vand.u32 $0x7F, v7;
	v6 =	vld [tilespmem:s24+$0xC80C]  }
.LBB2_14:
0x1ef: {  	p0 =	sne.s32 s26, $0x3F80;
	v8 =	vor.u32 $0x80, v3;
	v9 =	vld [tilespmem:s24+$0xB80C]  }
0x1f0: {  	v10 =	vld [tilespmem:s24+$0x980C]  }
0x1f1: {  	v12 =	vor.u32 $0x100, v3;
	v11 =	vld [tilespmem:s24+$0xA80C]  }
0x1f2: {  	v13 =	vld [tilespmem:s24+$0x9800]  }
0x1f3: {  	v14 =	vor.u32 $0x180, v3;
	v7 =	vld.idx.msk [tilespmem:v7+s22+$0x0], $0xffff  }
0x1f4: {  	v8 =	vld.idx.msk [tilespmem:v8+s22+$0x0], $0xffff  }
0x1f5: {  	v16 =	vor.u32 $0x200, v3;
	v15 =	vld [tilespmem:s24+$0xA800]  }
0x1f6: {  	v12 =	vld.idx.msk [tilespmem:v12+s22+$0x0], $0xffff  }
0x1f7: {  	v18 =	vor.u32 $0x280, v3;
	v17 =	vld [tilespmem:s24+$0xB800]  }
0x1f8: {  	v14 =	vld.idx.msk [tilespmem:v14+s22+$0x0], $0xffff  }
0x1f9: {  	v20 =	vor.u32 $0x300, v3;
	v19 =	vld [tilespmem:s24+$0xC800]  }
0x1fa: {  	v13 =	vmul.f32 v13, v7;
	v15 =	vmul.f32 v15, v8;
	v16 =	vld.idx.msk [tilespmem:v16+s22+$0x0], $0xffff  }
0x1fb: {  	v7 =	vmul.f32 v10, v7;
	v8 =	vmul.f32 v11, v8;
	v11 =	vor.u32 $0x380, v3;
	v10 =	vld [tilespmem:s24+$0xD800]  }
0x1fc: {  	v13 =	vadd.f32 v15, v13;
	v15 =	vmul.f32 v17, v12;
	v17 =	vld.idx.msk [tilespmem:v18+s22+$0x0], $0xffff  }
0x1fd: {  	v7 =	vadd.f32 v8, v7;
	v8 =	vmul.f32 v9, v12;
	v9 =	vld [tilespmem:s24+$0xE800]  }
0x1fe: {  	v12 =	vadd.f32 v15, v13;
	v13 =	vmul.f32 v19, v14;
	v15 =	vld.idx.msk [tilespmem:v20+s22+$0x0], $0xffff  }
0x1ff: {  	v6 =	vmul.f32 v6, v14;
	v7 =	vadd.f32 v8, v7;
	v8 =	vld [tilespmem:s24+$0xF800]  }
0x200: {  	v12 =	vadd.f32 v13, v12;
	v10 =	vmul.f32 v10, v16;
	v11 =	vld.idx.msk [tilespmem:v11+s22+$0x0], $0xffff  }
0x201: {  	v5 =	vmul.f32 v5, v16;
	v6 =	vadd.f32 v6, v7;
	v7 =	vld [tilespmem:s24+$0x10800]  }
0x202: {  	v10 =	vadd.f32 v10, v12;
	v9 =	vmul.f32 v9, v17;
	v12 =	vld [tilespmem:s24+$0x1080C]  }
0x203: {  	v4 =	vmul.f32 v4, v17;
	v5 =	vadd.f32 v5, v6  }
0x204: {  	v6 =	vadd.f32 v9, v10;
	v8 =	vmul.f32 v8, v15  }
0x205: {  	v2 =	vmul.f32 v2, v15;
	v4 =	vadd.f32 v4, v5;
	v5 =	vor.u32 v0, v3  }
0x206: {  	v3 =	vor.u32 v1, v3;
	v6 =	vadd.f32 v8, v6;
	v7 =	vmul.f32 v7, v11  }
0x207: {  	v2 =	vadd.f32 v2, v4;
	v4 =	vmul.f32 v12, v11  }
0x208: {  	v6 =	vadd.f32 v7, v6  }
0x209: {  	v2 =	vadd.f32 v4, v2  }
0x20a: {  	[tilespmem:v5+s23+$0x0] =	vst.idx.msk $0xffff, v6  }
.Ltmp6:
0x20b: {  	s24 =	sshra.s32 s26, $0x2;
	[tilespmem:v3+s23+$0x0] =	vst.idx.msk $0xffff, v2;
	(pc) =	sbr.rel @p0 .LBB2_14-.Ltmp6, $4  }
0x20c: {  	v2 =	vld [tilespmem:s24+$0xF80C]  }
0x20d: {  	s25 =	sadd.s32 $0x1, s25;
	v4 =	vld [tilespmem:s24+$0xE80C]  }
0x20e: {  	v7 =	vmov s25;
	v5 =	vld [tilespmem:s24+$0xD80C]  }
0x20f: {  	s26 =	sadd.s32 $0x80, s26;
	v3 =	vand.u32 $0x7F, v7;
	v6 =	vld [tilespmem:s24+$0xC80C]  }
0x210: {  	v9 =	vld [tilespmem:s24+$0xB80C]  }
0x211: {  	v8 =	vor.u32 $0x80, v3;
	v10 =	vld [tilespmem:s24+$0x980C]  }
0x212: {  	v11 =	vld [tilespmem:s24+$0xA80C]  }
0x213: {  	v12 =	vor.u32 $0x100, v3;
	v13 =	vld [tilespmem:s24+$0x9800]  }
0x214: {  	v7 =	vld.idx.msk [tilespmem:v7+s22+$0x0], $0xffff  }
0x215: {  	v14 =	vor.u32 $0x180, v3;
	v15 =	vld [tilespmem:s24+$0xA800]  }
0x216: {  	v8 =	vld.idx.msk [tilespmem:v8+s22+$0x0], $0xffff  }
0x217: {  	v16 =	vor.u32 $0x200, v3;
	v17 =	vld [tilespmem:s24+$0xB800]  }
0x218: {  	v12 =	vld.idx.msk [tilespmem:v12+s22+$0x0], $0xffff  }
0x219: {  	v18 =	vor.u32 $0x280, v3;
	v19 =	vld [tilespmem:s24+$0xC800]  }
0x21a: {  	v14 =	vld.idx.msk [tilespmem:v14+s22+$0x0], $0xffff  }
0x21b: {  	v20 =	vor.u32 $0x300, v3;
	v49 =	vld [tilespmem:s24+$0xD800];
	v13 =	vmul.f32 v13, v7;
	v15 =	vmul.f32 v15, v8  }
0x21c: {  	v16 =	vld.idx.msk [tilespmem:v16+s22+$0x0], $0xffff;
	v7 =	vmul.f32 v10, v7;
	v8 =	vmul.f32 v11, v8  }
0x21d: {  	v50 =	vor.u32 $0x380, v3;
	v54 =	vld [tilespmem:s24+$0xE800];
	v51 =	vmul.f32 v17, v12;
	v13 =	vadd.f32 v15, v13  }
0x21e: {  	v52 =	vld.idx.msk [tilespmem:v18+s22+$0x0], $0xffff;
	v53 =	vmul.f32 v9, v12;
	v7 =	vadd.f32 v8, v7  }
0x21f: {  	v58 =	vld [tilespmem:s24+$0xF800];
	v56 =	vmul.f32 v19, v14;
	v55 =	vadd.f32 v51, v13  }
0x220: {  	v57 =	vld.idx.msk [tilespmem:v20+s22+$0x0], $0xffff;
	v6 =	vmul.f32 v6, v14;
	v7 =	vadd.f32 v53, v7  }
0x221: {  	v59 =	vld [tilespmem:s24+$0x10800];
	v10 =	vmul.f32 v49, v16;
	v12 =	vadd.f32 v56, v55  }
0x222: {  	v11 =	vld.idx.msk [tilespmem:v50+s22+$0x0], $0xffff;
	v5 =	vmul.f32 v5, v16;
	v6 =	vadd.f32 v6, v7  }
0x223: {  	v60 =	vld [tilespmem:s24+$0x1080C];
	v9 =	vmul.f32 v54, v52;
	v10 =	vadd.f32 v10, v12  }
0x224: {  	v4 =	vmul.f32 v4, v52;
	v5 =	vadd.f32 v5, v6  }
0x225: {  	v8 =	vmul.f32 v58, v57;
	v61 =	vadd.f32 v9, v10  }
0x226: {  	v62 =	vor.u32 v0, v3;
	v2 =	vmul.f32 v2, v57;
	v4 =	vadd.f32 v4, v5  }
0x227: {  	v3 =	vor.u32 v1, v3;
	v7 =	vmul.f32 v59, v11;
	v6 =	vadd.f32 v8, v61  }
0x228: {  	v63 =	vmul.f32 v60, v11;
	v2 =	vadd.f32 v2, v4  }
0x229: {  	v6 =	vadd.f32 v7, v6  }
0x22a: {  	v2 =	vadd.f32 v63, v2  }
0x22b: {  	[tilespmem:v62+s23+$0x0] =	vst.idx.msk $0xffff, v6  }
0x22c: {  	s30 =	rddreg [dreg:$0x4];
	[tilespmem:v3+s23+$0x0] =	vst.idx.msk $0xffff, v2  }
0x22d: {  	[hbm4b:s30+s2] =	stream.linear.scatter [tilespmem:s23], [sflag:$0x3], $0x400, $0x38;
	[tilespmem:$0x13800] =	vst v63  }
0x22e: {  	s31 =	rddreg [dreg:$0x5];
	s25 =	simm.s32 $0x12C00  }
0x22f: {  	[hbm4b:s31+s2] =	stream.linear.scatter [tilespmem:s25], [sflag:$0x3], $0x400, $0x38;
	[tilespmem:$0x13800] =	vst v63  }
0x230: {  	s26 =	simm.s32 $0x13000;
	s25 =	rddreg [dreg:$0x6]  }
0x231: {  	[hbm4b:s25+s2] =	stream.linear.scatter [tilespmem:s26], [sflag:$0x3], $0x400, $0x38;
	[tilespmem:$0x13800] =	vst v63  }
0x232: {  	s28 =	rddreg [dreg:$0x7];
	s29 =	simm.s32 $0x13400  }
0x233: {  	[hbm4b:s28+s2] =	stream.linear.scatter [tilespmem:s29], [sflag:$0x3], $0x400, $0x38;
	[tilespmem:$0x13800] =	vst v63  }
0x234: {  	_ =	swait.ge [sflag:s21], $0x400  }
0x235: {  	[sflag:s21] =	ssyncset.done $0x0  }
0x236: {  	[sflag:s21] =	ssyncadd.s32 $0xFFFFFC00  }
0x237: {  	_ =	swait.ge [sflag:s21], $0x400  }
0x238: {  	[sflag:s21] =	ssyncset.done $0x0  }
0x239: {  	[sflag:s21] =	ssyncadd.s32 $0xFFFFFC00  }
0x23a: {  	_ =	swait.ge [sflag:s21], $0x400  }
0x23b: {  	[sflag:s21] =	ssyncset.done $0x0  }
0x23c: {  	[sflag:s21] =	ssyncadd.s32 $0xFFFFFC00  }
0x23d: {  	_ =	swait.ge [sflag:s21], $0x400  }
0x23e: {  	[sflag:s21] =	ssyncset.done $0x0  }
0x23f: {  	[sflag:s21] =	ssyncadd.s32 $0xFFFFFC00  }
0x240: {  	_ =	swait.ge [sflag:s21], $0x400  }
0x241: {  	[sflag:s21] =	ssyncset.done $0x0  }
0x242: {  	[sflag:s21] =	ssyncadd.s32 $0xFFFFFC00  }
0x243: {  	_ =	swait.ge [sflag:s21], $0x400  }
0x244: {  	[sflag:s21] =	ssyncset.done $0x0  }
0x245: {  	[sflag:s21] =	ssyncadd.s32 $0xFFFFFC00  }
0x246: {  	_ =	swait.ge [sflag:s21], $0x400  }
0x247: {  	[sflag:s21] =	ssyncset.done $0x0  }
0x248: {  	[sflag:s21] =	ssyncadd.s32 $0xFFFFFC00  }
0x249: {  	_ =	swait.ge [sflag:s21], $0x400  }
0x24a: {  	s30 =	rddreg [dreg:$0x9]  }
0x24b: {  	s31 =	rddreg [dreg:$0x8];
	s25 =	sadd.s32 $0x1, s30  }
0x24c: {  	p0 =	sne.s32 s25, s31  }
.Ltmp7:
0x24d: {  	_ = 	snop;
	(pc) =	sbr.rel @p0 .LBB2_1-.Ltmp7, $3  }
0x24e: {  	_ =	sdelay $0x1  }
0x24f: {  	[sflag:s21] =	ssyncset.done $0x0  }
0x250: {  	[sflag:s21] =	ssyncadd.s32 $0xFFFFFC00  }
0x251: {  	_ =	sfence.sel $0x180000  }
0x252: {  	[bflag:$0x0] =	sbarrier.arrive $0xFFFF  }
0x253: {  	_ =	strace $0x9000004A  }
0x254: {  	s0 =	stileid.u32;
	[bflag:$0x2] =	sbarrier.arrive $0xFFFF  }
0x255: {  	p0 =	sne.s32 s0, $0x0;
	s0 =	rddreg [dreg:$0x2]  }
0x256: {  	s0 =	sadd.s32 @!p0 $0x100000, s0  }
0x257: {  	[sflag:s0] =	ssyncadd.tile.s32 @!p0 $0x1;
	_ =	shalt  }
.Lfunc_end2:
_tile_overlayer_lowered:
.L_overlay_start_2:
0x258: {  	(tag) =	ssettag $0x2  }
0x259: {  	s0 =	rddreg [dreg:$0x0];
	s2 =	stileid.u32  }
0x25a: {  	s1 =	rddreg [dreg:$0x1];
	p0 =	sne.s32 s2, $0x0  }
0x25b: {  	s3 =	rddreg [dreg:$0x2];
	[bflag:$0x3] =	sbarrier.arrive $0xFFFF;
	s2 =	simm.s32 @!p0 $0x1C04  }
0x25c: {  	[timem:s3], [sflag:s2] =	dma.local @!p0 [hbm:s0], s1  }
0x25d: {  	s0 =	simm.s32 @!p0 $0x4  }
0x25e: {  	_ =	swait.ge @!p0 [sflag:s0], s1  }
0x25f: {  	s1 =	ssub.s32 @!p0 $0x0, s1;
	[sflag:s0] =	ssyncset.done @!p0 $0x0  }
0x260: {  	[sflag:s0] =	ssyncadd.s32 @!p0 s1  }
0x261: {  	[bflag:$0x3] =	sbarrier.arrive $0xFFFF  }
0x262: {  	_ =	shalt  }

</sc_bundles>
